<compile_context>
chip_gen: v7x
topology: tpu7x:2x2x1
jax: 0.10.2.dev20260603
libtpu: 0.0.44.dev20260713+nightly
codegen_flags: <defaults>
</compile_context>

<pallas_src>
import functools

import jax
import jax.numpy as jnp
from jax import lax
from jax.experimental import pallas as pl
from jax.experimental.pallas import tpu as pltpu
from jax.experimental.pallas import tpu_sc as plsc

_BATCH = 64
_THRESH2 = 3.0
_ALPHA = 2.0
_BETA = 1.0
_OBS_R = 256
_OBS_S = 512

_NS = 32
_NT = _BATCH - _NS
_QPB = 4
_ITEMS = _NS * _QPB
_K = _ITEMS // 32
_RPI = _OBS_R // _QPB
_CR = 32
_NCHI = _RPI // _CR
_UNROLL = 16
_NACC = 8
_GRP = _OBS_S // 16


def _tc_score(z_ref, r_ref, out_ref):
    x = z_ref[0]
    x0 = x[0]
    x1 = x[1]
    x2 = x[2]
    z2 = x0 * x0 + x1 * x1 + x2 * x2
    b_coef = -0.5 / (r_ref[0, 0, 0] * r_ref[0, 0, 0])
    e = jnp.exp(z2 * b_coef)
    scores = jnp.where(z2 < _THRESH2, e, 0.0)
    out_ref[0] = jnp.sum(scores, axis=0, keepdims=True)


def _sc_score(z_hbm, bc_hbm, out_hbm, b0a, b0b, b1a, b1b, b2a, b2b,
              bc_all, o_v, sem_a, sem_b):
    wid = lax.axis_index("s") * 2 + lax.axis_index("c")
    i0 = wid * _K
    bufs = [(b0a, b1a, b2a), (b0b, b1b, b2b)]
    sems = [sem_a, sem_b]

    pltpu.sync_copy(bc_hbm, bc_all)

    chunks = []
    for j in range(_K):
        item = i0 + j
        b = _NT + item // _QPB
        r0 = (item % _QPB) * _RPI
        for c in range(_NCHI):
            chunks.append((b, r0 + c * _CR))

    def start(ci, d):
        b, rs = chunks[ci]
        return tuple(
            pltpu.async_copy(z_hbm.at[b, k, pl.ds(rs, _CR)],
                             bufs[d][k], sems[d])
            for k in range(3))

    handles = {0: start(0, 0)}
    for j in range(_K):
        item = i0 + j
        b = _NT + item // _QPB
        bcoef = bc_all[b - _NT, :]
        acc = (jnp.zeros((16,), jnp.float32),) * _NACC
        for c in range(_NCHI):
            ci = j * _NCHI + c
            d = ci % 2
            if ci + 1 < len(chunks):
                handles[ci + 1] = start(ci + 1, (ci + 1) % 2)
            for hd in handles.pop(ci):
                hd.wait()
            b0, b1, b2 = bufs[d]

            def row_step(r, carry):
                def grp_step(g, carry2):
                    accs = list(carry2)
                    base = g * (16 * _UNROLL)
                    for u in range(_UNROLL):
                        sl = pl.ds(base + 16 * u, 16)
                        x0 = b0[r, sl]
                        x1 = b1[r, sl]
                        x2 = b2[r, sl]
                        z2 = x0 * x0 + x1 * x1 + x2 * x2
                        e = jnp.exp(z2 * bcoef)
                        accs[u % _NACC] = accs[u % _NACC] + jnp.where(
                            z2 < _THRESH2, e, 0.0)
                    return tuple(accs)

                return lax.fori_loop(0, _GRP // _UNROLL, grp_step, carry)

            acc = lax.fori_loop(0, _CR, row_step, acc)
        t01 = (acc[0] + acc[1]) + (acc[2] + acc[3])
        t23 = (acc[4] + acc[5]) + (acc[6] + acc[7])
        o_v[...] = t01 + t23
        q = item % _QPB
        pltpu.sync_copy(o_v, out_hbm.at[item // _QPB, pl.ds(q * 16, 16)])


def _finish_body(tcp_ref, scp_ref, r_ref, nobs_ref, raw_ref, mu_ref,
                 s2_ref, obj_ref):
    raw_tc = jnp.sum(tcp_ref[...], axis=2)
    raw_sc = jnp.sum(scp_ref[...], axis=1, keepdims=True)
    raw = jnp.concatenate([raw_tc, raw_sc], axis=0).reshape(1, _BATCH)
    r = r_ref[...]
    a = 1.0 / (r * r)
    b = 0.5 * a
    t2 = _THRESH2
    mu = (1.0 - jnp.exp(-b * t2)) / (4.0 * b)
    mean_s2 = (1.0 - jnp.exp(-2.0 * b * t2)) / (8.0 * b)
    sigma2 = mean_s2 - mu * mu
    n = nobs_ref[0, 0]
    mu = n * mu
    sigma2 = n * sigma2
    raw_ref[...] = raw
    mu_ref[...] = mu
    s2_ref[...] = sigma2
    obj_ref[...] = raw - _ALPHA * mu - _BETA * sigma2


@functools.partial(jax.jit, static_argnames=())
def kernel(z, R, num_obs):
    zt = jnp.transpose(z, (0, 3, 1, 2))
    bcast = jnp.broadcast_to((-0.5 / (R * R))[_NT:, None], (_NS, 16))
    mesh = plsc.VectorSubcoreMesh(core_axis_name="c", subcore_axis_name="s")

    sc_part = pl.kernel(
        _sc_score,
        mesh=mesh,
        compiler_params=pltpu.CompilerParams(needs_layout_passes=False),
        out_type=jax.ShapeDtypeStruct((_NS, _QPB * 16), jnp.float32),
        scratch_types=(
            [pltpu.VMEM((_CR, _OBS_S), jnp.float32)] * 6
            + [pltpu.VMEM((_NS, 16), jnp.float32),
               pltpu.VMEM((16,), jnp.float32)]
            + [pltpu.SemaphoreType.DMA] * 2
        ),
    )(zt, bcast)

    tc_part = pl.pallas_call(
        _tc_score,
        grid=(_NT,),
        in_specs=[
            pl.BlockSpec((1, 3, _OBS_R, _OBS_S), lambda bb: (bb, 0, 0, 0)),
            pl.BlockSpec((1, 1, 1), lambda bb: (bb, 0, 0),
                         memory_space=pltpu.SMEM),
        ],
        out_specs=pl.BlockSpec((1, 1, _OBS_S), lambda bb: (bb, 0, 0)),
        out_shape=jax.ShapeDtypeStruct((_NT, 1, _OBS_S), jnp.float32),
    )(zt, R.reshape(_BATCH, 1, 1))

    nobs = jnp.asarray(num_obs, jnp.float32).reshape(1, 1)
    raw, mu, sigma2, obj = pl.pallas_call(
        _finish_body,
        in_specs=[
            pl.BlockSpec((_NT, 1, _OBS_S), lambda: (0, 0, 0)),
            pl.BlockSpec((_NS, _QPB * 16), lambda: (0, 0)),
            pl.BlockSpec((1, _BATCH), lambda: (0, 0)),
            pl.BlockSpec((1, 1), lambda: (0, 0), memory_space=pltpu.SMEM),
        ],
        out_specs=[pl.BlockSpec((1, _BATCH), lambda: (0, 0))] * 4,
        out_shape=[jax.ShapeDtypeStruct((1, _BATCH), jnp.float32)] * 4,
    )(tc_part, sc_part, R.reshape(1, _BATCH), nobs)

    return (raw.reshape(_BATCH), mu.reshape(_BATCH),
            sigma2.reshape(_BATCH), obj.reshape(_BATCH))

# --- scband reference (transcript-rebuilt; emitter-appended) ---
"""Pipeline reference for scband-trajectory-score-36481452212940 (READ-ONLY COPY).

The authoritative reference and input builder live on the scoring server;
editing this copy changes nothing except your own understanding.
"""

import jax, jax.numpy as jnp
import numpy as np

BATCH_SIZE = 64
ALPHA = 2.0
BETA = 1.0
THRESH_DEG = 120.0


def deg2dist(deg):
    # convert angular threshold in degrees to Cartesian chord distance on unit sphere
    return 2.0 * np.sin(np.radians(deg) / 2.0)


def score_mean_var(A, thresh):
    # mean and variance per observation of score exp(-0.5*A*z2) for directions
    # uniform on the unit sphere (z2 = chord^2 ~ Uniform[0,4]), thresholded at z2 < thresh^2
    B = 0.5 * A
    t2 = thresh ** 2
    mu = (1.0 - jnp.exp(-B * t2)) / (4.0 * B)
    mean_s2 = (1.0 - jnp.exp(-2.0 * B * t2)) / (8.0 * B)
    sigma2 = mean_s2 - mu ** 2
    return mu, sigma2


def setup_inputs(seed: int = 0) -> dict:
    key = jax.random.key(seed)
    k1, k2 = jax.random.split(key)
    z = jax.random.normal(k1, (BATCH_SIZE, 256, 512, 3), dtype=jnp.float32)
    # resolution factor R > 0; keep away from 0 to avoid inf in 1/R^2
    R = jax.random.uniform(k2, (BATCH_SIZE,), dtype=jnp.float32, minval=0.1, maxval=1.0)
    return {"z": z, "R": R, "num_obs": 90000}


def reference(z, R, num_obs):
    thresh = deg2dist(THRESH_DEG)
    thresh2 = thresh ** 2
    A = 1.0 / (R ** 2)
    B = jnp.reshape(-0.5 * A, (BATCH_SIZE, 1, 1))
    z2 = jnp.sum(jnp.square(z), axis=-1)
    arg = B * z2
    is_close = z2 < thresh2
    # equivalent to tf.scatter_nd of exp(arg[is_close]) back into arg.shape
    raw_scores = jnp.where(is_close, jnp.exp(arg), jnp.zeros_like(arg))
    raw_score = jnp.sum(raw_scores, axis=(1, 2))
    mu_per_obs, sigma2_per_obs = score_mean_var(A, thresh)
    num_obs_f = jnp.float32(num_obs)
    mu = num_obs_f * mu_per_obs
    sigma2 = num_obs_f * sigma2_per_obs
    objective = raw_score - ALPHA * mu - BETA * sigma2
    return (raw_score, mu, sigma2, objective)

if __name__ == "__main__":
    import jax
    _d = setup_inputs()
    print(jax.jit(kernel)(*tuple(_d.values())))

</pallas_src>

<mosaic_0001>
#map = affine_map<(d0, d1) -> (0, 0, 0, 0)>
#map1 = affine_map<(d0, d1) -> (0, 0)>
module attributes {stable_mosaic.version = 14 : i64} {
  func.func @_sc_score(%arg0: i32, %arg1: i32, %arg2: memref<64x3x256x512xf32, #tpu.memory_space<hbm>>, %arg3: memref<32x16xf32, #tpu.memory_space<hbm>>, %arg4: memref<32x64xf32, #tpu.memory_space<hbm>>, %arg5: memref<32x512xf32, #tpu.memory_space<vmem>>, %arg6: memref<32x512xf32, #tpu.memory_space<vmem>>, %arg7: memref<32x512xf32, #tpu.memory_space<vmem>>, %arg8: memref<32x512xf32, #tpu.memory_space<vmem>>, %arg9: memref<32x512xf32, #tpu.memory_space<vmem>>, %arg10: memref<32x512xf32, #tpu.memory_space<vmem>>, %arg11: memref<32x16xf32, #tpu.memory_space<vmem>>, %arg12: memref<16xf32, #tpu.memory_space<vmem>>, %arg13: memref<!tpu.dma_semaphore, #tpu.memory_space<semaphore_mem>>, %arg14: memref<!tpu.dma_semaphore, #tpu.memory_space<semaphore_mem>>) attributes {dimension_semantics = [#tpu.dimension_semantics<core_parallel>, #tpu.dimension_semantics<subcore_parallel>], iteration_bounds = array<i64: 2, 16>, scalar_prefetch = 0 : i64, scratch_operands = 10 : i64, tpu.core_type = #tpu.core_type<sc_vector_subcore>, window_params = [{transform_indices = #map}, {transform_indices = #map1}, {transform_indices = #map1}]} {
    %mul3A = arith.constant 2 : i32
    %mul3A_0 = arith.muli %arg1, %mul3A : i32
    %add3A = arith.addi %mul3A_0, %arg0 : i32
    %mul3A_1 = arith.constant 4 : i32
    %mul3A_2 = arith.muli %add3A, %mul3A_1 : i32
    "tpu.region"() ({
      %run_scoped3A = tpu.sem_alloc : memref<!tpu.dma_semaphore, #tpu.memory_space<semaphore_mem>>
      tpu.enqueue_dma source(%arg3 : memref<32x16xf32, #tpu.memory_space<hbm>>) target(%arg11 : memref<32x16xf32, #tpu.memory_space<vmem>>) target_semaphore(%run_scoped3A : memref<!tpu.dma_semaphore, #tpu.memory_space<semaphore_mem>>)
      tpu.wait_dma2 semaphore(%run_scoped3A : memref<!tpu.dma_semaphore, #tpu.memory_space<semaphore_mem>>) src(%arg3 : memref<32x16xf32, #tpu.memory_space<hbm>>) dst(%arg11 : memref<32x16xf32, #tpu.memory_space<vmem>>)
      tpu.yield
    }) : () -> ()
    %add3A_3 = arith.constant 0 : i32
    %add3A_4 = arith.addi %mul3A_2, %add3A_3 : i32
    %jit3A = arith.constant 4 : i32
    %div3A = arith.divsi %add3A_4, %jit3A : i32
    %sign3A = arith.constant 0 : i32
    %sign3A_5 = arith.cmpi sgt, %add3A_4, %sign3A : i32
    %sign3A_6 = arith.extui %sign3A_5 : i1 to i32
    %sign3A_7 = arith.constant 0 : i32
    %sign3A_8 = arith.cmpi slt, %add3A_4, %sign3A_7 : i32
    %sign3A_9 = arith.extui %sign3A_8 : i1 to i32
    %sign3A_10 = arith.subi %sign3A_6, %sign3A_9 : i32
    %sign3A_11 = arith.constant 0 : i32
    %sign3A_12 = arith.cmpi sgt, %jit3A, %sign3A_11 : i32
    %sign3A_13 = arith.extui %sign3A_12 : i1 to i32
    %sign3A_14 = arith.constant 0 : i32
    %sign3A_15 = arith.cmpi slt, %jit3A, %sign3A_14 : i32
    %sign3A_16 = arith.extui %sign3A_15 : i1 to i32
    %sign3A_17 = arith.subi %sign3A_13, %sign3A_16 : i32
    %ne3A = arith.cmpi ne, %sign3A_10, %sign3A_17 : i32
    %rem3A = arith.remsi %add3A_4, %jit3A : i32
    %ne3A_18 = arith.constant 0 : i32
    %ne3A_19 = arith.cmpi ne, %rem3A, %ne3A_18 : i32
    %and3A = arith.andi %ne3A, %ne3A_19 : i1
    %sub3A = arith.constant 1 : i32
    %sub3A_20 = arith.subi %div3A, %sub3A : i32
    %select_n3A = arith.select %and3A, %sub3A_20, %div3A : i32
    %add3A_21 = arith.constant 32 : i32
    %add3A_22 = arith.addi %add3A_21, %select_n3A : i32
    %jit3A_23 = arith.constant 4 : i32
    %eq3A = arith.constant 0 : i32
    %eq3A_24 = arith.cmpi eq, %jit3A_23, %eq3A : i32
    %jit3A_25 = arith.constant 1 : i32
    %select_n3A_26 = arith.select %eq3A_24, %jit3A_25, %jit3A_23 : i32
    %rem3A_27 = arith.remsi %add3A_4, %select_n3A_26 : i32
    %ne3A_28 = arith.constant 0 : i32
    %ne3A_29 = arith.cmpi ne, %rem3A_27, %ne3A_28 : i32
    %lt3A = arith.constant 0 : i32
    %lt3A_30 = arith.cmpi slt, %rem3A_27, %lt3A : i32
    %lt3A_31 = arith.constant 0 : i32
    %lt3A_32 = arith.cmpi slt, %select_n3A_26, %lt3A_31 : i32
    %ne3A_33 = arith.xori %lt3A_30, %lt3A_32 : i1
    %and3A_34 = arith.andi %ne3A_33, %ne3A_29 : i1
    %add3A_35 = arith.addi %rem3A_27, %select_n3A_26 : i32
    %select_n3A_36 = arith.select %and3A_34, %add3A_35, %rem3A_27 : i32
    %mul3A_37 = arith.constant 64 : i32
    %mul3A_38 = arith.muli %select_n3A_36, %mul3A_37 : i32
    %add3A_39 = arith.constant 0 : i32
    %add3A_40 = arith.addi %mul3A_38, %add3A_39 : i32
    %add3A_41 = arith.constant 32 : i32
    %add3A_42 = arith.addi %mul3A_38, %add3A_41 : i32
    %add3A_43 = arith.constant 1 : i32
    %add3A_44 = arith.addi %mul3A_2, %add3A_43 : i32
    %jit3A_45 = arith.constant 4 : i32
    %div3A_46 = arith.divsi %add3A_44, %jit3A_45 : i32
    %sign3A_47 = arith.constant 0 : i32
    %sign3A_48 = arith.cmpi sgt, %add3A_44, %sign3A_47 : i32
    %sign3A_49 = arith.extui %sign3A_48 : i1 to i32
    %sign3A_50 = arith.constant 0 : i32
    %sign3A_51 = arith.cmpi slt, %add3A_44, %sign3A_50 : i32
    %sign3A_52 = arith.extui %sign3A_51 : i1 to i32
    %sign3A_53 = arith.subi %sign3A_49, %sign3A_52 : i32
    %sign3A_54 = arith.constant 0 : i32
    %sign3A_55 = arith.cmpi sgt, %jit3A_45, %sign3A_54 : i32
    %sign3A_56 = arith.extui %sign3A_55 : i1 to i32
    %sign3A_57 = arith.constant 0 : i32
    %sign3A_58 = arith.cmpi slt, %jit3A_45, %sign3A_57 : i32
    %sign3A_59 = arith.extui %sign3A_58 : i1 to i32
    %sign3A_60 = arith.subi %sign3A_56, %sign3A_59 : i32
    %ne3A_61 = arith.cmpi ne, %sign3A_53, %sign3A_60 : i32
    %rem3A_62 = arith.remsi %add3A_44, %jit3A_45 : i32
    %ne3A_63 = arith.constant 0 : i32
    %ne3A_64 = arith.cmpi ne, %rem3A_62, %ne3A_63 : i32
    %and3A_65 = arith.andi %ne3A_61, %ne3A_64 : i1
    %sub3A_66 = arith.constant 1 : i32
    %sub3A_67 = arith.subi %div3A_46, %sub3A_66 : i32
    %select_n3A_68 = arith.select %and3A_65, %sub3A_67, %div3A_46 : i32
    %add3A_69 = arith.constant 32 : i32
    %add3A_70 = arith.addi %add3A_69, %select_n3A_68 : i32
    %jit3A_71 = arith.constant 4 : i32
    %eq3A_72 = arith.constant 0 : i32
    %eq3A_73 = arith.cmpi eq, %jit3A_71, %eq3A_72 : i32
    %jit3A_74 = arith.constant 1 : i32
    %select_n3A_75 = arith.select %eq3A_73, %jit3A_74, %jit3A_71 : i32
    %rem3A_76 = arith.remsi %add3A_44, %select_n3A_75 : i32
    %ne3A_77 = arith.constant 0 : i32
    %ne3A_78 = arith.cmpi ne, %rem3A_76, %ne3A_77 : i32
    %lt3A_79 = arith.constant 0 : i32
    %lt3A_80 = arith.cmpi slt, %rem3A_76, %lt3A_79 : i32
    %lt3A_81 = arith.constant 0 : i32
    %lt3A_82 = arith.cmpi slt, %select_n3A_75, %lt3A_81 : i32
    %ne3A_83 = arith.xori %lt3A_80, %lt3A_82 : i1
    %and3A_84 = arith.andi %ne3A_83, %ne3A_78 : i1
    %add3A_85 = arith.addi %rem3A_76, %select_n3A_75 : i32
    %select_n3A_86 = arith.select %and3A_84, %add3A_85, %rem3A_76 : i32
    %mul3A_87 = arith.constant 64 : i32
    %mul3A_88 = arith.muli %select_n3A_86, %mul3A_87 : i32
    %add3A_89 = arith.constant 0 : i32
    %add3A_90 = arith.addi %mul3A_88, %add3A_89 : i32
    %add3A_91 = arith.constant 32 : i32
    %add3A_92 = arith.addi %mul3A_88, %add3A_91 : i32
    %add3A_93 = arith.constant 2 : i32
    %add3A_94 = arith.addi %mul3A_2, %add3A_93 : i32
    %jit3A_95 = arith.constant 4 : i32
    %div3A_96 = arith.divsi %add3A_94, %jit3A_95 : i32
    %sign3A_97 = arith.constant 0 : i32
    %sign3A_98 = arith.cmpi sgt, %add3A_94, %sign3A_97 : i32
    %sign3A_99 = arith.extui %sign3A_98 : i1 to i32
    %sign3A_100 = arith.constant 0 : i32
    %sign3A_101 = arith.cmpi slt, %add3A_94, %sign3A_100 : i32
    %sign3A_102 = arith.extui %sign3A_101 : i1 to i32
    %sign3A_103 = arith.subi %sign3A_99, %sign3A_102 : i32
    %sign3A_104 = arith.constant 0 : i32
    %sign3A_105 = arith.cmpi sgt, %jit3A_95, %sign3A_104 : i32
    %sign3A_106 = arith.extui %sign3A_105 : i1 to i32
    %sign3A_107 = arith.constant 0 : i32
    %sign3A_108 = arith.cmpi slt, %jit3A_95, %sign3A_107 : i32
    %sign3A_109 = arith.extui %sign3A_108 : i1 to i32
    %sign3A_110 = arith.subi %sign3A_106, %sign3A_109 : i32
    %ne3A_111 = arith.cmpi ne, %sign3A_103, %sign3A_110 : i32
    %rem3A_112 = arith.remsi %add3A_94, %jit3A_95 : i32
    %ne3A_113 = arith.constant 0 : i32
    %ne3A_114 = arith.cmpi ne, %rem3A_112, %ne3A_113 : i32
    %and3A_115 = arith.andi %ne3A_111, %ne3A_114 : i1
    %sub3A_116 = arith.constant 1 : i32
    %sub3A_117 = arith.subi %div3A_96, %sub3A_116 : i32
    %select_n3A_118 = arith.select %and3A_115, %sub3A_117, %div3A_96 : i32
    %add3A_119 = arith.constant 32 : i32
    %add3A_120 = arith.addi %add3A_119, %select_n3A_118 : i32
    %jit3A_121 = arith.constant 4 : i32
    %eq3A_122 = arith.constant 0 : i32
    %eq3A_123 = arith.cmpi eq, %jit3A_121, %eq3A_122 : i32
    %jit3A_124 = arith.constant 1 : i32
    %select_n3A_125 = arith.select %eq3A_123, %jit3A_124, %jit3A_121 : i32
    %rem3A_126 = arith.remsi %add3A_94, %select_n3A_125 : i32
    %ne3A_127 = arith.constant 0 : i32
    %ne3A_128 = arith.cmpi ne, %rem3A_126, %ne3A_127 : i32
    %lt3A_129 = arith.constant 0 : i32
    %lt3A_130 = arith.cmpi slt, %rem3A_126, %lt3A_129 : i32
    %lt3A_131 = arith.constant 0 : i32
    %lt3A_132 = arith.cmpi slt, %select_n3A_125, %lt3A_131 : i32
    %ne3A_133 = arith.xori %lt3A_130, %lt3A_132 : i1
    %and3A_134 = arith.andi %ne3A_133, %ne3A_128 : i1
    %add3A_135 = arith.addi %rem3A_126, %select_n3A_125 : i32
    %select_n3A_136 = arith.select %and3A_134, %add3A_135, %rem3A_126 : i32
    %mul3A_137 = arith.constant 64 : i32
    %mul3A_138 = arith.muli %select_n3A_136, %mul3A_137 : i32
    %add3A_139 = arith.constant 0 : i32
    %add3A_140 = arith.addi %mul3A_138, %add3A_139 : i32
    %add3A_141 = arith.constant 32 : i32
    %add3A_142 = arith.addi %mul3A_138, %add3A_141 : i32
    %add3A_143 = arith.constant 3 : i32
    %add3A_144 = arith.addi %mul3A_2, %add3A_143 : i32
    %jit3A_145 = arith.constant 4 : i32
    %div3A_146 = arith.divsi %add3A_144, %jit3A_145 : i32
    %sign3A_147 = arith.constant 0 : i32
    %sign3A_148 = arith.cmpi sgt, %add3A_144, %sign3A_147 : i32
    %sign3A_149 = arith.extui %sign3A_148 : i1 to i32
    %sign3A_150 = arith.constant 0 : i32
    %sign3A_151 = arith.cmpi slt, %add3A_144, %sign3A_150 : i32
    %sign3A_152 = arith.extui %sign3A_151 : i1 to i32
    %sign3A_153 = arith.subi %sign3A_149, %sign3A_152 : i32
    %sign3A_154 = arith.constant 0 : i32
    %sign3A_155 = arith.cmpi sgt, %jit3A_145, %sign3A_154 : i32
    %sign3A_156 = arith.extui %sign3A_155 : i1 to i32
    %sign3A_157 = arith.constant 0 : i32
    %sign3A_158 = arith.cmpi slt, %jit3A_145, %sign3A_157 : i32
    %sign3A_159 = arith.extui %sign3A_158 : i1 to i32
    %sign3A_160 = arith.subi %sign3A_156, %sign3A_159 : i32
    %ne3A_161 = arith.cmpi ne, %sign3A_153, %sign3A_160 : i32
    %rem3A_162 = arith.remsi %add3A_144, %jit3A_145 : i32
    %ne3A_163 = arith.constant 0 : i32
    %ne3A_164 = arith.cmpi ne, %rem3A_162, %ne3A_163 : i32
    %and3A_165 = arith.andi %ne3A_161, %ne3A_164 : i1
    %sub3A_166 = arith.constant 1 : i32
    %sub3A_167 = arith.subi %div3A_146, %sub3A_166 : i32
    %select_n3A_168 = arith.select %and3A_165, %sub3A_167, %div3A_146 : i32
    %add3A_169 = arith.constant 32 : i32
    %add3A_170 = arith.addi %add3A_169, %select_n3A_168 : i32
    %jit3A_171 = arith.constant 4 : i32
    %eq3A_172 = arith.constant 0 : i32
    %eq3A_173 = arith.cmpi eq, %jit3A_171, %eq3A_172 : i32
    %jit3A_174 = arith.constant 1 : i32
    %select_n3A_175 = arith.select %eq3A_173, %jit3A_174, %jit3A_171 : i32
    %rem3A_176 = arith.remsi %add3A_144, %select_n3A_175 : i32
    %ne3A_177 = arith.constant 0 : i32
    %ne3A_178 = arith.cmpi ne, %rem3A_176, %ne3A_177 : i32
    %lt3A_179 = arith.constant 0 : i32
    %lt3A_180 = arith.cmpi slt, %rem3A_176, %lt3A_179 : i32
    %lt3A_181 = arith.constant 0 : i32
    %lt3A_182 = arith.cmpi slt, %select_n3A_175, %lt3A_181 : i32
    %ne3A_183 = arith.xori %lt3A_180, %lt3A_182 : i1
    %and3A_184 = arith.andi %ne3A_183, %ne3A_178 : i1
    %add3A_185 = arith.addi %rem3A_176, %select_n3A_175 : i32
    %select_n3A_186 = arith.select %and3A_184, %add3A_185, %rem3A_176 : i32
    %mul3A_187 = arith.constant 64 : i32
    %mul3A_188 = arith.muli %select_n3A_186, %mul3A_187 : i32
    %add3A_189 = arith.constant 0 : i32
    %add3A_190 = arith.addi %mul3A_188, %add3A_189 : i32
    %add3A_191 = arith.constant 32 : i32
    %add3A_192 = arith.addi %mul3A_188, %add3A_191 : i32
    %dma_start3A = arith.constant 0 : i32
    %dma_start3A_193 = arith.constant 0 : i32
    %dma_start3A_194 = tpu.memref_slice %arg2[%add3A_22, %dma_start3A, %add3A_40, %dma_start3A_193] : memref<64x3x256x512xf32, #tpu.memory_space<hbm>> -> memref<1x1x32x512xf32, #tpu.memory_space<hbm>>
    %dma_start3A_195 = tpu.memref_squeeze %dma_start3A_194 : memref<1x1x32x512xf32, #tpu.memory_space<hbm>> -> memref<32x512xf32, #tpu.memory_space<hbm>>
    %dma_start3A_196 = arith.constant 0 : i32
    %dma_start3A_197 = tpu.memref_slice %arg2[%add3A_22, %dma_start3A, %add3A_40, %dma_start3A_196] : memref<64x3x256x512xf32, #tpu.memory_space<hbm>> -> memref<1x1x32x512xf32, #tpu.memory_space<hbm>>
    %dma_start3A_198 = tpu.memref_squeeze %dma_start3A_197 : memref<1x1x32x512xf32, #tpu.memory_space<hbm>> -> memref<32x512xf32, #tpu.memory_space<hbm>>
    tpu.enqueue_dma source(%dma_start3A_198 : memref<32x512xf32, #tpu.memory_space<hbm>>) target(%arg5 : memref<32x512xf32, #tpu.memory_space<vmem>>) target_semaphore(%arg13 : memref<!tpu.dma_semaphore, #tpu.memory_space<semaphore_mem>>)
    %dma_start3A_199 = arith.constant 1 : i32
    %dma_start3A_200 = arith.constant 0 : i32
    %dma_start3A_201 = tpu.memref_slice %arg2[%add3A_22, %dma_start3A_199, %add3A_40, %dma_start3A_200] : memref<64x3x256x512xf32, #tpu.memory_space<hbm>> -> memref<1x1x32x512xf32, #tpu.memory_space<hbm>>
    %dma_start3A_202 = tpu.memref_squeeze %dma_start3A_201 : memref<1x1x32x512xf32, #tpu.memory_space<hbm>> -> memref<32x512xf32, #tpu.memory_space<hbm>>
    %dma_start3A_203 = arith.constant 0 : i32
    %dma_start3A_204 = tpu.memref_slice %arg2[%add3A_22, %dma_start3A_199, %add3A_40, %dma_start3A_203] : memref<64x3x256x512xf32, #tpu.memory_space<hbm>> -> memref<1x1x32x512xf32, #tpu.memory_space<hbm>>
    %dma_start3A_205 = tpu.memref_squeeze %dma_start3A_204 : memref<1x1x32x512xf32, #tpu.memory_space<hbm>> -> memref<32x512xf32, #tpu.memory_space<hbm>>
    tpu.enqueue_dma source(%dma_start3A_205 : memref<32x512xf32, #tpu.memory_space<hbm>>) target(%arg7 : memref<32x512xf32, #tpu.memory_space<vmem>>) target_semaphore(%arg13 : memref<!tpu.dma_semaphore, #tpu.memory_space<semaphore_mem>>)
    %dma_start3A_206 = arith.constant 2 : i32
    %dma_start3A_207 = arith.constant 0 : i32
    %dma_start3A_208 = tpu.memref_slice %arg2[%add3A_22, %dma_start3A_206, %add3A_40, %dma_start3A_207] : memref<64x3x256x512xf32, #tpu.memory_space<hbm>> -> memref<1x1x32x512xf32, #tpu.memory_space<hbm>>
    %dma_start3A_209 = tpu.memref_squeeze %dma_start3A_208 : memref<1x1x32x512xf32, #tpu.memory_space<hbm>> -> memref<32x512xf32, #tpu.memory_space<hbm>>
    %dma_start3A_210 = arith.constant 0 : i32
    %dma_start3A_211 = tpu.memref_slice %arg2[%add3A_22, %dma_start3A_206, %add3A_40, %dma_start3A_210] : memref<64x3x256x512xf32, #tpu.memory_space<hbm>> -> memref<1x1x32x512xf32, #tpu.memory_space<hbm>>
    %dma_start3A_212 = tpu.memref_squeeze %dma_start3A_211 : memref<1x1x32x512xf32, #tpu.memory_space<hbm>> -> memref<32x512xf32, #tpu.memory_space<hbm>>
    tpu.enqueue_dma source(%dma_start3A_212 : memref<32x512xf32, #tpu.memory_space<hbm>>) target(%arg9 : memref<32x512xf32, #tpu.memory_space<vmem>>) target_semaphore(%arg13 : memref<!tpu.dma_semaphore, #tpu.memory_space<semaphore_mem>>)
    %add3A_213 = arith.constant 0 : i32
    %add3A_214 = arith.addi %mul3A_2, %add3A_213 : i32
    %jit3A_215 = arith.constant 4 : i32
    %div3A_216 = arith.divsi %add3A_214, %jit3A_215 : i32
    %sign3A_217 = arith.constant 0 : i32
    %sign3A_218 = arith.cmpi sgt, %add3A_214, %sign3A_217 : i32
    %sign3A_219 = arith.extui %sign3A_218 : i1 to i32
    %sign3A_220 = arith.constant 0 : i32
    %sign3A_221 = arith.cmpi slt, %add3A_214, %sign3A_220 : i32
    %sign3A_222 = arith.extui %sign3A_221 : i1 to i32
    %sign3A_223 = arith.subi %sign3A_219, %sign3A_222 : i32
    %sign3A_224 = arith.constant 0 : i32
    %sign3A_225 = arith.cmpi sgt, %jit3A_215, %sign3A_224 : i32
    %sign3A_226 = arith.extui %sign3A_225 : i1 to i32
    %sign3A_227 = arith.constant 0 : i32
    %sign3A_228 = arith.cmpi slt, %jit3A_215, %sign3A_227 : i32
    %sign3A_229 = arith.extui %sign3A_228 : i1 to i32
    %sign3A_230 = arith.subi %sign3A_226, %sign3A_229 : i32
    %ne3A_231 = arith.cmpi ne, %sign3A_223, %sign3A_230 : i32
    %rem3A_232 = arith.remsi %add3A_214, %jit3A_215 : i32
    %ne3A_233 = arith.constant 0 : i32
    %ne3A_234 = arith.cmpi ne, %rem3A_232, %ne3A_233 : i32
    %and3A_235 = arith.andi %ne3A_231, %ne3A_234 : i1
    %sub3A_236 = arith.constant 1 : i32
    %sub3A_237 = arith.subi %div3A_216, %sub3A_236 : i32
    %select_n3A_238 = arith.select %and3A_235, %sub3A_237, %div3A_216 : i32
    %add3A_239 = arith.constant 32 : i32
    %add3A_240 = arith.addi %add3A_239, %select_n3A_238 : i32
    %sub3A_241 = arith.constant 32 : i32
    %sub3A_242 = arith.subi %add3A_240, %sub3A_241 : i32
    %get3A = arith.index_cast %sub3A_242 : i32 to index
    %get3A_243 = arith.constant 0 : index
    %get3A_244 = tpu.vector_load %arg11[%get3A, %get3A_243] {strides = array<i32>} : memref<32x16xf32, #tpu.memory_space<vmem>>, vector<16xf32>,
    %broadcast_in_dim3A = arith.constant 0.000000e+00 : f32
    %broadcast_in_dim3A_245 = vector.broadcast %broadcast_in_dim3A : f32 to vector<16xf32>
    %dma_start3A_246 = arith.constant 0 : i32
    %dma_start3A_247 = arith.constant 0 : i32
    %dma_start3A_248 = tpu.memref_slice %arg2[%add3A_22, %dma_start3A_246, %add3A_42, %dma_start3A_247] : memref<64x3x256x512xf32, #tpu.memory_space<hbm>> -> memref<1x1x32x512xf32, #tpu.memory_space<hbm>>
    %dma_start3A_249 = tpu.memref_squeeze %dma_start3A_248 : memref<1x1x32x512xf32, #tpu.memory_space<hbm>> -> memref<32x512xf32, #tpu.memory_space<hbm>>
    %dma_start3A_250 = arith.constant 0 : i32
    %dma_start3A_251 = tpu.memref_slice %arg2[%add3A_22, %dma_start3A_246, %add3A_42, %dma_start3A_250] : memref<64x3x256x512xf32, #tpu.memory_space<hbm>> -> memref<1x1x32x512xf32, #tpu.memory_space<hbm>>
    %dma_start3A_252 = tpu.memref_squeeze %dma_start3A_251 : memref<1x1x32x512xf32, #tpu.memory_space<hbm>> -> memref<32x512xf32, #tpu.memory_space<hbm>>
    tpu.enqueue_dma source(%dma_start3A_252 : memref<32x512xf32, #tpu.memory_space<hbm>>) target(%arg6 : memref<32x512xf32, #tpu.memory_space<vmem>>) target_semaphore(%arg14 : memref<!tpu.dma_semaphore, #tpu.memory_space<semaphore_mem>>)
    %dma_start3A_253 = arith.constant 1 : i32
    %dma_start3A_254 = arith.constant 0 : i32
    %dma_start3A_255 = tpu.memref_slice %arg2[%add3A_22, %dma_start3A_253, %add3A_42, %dma_start3A_254] : memref<64x3x256x512xf32, #tpu.memory_space<hbm>> -> memref<1x1x32x512xf32, #tpu.memory_space<hbm>>
    %dma_start3A_256 = tpu.memref_squeeze %dma_start3A_255 : memref<1x1x32x512xf32, #tpu.memory_space<hbm>> -> memref<32x512xf32, #tpu.memory_space<hbm>>
    %dma_start3A_257 = arith.constant 0 : i32
    %dma_start3A_258 = tpu.memref_slice %arg2[%add3A_22, %dma_start3A_253, %add3A_42, %dma_start3A_257] : memref<64x3x256x512xf32, #tpu.memory_space<hbm>> -> memref<1x1x32x512xf32, #tpu.memory_space<hbm>>
    %dma_start3A_259 = tpu.memref_squeeze %dma_start3A_258 : memref<1x1x32x512xf32, #tpu.memory_space<hbm>> -> memref<32x512xf32, #tpu.memory_space<hbm>>
    tpu.enqueue_dma source(%dma_start3A_259 : memref<32x512xf32, #tpu.memory_space<hbm>>) target(%arg8 : memref<32x512xf32, #tpu.memory_space<vmem>>) target_semaphore(%arg14 : memref<!tpu.dma_semaphore, #tpu.memory_space<semaphore_mem>>)
    %dma_start3A_260 = arith.constant 2 : i32
    %dma_start3A_261 = arith.constant 0 : i32
    %dma_start3A_262 = tpu.memref_slice %arg2[%add3A_22, %dma_start3A_260, %add3A_42, %dma_start3A_261] : memref<64x3x256x512xf32, #tpu.memory_space<hbm>> -> memref<1x1x32x512xf32, #tpu.memory_space<hbm>>
    %dma_start3A_263 = tpu.memref_squeeze %dma_start3A_262 : memref<1x1x32x512xf32, #tpu.memory_space<hbm>> -> memref<32x512xf32, #tpu.memory_space<hbm>>
    %dma_start3A_264 = arith.constant 0 : i32
    %dma_start3A_265 = tpu.memref_slice %arg2[%add3A_22, %dma_start3A_260, %add3A_42, %dma_start3A_264] : memref<64x3x256x512xf32, #tpu.memory_space<hbm>> -> memref<1x1x32x512xf32, #tpu.memory_space<hbm>>
    %dma_start3A_266 = tpu.memref_squeeze %dma_start3A_265 : memref<1x1x32x512xf32, #tpu.memory_space<hbm>> -> memref<32x512xf32, #tpu.memory_space<hbm>>
    tpu.enqueue_dma source(%dma_start3A_266 : memref<32x512xf32, #tpu.memory_space<hbm>>) target(%arg10 : memref<32x512xf32, #tpu.memory_space<vmem>>) target_semaphore(%arg14 : memref<!tpu.dma_semaphore, #tpu.memory_space<semaphore_mem>>)
    %dma_wait3A = arith.constant 0 : i32
    %dma_wait3A_267 = arith.constant 0 : i32
    %dma_wait3A_268 = tpu.memref_slice %arg2[%add3A_22, %dma_wait3A, %add3A_40, %dma_wait3A_267] : memref<64x3x256x512xf32, #tpu.memory_space<hbm>> -> memref<1x1x32x512xf32, #tpu.memory_space<hbm>>
    %dma_wait3A_269 = tpu.memref_squeeze %dma_wait3A_268 : memref<1x1x32x512xf32, #tpu.memory_space<hbm>> -> memref<32x512xf32, #tpu.memory_space<hbm>>
    %dma_wait3A_270 = arith.constant 0 : i32
    %dma_wait3A_271 = tpu.memref_slice %arg2[%add3A_22, %dma_wait3A, %add3A_40, %dma_wait3A_270] : memref<64x3x256x512xf32, #tpu.memory_space<hbm>> -> memref<1x1x32x512xf32, #tpu.memory_space<hbm>>
    %dma_wait3A_272 = tpu.memref_squeeze %dma_wait3A_271 : memref<1x1x32x512xf32, #tpu.memory_space<hbm>> -> memref<32x512xf32, #tpu.memory_space<hbm>>
    tpu.wait_dma2 semaphore(%arg13 : memref<!tpu.dma_semaphore, #tpu.memory_space<semaphore_mem>>) src(%dma_wait3A_272 : memref<32x512xf32, #tpu.memory_space<hbm>>) dst(%arg5 : memref<32x512xf32, #tpu.memory_space<vmem>>)
    %dma_wait3A_273 = arith.constant 1 : i32
    %dma_wait3A_274 = arith.constant 0 : i32
    %dma_wait3A_275 = tpu.memref_slice %arg2[%add3A_22, %dma_wait3A_273, %add3A_40, %dma_wait3A_274] : memref<64x3x256x512xf32, #tpu.memory_space<hbm>> -> memref<1x1x32x512xf32, #tpu.memory_space<hbm>>
    %dma_wait3A_276 = tpu.memref_squeeze %dma_wait3A_275 : memref<1x1x32x512xf32, #tpu.memory_space<hbm>> -> memref<32x512xf32, #tpu.memory_space<hbm>>
    %dma_wait3A_277 = arith.constant 0 : i32
    %dma_wait3A_278 = tpu.memref_slice %arg2[%add3A_22, %dma_wait3A_273, %add3A_40, %dma_wait3A_277] : memref<64x3x256x512xf32, #tpu.memory_space<hbm>> -> memref<1x1x32x512xf32, #tpu.memory_space<hbm>>
    %dma_wait3A_279 = tpu.memref_squeeze %dma_wait3A_278 : memref<1x1x32x512xf32, #tpu.memory_space<hbm>> -> memref<32x512xf32, #tpu.memory_space<hbm>>
    tpu.wait_dma2 semaphore(%arg13 : memref<!tpu.dma_semaphore, #tpu.memory_space<semaphore_mem>>) src(%dma_wait3A_279 : memref<32x512xf32, #tpu.memory_space<hbm>>) dst(%arg7 : memref<32x512xf32, #tpu.memory_space<vmem>>)
    %dma_wait3A_280 = arith.constant 2 : i32
    %dma_wait3A_281 = arith.constant 0 : i32
    %dma_wait3A_282 = tpu.memref_slice %arg2[%add3A_22, %dma_wait3A_280, %add3A_40, %dma_wait3A_281] : memref<64x3x256x512xf32, #tpu.memory_space<hbm>> -> memref<1x1x32x512xf32, #tpu.memory_space<hbm>>
    %dma_wait3A_283 = tpu.memref_squeeze %dma_wait3A_282 : memref<1x1x32x512xf32, #tpu.memory_space<hbm>> -> memref<32x512xf32, #tpu.memory_space<hbm>>
    %dma_wait3A_284 = arith.constant 0 : i32
    %dma_wait3A_285 = tpu.memref_slice %arg2[%add3A_22, %dma_wait3A_280, %add3A_40, %dma_wait3A_284] : memref<64x3x256x512xf32, #tpu.memory_space<hbm>> -> memref<1x1x32x512xf32, #tpu.memory_space<hbm>>
    %dma_wait3A_286 = tpu.memref_squeeze %dma_wait3A_285 : memref<1x1x32x512xf32, #tpu.memory_space<hbm>> -> memref<32x512xf32, #tpu.memory_space<hbm>>
    tpu.wait_dma2 semaphore(%arg13 : memref<!tpu.dma_semaphore, #tpu.memory_space<semaphore_mem>>) src(%dma_wait3A_286 : memref<32x512xf32, #tpu.memory_space<hbm>>) dst(%arg9 : memref<32x512xf32, #tpu.memory_space<vmem>>)
    %scan3A = arith.constant 0 : i32
    %scan3A_287 = arith.constant 32 : i32
    %scan3A_288 = arith.addi %scan3A, %scan3A_287 : i32
    %scan3A_289 = arith.constant 1 : i32
    %scan3A_290:8 = scf.for %scan3A_915 = %scan3A to %scan3A_288 step %scan3A_289 iter_args(%scan3A_916 = %broadcast_in_dim3A_245, %scan3A_917 = %broadcast_in_dim3A_245, %scan3A_918 = %broadcast_in_dim3A_245, %scan3A_919 = %broadcast_in_dim3A_245, %scan3A_920 = %broadcast_in_dim3A_245, %scan3A_921 = %broadcast_in_dim3A_245, %scan3A_922 = %broadcast_in_dim3A_245, %scan3A_923 = %broadcast_in_dim3A_245) -> (vector<16xf32>, vector<16xf32>, vector<16xf32>, vector<16xf32>, vector<16xf32>, vector<16xf32>, vector<16xf32>, vector<16xf32>)  : i32 {
      %scan3A_924 = arith.constant 0 : i32
      %scan3A_925 = arith.constant 2 : i32
      %scan3A_926 = arith.addi %scan3A_924, %scan3A_925 : i32
      %scan3A_927 = arith.constant 1 : i32
      %scan3A_928:8 = scf.for %scan3A_930 = %scan3A_924 to %scan3A_926 step %scan3A_927 iter_args(%scan3A_931 = %scan3A_916, %scan3A_932 = %scan3A_917, %scan3A_933 = %scan3A_918, %scan3A_934 = %scan3A_919, %scan3A_935 = %scan3A_920, %scan3A_936 = %scan3A_921, %scan3A_937 = %scan3A_922, %scan3A_938 = %scan3A_923) -> (vector<16xf32>, vector<16xf32>, vector<16xf32>, vector<16xf32>, vector<16xf32>, vector<16xf32>, vector<16xf32>, vector<16xf32>)  : i32 {
        %mul3A_939 = arith.constant 256 : i32
        %mul3A_940 = arith.muli %scan3A_930, %mul3A_939 : i32
        %add3A_941 = arith.constant 0 : i32
        %add3A_942 = arith.addi %mul3A_940, %add3A_941 : i32
        %get3A_943 = arith.index_cast %scan3A_915 : i32 to index
        %get3A_944 = arith.index_cast %add3A_942 : i32 to index
        %get3A_945 = tpu.vector_load %arg5[%get3A_943, %get3A_944] {strides = array<i32>} : memref<32x512xf32, #tpu.memory_space<vmem>>, vector<16xf32>,
        %get3A_946 = arith.index_cast %scan3A_915 : i32 to index
        %get3A_947 = arith.index_cast %add3A_942 : i32 to index
        %get3A_948 = tpu.vector_load %arg7[%get3A_946, %get3A_947] {strides = array<i32>} : memref<32x512xf32, #tpu.memory_space<vmem>>, vector<16xf32>,
        %get3A_949 = arith.index_cast %scan3A_915 : i32 to index
        %get3A_950 = arith.index_cast %add3A_942 : i32 to index
        %get3A_951 = tpu.vector_load %arg9[%get3A_949, %get3A_950] {strides = array<i32>} : memref<32x512xf32, #tpu.memory_space<vmem>>, vector<16xf32>,
        %mul3A_952 = arith.mulf %get3A_945, %get3A_945 : vector<16xf32>
        %mul3A_953 = arith.mulf %get3A_948, %get3A_948 : vector<16xf32>
        %add3A_954 = arith.addf %mul3A_952, %mul3A_953 : vector<16xf32>
        %mul3A_955 = arith.mulf %get3A_951, %get3A_951 : vector<16xf32>
        %add3A_956 = arith.addf %add3A_954, %mul3A_955 : vector<16xf32>
        %mul3A_957 = arith.mulf %add3A_956, %get3A_244 : vector<16xf32>
        %exp3A = math.exp %mul3A_957 : vector<16xf32>
        %lt3A_958 = arith.constant 3.000000e+00 : f32
        %lt3A_959 = vector.broadcast %lt3A_958 : f32 to vector<16xf32>
        %lt3A_960 = arith.cmpf olt, %add3A_956, %lt3A_959 : vector<16xf32>
        %jit3A_961 = arith.constant 0.000000e+00 : f32
        %broadcast_in_dim3A_962 = vector.broadcast %jit3A_961 : f32 to vector<16xf32>
        %select_n3A_963 = arith.select %lt3A_960, %exp3A, %broadcast_in_dim3A_962 : vector<16xi1>, vector<16xf32>
        %add3A_964 = arith.addf %scan3A_931, %select_n3A_963 : vector<16xf32>
        %add3A_965 = arith.constant 16 : i32
        %add3A_966 = arith.addi %mul3A_940, %add3A_965 : i32
        %get3A_967 = arith.index_cast %scan3A_915 : i32 to index
        %get3A_968 = arith.index_cast %add3A_966 : i32 to index
        %get3A_969 = tpu.vector_load %arg5[%get3A_967, %get3A_968] {strides = array<i32>} : memref<32x512xf32, #tpu.memory_space<vmem>>, vector<16xf32>,
        %get3A_970 = arith.index_cast %scan3A_915 : i32 to index
        %get3A_971 = arith.index_cast %add3A_966 : i32 to index
        %get3A_972 = tpu.vector_load %arg7[%get3A_970, %get3A_971] {strides = array<i32>} : memref<32x512xf32, #tpu.memory_space<vmem>>, vector<16xf32>,
        %get3A_973 = arith.index_cast %scan3A_915 : i32 to index
        %get3A_974 = arith.index_cast %add3A_966 : i32 to index
        %get3A_975 = tpu.vector_load %arg9[%get3A_973, %get3A_974] {strides = array<i32>} : memref<32x512xf32, #tpu.memory_space<vmem>>, vector<16xf32>,
        %mul3A_976 = arith.mulf %get3A_969, %get3A_969 : vector<16xf32>
        %mul3A_977 = arith.mulf %get3A_972, %get3A_972 : vector<16xf32>
        %add3A_978 = arith.addf %mul3A_976, %mul3A_977 : vector<16xf32>
        %mul3A_979 = arith.mulf %get3A_975, %get3A_975 : vector<16xf32>
        %add3A_980 = arith.addf %add3A_978, %mul3A_979 : vector<16xf32>
        %mul3A_981 = arith.mulf %add3A_980, %get3A_244 : vector<16xf32>
        %exp3A_982 = math.exp %mul3A_981 : vector<16xf32>
        %lt3A_983 = arith.constant 3.000000e+00 : f32
        %lt3A_984 = vector.broadcast %lt3A_983 : f32 to vector<16xf32>
        %lt3A_985 = arith.cmpf olt, %add3A_980, %lt3A_984 : vector<16xf32>
        %jit3A_986 = arith.constant 0.000000e+00 : f32
        %broadcast_in_dim3A_987 = vector.broadcast %jit3A_986 : f32 to vector<16xf32>
        %select_n3A_988 = arith.select %lt3A_985, %exp3A_982, %broadcast_in_dim3A_987 : vector<16xi1>, vector<16xf32>
        %add3A_989 = arith.addf %scan3A_932, %select_n3A_988 : vector<16xf32>
        %add3A_990 = arith.constant 32 : i32
        %add3A_991 = arith.addi %mul3A_940, %add3A_990 : i32
        %get3A_992 = arith.index_cast %scan3A_915 : i32 to index
        %get3A_993 = arith.index_cast %add3A_991 : i32 to index
        %get3A_994 = tpu.vector_load %arg5[%get3A_992, %get3A_993] {strides = array<i32>} : memref<32x512xf32, #tpu.memory_space<vmem>>, vector<16xf32>,
        %get3A_995 = arith.index_cast %scan3A_915 : i32 to index
        %get3A_996 = arith.index_cast %add3A_991 : i32 to index
        %get3A_997 = tpu.vector_load %arg7[%get3A_995, %get3A_996] {strides = array<i32>} : memref<32x512xf32, #tpu.memory_space<vmem>>, vector<16xf32>,
        %get3A_998 = arith.index_cast %scan3A_915 : i32 to index
        %get3A_999 = arith.index_cast %add3A_991 : i32 to index
        %get3A_1000 = tpu.vector_load %arg9[%get3A_998, %get3A_999] {strides = array<i32>} : memref<32x512xf32, #tpu.memory_space<vmem>>, vector<16xf32>,
        %mul3A_1001 = arith.mulf %get3A_994, %get3A_994 : vector<16xf32>
        %mul3A_1002 = arith.mulf %get3A_997, %get3A_997 : vector<16xf32>
        %add3A_1003 = arith.addf %mul3A_1001, %mul3A_1002 : vector<16xf32>
        %mul3A_1004 = arith.mulf %get3A_1000, %get3A_1000 : vector<16xf32>
        %add3A_1005 = arith.addf %add3A_1003, %mul3A_1004 : vector<16xf32>
        %mul3A_1006 = arith.mulf %add3A_1005, %get3A_244 : vector<16xf32>
        %exp3A_1007 = math.exp %mul3A_1006 : vector<16xf32>
        %lt3A_1008 = arith.constant 3.000000e+00 : f32
        %lt3A_1009 = vector.broadcast %lt3A_1008 : f32 to vector<16xf32>
        %lt3A_1010 = arith.cmpf olt, %add3A_1005, %lt3A_1009 : vector<16xf32>
        %jit3A_1011 = arith.constant 0.000000e+00 : f32
        %broadcast_in_dim3A_1012 = vector.broadcast %jit3A_1011 : f32 to vector<16xf32>
        %select_n3A_1013 = arith.select %lt3A_1010, %exp3A_1007, %broadcast_in_dim3A_1012 : vector<16xi1>, vector<16xf32>
        %add3A_1014 = arith.addf %scan3A_933, %select_n3A_1013 : vector<16xf32>
        %add3A_1015 = arith.constant 48 : i32
        %add3A_1016 = arith.addi %mul3A_940, %add3A_1015 : i32
        %get3A_1017 = arith.index_cast %scan3A_915 : i32 to index
        %get3A_1018 = arith.index_cast %add3A_1016 : i32 to index
        %get3A_1019 = tpu.vector_load %arg5[%get3A_1017, %get3A_1018] {strides = array<i32>} : memref<32x512xf32, #tpu.memory_space<vmem>>, vector<16xf32>,
        %get3A_1020 = arith.index_cast %scan3A_915 : i32 to index
        %get3A_1021 = arith.index_cast %add3A_1016 : i32 to index
        %get3A_1022 = tpu.vector_load %arg7[%get3A_1020, %get3A_1021] {strides = array<i32>} : memref<32x512xf32, #tpu.memory_space<vmem>>, vector<16xf32>,
        %get3A_1023 = arith.index_cast %scan3A_915 : i32 to index
        %get3A_1024 = arith.index_cast %add3A_1016 : i32 to index
        %get3A_1025 = tpu.vector_load %arg9[%get3A_1023, %get3A_1024] {strides = array<i32>} : memref<32x512xf32, #tpu.memory_space<vmem>>, vector<16xf32>,
        %mul3A_1026 = arith.mulf %get3A_1019, %get3A_1019 : vector<16xf32>
        %mul3A_1027 = arith.mulf %get3A_1022, %get3A_1022 : vector<16xf32>
        %add3A_1028 = arith.addf %mul3A_1026, %mul3A_1027 : vector<16xf32>
        %mul3A_1029 = arith.mulf %get3A_1025, %get3A_1025 : vector<16xf32>
        %add3A_1030 = arith.addf %add3A_1028, %mul3A_1029 : vector<16xf32>
        %mul3A_1031 = arith.mulf %add3A_1030, %get3A_244 : vector<16xf32>
        %exp3A_1032 = math.exp %mul3A_1031 : vector<16xf32>
        %lt3A_1033 = arith.constant 3.000000e+00 : f32
        %lt3A_1034 = vector.broadcast %lt3A_1033 : f32 to vector<16xf32>
        %lt3A_1035 = arith.cmpf olt, %add3A_1030, %lt3A_1034 : vector<16xf32>
        %jit3A_1036 = arith.constant 0.000000e+00 : f32
        %broadcast_in_dim3A_1037 = vector.broadcast %jit3A_1036 : f32 to vector<16xf32>
        %select_n3A_1038 = arith.select %lt3A_1035, %exp3A_1032, %broadcast_in_dim3A_1037 : vector<16xi1>, vector<16xf32>
        %add3A_1039 = arith.addf %scan3A_934, %select_n3A_1038 : vector<16xf32>
        %add3A_1040 = arith.constant 64 : i32
        %add3A_1041 = arith.addi %mul3A_940, %add3A_1040 : i32
        %get3A_1042 = arith.index_cast %scan3A_915 : i32 to index
        %get3A_1043 = arith.index_cast %add3A_1041 : i32 to index
        %get3A_1044 = tpu.vector_load %arg5[%get3A_1042, %get3A_1043] {strides = array<i32>} : memref<32x512xf32, #tpu.memory_space<vmem>>, vector<16xf32>,
        %get3A_1045 = arith.index_cast %scan3A_915 : i32 to index
        %get3A_1046 = arith.index_cast %add3A_1041 : i32 to index
        %get3A_1047 = tpu.vector_load %arg7[%get3A_1045, %get3A_1046] {strides = array<i32>} : memref<32x512xf32, #tpu.memory_space<vmem>>, vector<16xf32>,
        %get3A_1048 = arith.index_cast %scan3A_915 : i32 to index
        %get3A_1049 = arith.index_cast %add3A_1041 : i32 to index
        %get3A_1050 = tpu.vector_load %arg9[%get3A_1048, %get3A_1049] {strides = array<i32>} : memref<32x512xf32, #tpu.memory_space<vmem>>, vector<16xf32>,
        %mul3A_1051 = arith.mulf %get3A_1044, %get3A_1044 : vector<16xf32>
        %mul3A_1052 = arith.mulf %get3A_1047, %get3A_1047 : vector<16xf32>
        %add3A_1053 = arith.addf %mul3A_1051, %mul3A_1052 : vector<16xf32>
        %mul3A_1054 = arith.mulf %get3A_1050, %get3A_1050 : vector<16xf32>
        %add3A_1055 = arith.addf %add3A_1053, %mul3A_1054 : vector<16xf32>
        %mul3A_1056 = arith.mulf %add3A_1055, %get3A_244 : vector<16xf32>
        %exp3A_1057 = math.exp %mul3A_1056 : vector<16xf32>
        %lt3A_1058 = arith.constant 3.000000e+00 : f32
        %lt3A_1059 = vector.broadcast %lt3A_1058 : f32 to vector<16xf32>
        %lt3A_1060 = arith.cmpf olt, %add3A_1055, %lt3A_1059 : vector<16xf32>
        %jit3A_1061 = arith.constant 0.000000e+00 : f32
        %broadcast_in_dim3A_1062 = vector.broadcast %jit3A_1061 : f32 to vector<16xf32>
        %select_n3A_1063 = arith.select %lt3A_1060, %exp3A_1057, %broadcast_in_dim3A_1062 : vector<16xi1>, vector<16xf32>
        %add3A_1064 = arith.addf %scan3A_935, %select_n3A_1063 : vector<16xf32>
        %add3A_1065 = arith.constant 80 : i32
        %add3A_1066 = arith.addi %mul3A_940, %add3A_1065 : i32
        %get3A_1067 = arith.index_cast %scan3A_915 : i32 to index
        %get3A_1068 = arith.index_cast %add3A_1066 : i32 to index
        %get3A_1069 = tpu.vector_load %arg5[%get3A_1067, %get3A_1068] {strides = array<i32>} : memref<32x512xf32, #tpu.memory_space<vmem>>, vector<16xf32>,
        %get3A_1070 = arith.index_cast %scan3A_915 : i32 to index
        %get3A_1071 = arith.index_cast %add3A_1066 : i32 to index
        %get3A_1072 = tpu.vector_load %arg7[%get3A_1070, %get3A_1071] {strides = array<i32>} : memref<32x512xf32, #tpu.memory_space<vmem>>, vector<16xf32>,
        %get3A_1073 = arith.index_cast %scan3A_915 : i32 to index
        %get3A_1074 = arith.index_cast %add3A_1066 : i32 to index
        %get3A_1075 = tpu.vector_load %arg9[%get3A_1073, %get3A_1074] {strides = array<i32>} : memref<32x512xf32, #tpu.memory_space<vmem>>, vector<16xf32>,
        %mul3A_1076 = arith.mulf %get3A_1069, %get3A_1069 : vector<16xf32>
        %mul3A_1077 = arith.mulf %get3A_1072, %get3A_1072 : vector<16xf32>
        %add3A_1078 = arith.addf %mul3A_1076, %mul3A_1077 : vector<16xf32>
        %mul3A_1079 = arith.mulf %get3A_1075, %get3A_1075 : vector<16xf32>
        %add3A_1080 = arith.addf %add3A_1078, %mul3A_1079 : vector<16xf32>
        %mul3A_1081 = arith.mulf %add3A_1080, %get3A_244 : vector<16xf32>
        %exp3A_1082 = math.exp %mul3A_1081 : vector<16xf32>
        %lt3A_1083 = arith.constant 3.000000e+00 : f32
        %lt3A_1084 = vector.broadcast %lt3A_1083 : f32 to vector<16xf32>
        %lt3A_1085 = arith.cmpf olt, %add3A_1080, %lt3A_1084 : vector<16xf32>
        %jit3A_1086 = arith.constant 0.000000e+00 : f32
        %broadcast_in_dim3A_1087 = vector.broadcast %jit3A_1086 : f32 to vector<16xf32>
        %select_n3A_1088 = arith.select %lt3A_1085, %exp3A_1082, %broadcast_in_dim3A_1087 : vector<16xi1>, vector<16xf32>
        %add3A_1089 = arith.addf %scan3A_936, %select_n3A_1088 : vector<16xf32>
        %add3A_1090 = arith.constant 96 : i32
        %add3A_1091 = arith.addi %mul3A_940, %add3A_1090 : i32
        %get3A_1092 = arith.index_cast %scan3A_915 : i32 to index
        %get3A_1093 = arith.index_cast %add3A_1091 : i32 to index
        %get3A_1094 = tpu.vector_load %arg5[%get3A_1092, %get3A_1093] {strides = array<i32>} : memref<32x512xf32, #tpu.memory_space<vmem>>, vector<16xf32>,
        %get3A_1095 = arith.index_cast %scan3A_915 : i32 to index
        %get3A_1096 = arith.index_cast %add3A_1091 : i32 to index
        %get3A_1097 = tpu.vector_load %arg7[%get3A_1095, %get3A_1096] {strides = array<i32>} : memref<32x512xf32, #tpu.memory_space<vmem>>, vector<16xf32>,
        %get3A_1098 = arith.index_cast %scan3A_915 : i32 to index
        %get3A_1099 = arith.index_cast %add3A_1091 : i32 to index
        %get3A_1100 = tpu.vector_load %arg9[%get3A_1098, %get3A_1099] {strides = array<i32>} : memref<32x512xf32, #tpu.memory_space<vmem>>, vector<16xf32>,
        %mul3A_1101 = arith.mulf %get3A_1094, %get3A_1094 : vector<16xf32>
        %mul3A_1102 = arith.mulf %get3A_1097, %get3A_1097 : vector<16xf32>
        %add3A_1103 = arith.addf %mul3A_1101, %mul3A_1102 : vector<16xf32>
        %mul3A_1104 = arith.mulf %get3A_1100, %get3A_1100 : vector<16xf32>
        %add3A_1105 = arith.addf %add3A_1103, %mul3A_1104 : vector<16xf32>
        %mul3A_1106 = arith.mulf %add3A_1105, %get3A_244 : vector<16xf32>
        %exp3A_1107 = math.exp %mul3A_1106 : vector<16xf32>
        %lt3A_1108 = arith.constant 3.000000e+00 : f32
        %lt3A_1109 = vector.broadcast %lt3A_1108 : f32 to vector<16xf32>
        %lt3A_1110 = arith.cmpf olt, %add3A_1105, %lt3A_1109 : vector<16xf32>
        %jit3A_1111 = arith.constant 0.000000e+00 : f32
        %broadcast_in_dim3A_1112 = vector.broadcast %jit3A_1111 : f32 to vector<16xf32>
        %select_n3A_1113 = arith.select %lt3A_1110, %exp3A_1107, %broadcast_in_dim3A_1112 : vector<16xi1>, vector<16xf32>
        %add3A_1114 = arith.addf %scan3A_937, %select_n3A_1113 : vector<16xf32>
        %add3A_1115 = arith.constant 112 : i32
        %add3A_1116 = arith.addi %mul3A_940, %add3A_1115 : i32
        %get3A_1117 = arith.index_cast %scan3A_915 : i32 to index
        %get3A_1118 = arith.index_cast %add3A_1116 : i32 to index
        %get3A_1119 = tpu.vector_load %arg5[%get3A_1117, %get3A_1118] {strides = array<i32>} : memref<32x512xf32, #tpu.memory_space<vmem>>, vector<16xf32>,
        %get3A_1120 = arith.index_cast %scan3A_915 : i32 to index
        %get3A_1121 = arith.index_cast %add3A_1116 : i32 to index
        %get3A_1122 = tpu.vector_load %arg7[%get3A_1120, %get3A_1121] {strides = array<i32>} : memref<32x512xf32, #tpu.memory_space<vmem>>, vector<16xf32>,
        %get3A_1123 = arith.index_cast %scan3A_915 : i32 to index
        %get3A_1124 = arith.index_cast %add3A_1116 : i32 to index
        %get3A_1125 = tpu.vector_load %arg9[%get3A_1123, %get3A_1124] {strides = array<i32>} : memref<32x512xf32, #tpu.memory_space<vmem>>, vector<16xf32>,
        %mul3A_1126 = arith.mulf %get3A_1119, %get3A_1119 : vector<16xf32>
        %mul3A_1127 = arith.mulf %get3A_1122, %get3A_1122 : vector<16xf32>
        %add3A_1128 = arith.addf %mul3A_1126, %mul3A_1127 : vector<16xf32>
        %mul3A_1129 = arith.mulf %get3A_1125, %get3A_1125 : vector<16xf32>
        %add3A_1130 = arith.addf %add3A_1128, %mul3A_1129 : vector<16xf32>
        %mul3A_1131 = arith.mulf %add3A_1130, %get3A_244 : vector<16xf32>
        %exp3A_1132 = math.exp %mul3A_1131 : vector<16xf32>
        %lt3A_1133 = arith.constant 3.000000e+00 : f32
        %lt3A_1134 = vector.broadcast %lt3A_1133 : f32 to vector<16xf32>
        %lt3A_1135 = arith.cmpf olt, %add3A_1130, %lt3A_1134 : vector<16xf32>
        %jit3A_1136 = arith.constant 0.000000e+00 : f32
        %broadcast_in_dim3A_1137 = vector.broadcast %jit3A_1136 : f32 to vector<16xf32>
        %select_n3A_1138 = arith.select %lt3A_1135, %exp3A_1132, %broadcast_in_dim3A_1137 : vector<16xi1>, vector<16xf32>
        %add3A_1139 = arith.addf %scan3A_938, %select_n3A_1138 : vector<16xf32>
        %add3A_1140 = arith.constant 128 : i32
        %add3A_1141 = arith.addi %mul3A_940, %add3A_1140 : i32
        %get3A_1142 = arith.index_cast %scan3A_915 : i32 to index
        %get3A_1143 = arith.index_cast %add3A_1141 : i32 to index
        %get3A_1144 = tpu.vector_load %arg5[%get3A_1142, %get3A_1143] {strides = array<i32>} : memref<32x512xf32, #tpu.memory_space<vmem>>, vector<16xf32>,
        %get3A_1145 = arith.index_cast %scan3A_915 : i32 to index
        %get3A_1146 = arith.index_cast %add3A_1141 : i32 to index
        %get3A_1147 = tpu.vector_load %arg7[%get3A_1145, %get3A_1146] {strides = array<i32>} : memref<32x512xf32, #tpu.memory_space<vmem>>, vector<16xf32>,
        %get3A_1148 = arith.index_cast %scan3A_915 : i32 to index
        %get3A_1149 = arith.index_cast %add3A_1141 : i32 to index
        %get3A_1150 = tpu.vector_load %arg9[%get3A_1148, %get3A_1149] {strides = array<i32>} : memref<32x512xf32, #tpu.memory_space<vmem>>, vector<16xf32>,
        %mul3A_1151 = arith.mulf %get3A_1144, %get3A_1144 : vector<16xf32>
        %mul3A_1152 = arith.mulf %get3A_1147, %get3A_1147 : vector<16xf32>
        %add3A_1153 = arith.addf %mul3A_1151, %mul3A_1152 : vector<16xf32>
        %mul3A_1154 = arith.mulf %get3A_1150, %get3A_1150 : vector<16xf32>
        %add3A_1155 = arith.addf %add3A_1153, %mul3A_1154 : vector<16xf32>
        %mul3A_1156 = arith.mulf %add3A_1155, %get3A_244 : vector<16xf32>
        %exp3A_1157 = math.exp %mul3A_1156 : vector<16xf32>
        %lt3A_1158 = arith.constant 3.000000e+00 : f32
        %lt3A_1159 = vector.broadcast %lt3A_1158 : f32 to vector<16xf32>
        %lt3A_1160 = arith.cmpf olt, %add3A_1155, %lt3A_1159 : vector<16xf32>
        %jit3A_1161 = arith.constant 0.000000e+00 : f32
        %broadcast_in_dim3A_1162 = vector.broadcast %jit3A_1161 : f32 to vector<16xf32>
        %select_n3A_1163 = arith.select %lt3A_1160, %exp3A_1157, %broadcast_in_dim3A_1162 : vector<16xi1>, vector<16xf32>
        %add3A_1164 = arith.addf %add3A_964, %select_n3A_1163 : vector<16xf32>
        %add3A_1165 = arith.constant 144 : i32
        %add3A_1166 = arith.addi %mul3A_940, %add3A_1165 : i32
        %get3A_1167 = arith.index_cast %scan3A_915 : i32 to index
        %get3A_1168 = arith.index_cast %add3A_1166 : i32 to index
        %get3A_1169 = tpu.vector_load %arg5[%get3A_1167, %get3A_1168] {strides = array<i32>} : memref<32x512xf32, #tpu.memory_space<vmem>>, vector<16xf32>,
        %get3A_1170 = arith.index_cast %scan3A_915 : i32 to index
        %get3A_1171 = arith.index_cast %add3A_1166 : i32 to index
        %get3A_1172 = tpu.vector_load %arg7[%get3A_1170, %get3A_1171] {strides = array<i32>} : memref<32x512xf32, #tpu.memory_space<vmem>>, vector<16xf32>,
        %get3A_1173 = arith.index_cast %scan3A_915 : i32 to index
        %get3A_1174 = arith.index_cast %add3A_1166 : i32 to index
        %get3A_1175 = tpu.vector_load %arg9[%get3A_1173, %get3A_1174] {strides = array<i32>} : memref<32x512xf32, #tpu.memory_space<vmem>>, vector<16xf32>,
        %mul3A_1176 = arith.mulf %get3A_1169, %get3A_1169 : vector<16xf32>
        %mul3A_1177 = arith.mulf %get3A_1172, %get3A_1172 : vector<16xf32>
        %add3A_1178 = arith.addf %mul3A_1176, %mul3A_1177 : vector<16xf32>
        %mul3A_1179 = arith.mulf %get3A_1175, %get3A_1175 : vector<16xf32>
        %add3A_1180 = arith.addf %add3A_1178, %mul3A_1179 : vector<16xf32>
        %mul3A_1181 = arith.mulf %add3A_1180, %get3A_244 : vector<16xf32>
        %exp3A_1182 = math.exp %mul3A_1181 : vector<16xf32>
        %lt3A_1183 = arith.constant 3.000000e+00 : f32
        %lt3A_1184 = vector.broadcast %lt3A_1183 : f32 to vector<16xf32>
        %lt3A_1185 = arith.cmpf olt, %add3A_1180, %lt3A_1184 : vector<16xf32>
        %jit3A_1186 = arith.constant 0.000000e+00 : f32
        %broadcast_in_dim3A_1187 = vector.broadcast %jit3A_1186 : f32 to vector<16xf32>
        %select_n3A_1188 = arith.select %lt3A_1185, %exp3A_1182, %broadcast_in_dim3A_1187 : vector<16xi1>, vector<16xf32>
        %add3A_1189 = arith.addf %add3A_989, %select_n3A_1188 : vector<16xf32>
        %add3A_1190 = arith.constant 160 : i32
        %add3A_1191 = arith.addi %mul3A_940, %add3A_1190 : i32
        %get3A_1192 = arith.index_cast %scan3A_915 : i32 to index
        %get3A_1193 = arith.index_cast %add3A_1191 : i32 to index
        %get3A_1194 = tpu.vector_load %arg5[%get3A_1192, %get3A_1193] {strides = array<i32>} : memref<32x512xf32, #tpu.memory_space<vmem>>, vector<16xf32>,
        %get3A_1195 = arith.index_cast %scan3A_915 : i32 to index
        %get3A_1196 = arith.index_cast %add3A_1191 : i32 to index
        %get3A_1197 = tpu.vector_load %arg7[%get3A_1195, %get3A_1196] {strides = array<i32>} : memref<32x512xf32, #tpu.memory_space<vmem>>, vector<16xf32>,
        %get3A_1198 = arith.index_cast %scan3A_915 : i32 to index
        %get3A_1199 = arith.index_cast %add3A_1191 : i32 to index
        %get3A_1200 = tpu.vector_load %arg9[%get3A_1198, %get3A_1199] {strides = array<i32>} : memref<32x512xf32, #tpu.memory_space<vmem>>, vector<16xf32>,
        %mul3A_1201 = arith.mulf %get3A_1194, %get3A_1194 : vector<16xf32>
        %mul3A_1202 = arith.mulf %get3A_1197, %get3A_1197 : vector<16xf32>
        %add3A_1203 = arith.addf %mul3A_1201, %mul3A_1202 : vector<16xf32>
        %mul3A_1204 = arith.mulf %get3A_1200, %get3A_1200 : vector<16xf32>
        %add3A_1205 = arith.addf %add3A_1203, %mul3A_1204 : vector<16xf32>
        %mul3A_1206 = arith.mulf %add3A_1205, %get3A_244 : vector<16xf32>
        %exp3A_1207 = math.exp %mul3A_1206 : vector<16xf32>
        %lt3A_1208 = arith.constant 3.000000e+00 : f32
        %lt3A_1209 = vector.broadcast %lt3A_1208 : f32 to vector<16xf32>
        %lt3A_1210 = arith.cmpf olt, %add3A_1205, %lt3A_1209 : vector<16xf32>
        %jit3A_1211 = arith.constant 0.000000e+00 : f32
        %broadcast_in_dim3A_1212 = vector.broadcast %jit3A_1211 : f32 to vector<16xf32>
        %select_n3A_1213 = arith.select %lt3A_1210, %exp3A_1207, %broadcast_in_dim3A_1212 : vector<16xi1>, vector<16xf32>
        %add3A_1214 = arith.addf %add3A_1014, %select_n3A_1213 : vector<16xf32>
        %add3A_1215 = arith.constant 176 : i32
        %add3A_1216 = arith.addi %mul3A_940, %add3A_1215 : i32
        %get3A_1217 = arith.index_cast %scan3A_915 : i32 to index
        %get3A_1218 = arith.index_cast %add3A_1216 : i32 to index
        %get3A_1219 = tpu.vector_load %arg5[%get3A_1217, %get3A_1218] {strides = array<i32>} : memref<32x512xf32, #tpu.memory_space<vmem>>, vector<16xf32>,
        %get3A_1220 = arith.index_cast %scan3A_915 : i32 to index
        %get3A_1221 = arith.index_cast %add3A_1216 : i32 to index
        %get3A_1222 = tpu.vector_load %arg7[%get3A_1220, %get3A_1221] {strides = array<i32>} : memref<32x512xf32, #tpu.memory_space<vmem>>, vector<16xf32>,
        %get3A_1223 = arith.index_cast %scan3A_915 : i32 to index
        %get3A_1224 = arith.index_cast %add3A_1216 : i32 to index
        %get3A_1225 = tpu.vector_load %arg9[%get3A_1223, %get3A_1224] {strides = array<i32>} : memref<32x512xf32, #tpu.memory_space<vmem>>, vector<16xf32>,
        %mul3A_1226 = arith.mulf %get3A_1219, %get3A_1219 : vector<16xf32>
        %mul3A_1227 = arith.mulf %get3A_1222, %get3A_1222 : vector<16xf32>
        %add3A_1228 = arith.addf %mul3A_1226, %mul3A_1227 : vector<16xf32>
        %mul3A_1229 = arith.mulf %get3A_1225, %get3A_1225 : vector<16xf32>
        %add3A_1230 = arith.addf %add3A_1228, %mul3A_1229 : vector<16xf32>
        %mul3A_1231 = arith.mulf %add3A_1230, %get3A_244 : vector<16xf32>
        %exp3A_1232 = math.exp %mul3A_1231 : vector<16xf32>
        %lt3A_1233 = arith.constant 3.000000e+00 : f32
        %lt3A_1234 = vector.broadcast %lt3A_1233 : f32 to vector<16xf32>
        %lt3A_1235 = arith.cmpf olt, %add3A_1230, %lt3A_1234 : vector<16xf32>
        %jit3A_1236 = arith.constant 0.000000e+00 : f32
        %broadcast_in_dim3A_1237 = vector.broadcast %jit3A_1236 : f32 to vector<16xf32>
        %select_n3A_1238 = arith.select %lt3A_1235, %exp3A_1232, %broadcast_in_dim3A_1237 : vector<16xi1>, vector<16xf32>
        %add3A_1239 = arith.addf %add3A_1039, %select_n3A_1238 : vector<16xf32>
        %add3A_1240 = arith.constant 192 : i32
        %add3A_1241 = arith.addi %mul3A_940, %add3A_1240 : i32
        %get3A_1242 = arith.index_cast %scan3A_915 : i32 to index
        %get3A_1243 = arith.index_cast %add3A_1241 : i32 to index
        %get3A_1244 = tpu.vector_load %arg5[%get3A_1242, %get3A_1243] {strides = array<i32>} : memref<32x512xf32, #tpu.memory_space<vmem>>, vector<16xf32>,
        %get3A_1245 = arith.index_cast %scan3A_915 : i32 to index
        %get3A_1246 = arith.index_cast %add3A_1241 : i32 to index
        %get3A_1247 = tpu.vector_load %arg7[%get3A_1245, %get3A_1246] {strides = array<i32>} : memref<32x512xf32, #tpu.memory_space<vmem>>, vector<16xf32>,
        %get3A_1248 = arith.index_cast %scan3A_915 : i32 to index
        %get3A_1249 = arith.index_cast %add3A_1241 : i32 to index
        %get3A_1250 = tpu.vector_load %arg9[%get3A_1248, %get3A_1249] {strides = array<i32>} : memref<32x512xf32, #tpu.memory_space<vmem>>, vector<16xf32>,
        %mul3A_1251 = arith.mulf %get3A_1244, %get3A_1244 : vector<16xf32>
        %mul3A_1252 = arith.mulf %get3A_1247, %get3A_1247 : vector<16xf32>
        %add3A_1253 = arith.addf %mul3A_1251, %mul3A_1252 : vector<16xf32>
        %mul3A_1254 = arith.mulf %get3A_1250, %get3A_1250 : vector<16xf32>
        %add3A_1255 = arith.addf %add3A_1253, %mul3A_1254 : vector<16xf32>
        %mul3A_1256 = arith.mulf %add3A_1255, %get3A_244 : vector<16xf32>
        %exp3A_1257 = math.exp %mul3A_1256 : vector<16xf32>
        %lt3A_1258 = arith.constant 3.000000e+00 : f32
        %lt3A_1259 = vector.broadcast %lt3A_1258 : f32 to vector<16xf32>
        %lt3A_1260 = arith.cmpf olt, %add3A_1255, %lt3A_1259 : vector<16xf32>
        %jit3A_1261 = arith.constant 0.000000e+00 : f32
        %broadcast_in_dim3A_1262 = vector.broadcast %jit3A_1261 : f32 to vector<16xf32>
        %select_n3A_1263 = arith.select %lt3A_1260, %exp3A_1257, %broadcast_in_dim3A_1262 : vector<16xi1>, vector<16xf32>
        %add3A_1264 = arith.addf %add3A_1064, %select_n3A_1263 : vector<16xf32>
        %add3A_1265 = arith.constant 208 : i32
        %add3A_1266 = arith.addi %mul3A_940, %add3A_1265 : i32
        %get3A_1267 = arith.index_cast %scan3A_915 : i32 to index
        %get3A_1268 = arith.index_cast %add3A_1266 : i32 to index
        %get3A_1269 = tpu.vector_load %arg5[%get3A_1267, %get3A_1268] {strides = array<i32>} : memref<32x512xf32, #tpu.memory_space<vmem>>, vector<16xf32>,
        %get3A_1270 = arith.index_cast %scan3A_915 : i32 to index
        %get3A_1271 = arith.index_cast %add3A_1266 : i32 to index
        %get3A_1272 = tpu.vector_load %arg7[%get3A_1270, %get3A_1271] {strides = array<i32>} : memref<32x512xf32, #tpu.memory_space<vmem>>, vector<16xf32>,
        %get3A_1273 = arith.index_cast %scan3A_915 : i32 to index
        %get3A_1274 = arith.index_cast %add3A_1266 : i32 to index
        %get3A_1275 = tpu.vector_load %arg9[%get3A_1273, %get3A_1274] {strides = array<i32>} : memref<32x512xf32, #tpu.memory_space<vmem>>, vector<16xf32>,
        %mul3A_1276 = arith.mulf %get3A_1269, %get3A_1269 : vector<16xf32>
        %mul3A_1277 = arith.mulf %get3A_1272, %get3A_1272 : vector<16xf32>
        %add3A_1278 = arith.addf %mul3A_1276, %mul3A_1277 : vector<16xf32>
        %mul3A_1279 = arith.mulf %get3A_1275, %get3A_1275 : vector<16xf32>
        %add3A_1280 = arith.addf %add3A_1278, %mul3A_1279 : vector<16xf32>
        %mul3A_1281 = arith.mulf %add3A_1280, %get3A_244 : vector<16xf32>
        %exp3A_1282 = math.exp %mul3A_1281 : vector<16xf32>
        %lt3A_1283 = arith.constant 3.000000e+00 : f32
        %lt3A_1284 = vector.broadcast %lt3A_1283 : f32 to vector<16xf32>
        %lt3A_1285 = arith.cmpf olt, %add3A_1280, %lt3A_1284 : vector<16xf32>
        %jit3A_1286 = arith.constant 0.000000e+00 : f32
        %broadcast_in_dim3A_1287 = vector.broadcast %jit3A_1286 : f32 to vector<16xf32>
        %select_n3A_1288 = arith.select %lt3A_1285, %exp3A_1282, %broadcast_in_dim3A_1287 : vector<16xi1>, vector<16xf32>
        %add3A_1289 = arith.addf %add3A_1089, %select_n3A_1288 : vector<16xf32>
        %add3A_1290 = arith.constant 224 : i32
        %add3A_1291 = arith.addi %mul3A_940, %add3A_1290 : i32
        %get3A_1292 = arith.index_cast %scan3A_915 : i32 to index
        %get3A_1293 = arith.index_cast %add3A_1291 : i32 to index
        %get3A_1294 = tpu.vector_load %arg5[%get3A_1292, %get3A_1293] {strides = array<i32>} : memref<32x512xf32, #tpu.memory_space<vmem>>, vector<16xf32>,
        %get3A_1295 = arith.index_cast %scan3A_915 : i32 to index
        %get3A_1296 = arith.index_cast %add3A_1291 : i32 to index
        %get3A_1297 = tpu.vector_load %arg7[%get3A_1295, %get3A_1296] {strides = array<i32>} : memref<32x512xf32, #tpu.memory_space<vmem>>, vector<16xf32>,
        %get3A_1298 = arith.index_cast %scan3A_915 : i32 to index
        %get3A_1299 = arith.index_cast %add3A_1291 : i32 to index
        %get3A_1300 = tpu.vector_load %arg9[%get3A_1298, %get3A_1299] {strides = array<i32>} : memref<32x512xf32, #tpu.memory_space<vmem>>, vector<16xf32>,
        %mul3A_1301 = arith.mulf %get3A_1294, %get3A_1294 : vector<16xf32>
        %mul3A_1302 = arith.mulf %get3A_1297, %get3A_1297 : vector<16xf32>
        %add3A_1303 = arith.addf %mul3A_1301, %mul3A_1302 : vector<16xf32>
        %mul3A_1304 = arith.mulf %get3A_1300, %get3A_1300 : vector<16xf32>
        %add3A_1305 = arith.addf %add3A_1303, %mul3A_1304 : vector<16xf32>
        %mul3A_1306 = arith.mulf %add3A_1305, %get3A_244 : vector<16xf32>
        %exp3A_1307 = math.exp %mul3A_1306 : vector<16xf32>
        %lt3A_1308 = arith.constant 3.000000e+00 : f32
        %lt3A_1309 = vector.broadcast %lt3A_1308 : f32 to vector<16xf32>
        %lt3A_1310 = arith.cmpf olt, %add3A_1305, %lt3A_1309 : vector<16xf32>
        %jit3A_1311 = arith.constant 0.000000e+00 : f32
        %broadcast_in_dim3A_1312 = vector.broadcast %jit3A_1311 : f32 to vector<16xf32>
        %select_n3A_1313 = arith.select %lt3A_1310, %exp3A_1307, %broadcast_in_dim3A_1312 : vector<16xi1>, vector<16xf32>
        %add3A_1314 = arith.addf %add3A_1114, %select_n3A_1313 : vector<16xf32>
        %add3A_1315 = arith.constant 240 : i32
        %add3A_1316 = arith.addi %mul3A_940, %add3A_1315 : i32
        %get3A_1317 = arith.index_cast %scan3A_915 : i32 to index
        %get3A_1318 = arith.index_cast %add3A_1316 : i32 to index
        %get3A_1319 = tpu.vector_load %arg5[%get3A_1317, %get3A_1318] {strides = array<i32>} : memref<32x512xf32, #tpu.memory_space<vmem>>, vector<16xf32>,
        %get3A_1320 = arith.index_cast %scan3A_915 : i32 to index
        %get3A_1321 = arith.index_cast %add3A_1316 : i32 to index
        %get3A_1322 = tpu.vector_load %arg7[%get3A_1320, %get3A_1321] {strides = array<i32>} : memref<32x512xf32, #tpu.memory_space<vmem>>, vector<16xf32>,
        %get3A_1323 = arith.index_cast %scan3A_915 : i32 to index
        %get3A_1324 = arith.index_cast %add3A_1316 : i32 to index
        %get3A_1325 = tpu.vector_load %arg9[%get3A_1323, %get3A_1324] {strides = array<i32>} : memref<32x512xf32, #tpu.memory_space<vmem>>, vector<16xf32>,
        %mul3A_1326 = arith.mulf %get3A_1319, %get3A_1319 : vector<16xf32>
        %mul3A_1327 = arith.mulf %get3A_1322, %get3A_1322 : vector<16xf32>
        %add3A_1328 = arith.addf %mul3A_1326, %mul3A_1327 : vector<16xf32>
        %mul3A_1329 = arith.mulf %get3A_1325, %get3A_1325 : vector<16xf32>
        %add3A_1330 = arith.addf %add3A_1328, %mul3A_1329 : vector<16xf32>
        %mul3A_1331 = arith.mulf %add3A_1330, %get3A_244 : vector<16xf32>
        %exp3A_1332 = math.exp %mul3A_1331 : vector<16xf32>
        %lt3A_1333 = arith.constant 3.000000e+00 : f32
        %lt3A_1334 = vector.broadcast %lt3A_1333 : f32 to vector<16xf32>
        %lt3A_1335 = arith.cmpf olt, %add3A_1330, %lt3A_1334 : vector<16xf32>
        %jit3A_1336 = arith.constant 0.000000e+00 : f32
        %broadcast_in_dim3A_1337 = vector.broadcast %jit3A_1336 : f32 to vector<16xf32>
        %select_n3A_1338 = arith.select %lt3A_1335, %exp3A_1332, %broadcast_in_dim3A_1337 : vector<16xi1>, vector<16xf32>
        %add3A_1339 = arith.addf %add3A_1139, %select_n3A_1338 : vector<16xf32>
        scf.yield %add3A_1164, %add3A_1189, %add3A_1214, %add3A_1239, %add3A_1264, %add3A_1289, %add3A_1314, %add3A_1339 : vector<16xf32>, vector<16xf32>, vector<16xf32>, vector<16xf32>, vector<16xf32>, vector<16xf32>, vector<16xf32>, vector<16xf32>
      }
      %scan3A_929 = arith.constant 2 : i32
      scf.yield %scan3A_928#0, %scan3A_928#1, %scan3A_928#2, %scan3A_928#3, %scan3A_928#4, %scan3A_928#5, %scan3A_928#6, %scan3A_928#7 : vector<16xf32>, vector<16xf32>, vector<16xf32>, vector<16xf32>, vector<16xf32>, vector<16xf32>, vector<16xf32>, vector<16xf32>
    }
    %scan3A_291 = arith.constant 32 : i32
    %dma_start3A_292 = arith.constant 0 : i32
    %dma_start3A_293 = arith.constant 0 : i32
    %dma_start3A_294 = tpu.memref_slice %arg2[%add3A_70, %dma_start3A_292, %add3A_90, %dma_start3A_293] : memref<64x3x256x512xf32, #tpu.memory_space<hbm>> -> memref<1x1x32x512xf32, #tpu.memory_space<hbm>>
    %dma_start3A_295 = tpu.memref_squeeze %dma_start3A_294 : memref<1x1x32x512xf32, #tpu.memory_space<hbm>> -> memref<32x512xf32, #tpu.memory_space<hbm>>
    %dma_start3A_296 = arith.constant 0 : i32
    %dma_start3A_297 = tpu.memref_slice %arg2[%add3A_70, %dma_start3A_292, %add3A_90, %dma_start3A_296] : memref<64x3x256x512xf32, #tpu.memory_space<hbm>> -> memref<1x1x32x512xf32, #tpu.memory_space<hbm>>
    %dma_start3A_298 = tpu.memref_squeeze %dma_start3A_297 : memref<1x1x32x512xf32, #tpu.memory_space<hbm>> -> memref<32x512xf32, #tpu.memory_space<hbm>>
    tpu.enqueue_dma source(%dma_start3A_298 : memref<32x512xf32, #tpu.memory_space<hbm>>) target(%arg5 : memref<32x512xf32, #tpu.memory_space<vmem>>) target_semaphore(%arg13 : memref<!tpu.dma_semaphore, #tpu.memory_space<semaphore_mem>>)
    %dma_start3A_299 = arith.constant 1 : i32
    %dma_start3A_300 = arith.constant 0 : i32
    %dma_start3A_301 = tpu.memref_slice %arg2[%add3A_70, %dma_start3A_299, %add3A_90, %dma_start3A_300] : memref<64x3x256x512xf32, #tpu.memory_space<hbm>> -> memref<1x1x32x512xf32, #tpu.memory_space<hbm>>
    %dma_start3A_302 = tpu.memref_squeeze %dma_start3A_301 : memref<1x1x32x512xf32, #tpu.memory_space<hbm>> -> memref<32x512xf32, #tpu.memory_space<hbm>>
    %dma_start3A_303 = arith.constant 0 : i32
    %dma_start3A_304 = tpu.memref_slice %arg2[%add3A_70, %dma_start3A_299, %add3A_90, %dma_start3A_303] : memref<64x3x256x512xf32, #tpu.memory_space<hbm>> -> memref<1x1x32x512xf32, #tpu.memory_space<hbm>>
    %dma_start3A_305 = tpu.memref_squeeze %dma_start3A_304 : memref<1x1x32x512xf32, #tpu.memory_space<hbm>> -> memref<32x512xf32, #tpu.memory_space<hbm>>
    tpu.enqueue_dma source(%dma_start3A_305 : memref<32x512xf32, #tpu.memory_space<hbm>>) target(%arg7 : memref<32x512xf32, #tpu.memory_space<vmem>>) target_semaphore(%arg13 : memref<!tpu.dma_semaphore, #tpu.memory_space<semaphore_mem>>)
    %dma_start3A_306 = arith.constant 2 : i32
    %dma_start3A_307 = arith.constant 0 : i32
    %dma_start3A_308 = tpu.memref_slice %arg2[%add3A_70, %dma_start3A_306, %add3A_90, %dma_start3A_307] : memref<64x3x256x512xf32, #tpu.memory_space<hbm>> -> memref<1x1x32x512xf32, #tpu.memory_space<hbm>>
    %dma_start3A_309 = tpu.memref_squeeze %dma_start3A_308 : memref<1x1x32x512xf32, #tpu.memory_space<hbm>> -> memref<32x512xf32, #tpu.memory_space<hbm>>
    %dma_start3A_310 = arith.constant 0 : i32
    %dma_start3A_311 = tpu.memref_slice %arg2[%add3A_70, %dma_start3A_306, %add3A_90, %dma_start3A_310] : memref<64x3x256x512xf32, #tpu.memory_space<hbm>> -> memref<1x1x32x512xf32, #tpu.memory_space<hbm>>
    %dma_start3A_312 = tpu.memref_squeeze %dma_start3A_311 : memref<1x1x32x512xf32, #tpu.memory_space<hbm>> -> memref<32x512xf32, #tpu.memory_space<hbm>>
    tpu.enqueue_dma source(%dma_start3A_312 : memref<32x512xf32, #tpu.memory_space<hbm>>) target(%arg9 : memref<32x512xf32, #tpu.memory_space<vmem>>) target_semaphore(%arg13 : memref<!tpu.dma_semaphore, #tpu.memory_space<semaphore_mem>>)
    %dma_wait3A_313 = arith.constant 0 : i32
    %dma_wait3A_314 = arith.constant 0 : i32
    %dma_wait3A_315 = tpu.memref_slice %arg2[%add3A_22, %dma_wait3A_313, %add3A_42, %dma_wait3A_314] : memref<64x3x256x512xf32, #tpu.memory_space<hbm>> -> memref<1x1x32x512xf32, #tpu.memory_space<hbm>>
    %dma_wait3A_316 = tpu.memref_squeeze %dma_wait3A_315 : memref<1x1x32x512xf32, #tpu.memory_space<hbm>> -> memref<32x512xf32, #tpu.memory_space<hbm>>
    %dma_wait3A_317 = arith.constant 0 : i32
    %dma_wait3A_318 = tpu.memref_slice %arg2[%add3A_22, %dma_wait3A_313, %add3A_42, %dma_wait3A_317] : memref<64x3x256x512xf32, #tpu.memory_space<hbm>> -> memref<1x1x32x512xf32, #tpu.memory_space<hbm>>
    %dma_wait3A_319 = tpu.memref_squeeze %dma_wait3A_318 : memref<1x1x32x512xf32, #tpu.memory_space<hbm>> -> memref<32x512xf32, #tpu.memory_space<hbm>>
    tpu.wait_dma2 semaphore(%arg14 : memref<!tpu.dma_semaphore, #tpu.memory_space<semaphore_mem>>) src(%dma_wait3A_319 : memref<32x512xf32, #tpu.memory_space<hbm>>) dst(%arg6 : memref<32x512xf32, #tpu.memory_space<vmem>>)
    %dma_wait3A_320 = arith.constant 1 : i32
    %dma_wait3A_321 = arith.constant 0 : i32
    %dma_wait3A_322 = tpu.memref_slice %arg2[%add3A_22, %dma_wait3A_320, %add3A_42, %dma_wait3A_321] : memref<64x3x256x512xf32, #tpu.memory_space<hbm>> -> memref<1x1x32x512xf32, #tpu.memory_space<hbm>>
    %dma_wait3A_323 = tpu.memref_squeeze %dma_wait3A_322 : memref<1x1x32x512xf32, #tpu.memory_space<hbm>> -> memref<32x512xf32, #tpu.memory_space<hbm>>
    %dma_wait3A_324 = arith.constant 0 : i32
    %dma_wait3A_325 = tpu.memref_slice %arg2[%add3A_22, %dma_wait3A_320, %add3A_42, %dma_wait3A_324] : memref<64x3x256x512xf32, #tpu.memory_space<hbm>> -> memref<1x1x32x512xf32, #tpu.memory_space<hbm>>
    %dma_wait3A_326 = tpu.memref_squeeze %dma_wait3A_325 : memref<1x1x32x512xf32, #tpu.memory_space<hbm>> -> memref<32x512xf32, #tpu.memory_space<hbm>>
    tpu.wait_dma2 semaphore(%arg14 : memref<!tpu.dma_semaphore, #tpu.memory_space<semaphore_mem>>) src(%dma_wait3A_326 : memref<32x512xf32, #tpu.memory_space<hbm>>) dst(%arg8 : memref<32x512xf32, #tpu.memory_space<vmem>>)
    %dma_wait3A_327 = arith.constant 2 : i32
    %dma_wait3A_328 = arith.constant 0 : i32
    %dma_wait3A_329 = tpu.memref_slice %arg2[%add3A_22, %dma_wait3A_327, %add3A_42, %dma_wait3A_328] : memref<64x3x256x512xf32, #tpu.memory_space<hbm>> -> memref<1x1x32x512xf32, #tpu.memory_space<hbm>>
    %dma_wait3A_330 = tpu.memref_squeeze %dma_wait3A_329 : memref<1x1x32x512xf32, #tpu.memory_space<hbm>> -> memref<32x512xf32, #tpu.memory_space<hbm>>
    %dma_wait3A_331 = arith.constant 0 : i32
    %dma_wait3A_332 = tpu.memref_slice %arg2[%add3A_22, %dma_wait3A_327, %add3A_42, %dma_wait3A_331] : memref<64x3x256x512xf32, #tpu.memory_space<hbm>> -> memref<1x1x32x512xf32, #tpu.memory_space<hbm>>
    %dma_wait3A_333 = tpu.memref_squeeze %dma_wait3A_332 : memref<1x1x32x512xf32, #tpu.memory_space<hbm>> -> memref<32x512xf32, #tpu.memory_space<hbm>>
    tpu.wait_dma2 semaphore(%arg14 : memref<!tpu.dma_semaphore, #tpu.memory_space<semaphore_mem>>) src(%dma_wait3A_333 : memref<32x512xf32, #tpu.memory_space<hbm>>) dst(%arg10 : memref<32x512xf32, #tpu.memory_space<vmem>>)
    %scan3A_334 = arith.constant 0 : i32
    %scan3A_335 = arith.constant 32 : i32
    %scan3A_336 = arith.addi %scan3A_334, %scan3A_335 : i32
    %scan3A_337 = arith.constant 1 : i32
    %scan3A_338:8 = scf.for %scan3A_915 = %scan3A_334 to %scan3A_336 step %scan3A_337 iter_args(%scan3A_916 = %scan3A_290#0, %scan3A_917 = %scan3A_290#1, %scan3A_918 = %scan3A_290#2, %scan3A_919 = %scan3A_290#3, %scan3A_920 = %scan3A_290#4, %scan3A_921 = %scan3A_290#5, %scan3A_922 = %scan3A_290#6, %scan3A_923 = %scan3A_290#7) -> (vector<16xf32>, vector<16xf32>, vector<16xf32>, vector<16xf32>, vector<16xf32>, vector<16xf32>, vector<16xf32>, vector<16xf32>)  : i32 {
      %scan3A_924 = arith.constant 0 : i32
      %scan3A_925 = arith.constant 2 : i32
      %scan3A_926 = arith.addi %scan3A_924, %scan3A_925 : i32
      %scan3A_927 = arith.constant 1 : i32
      %scan3A_928:8 = scf.for %scan3A_930 = %scan3A_924 to %scan3A_926 step %scan3A_927 iter_args(%scan3A_931 = %scan3A_916, %scan3A_932 = %scan3A_917, %scan3A_933 = %scan3A_918, %scan3A_934 = %scan3A_919, %scan3A_935 = %scan3A_920, %scan3A_936 = %scan3A_921, %scan3A_937 = %scan3A_922, %scan3A_938 = %scan3A_923) -> (vector<16xf32>, vector<16xf32>, vector<16xf32>, vector<16xf32>, vector<16xf32>, vector<16xf32>, vector<16xf32>, vector<16xf32>)  : i32 {
        %mul3A_939 = arith.constant 256 : i32
        %mul3A_940 = arith.muli %scan3A_930, %mul3A_939 : i32
        %add3A_941 = arith.constant 0 : i32
        %add3A_942 = arith.addi %mul3A_940, %add3A_941 : i32
        %get3A_943 = arith.index_cast %scan3A_915 : i32 to index
        %get3A_944 = arith.index_cast %add3A_942 : i32 to index
        %get3A_945 = tpu.vector_load %arg6[%get3A_943, %get3A_944] {strides = array<i32>} : memref<32x512xf32, #tpu.memory_space<vmem>>, vector<16xf32>,
        %get3A_946 = arith.index_cast %scan3A_915 : i32 to index
        %get3A_947 = arith.index_cast %add3A_942 : i32 to index
        %get3A_948 = tpu.vector_load %arg8[%get3A_946, %get3A_947] {strides = array<i32>} : memref<32x512xf32, #tpu.memory_space<vmem>>, vector<16xf32>,
        %get3A_949 = arith.index_cast %scan3A_915 : i32 to index
        %get3A_950 = arith.index_cast %add3A_942 : i32 to index
        %get3A_951 = tpu.vector_load %arg10[%get3A_949, %get3A_950] {strides = array<i32>} : memref<32x512xf32, #tpu.memory_space<vmem>>, vector<16xf32>,
        %mul3A_952 = arith.mulf %get3A_945, %get3A_945 : vector<16xf32>
        %mul3A_953 = arith.mulf %get3A_948, %get3A_948 : vector<16xf32>
        %add3A_954 = arith.addf %mul3A_952, %mul3A_953 : vector<16xf32>
        %mul3A_955 = arith.mulf %get3A_951, %get3A_951 : vector<16xf32>
        %add3A_956 = arith.addf %add3A_954, %mul3A_955 : vector<16xf32>
        %mul3A_957 = arith.mulf %add3A_956, %get3A_244 : vector<16xf32>
        %exp3A = math.exp %mul3A_957 : vector<16xf32>
        %lt3A_958 = arith.constant 3.000000e+00 : f32
        %lt3A_959 = vector.broadcast %lt3A_958 : f32 to vector<16xf32>
        %lt3A_960 = arith.cmpf olt, %add3A_956, %lt3A_959 : vector<16xf32>
        %jit3A_961 = arith.constant 0.000000e+00 : f32
        %broadcast_in_dim3A_962 = vector.broadcast %jit3A_961 : f32 to vector<16xf32>
        %select_n3A_963 = arith.select %lt3A_960, %exp3A, %broadcast_in_dim3A_962 : vector<16xi1>, vector<16xf32>
        %add3A_964 = arith.addf %scan3A_931, %select_n3A_963 : vector<16xf32>
        %add3A_965 = arith.constant 16 : i32
        %add3A_966 = arith.addi %mul3A_940, %add3A_965 : i32
        %get3A_967 = arith.index_cast %scan3A_915 : i32 to index
        %get3A_968 = arith.index_cast %add3A_966 : i32 to index
        %get3A_969 = tpu.vector_load %arg6[%get3A_967, %get3A_968] {strides = array<i32>} : memref<32x512xf32, #tpu.memory_space<vmem>>, vector<16xf32>,
        %get3A_970 = arith.index_cast %scan3A_915 : i32 to index
        %get3A_971 = arith.index_cast %add3A_966 : i32 to index
        %get3A_972 = tpu.vector_load %arg8[%get3A_970, %get3A_971] {strides = array<i32>} : memref<32x512xf32, #tpu.memory_space<vmem>>, vector<16xf32>,
        %get3A_973 = arith.index_cast %scan3A_915 : i32 to index
        %get3A_974 = arith.index_cast %add3A_966 : i32 to index
        %get3A_975 = tpu.vector_load %arg10[%get3A_973, %get3A_974] {strides = array<i32>} : memref<32x512xf32, #tpu.memory_space<vmem>>, vector<16xf32>,
        %mul3A_976 = arith.mulf %get3A_969, %get3A_969 : vector<16xf32>
        %mul3A_977 = arith.mulf %get3A_972, %get3A_972 : vector<16xf32>
        %add3A_978 = arith.addf %mul3A_976, %mul3A_977 : vector<16xf32>
        %mul3A_979 = arith.mulf %get3A_975, %get3A_975 : vector<16xf32>
        %add3A_980 = arith.addf %add3A_978, %mul3A_979 : vector<16xf32>
        %mul3A_981 = arith.mulf %add3A_980, %get3A_244 : vector<16xf32>
        %exp3A_982 = math.exp %mul3A_981 : vector<16xf32>
        %lt3A_983 = arith.constant 3.000000e+00 : f32
        %lt3A_984 = vector.broadcast %lt3A_983 : f32 to vector<16xf32>
        %lt3A_985 = arith.cmpf olt, %add3A_980, %lt3A_984 : vector<16xf32>
        %jit3A_986 = arith.constant 0.000000e+00 : f32
        %broadcast_in_dim3A_987 = vector.broadcast %jit3A_986 : f32 to vector<16xf32>
        %select_n3A_988 = arith.select %lt3A_985, %exp3A_982, %broadcast_in_dim3A_987 : vector<16xi1>, vector<16xf32>
        %add3A_989 = arith.addf %scan3A_932, %select_n3A_988 : vector<16xf32>
        %add3A_990 = arith.constant 32 : i32
        %add3A_991 = arith.addi %mul3A_940, %add3A_990 : i32
        %get3A_992 = arith.index_cast %scan3A_915 : i32 to index
        %get3A_993 = arith.index_cast %add3A_991 : i32 to index
        %get3A_994 = tpu.vector_load %arg6[%get3A_992, %get3A_993] {strides = array<i32>} : memref<32x512xf32, #tpu.memory_space<vmem>>, vector<16xf32>,
        %get3A_995 = arith.index_cast %scan3A_915 : i32 to index
        %get3A_996 = arith.index_cast %add3A_991 : i32 to index
        %get3A_997 = tpu.vector_load %arg8[%get3A_995, %get3A_996] {strides = array<i32>} : memref<32x512xf32, #tpu.memory_space<vmem>>, vector<16xf32>,
        %get3A_998 = arith.index_cast %scan3A_915 : i32 to index
        %get3A_999 = arith.index_cast %add3A_991 : i32 to index
        %get3A_1000 = tpu.vector_load %arg10[%get3A_998, %get3A_999] {strides = array<i32>} : memref<32x512xf32, #tpu.memory_space<vmem>>, vector<16xf32>,
        %mul3A_1001 = arith.mulf %get3A_994, %get3A_994 : vector<16xf32>
        %mul3A_1002 = arith.mulf %get3A_997, %get3A_997 : vector<16xf32>
        %add3A_1003 = arith.addf %mul3A_1001, %mul3A_1002 : vector<16xf32>
        %mul3A_1004 = arith.mulf %get3A_1000, %get3A_1000 : vector<16xf32>
        %add3A_1005 = arith.addf %add3A_1003, %mul3A_1004 : vector<16xf32>
        %mul3A_1006 = arith.mulf %add3A_1005, %get3A_244 : vector<16xf32>
        %exp3A_1007 = math.exp %mul3A_1006 : vector<16xf32>
        %lt3A_1008 = arith.constant 3.000000e+00 : f32
        %lt3A_1009 = vector.broadcast %lt3A_1008 : f32 to vector<16xf32>
        %lt3A_1010 = arith.cmpf olt, %add3A_1005, %lt3A_1009 : vector<16xf32>
        %jit3A_1011 = arith.constant 0.000000e+00 : f32
        %broadcast_in_dim3A_1012 = vector.broadcast %jit3A_1011 : f32 to vector<16xf32>
        %select_n3A_1013 = arith.select %lt3A_1010, %exp3A_1007, %broadcast_in_dim3A_1012 : vector<16xi1>, vector<16xf32>
        %add3A_1014 = arith.addf %scan3A_933, %select_n3A_1013 : vector<16xf32>
        %add3A_1015 = arith.constant 48 : i32
        %add3A_1016 = arith.addi %mul3A_940, %add3A_1015 : i32
        %get3A_1017 = arith.index_cast %scan3A_915 : i32 to index
        %get3A_1018 = arith.index_cast %add3A_1016 : i32 to index
        %get3A_1019 = tpu.vector_load %arg6[%get3A_1017, %get3A_1018] {strides = array<i32>} : memref<32x512xf32, #tpu.memory_space<vmem>>, vector<16xf32>,
        %get3A_1020 = arith.index_cast %scan3A_915 : i32 to index
        %get3A_1021 = arith.index_cast %add3A_1016 : i32 to index
        %get3A_1022 = tpu.vector_load %arg8[%get3A_1020, %get3A_1021] {strides = array<i32>} : memref<32x512xf32, #tpu.memory_space<vmem>>, vector<16xf32>,
        %get3A_1023 = arith.index_cast %scan3A_915 : i32 to index
        %get3A_1024 = arith.index_cast %add3A_1016 : i32 to index
        %get3A_1025 = tpu.vector_load %arg10[%get3A_1023, %get3A_1024] {strides = array<i32>} : memref<32x512xf32, #tpu.memory_space<vmem>>, vector<16xf32>,
        %mul3A_1026 = arith.mulf %get3A_1019, %get3A_1019 : vector<16xf32>
        %mul3A_1027 = arith.mulf %get3A_1022, %get3A_1022 : vector<16xf32>
        %add3A_1028 = arith.addf %mul3A_1026, %mul3A_1027 : vector<16xf32>
        %mul3A_1029 = arith.mulf %get3A_1025, %get3A_1025 : vector<16xf32>
        %add3A_1030 = arith.addf %add3A_1028, %mul3A_1029 : vector<16xf32>
        %mul3A_1031 = arith.mulf %add3A_1030, %get3A_244 : vector<16xf32>
        %exp3A_1032 = math.exp %mul3A_1031 : vector<16xf32>
        %lt3A_1033 = arith.constant 3.000000e+00 : f32
        %lt3A_1034 = vector.broadcast %lt3A_1033 : f32 to vector<16xf32>
        %lt3A_1035 = arith.cmpf olt, %add3A_1030, %lt3A_1034 : vector<16xf32>
        %jit3A_1036 = arith.constant 0.000000e+00 : f32
        %broadcast_in_dim3A_1037 = vector.broadcast %jit3A_1036 : f32 to vector<16xf32>
        %select_n3A_1038 = arith.select %lt3A_1035, %exp3A_1032, %broadcast_in_dim3A_1037 : vector<16xi1>, vector<16xf32>
        %add3A_1039 = arith.addf %scan3A_934, %select_n3A_1038 : vector<16xf32>
        %add3A_1040 = arith.constant 64 : i32
        %add3A_1041 = arith.addi %mul3A_940, %add3A_1040 : i32
        %get3A_1042 = arith.index_cast %scan3A_915 : i32 to index
        %get3A_1043 = arith.index_cast %add3A_1041 : i32 to index
        %get3A_1044 = tpu.vector_load %arg6[%get3A_1042, %get3A_1043] {strides = array<i32>} : memref<32x512xf32, #tpu.memory_space<vmem>>, vector<16xf32>,
        %get3A_1045 = arith.index_cast %scan3A_915 : i32 to index
        %get3A_1046 = arith.index_cast %add3A_1041 : i32 to index
        %get3A_1047 = tpu.vector_load %arg8[%get3A_1045, %get3A_1046] {strides = array<i32>} : memref<32x512xf32, #tpu.memory_space<vmem>>, vector<16xf32>,
        %get3A_1048 = arith.index_cast %scan3A_915 : i32 to index
        %get3A_1049 = arith.index_cast %add3A_1041 : i32 to index
        %get3A_1050 = tpu.vector_load %arg10[%get3A_1048, %get3A_1049] {strides = array<i32>} : memref<32x512xf32, #tpu.memory_space<vmem>>, vector<16xf32>,
        %mul3A_1051 = arith.mulf %get3A_1044, %get3A_1044 : vector<16xf32>
        %mul3A_1052 = arith.mulf %get3A_1047, %get3A_1047 : vector<16xf32>
        %add3A_1053 = arith.addf %mul3A_1051, %mul3A_1052 : vector<16xf32>
        %mul3A_1054 = arith.mulf %get3A_1050, %get3A_1050 : vector<16xf32>
        %add3A_1055 = arith.addf %add3A_1053, %mul3A_1054 : vector<16xf32>
        %mul3A_1056 = arith.mulf %add3A_1055, %get3A_244 : vector<16xf32>
        %exp3A_1057 = math.exp %mul3A_1056 : vector<16xf32>
        %lt3A_1058 = arith.constant 3.000000e+00 : f32
        %lt3A_1059 = vector.broadcast %lt3A_1058 : f32 to vector<16xf32>
        %lt3A_1060 = arith.cmpf olt, %add3A_1055, %lt3A_1059 : vector<16xf32>
        %jit3A_1061 = arith.constant 0.000000e+00 : f32
        %broadcast_in_dim3A_1062 = vector.broadcast %jit3A_1061 : f32 to vector<16xf32>
        %select_n3A_1063 = arith.select %lt3A_1060, %exp3A_1057, %broadcast_in_dim3A_1062 : vector<16xi1>, vector<16xf32>
        %add3A_1064 = arith.addf %scan3A_935, %select_n3A_1063 : vector<16xf32>
        %add3A_1065 = arith.constant 80 : i32
        %add3A_1066 = arith.addi %mul3A_940, %add3A_1065 : i32
        %get3A_1067 = arith.index_cast %scan3A_915 : i32 to index
        %get3A_1068 = arith.index_cast %add3A_1066 : i32 to index
        %get3A_1069 = tpu.vector_load %arg6[%get3A_1067, %get3A_1068] {strides = array<i32>} : memref<32x512xf32, #tpu.memory_space<vmem>>, vector<16xf32>,
        %get3A_1070 = arith.index_cast %scan3A_915 : i32 to index
        %get3A_1071 = arith.index_cast %add3A_1066 : i32 to index
        %get3A_1072 = tpu.vector_load %arg8[%get3A_1070, %get3A_1071] {strides = array<i32>} : memref<32x512xf32, #tpu.memory_space<vmem>>, vector<16xf32>,
        %get3A_1073 = arith.index_cast %scan3A_915 : i32 to index
        %get3A_1074 = arith.index_cast %add3A_1066 : i32 to index
        %get3A_1075 = tpu.vector_load %arg10[%get3A_1073, %get3A_1074] {strides = array<i32>} : memref<32x512xf32, #tpu.memory_space<vmem>>, vector<16xf32>,
        %mul3A_1076 = arith.mulf %get3A_1069, %get3A_1069 : vector<16xf32>
        %mul3A_1077 = arith.mulf %get3A_1072, %get3A_1072 : vector<16xf32>
        %add3A_1078 = arith.addf %mul3A_1076, %mul3A_1077 : vector<16xf32>
        %mul3A_1079 = arith.mulf %get3A_1075, %get3A_1075 : vector<16xf32>
        %add3A_1080 = arith.addf %add3A_1078, %mul3A_1079 : vector<16xf32>
        %mul3A_1081 = arith.mulf %add3A_1080, %get3A_244 : vector<16xf32>
        %exp3A_1082 = math.exp %mul3A_1081 : vector<16xf32>
        %lt3A_1083 = arith.constant 3.000000e+00 : f32
        %lt3A_1084 = vector.broadcast %lt3A_1083 : f32 to vector<16xf32>
        %lt3A_1085 = arith.cmpf olt, %add3A_1080, %lt3A_1084 : vector<16xf32>
        %jit3A_1086 = arith.constant 0.000000e+00 : f32
        %broadcast_in_dim3A_1087 = vector.broadcast %jit3A_1086 : f32 to vector<16xf32>
        %select_n3A_1088 = arith.select %lt3A_1085, %exp3A_1082, %broadcast_in_dim3A_1087 : vector<16xi1>, vector<16xf32>
        %add3A_1089 = arith.addf %scan3A_936, %select_n3A_1088 : vector<16xf32>
        %add3A_1090 = arith.constant 96 : i32
        %add3A_1091 = arith.addi %mul3A_940, %add3A_1090 : i32
        %get3A_1092 = arith.index_cast %scan3A_915 : i32 to index
        %get3A_1093 = arith.index_cast %add3A_1091 : i32 to index
        %get3A_1094 = tpu.vector_load %arg6[%get3A_1092, %get3A_1093] {strides = array<i32>} : memref<32x512xf32, #tpu.memory_space<vmem>>, vector<16xf32>,
        %get3A_1095 = arith.index_cast %scan3A_915 : i32 to index
        %get3A_1096 = arith.index_cast %add3A_1091 : i32 to index
        %get3A_1097 = tpu.vector_load %arg8[%get3A_1095, %get3A_1096] {strides = array<i32>} : memref<32x512xf32, #tpu.memory_space<vmem>>, vector<16xf32>,
        %get3A_1098 = arith.index_cast %scan3A_915 : i32 to index
        %get3A_1099 = arith.index_cast %add3A_1091 : i32 to index
        %get3A_1100 = tpu.vector_load %arg10[%get3A_1098, %get3A_1099] {strides = array<i32>} : memref<32x512xf32, #tpu.memory_space<vmem>>, vector<16xf32>,
        %mul3A_1101 = arith.mulf %get3A_1094, %get3A_1094 : vector<16xf32>
        %mul3A_1102 = arith.mulf %get3A_1097, %get3A_1097 : vector<16xf32>
        %add3A_1103 = arith.addf %mul3A_1101, %mul3A_1102 : vector<16xf32>
        %mul3A_1104 = arith.mulf %get3A_1100, %get3A_1100 : vector<16xf32>
        %add3A_1105 = arith.addf %add3A_1103, %mul3A_1104 : vector<16xf32>
        %mul3A_1106 = arith.mulf %add3A_1105, %get3A_244 : vector<16xf32>
        %exp3A_1107 = math.exp %mul3A_1106 : vector<16xf32>
        %lt3A_1108 = arith.constant 3.000000e+00 : f32
        %lt3A_1109 = vector.broadcast %lt3A_1108 : f32 to vector<16xf32>
        %lt3A_1110 = arith.cmpf olt, %add3A_1105, %lt3A_1109 : vector<16xf32>
        %jit3A_1111 = arith.constant 0.000000e+00 : f32
        %broadcast_in_dim3A_1112 = vector.broadcast %jit3A_1111 : f32 to vector<16xf32>
        %select_n3A_1113 = arith.select %lt3A_1110, %exp3A_1107, %broadcast_in_dim3A_1112 : vector<16xi1>, vector<16xf32>
        %add3A_1114 = arith.addf %scan3A_937, %select_n3A_1113 : vector<16xf32>
        %add3A_1115 = arith.constant 112 : i32
        %add3A_1116 = arith.addi %mul3A_940, %add3A_1115 : i32
        %get3A_1117 = arith.index_cast %scan3A_915 : i32 to index
        %get3A_1118 = arith.index_cast %add3A_1116 : i32 to index
        %get3A_1119 = tpu.vector_load %arg6[%get3A_1117, %get3A_1118] {strides = array<i32>} : memref<32x512xf32, #tpu.memory_space<vmem>>, vector<16xf32>,
        %get3A_1120 = arith.index_cast %scan3A_915 : i32 to index
        %get3A_1121 = arith.index_cast %add3A_1116 : i32 to index
        %get3A_1122 = tpu.vector_load %arg8[%get3A_1120, %get3A_1121] {strides = array<i32>} : memref<32x512xf32, #tpu.memory_space<vmem>>, vector<16xf32>,
        %get3A_1123 = arith.index_cast %scan3A_915 : i32 to index
        %get3A_1124 = arith.index_cast %add3A_1116 : i32 to index
        %get3A_1125 = tpu.vector_load %arg10[%get3A_1123, %get3A_1124] {strides = array<i32>} : memref<32x512xf32, #tpu.memory_space<vmem>>, vector<16xf32>,
        %mul3A_1126 = arith.mulf %get3A_1119, %get3A_1119 : vector<16xf32>
        %mul3A_1127 = arith.mulf %get3A_1122, %get3A_1122 : vector<16xf32>
        %add3A_1128 = arith.addf %mul3A_1126, %mul3A_1127 : vector<16xf32>
        %mul3A_1129 = arith.mulf %get3A_1125, %get3A_1125 : vector<16xf32>
        %add3A_1130 = arith.addf %add3A_1128, %mul3A_1129 : vector<16xf32>
        %mul3A_1131 = arith.mulf %add3A_1130, %get3A_244 : vector<16xf32>
        %exp3A_1132 = math.exp %mul3A_1131 : vector<16xf32>
        %lt3A_1133 = arith.constant 3.000000e+00 : f32
        %lt3A_1134 = vector.broadcast %lt3A_1133 : f32 to vector<16xf32>
        %lt3A_1135 = arith.cmpf olt, %add3A_1130, %lt3A_1134 : vector<16xf32>
        %jit3A_1136 = arith.constant 0.000000e+00 : f32
        %broadcast_in_dim3A_1137 = vector.broadcast %jit3A_1136 : f32 to vector<16xf32>
        %select_n3A_1138 = arith.select %lt3A_1135, %exp3A_1132, %broadcast_in_dim3A_1137 : vector<16xi1>, vector<16xf32>
        %add3A_1139 = arith.addf %scan3A_938, %select_n3A_1138 : vector<16xf32>
        %add3A_1140 = arith.constant 128 : i32
        %add3A_1141 = arith.addi %mul3A_940, %add3A_1140 : i32
        %get3A_1142 = arith.index_cast %scan3A_915 : i32 to index
        %get3A_1143 = arith.index_cast %add3A_1141 : i32 to index
        %get3A_1144 = tpu.vector_load %arg6[%get3A_1142, %get3A_1143] {strides = array<i32>} : memref<32x512xf32, #tpu.memory_space<vmem>>, vector<16xf32>,
        %get3A_1145 = arith.index_cast %scan3A_915 : i32 to index
        %get3A_1146 = arith.index_cast %add3A_1141 : i32 to index
        %get3A_1147 = tpu.vector_load %arg8[%get3A_1145, %get3A_1146] {strides = array<i32>} : memref<32x512xf32, #tpu.memory_space<vmem>>, vector<16xf32>,
        %get3A_1148 = arith.index_cast %scan3A_915 : i32 to index
        %get3A_1149 = arith.index_cast %add3A_1141 : i32 to index
        %get3A_1150 = tpu.vector_load %arg10[%get3A_1148, %get3A_1149] {strides = array<i32>} : memref<32x512xf32, #tpu.memory_space<vmem>>, vector<16xf32>,
        %mul3A_1151 = arith.mulf %get3A_1144, %get3A_1144 : vector<16xf32>
        %mul3A_1152 = arith.mulf %get3A_1147, %get3A_1147 : vector<16xf32>
        %add3A_1153 = arith.addf %mul3A_1151, %mul3A_1152 : vector<16xf32>
        %mul3A_1154 = arith.mulf %get3A_1150, %get3A_1150 : vector<16xf32>
        %add3A_1155 = arith.addf %add3A_1153, %mul3A_1154 : vector<16xf32>
        %mul3A_1156 = arith.mulf %add3A_1155, %get3A_244 : vector<16xf32>
        %exp3A_1157 = math.exp %mul3A_1156 : vector<16xf32>
        %lt3A_1158 = arith.constant 3.000000e+00 : f32
        %lt3A_1159 = vector.broadcast %lt3A_1158 : f32 to vector<16xf32>
        %lt3A_1160 = arith.cmpf olt, %add3A_1155, %lt3A_1159 : vector<16xf32>
        %jit3A_1161 = arith.constant 0.000000e+00 : f32
        %broadcast_in_dim3A_1162 = vector.broadcast %jit3A_1161 : f32 to vector<16xf32>
        %select_n3A_1163 = arith.select %lt3A_1160, %exp3A_1157, %broadcast_in_dim3A_1162 : vector<16xi1>, vector<16xf32>
        %add3A_1164 = arith.addf %add3A_964, %select_n3A_1163 : vector<16xf32>
        %add3A_1165 = arith.constant 144 : i32
        %add3A_1166 = arith.addi %mul3A_940, %add3A_1165 : i32
        %get3A_1167 = arith.index_cast %scan3A_915 : i32 to index
        %get3A_1168 = arith.index_cast %add3A_1166 : i32 to index
        %get3A_1169 = tpu.vector_load %arg6[%get3A_1167, %get3A_1168] {strides = array<i32>} : memref<32x512xf32, #tpu.memory_space<vmem>>, vector<16xf32>,
        %get3A_1170 = arith.index_cast %scan3A_915 : i32 to index
        %get3A_1171 = arith.index_cast %add3A_1166 : i32 to index
        %get3A_1172 = tpu.vector_load %arg8[%get3A_1170, %get3A_1171] {strides = array<i32>} : memref<32x512xf32, #tpu.memory_space<vmem>>, vector<16xf32>,
        %get3A_1173 = arith.index_cast %scan3A_915 : i32 to index
        %get3A_1174 = arith.index_cast %add3A_1166 : i32 to index
        %get3A_1175 = tpu.vector_load %arg10[%get3A_1173, %get3A_1174] {strides = array<i32>} : memref<32x512xf32, #tpu.memory_space<vmem>>, vector<16xf32>,
        %mul3A_1176 = arith.mulf %get3A_1169, %get3A_1169 : vector<16xf32>
        %mul3A_1177 = arith.mulf %get3A_1172, %get3A_1172 : vector<16xf32>
        %add3A_1178 = arith.addf %mul3A_1176, %mul3A_1177 : vector<16xf32>
        %mul3A_1179 = arith.mulf %get3A_1175, %get3A_1175 : vector<16xf32>
        %add3A_1180 = arith.addf %add3A_1178, %mul3A_1179 : vector<16xf32>
        %mul3A_1181 = arith.mulf %add3A_1180, %get3A_244 : vector<16xf32>
        %exp3A_1182 = math.exp %mul3A_1181 : vector<16xf32>
        %lt3A_1183 = arith.constant 3.000000e+00 : f32
        %lt3A_1184 = vector.broadcast %lt3A_1183 : f32 to vector<16xf32>
        %lt3A_1185 = arith.cmpf olt, %add3A_1180, %lt3A_1184 : vector<16xf32>
        %jit3A_1186 = arith.constant 0.000000e+00 : f32
        %broadcast_in_dim3A_1187 = vector.broadcast %jit3A_1186 : f32 to vector<16xf32>
        %select_n3A_1188 = arith.select %lt3A_1185, %exp3A_1182, %broadcast_in_dim3A_1187 : vector<16xi1>, vector<16xf32>
        %add3A_1189 = arith.addf %add3A_989, %select_n3A_1188 : vector<16xf32>
        %add3A_1190 = arith.constant 160 : i32
        %add3A_1191 = arith.addi %mul3A_940, %add3A_1190 : i32
        %get3A_1192 = arith.index_cast %scan3A_915 : i32 to index
        %get3A_1193 = arith.index_cast %add3A_1191 : i32 to index
        %get3A_1194 = tpu.vector_load %arg6[%get3A_1192, %get3A_1193] {strides = array<i32>} : memref<32x512xf32, #tpu.memory_space<vmem>>, vector<16xf32>,
        %get3A_1195 = arith.index_cast %scan3A_915 : i32 to index
        %get3A_1196 = arith.index_cast %add3A_1191 : i32 to index
        %get3A_1197 = tpu.vector_load %arg8[%get3A_1195, %get3A_1196] {strides = array<i32>} : memref<32x512xf32, #tpu.memory_space<vmem>>, vector<16xf32>,
        %get3A_1198 = arith.index_cast %scan3A_915 : i32 to index
        %get3A_1199 = arith.index_cast %add3A_1191 : i32 to index
        %get3A_1200 = tpu.vector_load %arg10[%get3A_1198, %get3A_1199] {strides = array<i32>} : memref<32x512xf32, #tpu.memory_space<vmem>>, vector<16xf32>,
        %mul3A_1201 = arith.mulf %get3A_1194, %get3A_1194 : vector<16xf32>
        %mul3A_1202 = arith.mulf %get3A_1197, %get3A_1197 : vector<16xf32>
        %add3A_1203 = arith.addf %mul3A_1201, %mul3A_1202 : vector<16xf32>
        %mul3A_1204 = arith.mulf %get3A_1200, %get3A_1200 : vector<16xf32>
        %add3A_1205 = arith.addf %add3A_1203, %mul3A_1204 : vector<16xf32>
        %mul3A_1206 = arith.mulf %add3A_1205, %get3A_244 : vector<16xf32>
        %exp3A_1207 = math.exp %mul3A_1206 : vector<16xf32>
        %lt3A_1208 = arith.constant 3.000000e+00 : f32
        %lt3A_1209 = vector.broadcast %lt3A_1208 : f32 to vector<16xf32>
        %lt3A_1210 = arith.cmpf olt, %add3A_1205, %lt3A_1209 : vector<16xf32>
        %jit3A_1211 = arith.constant 0.000000e+00 : f32
        %broadcast_in_dim3A_1212 = vector.broadcast %jit3A_1211 : f32 to vector<16xf32>
        %select_n3A_1213 = arith.select %lt3A_1210, %exp3A_1207, %broadcast_in_dim3A_1212 : vector<16xi1>, vector<16xf32>
        %add3A_1214 = arith.addf %add3A_1014, %select_n3A_1213 : vector<16xf32>
        %add3A_1215 = arith.constant 176 : i32
        %add3A_1216 = arith.addi %mul3A_940, %add3A_1215 : i32
        %get3A_1217 = arith.index_cast %scan3A_915 : i32 to index
        %get3A_1218 = arith.index_cast %add3A_1216 : i32 to index
        %get3A_1219 = tpu.vector_load %arg6[%get3A_1217, %get3A_1218] {strides = array<i32>} : memref<32x512xf32, #tpu.memory_space<vmem>>, vector<16xf32>,
        %get3A_1220 = arith.index_cast %scan3A_915 : i32 to index
        %get3A_1221 = arith.index_cast %add3A_1216 : i32 to index
        %get3A_1222 = tpu.vector_load %arg8[%get3A_1220, %get3A_1221] {strides = array<i32>} : memref<32x512xf32, #tpu.memory_space<vmem>>, vector<16xf32>,
        %get3A_1223 = arith.index_cast %scan3A_915 : i32 to index
        %get3A_1224 = arith.index_cast %add3A_1216 : i32 to index
        %get3A_1225 = tpu.vector_load %arg10[%get3A_1223, %get3A_1224] {strides = array<i32>} : memref<32x512xf32, #tpu.memory_space<vmem>>, vector<16xf32>,
        %mul3A_1226 = arith.mulf %get3A_1219, %get3A_1219 : vector<16xf32>
        %mul3A_1227 = arith.mulf %get3A_1222, %get3A_1222 : vector<16xf32>
        %add3A_1228 = arith.addf %mul3A_1226, %mul3A_1227 : vector<16xf32>
        %mul3A_1229 = arith.mulf %get3A_1225, %get3A_1225 : vector<16xf32>
        %add3A_1230 = arith.addf %add3A_1228, %mul3A_1229 : vector<16xf32>
        %mul3A_1231 = arith.mulf %add3A_1230, %get3A_244 : vector<16xf32>
        %exp3A_1232 = math.exp %mul3A_1231 : vector<16xf32>
        %lt3A_1233 = arith.constant 3.000000e+00 : f32
        %lt3A_1234 = vector.broadcast %lt3A_1233 : f32 to vector<16xf32>
        %lt3A_1235 = arith.cmpf olt, %add3A_1230, %lt3A_1234 : vector<16xf32>
        %jit3A_1236 = arith.constant 0.000000e+00 : f32
        %broadcast_in_dim3A_1237 = vector.broadcast %jit3A_1236 : f32 to vector<16xf32>
        %select_n3A_1238 = arith.select %lt3A_1235, %exp3A_1232, %broadcast_in_dim3A_1237 : vector<16xi1>, vector<16xf32>
        %add3A_1239 = arith.addf %add3A_1039, %select_n3A_1238 : vector<16xf32>
        %add3A_1240 = arith.constant 192 : i32
        %add3A_1241 = arith.addi %mul3A_940, %add3A_1240 : i32
        %get3A_1242 = arith.index_cast %scan3A_915 : i32 to index
        %get3A_1243 = arith.index_cast %add3A_1241 : i32 to index
        %get3A_1244 = tpu.vector_load %arg6[%get3A_1242, %get3A_1243] {strides = array<i32>} : memref<32x512xf32, #tpu.memory_space<vmem>>, vector<16xf32>,
        %get3A_1245 = arith.index_cast %scan3A_915 : i32 to index
        %get3A_1246 = arith.index_cast %add3A_1241 : i32 to index
        %get3A_1247 = tpu.vector_load %arg8[%get3A_1245, %get3A_1246] {strides = array<i32>} : memref<32x512xf32, #tpu.memory_space<vmem>>, vector<16xf32>,
        %get3A_1248 = arith.index_cast %scan3A_915 : i32 to index
        %get3A_1249 = arith.index_cast %add3A_1241 : i32 to index
        %get3A_1250 = tpu.vector_load %arg10[%get3A_1248, %get3A_1249] {strides = array<i32>} : memref<32x512xf32, #tpu.memory_space<vmem>>, vector<16xf32>,
        %mul3A_1251 = arith.mulf %get3A_1244, %get3A_1244 : vector<16xf32>
        %mul3A_1252 = arith.mulf %get3A_1247, %get3A_1247 : vector<16xf32>
        %add3A_1253 = arith.addf %mul3A_1251, %mul3A_1252 : vector<16xf32>
        %mul3A_1254 = arith.mulf %get3A_1250, %get3A_1250 : vector<16xf32>
        %add3A_1255 = arith.addf %add3A_1253, %mul3A_1254 : vector<16xf32>
        %mul3A_1256 = arith.mulf %add3A_1255, %get3A_244 : vector<16xf32>
        %exp3A_1257 = math.exp %mul3A_1256 : vector<16xf32>
        %lt3A_1258 = arith.constant 3.000000e+00 : f32
        %lt3A_1259 = vector.broadcast %lt3A_1258 : f32 to vector<16xf32>
        %lt3A_1260 = arith.cmpf olt, %add3A_1255, %lt3A_1259 : vector<16xf32>
        %jit3A_1261 = arith.constant 0.000000e+00 : f32
        %broadcast_in_dim3A_1262 = vector.broadcast %jit3A_1261 : f32 to vector<16xf32>
        %select_n3A_1263 = arith.select %lt3A_1260, %exp3A_1257, %broadcast_in_dim3A_1262 : vector<16xi1>, vector<16xf32>
        %add3A_1264 = arith.addf %add3A_1064, %select_n3A_1263 : vector<16xf32>
        %add3A_1265 = arith.constant 208 : i32
        %add3A_1266 = arith.addi %mul3A_940, %add3A_1265 : i32
        %get3A_1267 = arith.index_cast %scan3A_915 : i32 to index
        %get3A_1268 = arith.index_cast %add3A_1266 : i32 to index
        %get3A_1269 = tpu.vector_load %arg6[%get3A_1267, %get3A_1268] {strides = array<i32>} : memref<32x512xf32, #tpu.memory_space<vmem>>, vector<16xf32>,
        %get3A_1270 = arith.index_cast %scan3A_915 : i32 to index
        %get3A_1271 = arith.index_cast %add3A_1266 : i32 to index
        %get3A_1272 = tpu.vector_load %arg8[%get3A_1270, %get3A_1271] {strides = array<i32>} : memref<32x512xf32, #tpu.memory_space<vmem>>, vector<16xf32>,
        %get3A_1273 = arith.index_cast %scan3A_915 : i32 to index
        %get3A_1274 = arith.index_cast %add3A_1266 : i32 to index
        %get3A_1275 = tpu.vector_load %arg10[%get3A_1273, %get3A_1274] {strides = array<i32>} : memref<32x512xf32, #tpu.memory_space<vmem>>, vector<16xf32>,
        %mul3A_1276 = arith.mulf %get3A_1269, %get3A_1269 : vector<16xf32>
        %mul3A_1277 = arith.mulf %get3A_1272, %get3A_1272 : vector<16xf32>
        %add3A_1278 = arith.addf %mul3A_1276, %mul3A_1277 : vector<16xf32>
        %mul3A_1279 = arith.mulf %get3A_1275, %get3A_1275 : vector<16xf32>
        %add3A_1280 = arith.addf %add3A_1278, %mul3A_1279 : vector<16xf32>
        %mul3A_1281 = arith.mulf %add3A_1280, %get3A_244 : vector<16xf32>
        %exp3A_1282 = math.exp %mul3A_1281 : vector<16xf32>
        %lt3A_1283 = arith.constant 3.000000e+00 : f32
        %lt3A_1284 = vector.broadcast %lt3A_1283 : f32 to vector<16xf32>
        %lt3A_1285 = arith.cmpf olt, %add3A_1280, %lt3A_1284 : vector<16xf32>
        %jit3A_1286 = arith.constant 0.000000e+00 : f32
        %broadcast_in_dim3A_1287 = vector.broadcast %jit3A_1286 : f32 to vector<16xf32>
        %select_n3A_1288 = arith.select %lt3A_1285, %exp3A_1282, %broadcast_in_dim3A_1287 : vector<16xi1>, vector<16xf32>
        %add3A_1289 = arith.addf %add3A_1089, %select_n3A_1288 : vector<16xf32>
        %add3A_1290 = arith.constant 224 : i32
        %add3A_1291 = arith.addi %mul3A_940, %add3A_1290 : i32
        %get3A_1292 = arith.index_cast %scan3A_915 : i32 to index
        %get3A_1293 = arith.index_cast %add3A_1291 : i32 to index
        %get3A_1294 = tpu.vector_load %arg6[%get3A_1292, %get3A_1293] {strides = array<i32>} : memref<32x512xf32, #tpu.memory_space<vmem>>, vector<16xf32>,
        %get3A_1295 = arith.index_cast %scan3A_915 : i32 to index
        %get3A_1296 = arith.index_cast %add3A_1291 : i32 to index
        %get3A_1297 = tpu.vector_load %arg8[%get3A_1295, %get3A_1296] {strides = array<i32>} : memref<32x512xf32, #tpu.memory_space<vmem>>, vector<16xf32>,
        %get3A_1298 = arith.index_cast %scan3A_915 : i32 to index
        %get3A_1299 = arith.index_cast %add3A_1291 : i32 to index
        %get3A_1300 = tpu.vector_load %arg10[%get3A_1298, %get3A_1299] {strides = array<i32>} : memref<32x512xf32, #tpu.memory_space<vmem>>, vector<16xf32>,
        %mul3A_1301 = arith.mulf %get3A_1294, %get3A_1294 : vector<16xf32>
        %mul3A_1302 = arith.mulf %get3A_1297, %get3A_1297 : vector<16xf32>
        %add3A_1303 = arith.addf %mul3A_1301, %mul3A_1302 : vector<16xf32>
        %mul3A_1304 = arith.mulf %get3A_1300, %get3A_1300 : vector<16xf32>
        %add3A_1305 = arith.addf %add3A_1303, %mul3A_1304 : vector<16xf32>
        %mul3A_1306 = arith.mulf %add3A_1305, %get3A_244 : vector<16xf32>
        %exp3A_1307 = math.exp %mul3A_1306 : vector<16xf32>
        %lt3A_1308 = arith.constant 3.000000e+00 : f32
        %lt3A_1309 = vector.broadcast %lt3A_1308 : f32 to vector<16xf32>
        %lt3A_1310 = arith.cmpf olt, %add3A_1305, %lt3A_1309 : vector<16xf32>
        %jit3A_1311 = arith.constant 0.000000e+00 : f32
        %broadcast_in_dim3A_1312 = vector.broadcast %jit3A_1311 : f32 to vector<16xf32>
        %select_n3A_1313 = arith.select %lt3A_1310, %exp3A_1307, %broadcast_in_dim3A_1312 : vector<16xi1>, vector<16xf32>
        %add3A_1314 = arith.addf %add3A_1114, %select_n3A_1313 : vector<16xf32>
        %add3A_1315 = arith.constant 240 : i32
        %add3A_1316 = arith.addi %mul3A_940, %add3A_1315 : i32
        %get3A_1317 = arith.index_cast %scan3A_915 : i32 to index
        %get3A_1318 = arith.index_cast %add3A_1316 : i32 to index
        %get3A_1319 = tpu.vector_load %arg6[%get3A_1317, %get3A_1318] {strides = array<i32>} : memref<32x512xf32, #tpu.memory_space<vmem>>, vector<16xf32>,
        %get3A_1320 = arith.index_cast %scan3A_915 : i32 to index
        %get3A_1321 = arith.index_cast %add3A_1316 : i32 to index
        %get3A_1322 = tpu.vector_load %arg8[%get3A_1320, %get3A_1321] {strides = array<i32>} : memref<32x512xf32, #tpu.memory_space<vmem>>, vector<16xf32>,
        %get3A_1323 = arith.index_cast %scan3A_915 : i32 to index
        %get3A_1324 = arith.index_cast %add3A_1316 : i32 to index
        %get3A_1325 = tpu.vector_load %arg10[%get3A_1323, %get3A_1324] {strides = array<i32>} : memref<32x512xf32, #tpu.memory_space<vmem>>, vector<16xf32>,
        %mul3A_1326 = arith.mulf %get3A_1319, %get3A_1319 : vector<16xf32>
        %mul3A_1327 = arith.mulf %get3A_1322, %get3A_1322 : vector<16xf32>
        %add3A_1328 = arith.addf %mul3A_1326, %mul3A_1327 : vector<16xf32>
        %mul3A_1329 = arith.mulf %get3A_1325, %get3A_1325 : vector<16xf32>
        %add3A_1330 = arith.addf %add3A_1328, %mul3A_1329 : vector<16xf32>
        %mul3A_1331 = arith.mulf %add3A_1330, %get3A_244 : vector<16xf32>
        %exp3A_1332 = math.exp %mul3A_1331 : vector<16xf32>
        %lt3A_1333 = arith.constant 3.000000e+00 : f32
        %lt3A_1334 = vector.broadcast %lt3A_1333 : f32 to vector<16xf32>
        %lt3A_1335 = arith.cmpf olt, %add3A_1330, %lt3A_1334 : vector<16xf32>
        %jit3A_1336 = arith.constant 0.000000e+00 : f32
        %broadcast_in_dim3A_1337 = vector.broadcast %jit3A_1336 : f32 to vector<16xf32>
        %select_n3A_1338 = arith.select %lt3A_1335, %exp3A_1332, %broadcast_in_dim3A_1337 : vector<16xi1>, vector<16xf32>
        %add3A_1339 = arith.addf %add3A_1139, %select_n3A_1338 : vector<16xf32>
        scf.yield %add3A_1164, %add3A_1189, %add3A_1214, %add3A_1239, %add3A_1264, %add3A_1289, %add3A_1314, %add3A_1339 : vector<16xf32>, vector<16xf32>, vector<16xf32>, vector<16xf32>, vector<16xf32>, vector<16xf32>, vector<16xf32>, vector<16xf32>
      }
      %scan3A_929 = arith.constant 2 : i32
      scf.yield %scan3A_928#0, %scan3A_928#1, %scan3A_928#2, %scan3A_928#3, %scan3A_928#4, %scan3A_928#5, %scan3A_928#6, %scan3A_928#7 : vector<16xf32>, vector<16xf32>, vector<16xf32>, vector<16xf32>, vector<16xf32>, vector<16xf32>, vector<16xf32>, vector<16xf32>
    }
    %scan3A_339 = arith.constant 32 : i32
    %add3A_340 = arith.addf %scan3A_338#0, %scan3A_338#1 : vector<16xf32>
    %add3A_341 = arith.addf %scan3A_338#2, %scan3A_338#3 : vector<16xf32>
    %add3A_342 = arith.addf %add3A_340, %add3A_341 : vector<16xf32>
    %add3A_343 = arith.addf %scan3A_338#4, %scan3A_338#5 : vector<16xf32>
    %add3A_344 = arith.addf %scan3A_338#6, %scan3A_338#7 : vector<16xf32>
    %add3A_345 = arith.addf %add3A_343, %add3A_344 : vector<16xf32>
    %add3A_346 = arith.addf %add3A_342, %add3A_345 : vector<16xf32>
    %swap3A = arith.constant 0 : index
    %swap3A_347 = tpu.vector_load %arg12[%swap3A] {strides = array<i32>} : memref<16xf32, #tpu.memory_space<vmem>>, vector<16xf32>,
    tpu.vector_store %arg12[%swap3A], %add3A_346 {strides = array<i32>} : memref<16xf32, #tpu.memory_space<vmem>>, vector<16xf32>,
    %jit3A_348 = arith.constant 4 : i32
    %eq3A_349 = arith.constant 0 : i32
    %eq3A_350 = arith.cmpi eq, %jit3A_348, %eq3A_349 : i32
    %jit3A_351 = arith.constant 1 : i32
    %select_n3A_352 = arith.select %eq3A_350, %jit3A_351, %jit3A_348 : i32
    %rem3A_353 = arith.remsi %add3A_214, %select_n3A_352 : i32
    %ne3A_354 = arith.constant 0 : i32
    %ne3A_355 = arith.cmpi ne, %rem3A_353, %ne3A_354 : i32
    %lt3A_356 = arith.constant 0 : i32
    %lt3A_357 = arith.cmpi slt, %rem3A_353, %lt3A_356 : i32
    %lt3A_358 = arith.constant 0 : i32
    %lt3A_359 = arith.cmpi slt, %select_n3A_352, %lt3A_358 : i32
    %ne3A_360 = arith.xori %lt3A_357, %lt3A_359 : i1
    %and3A_361 = arith.andi %ne3A_360, %ne3A_355 : i1
    %add3A_362 = arith.addi %rem3A_353, %select_n3A_352 : i32
    %select_n3A_363 = arith.select %and3A_361, %add3A_362, %rem3A_353 : i32
    %jit3A_364 = arith.constant 4 : i32
    %div3A_365 = arith.divsi %add3A_214, %jit3A_364 : i32
    %sign3A_366 = arith.constant 0 : i32
    %sign3A_367 = arith.cmpi sgt, %add3A_214, %sign3A_366 : i32
    %sign3A_368 = arith.extui %sign3A_367 : i1 to i32
    %sign3A_369 = arith.constant 0 : i32
    %sign3A_370 = arith.cmpi slt, %add3A_214, %sign3A_369 : i32
    %sign3A_371 = arith.extui %sign3A_370 : i1 to i32
    %sign3A_372 = arith.subi %sign3A_368, %sign3A_371 : i32
    %sign3A_373 = arith.constant 0 : i32
    %sign3A_374 = arith.cmpi sgt, %jit3A_364, %sign3A_373 : i32
    %sign3A_375 = arith.extui %sign3A_374 : i1 to i32
    %sign3A_376 = arith.constant 0 : i32
    %sign3A_377 = arith.cmpi slt, %jit3A_364, %sign3A_376 : i32
    %sign3A_378 = arith.extui %sign3A_377 : i1 to i32
    %sign3A_379 = arith.subi %sign3A_375, %sign3A_378 : i32
    %ne3A_380 = arith.cmpi ne, %sign3A_372, %sign3A_379 : i32
    %rem3A_381 = arith.remsi %add3A_214, %jit3A_364 : i32
    %ne3A_382 = arith.constant 0 : i32
    %ne3A_383 = arith.cmpi ne, %rem3A_381, %ne3A_382 : i32
    %and3A_384 = arith.andi %ne3A_380, %ne3A_383 : i1
    %sub3A_385 = arith.constant 1 : i32
    %sub3A_386 = arith.subi %div3A_365, %sub3A_385 : i32
    %select_n3A_387 = arith.select %and3A_384, %sub3A_386, %div3A_365 : i32
    %mul3A_388 = arith.constant 16 : i32
    %mul3A_389 = arith.muli %select_n3A_363, %mul3A_388 : i32
    "tpu.region"() ({
      %run_scoped3A = tpu.sem_alloc : memref<!tpu.dma_semaphore, #tpu.memory_space<semaphore_mem>>
      %dma_start3A_915 = tpu.memref_slice %arg4[%select_n3A_387, %mul3A_389] : memref<32x64xf32, #tpu.memory_space<hbm>> -> memref<1x16xf32, #tpu.memory_space<hbm>>
      %dma_start3A_916 = tpu.memref_squeeze %dma_start3A_915 : memref<1x16xf32, #tpu.memory_space<hbm>> -> memref<16xf32, #tpu.memory_space<hbm>>
      %dma_start3A_917 = tpu.memref_slice %arg4[%select_n3A_387, %mul3A_389] : memref<32x64xf32, #tpu.memory_space<hbm>> -> memref<1x16xf32, #tpu.memory_space<hbm>>
      %dma_start3A_918 = tpu.memref_squeeze %dma_start3A_917 : memref<1x16xf32, #tpu.memory_space<hbm>> -> memref<16xf32, #tpu.memory_space<hbm>>
      tpu.enqueue_dma source(%arg12 : memref<16xf32, #tpu.memory_space<vmem>>) target(%dma_start3A_918 : memref<16xf32, #tpu.memory_space<hbm>>) target_semaphore(%run_scoped3A : memref<!tpu.dma_semaphore, #tpu.memory_space<semaphore_mem>>)
      %dma_wait3A_919 = tpu.memref_slice %arg4[%select_n3A_387, %mul3A_389] : memref<32x64xf32, #tpu.memory_space<hbm>> -> memref<1x16xf32, #tpu.memory_space<hbm>>
      %dma_wait3A_920 = tpu.memref_squeeze %dma_wait3A_919 : memref<1x16xf32, #tpu.memory_space<hbm>> -> memref<16xf32, #tpu.memory_space<hbm>>
      %dma_wait3A_921 = tpu.memref_slice %arg4[%select_n3A_387, %mul3A_389] : memref<32x64xf32, #tpu.memory_space<hbm>> -> memref<1x16xf32, #tpu.memory_space<hbm>>
      %dma_wait3A_922 = tpu.memref_squeeze %dma_wait3A_921 : memref<1x16xf32, #tpu.memory_space<hbm>> -> memref<16xf32, #tpu.memory_space<hbm>>
      tpu.wait_dma2 semaphore(%run_scoped3A : memref<!tpu.dma_semaphore, #tpu.memory_space<semaphore_mem>>) src(%arg12 : memref<16xf32, #tpu.memory_space<vmem>>) dst(%dma_wait3A_922 : memref<16xf32, #tpu.memory_space<hbm>>)
      tpu.yield
    }) : () -> ()
    %add3A_390 = arith.constant 1 : i32
    %add3A_391 = arith.addi %mul3A_2, %add3A_390 : i32
    %jit3A_392 = arith.constant 4 : i32
    %div3A_393 = arith.divsi %add3A_391, %jit3A_392 : i32
    %sign3A_394 = arith.constant 0 : i32
    %sign3A_395 = arith.cmpi sgt, %add3A_391, %sign3A_394 : i32
    %sign3A_396 = arith.extui %sign3A_395 : i1 to i32
    %sign3A_397 = arith.constant 0 : i32
    %sign3A_398 = arith.cmpi slt, %add3A_391, %sign3A_397 : i32
    %sign3A_399 = arith.extui %sign3A_398 : i1 to i32
    %sign3A_400 = arith.subi %sign3A_396, %sign3A_399 : i32
    %sign3A_401 = arith.constant 0 : i32
    %sign3A_402 = arith.cmpi sgt, %jit3A_392, %sign3A_401 : i32
    %sign3A_403 = arith.extui %sign3A_402 : i1 to i32
    %sign3A_404 = arith.constant 0 : i32
    %sign3A_405 = arith.cmpi slt, %jit3A_392, %sign3A_404 : i32
    %sign3A_406 = arith.extui %sign3A_405 : i1 to i32
    %sign3A_407 = arith.subi %sign3A_403, %sign3A_406 : i32
    %ne3A_408 = arith.cmpi ne, %sign3A_400, %sign3A_407 : i32
    %rem3A_409 = arith.remsi %add3A_391, %jit3A_392 : i32
    %ne3A_410 = arith.constant 0 : i32
    %ne3A_411 = arith.cmpi ne, %rem3A_409, %ne3A_410 : i32
    %and3A_412 = arith.andi %ne3A_408, %ne3A_411 : i1
    %sub3A_413 = arith.constant 1 : i32
    %sub3A_414 = arith.subi %div3A_393, %sub3A_413 : i32
    %select_n3A_415 = arith.select %and3A_412, %sub3A_414, %div3A_393 : i32
    %add3A_416 = arith.constant 32 : i32
    %add3A_417 = arith.addi %add3A_416, %select_n3A_415 : i32
    %sub3A_418 = arith.constant 32 : i32
    %sub3A_419 = arith.subi %add3A_417, %sub3A_418 : i32
    %get3A_420 = arith.index_cast %sub3A_419 : i32 to index
    %get3A_421 = arith.constant 0 : index
    %get3A_422 = tpu.vector_load %arg11[%get3A_420, %get3A_421] {strides = array<i32>} : memref<32x16xf32, #tpu.memory_space<vmem>>, vector<16xf32>,
    %broadcast_in_dim3A_423 = arith.constant 0.000000e+00 : f32
    %broadcast_in_dim3A_424 = vector.broadcast %broadcast_in_dim3A_423 : f32 to vector<16xf32>
    %dma_start3A_425 = arith.constant 0 : i32
    %dma_start3A_426 = arith.constant 0 : i32
    %dma_start3A_427 = tpu.memref_slice %arg2[%add3A_70, %dma_start3A_425, %add3A_92, %dma_start3A_426] : memref<64x3x256x512xf32, #tpu.memory_space<hbm>> -> memref<1x1x32x512xf32, #tpu.memory_space<hbm>>
    %dma_start3A_428 = tpu.memref_squeeze %dma_start3A_427 : memref<1x1x32x512xf32, #tpu.memory_space<hbm>> -> memref<32x512xf32, #tpu.memory_space<hbm>>
    %dma_start3A_429 = arith.constant 0 : i32
    %dma_start3A_430 = tpu.memref_slice %arg2[%add3A_70, %dma_start3A_425, %add3A_92, %dma_start3A_429] : memref<64x3x256x512xf32, #tpu.memory_space<hbm>> -> memref<1x1x32x512xf32, #tpu.memory_space<hbm>>
    %dma_start3A_431 = tpu.memref_squeeze %dma_start3A_430 : memref<1x1x32x512xf32, #tpu.memory_space<hbm>> -> memref<32x512xf32, #tpu.memory_space<hbm>>
    tpu.enqueue_dma source(%dma_start3A_431 : memref<32x512xf32, #tpu.memory_space<hbm>>) target(%arg6 : memref<32x512xf32, #tpu.memory_space<vmem>>) target_semaphore(%arg14 : memref<!tpu.dma_semaphore, #tpu.memory_space<semaphore_mem>>)
    %dma_start3A_432 = arith.constant 1 : i32
    %dma_start3A_433 = arith.constant 0 : i32
    %dma_start3A_434 = tpu.memref_slice %arg2[%add3A_70, %dma_start3A_432, %add3A_92, %dma_start3A_433] : memref<64x3x256x512xf32, #tpu.memory_space<hbm>> -> memref<1x1x32x512xf32, #tpu.memory_space<hbm>>
    %dma_start3A_435 = tpu.memref_squeeze %dma_start3A_434 : memref<1x1x32x512xf32, #tpu.memory_space<hbm>> -> memref<32x512xf32, #tpu.memory_space<hbm>>
    %dma_start3A_436 = arith.constant 0 : i32
    %dma_start3A_437 = tpu.memref_slice %arg2[%add3A_70, %dma_start3A_432, %add3A_92, %dma_start3A_436] : memref<64x3x256x512xf32, #tpu.memory_space<hbm>> -> memref<1x1x32x512xf32, #tpu.memory_space<hbm>>
    %dma_start3A_438 = tpu.memref_squeeze %dma_start3A_437 : memref<1x1x32x512xf32, #tpu.memory_space<hbm>> -> memref<32x512xf32, #tpu.memory_space<hbm>>
    tpu.enqueue_dma source(%dma_start3A_438 : memref<32x512xf32, #tpu.memory_space<hbm>>) target(%arg8 : memref<32x512xf32, #tpu.memory_space<vmem>>) target_semaphore(%arg14 : memref<!tpu.dma_semaphore, #tpu.memory_space<semaphore_mem>>)
    %dma_start3A_439 = arith.constant 2 : i32
    %dma_start3A_440 = arith.constant 0 : i32
    %dma_start3A_441 = tpu.memref_slice %arg2[%add3A_70, %dma_start3A_439, %add3A_92, %dma_start3A_440] : memref<64x3x256x512xf32, #tpu.memory_space<hbm>> -> memref<1x1x32x512xf32, #tpu.memory_space<hbm>>
    %dma_start3A_442 = tpu.memref_squeeze %dma_start3A_441 : memref<1x1x32x512xf32, #tpu.memory_space<hbm>> -> memref<32x512xf32, #tpu.memory_space<hbm>>
    %dma_start3A_443 = arith.constant 0 : i32
    %dma_start3A_444 = tpu.memref_slice %arg2[%add3A_70, %dma_start3A_439, %add3A_92, %dma_start3A_443] : memref<64x3x256x512xf32, #tpu.memory_space<hbm>> -> memref<1x1x32x512xf32, #tpu.memory_space<hbm>>
    %dma_start3A_445 = tpu.memref_squeeze %dma_start3A_444 : memref<1x1x32x512xf32, #tpu.memory_space<hbm>> -> memref<32x512xf32, #tpu.memory_space<hbm>>
    tpu.enqueue_dma source(%dma_start3A_445 : memref<32x512xf32, #tpu.memory_space<hbm>>) target(%arg10 : memref<32x512xf32, #tpu.memory_space<vmem>>) target_semaphore(%arg14 : memref<!tpu.dma_semaphore, #tpu.memory_space<semaphore_mem>>)
    %dma_wait3A_446 = arith.constant 0 : i32
    %dma_wait3A_447 = arith.constant 0 : i32
    %dma_wait3A_448 = tpu.memref_slice %arg2[%add3A_70, %dma_wait3A_446, %add3A_90, %dma_wait3A_447] : memref<64x3x256x512xf32, #tpu.memory_space<hbm>> -> memref<1x1x32x512xf32, #tpu.memory_space<hbm>>
    %dma_wait3A_449 = tpu.memref_squeeze %dma_wait3A_448 : memref<1x1x32x512xf32, #tpu.memory_space<hbm>> -> memref<32x512xf32, #tpu.memory_space<hbm>>
    %dma_wait3A_450 = arith.constant 0 : i32
    %dma_wait3A_451 = tpu.memref_slice %arg2[%add3A_70, %dma_wait3A_446, %add3A_90, %dma_wait3A_450] : memref<64x3x256x512xf32, #tpu.memory_space<hbm>> -> memref<1x1x32x512xf32, #tpu.memory_space<hbm>>
    %dma_wait3A_452 = tpu.memref_squeeze %dma_wait3A_451 : memref<1x1x32x512xf32, #tpu.memory_space<hbm>> -> memref<32x512xf32, #tpu.memory_space<hbm>>
    tpu.wait_dma2 semaphore(%arg13 : memref<!tpu.dma_semaphore, #tpu.memory_space<semaphore_mem>>) src(%dma_wait3A_452 : memref<32x512xf32, #tpu.memory_space<hbm>>) dst(%arg5 : memref<32x512xf32, #tpu.memory_space<vmem>>)
    %dma_wait3A_453 = arith.constant 1 : i32
    %dma_wait3A_454 = arith.constant 0 : i32
    %dma_wait3A_455 = tpu.memref_slice %arg2[%add3A_70, %dma_wait3A_453, %add3A_90, %dma_wait3A_454] : memref<64x3x256x512xf32, #tpu.memory_space<hbm>> -> memref<1x1x32x512xf32, #tpu.memory_space<hbm>>
    %dma_wait3A_456 = tpu.memref_squeeze %dma_wait3A_455 : memref<1x1x32x512xf32, #tpu.memory_space<hbm>> -> memref<32x512xf32, #tpu.memory_space<hbm>>
    %dma_wait3A_457 = arith.constant 0 : i32
    %dma_wait3A_458 = tpu.memref_slice %arg2[%add3A_70, %dma_wait3A_453, %add3A_90, %dma_wait3A_457] : memref<64x3x256x512xf32, #tpu.memory_space<hbm>> -> memref<1x1x32x512xf32, #tpu.memory_space<hbm>>
    %dma_wait3A_459 = tpu.memref_squeeze %dma_wait3A_458 : memref<1x1x32x512xf32, #tpu.memory_space<hbm>> -> memref<32x512xf32, #tpu.memory_space<hbm>>
    tpu.wait_dma2 semaphore(%arg13 : memref<!tpu.dma_semaphore, #tpu.memory_space<semaphore_mem>>) src(%dma_wait3A_459 : memref<32x512xf32, #tpu.memory_space<hbm>>) dst(%arg7 : memref<32x512xf32, #tpu.memory_space<vmem>>)
    %dma_wait3A_460 = arith.constant 2 : i32
    %dma_wait3A_461 = arith.constant 0 : i32
    %dma_wait3A_462 = tpu.memref_slice %arg2[%add3A_70, %dma_wait3A_460, %add3A_90, %dma_wait3A_461] : memref<64x3x256x512xf32, #tpu.memory_space<hbm>> -> memref<1x1x32x512xf32, #tpu.memory_space<hbm>>
    %dma_wait3A_463 = tpu.memref_squeeze %dma_wait3A_462 : memref<1x1x32x512xf32, #tpu.memory_space<hbm>> -> memref<32x512xf32, #tpu.memory_space<hbm>>
    %dma_wait3A_464 = arith.constant 0 : i32
    %dma_wait3A_465 = tpu.memref_slice %arg2[%add3A_70, %dma_wait3A_460, %add3A_90, %dma_wait3A_464] : memref<64x3x256x512xf32, #tpu.memory_space<hbm>> -> memref<1x1x32x512xf32, #tpu.memory_space<hbm>>
    %dma_wait3A_466 = tpu.memref_squeeze %dma_wait3A_465 : memref<1x1x32x512xf32, #tpu.memory_space<hbm>> -> memref<32x512xf32, #tpu.memory_space<hbm>>
    tpu.wait_dma2 semaphore(%arg13 : memref<!tpu.dma_semaphore, #tpu.memory_space<semaphore_mem>>) src(%dma_wait3A_466 : memref<32x512xf32, #tpu.memory_space<hbm>>) dst(%arg9 : memref<32x512xf32, #tpu.memory_space<vmem>>)
    %scan3A_467 = arith.constant 0 : i32
    %scan3A_468 = arith.constant 32 : i32
    %scan3A_469 = arith.addi %scan3A_467, %scan3A_468 : i32
    %scan3A_470 = arith.constant 1 : i32
    %scan3A_471:8 = scf.for %scan3A_915 = %scan3A_467 to %scan3A_469 step %scan3A_470 iter_args(%scan3A_916 = %broadcast_in_dim3A_424, %scan3A_917 = %broadcast_in_dim3A_424, %scan3A_918 = %broadcast_in_dim3A_424, %scan3A_919 = %broadcast_in_dim3A_424, %scan3A_920 = %broadcast_in_dim3A_424, %scan3A_921 = %broadcast_in_dim3A_424, %scan3A_922 = %broadcast_in_dim3A_424, %scan3A_923 = %broadcast_in_dim3A_424) -> (vector<16xf32>, vector<16xf32>, vector<16xf32>, vector<16xf32>, vector<16xf32>, vector<16xf32>, vector<16xf32>, vector<16xf32>)  : i32 {
      %scan3A_924 = arith.constant 0 : i32
      %scan3A_925 = arith.constant 2 : i32
      %scan3A_926 = arith.addi %scan3A_924, %scan3A_925 : i32
      %scan3A_927 = arith.constant 1 : i32
      %scan3A_928:8 = scf.for %scan3A_930 = %scan3A_924 to %scan3A_926 step %scan3A_927 iter_args(%scan3A_931 = %scan3A_916, %scan3A_932 = %scan3A_917, %scan3A_933 = %scan3A_918, %scan3A_934 = %scan3A_919, %scan3A_935 = %scan3A_920, %scan3A_936 = %scan3A_921, %scan3A_937 = %scan3A_922, %scan3A_938 = %scan3A_923) -> (vector<16xf32>, vector<16xf32>, vector<16xf32>, vector<16xf32>, vector<16xf32>, vector<16xf32>, vector<16xf32>, vector<16xf32>)  : i32 {
        %mul3A_939 = arith.constant 256 : i32
        %mul3A_940 = arith.muli %scan3A_930, %mul3A_939 : i32
        %add3A_941 = arith.constant 0 : i32
        %add3A_942 = arith.addi %mul3A_940, %add3A_941 : i32
        %get3A_943 = arith.index_cast %scan3A_915 : i32 to index
        %get3A_944 = arith.index_cast %add3A_942 : i32 to index
        %get3A_945 = tpu.vector_load %arg5[%get3A_943, %get3A_944] {strides = array<i32>} : memref<32x512xf32, #tpu.memory_space<vmem>>, vector<16xf32>,
        %get3A_946 = arith.index_cast %scan3A_915 : i32 to index
        %get3A_947 = arith.index_cast %add3A_942 : i32 to index
        %get3A_948 = tpu.vector_load %arg7[%get3A_946, %get3A_947] {strides = array<i32>} : memref<32x512xf32, #tpu.memory_space<vmem>>, vector<16xf32>,
        %get3A_949 = arith.index_cast %scan3A_915 : i32 to index
        %get3A_950 = arith.index_cast %add3A_942 : i32 to index
        %get3A_951 = tpu.vector_load %arg9[%get3A_949, %get3A_950] {strides = array<i32>} : memref<32x512xf32, #tpu.memory_space<vmem>>, vector<16xf32>,
        %mul3A_952 = arith.mulf %get3A_945, %get3A_945 : vector<16xf32>
        %mul3A_953 = arith.mulf %get3A_948, %get3A_948 : vector<16xf32>
        %add3A_954 = arith.addf %mul3A_952, %mul3A_953 : vector<16xf32>
        %mul3A_955 = arith.mulf %get3A_951, %get3A_951 : vector<16xf32>
        %add3A_956 = arith.addf %add3A_954, %mul3A_955 : vector<16xf32>
        %mul3A_957 = arith.mulf %add3A_956, %get3A_422 : vector<16xf32>
        %exp3A = math.exp %mul3A_957 : vector<16xf32>
        %lt3A_958 = arith.constant 3.000000e+00 : f32
        %lt3A_959 = vector.broadcast %lt3A_958 : f32 to vector<16xf32>
        %lt3A_960 = arith.cmpf olt, %add3A_956, %lt3A_959 : vector<16xf32>
        %jit3A_961 = arith.constant 0.000000e+00 : f32
        %broadcast_in_dim3A_962 = vector.broadcast %jit3A_961 : f32 to vector<16xf32>
        %select_n3A_963 = arith.select %lt3A_960, %exp3A, %broadcast_in_dim3A_962 : vector<16xi1>, vector<16xf32>
        %add3A_964 = arith.addf %scan3A_931, %select_n3A_963 : vector<16xf32>
        %add3A_965 = arith.constant 16 : i32
        %add3A_966 = arith.addi %mul3A_940, %add3A_965 : i32
        %get3A_967 = arith.index_cast %scan3A_915 : i32 to index
        %get3A_968 = arith.index_cast %add3A_966 : i32 to index
        %get3A_969 = tpu.vector_load %arg5[%get3A_967, %get3A_968] {strides = array<i32>} : memref<32x512xf32, #tpu.memory_space<vmem>>, vector<16xf32>,
        %get3A_970 = arith.index_cast %scan3A_915 : i32 to index
        %get3A_971 = arith.index_cast %add3A_966 : i32 to index
        %get3A_972 = tpu.vector_load %arg7[%get3A_970, %get3A_971] {strides = array<i32>} : memref<32x512xf32, #tpu.memory_space<vmem>>, vector<16xf32>,
        %get3A_973 = arith.index_cast %scan3A_915 : i32 to index
        %get3A_974 = arith.index_cast %add3A_966 : i32 to index
        %get3A_975 = tpu.vector_load %arg9[%get3A_973, %get3A_974] {strides = array<i32>} : memref<32x512xf32, #tpu.memory_space<vmem>>, vector<16xf32>,
        %mul3A_976 = arith.mulf %get3A_969, %get3A_969 : vector<16xf32>
        %mul3A_977 = arith.mulf %get3A_972, %get3A_972 : vector<16xf32>
        %add3A_978 = arith.addf %mul3A_976, %mul3A_977 : vector<16xf32>
        %mul3A_979 = arith.mulf %get3A_975, %get3A_975 : vector<16xf32>
        %add3A_980 = arith.addf %add3A_978, %mul3A_979 : vector<16xf32>
        %mul3A_981 = arith.mulf %add3A_980, %get3A_422 : vector<16xf32>
        %exp3A_982 = math.exp %mul3A_981 : vector<16xf32>
        %lt3A_983 = arith.constant 3.000000e+00 : f32
        %lt3A_984 = vector.broadcast %lt3A_983 : f32 to vector<16xf32>
        %lt3A_985 = arith.cmpf olt, %add3A_980, %lt3A_984 : vector<16xf32>
        %jit3A_986 = arith.constant 0.000000e+00 : f32
        %broadcast_in_dim3A_987 = vector.broadcast %jit3A_986 : f32 to vector<16xf32>
        %select_n3A_988 = arith.select %lt3A_985, %exp3A_982, %broadcast_in_dim3A_987 : vector<16xi1>, vector<16xf32>
        %add3A_989 = arith.addf %scan3A_932, %select_n3A_988 : vector<16xf32>
        %add3A_990 = arith.constant 32 : i32
        %add3A_991 = arith.addi %mul3A_940, %add3A_990 : i32
        %get3A_992 = arith.index_cast %scan3A_915 : i32 to index
        %get3A_993 = arith.index_cast %add3A_991 : i32 to index
        %get3A_994 = tpu.vector_load %arg5[%get3A_992, %get3A_993] {strides = array<i32>} : memref<32x512xf32, #tpu.memory_space<vmem>>, vector<16xf32>,
        %get3A_995 = arith.index_cast %scan3A_915 : i32 to index
        %get3A_996 = arith.index_cast %add3A_991 : i32 to index
        %get3A_997 = tpu.vector_load %arg7[%get3A_995, %get3A_996] {strides = array<i32>} : memref<32x512xf32, #tpu.memory_space<vmem>>, vector<16xf32>,
        %get3A_998 = arith.index_cast %scan3A_915 : i32 to index
        %get3A_999 = arith.index_cast %add3A_991 : i32 to index
        %get3A_1000 = tpu.vector_load %arg9[%get3A_998, %get3A_999] {strides = array<i32>} : memref<32x512xf32, #tpu.memory_space<vmem>>, vector<16xf32>,
        %mul3A_1001 = arith.mulf %get3A_994, %get3A_994 : vector<16xf32>
        %mul3A_1002 = arith.mulf %get3A_997, %get3A_997 : vector<16xf32>
        %add3A_1003 = arith.addf %mul3A_1001, %mul3A_1002 : vector<16xf32>
        %mul3A_1004 = arith.mulf %get3A_1000, %get3A_1000 : vector<16xf32>
        %add3A_1005 = arith.addf %add3A_1003, %mul3A_1004 : vector<16xf32>
        %mul3A_1006 = arith.mulf %add3A_1005, %get3A_422 : vector<16xf32>
        %exp3A_1007 = math.exp %mul3A_1006 : vector<16xf32>
        %lt3A_1008 = arith.constant 3.000000e+00 : f32
        %lt3A_1009 = vector.broadcast %lt3A_1008 : f32 to vector<16xf32>
        %lt3A_1010 = arith.cmpf olt, %add3A_1005, %lt3A_1009 : vector<16xf32>
        %jit3A_1011 = arith.constant 0.000000e+00 : f32
        %broadcast_in_dim3A_1012 = vector.broadcast %jit3A_1011 : f32 to vector<16xf32>
        %select_n3A_1013 = arith.select %lt3A_1010, %exp3A_1007, %broadcast_in_dim3A_1012 : vector<16xi1>, vector<16xf32>
        %add3A_1014 = arith.addf %scan3A_933, %select_n3A_1013 : vector<16xf32>
        %add3A_1015 = arith.constant 48 : i32
        %add3A_1016 = arith.addi %mul3A_940, %add3A_1015 : i32
        %get3A_1017 = arith.index_cast %scan3A_915 : i32 to index
        %get3A_1018 = arith.index_cast %add3A_1016 : i32 to index
        %get3A_1019 = tpu.vector_load %arg5[%get3A_1017, %get3A_1018] {strides = array<i32>} : memref<32x512xf32, #tpu.memory_space<vmem>>, vector<16xf32>,
        %get3A_1020 = arith.index_cast %scan3A_915 : i32 to index
        %get3A_1021 = arith.index_cast %add3A_1016 : i32 to index
        %get3A_1022 = tpu.vector_load %arg7[%get3A_1020, %get3A_1021] {strides = array<i32>} : memref<32x512xf32, #tpu.memory_space<vmem>>, vector<16xf32>,
        %get3A_1023 = arith.index_cast %scan3A_915 : i32 to index
        %get3A_1024 = arith.index_cast %add3A_1016 : i32 to index
        %get3A_1025 = tpu.vector_load %arg9[%get3A_1023, %get3A_1024] {strides = array<i32>} : memref<32x512xf32, #tpu.memory_space<vmem>>, vector<16xf32>,
        %mul3A_1026 = arith.mulf %get3A_1019, %get3A_1019 : vector<16xf32>
        %mul3A_1027 = arith.mulf %get3A_1022, %get3A_1022 : vector<16xf32>
        %add3A_1028 = arith.addf %mul3A_1026, %mul3A_1027 : vector<16xf32>
        %mul3A_1029 = arith.mulf %get3A_1025, %get3A_1025 : vector<16xf32>
        %add3A_1030 = arith.addf %add3A_1028, %mul3A_1029 : vector<16xf32>
        %mul3A_1031 = arith.mulf %add3A_1030, %get3A_422 : vector<16xf32>
        %exp3A_1032 = math.exp %mul3A_1031 : vector<16xf32>
        %lt3A_1033 = arith.constant 3.000000e+00 : f32
        %lt3A_1034 = vector.broadcast %lt3A_1033 : f32 to vector<16xf32>
        %lt3A_1035 = arith.cmpf olt, %add3A_1030, %lt3A_1034 : vector<16xf32>
        %jit3A_1036 = arith.constant 0.000000e+00 : f32
        %broadcast_in_dim3A_1037 = vector.broadcast %jit3A_1036 : f32 to vector<16xf32>
        %select_n3A_1038 = arith.select %lt3A_1035, %exp3A_1032, %broadcast_in_dim3A_1037 : vector<16xi1>, vector<16xf32>
        %add3A_1039 = arith.addf %scan3A_934, %select_n3A_1038 : vector<16xf32>
        %add3A_1040 = arith.constant 64 : i32
        %add3A_1041 = arith.addi %mul3A_940, %add3A_1040 : i32
        %get3A_1042 = arith.index_cast %scan3A_915 : i32 to index
        %get3A_1043 = arith.index_cast %add3A_1041 : i32 to index
        %get3A_1044 = tpu.vector_load %arg5[%get3A_1042, %get3A_1043] {strides = array<i32>} : memref<32x512xf32, #tpu.memory_space<vmem>>, vector<16xf32>,
        %get3A_1045 = arith.index_cast %scan3A_915 : i32 to index
        %get3A_1046 = arith.index_cast %add3A_1041 : i32 to index
        %get3A_1047 = tpu.vector_load %arg7[%get3A_1045, %get3A_1046] {strides = array<i32>} : memref<32x512xf32, #tpu.memory_space<vmem>>, vector<16xf32>,
        %get3A_1048 = arith.index_cast %scan3A_915 : i32 to index
        %get3A_1049 = arith.index_cast %add3A_1041 : i32 to index
        %get3A_1050 = tpu.vector_load %arg9[%get3A_1048, %get3A_1049] {strides = array<i32>} : memref<32x512xf32, #tpu.memory_space<vmem>>, vector<16xf32>,
        %mul3A_1051 = arith.mulf %get3A_1044, %get3A_1044 : vector<16xf32>
        %mul3A_1052 = arith.mulf %get3A_1047, %get3A_1047 : vector<16xf32>
        %add3A_1053 = arith.addf %mul3A_1051, %mul3A_1052 : vector<16xf32>
        %mul3A_1054 = arith.mulf %get3A_1050, %get3A_1050 : vector<16xf32>
        %add3A_1055 = arith.addf %add3A_1053, %mul3A_1054 : vector<16xf32>
        %mul3A_1056 = arith.mulf %add3A_1055, %get3A_422 : vector<16xf32>
        %exp3A_1057 = math.exp %mul3A_1056 : vector<16xf32>
        %lt3A_1058 = arith.constant 3.000000e+00 : f32
        %lt3A_1059 = vector.broadcast %lt3A_1058 : f32 to vector<16xf32>
        %lt3A_1060 = arith.cmpf olt, %add3A_1055, %lt3A_1059 : vector<16xf32>
        %jit3A_1061 = arith.constant 0.000000e+00 : f32
        %broadcast_in_dim3A_1062 = vector.broadcast %jit3A_1061 : f32 to vector<16xf32>
        %select_n3A_1063 = arith.select %lt3A_1060, %exp3A_1057, %broadcast_in_dim3A_1062 : vector<16xi1>, vector<16xf32>
        %add3A_1064 = arith.addf %scan3A_935, %select_n3A_1063 : vector<16xf32>
        %add3A_1065 = arith.constant 80 : i32
        %add3A_1066 = arith.addi %mul3A_940, %add3A_1065 : i32
        %get3A_1067 = arith.index_cast %scan3A_915 : i32 to index
        %get3A_1068 = arith.index_cast %add3A_1066 : i32 to index
        %get3A_1069 = tpu.vector_load %arg5[%get3A_1067, %get3A_1068] {strides = array<i32>} : memref<32x512xf32, #tpu.memory_space<vmem>>, vector<16xf32>,
        %get3A_1070 = arith.index_cast %scan3A_915 : i32 to index
        %get3A_1071 = arith.index_cast %add3A_1066 : i32 to index
        %get3A_1072 = tpu.vector_load %arg7[%get3A_1070, %get3A_1071] {strides = array<i32>} : memref<32x512xf32, #tpu.memory_space<vmem>>, vector<16xf32>,
        %get3A_1073 = arith.index_cast %scan3A_915 : i32 to index
        %get3A_1074 = arith.index_cast %add3A_1066 : i32 to index
        %get3A_1075 = tpu.vector_load %arg9[%get3A_1073, %get3A_1074] {strides = array<i32>} : memref<32x512xf32, #tpu.memory_space<vmem>>, vector<16xf32>,
        %mul3A_1076 = arith.mulf %get3A_1069, %get3A_1069 : vector<16xf32>
        %mul3A_1077 = arith.mulf %get3A_1072, %get3A_1072 : vector<16xf32>
        %add3A_1078 = arith.addf %mul3A_1076, %mul3A_1077 : vector<16xf32>
        %mul3A_1079 = arith.mulf %get3A_1075, %get3A_1075 : vector<16xf32>
        %add3A_1080 = arith.addf %add3A_1078, %mul3A_1079 : vector<16xf32>
        %mul3A_1081 = arith.mulf %add3A_1080, %get3A_422 : vector<16xf32>
        %exp3A_1082 = math.exp %mul3A_1081 : vector<16xf32>
        %lt3A_1083 = arith.constant 3.000000e+00 : f32
        %lt3A_1084 = vector.broadcast %lt3A_1083 : f32 to vector<16xf32>
        %lt3A_1085 = arith.cmpf olt, %add3A_1080, %lt3A_1084 : vector<16xf32>
        %jit3A_1086 = arith.constant 0.000000e+00 : f32
        %broadcast_in_dim3A_1087 = vector.broadcast %jit3A_1086 : f32 to vector<16xf32>
        %select_n3A_1088 = arith.select %lt3A_1085, %exp3A_1082, %broadcast_in_dim3A_1087 : vector<16xi1>, vector<16xf32>
        %add3A_1089 = arith.addf %scan3A_936, %select_n3A_1088 : vector<16xf32>
        %add3A_1090 = arith.constant 96 : i32
        %add3A_1091 = arith.addi %mul3A_940, %add3A_1090 : i32
        %get3A_1092 = arith.index_cast %scan3A_915 : i32 to index
        %get3A_1093 = arith.index_cast %add3A_1091 : i32 to index
        %get3A_1094 = tpu.vector_load %arg5[%get3A_1092, %get3A_1093] {strides = array<i32>} : memref<32x512xf32, #tpu.memory_space<vmem>>, vector<16xf32>,
        %get3A_1095 = arith.index_cast %scan3A_915 : i32 to index
        %get3A_1096 = arith.index_cast %add3A_1091 : i32 to index
        %get3A_1097 = tpu.vector_load %arg7[%get3A_1095, %get3A_1096] {strides = array<i32>} : memref<32x512xf32, #tpu.memory_space<vmem>>, vector<16xf32>,
        %get3A_1098 = arith.index_cast %scan3A_915 : i32 to index
        %get3A_1099 = arith.index_cast %add3A_1091 : i32 to index
        %get3A_1100 = tpu.vector_load %arg9[%get3A_1098, %get3A_1099] {strides = array<i32>} : memref<32x512xf32, #tpu.memory_space<vmem>>, vector<16xf32>,
        %mul3A_1101 = arith.mulf %get3A_1094, %get3A_1094 : vector<16xf32>
        %mul3A_1102 = arith.mulf %get3A_1097, %get3A_1097 : vector<16xf32>
        %add3A_1103 = arith.addf %mul3A_1101, %mul3A_1102 : vector<16xf32>
        %mul3A_1104 = arith.mulf %get3A_1100, %get3A_1100 : vector<16xf32>
        %add3A_1105 = arith.addf %add3A_1103, %mul3A_1104 : vector<16xf32>
        %mul3A_1106 = arith.mulf %add3A_1105, %get3A_422 : vector<16xf32>
        %exp3A_1107 = math.exp %mul3A_1106 : vector<16xf32>
        %lt3A_1108 = arith.constant 3.000000e+00 : f32
        %lt3A_1109 = vector.broadcast %lt3A_1108 : f32 to vector<16xf32>
        %lt3A_1110 = arith.cmpf olt, %add3A_1105, %lt3A_1109 : vector<16xf32>
        %jit3A_1111 = arith.constant 0.000000e+00 : f32
        %broadcast_in_dim3A_1112 = vector.broadcast %jit3A_1111 : f32 to vector<16xf32>
        %select_n3A_1113 = arith.select %lt3A_1110, %exp3A_1107, %broadcast_in_dim3A_1112 : vector<16xi1>, vector<16xf32>
        %add3A_1114 = arith.addf %scan3A_937, %select_n3A_1113 : vector<16xf32>
        %add3A_1115 = arith.constant 112 : i32
        %add3A_1116 = arith.addi %mul3A_940, %add3A_1115 : i32
        %get3A_1117 = arith.index_cast %scan3A_915 : i32 to index
        %get3A_1118 = arith.index_cast %add3A_1116 : i32 to index
        %get3A_1119 = tpu.vector_load %arg5[%get3A_1117, %get3A_1118] {strides = array<i32>} : memref<32x512xf32, #tpu.memory_space<vmem>>, vector<16xf32>,
        %get3A_1120 = arith.index_cast %scan3A_915 : i32 to index
        %get3A_1121 = arith.index_cast %add3A_1116 : i32 to index
        %get3A_1122 = tpu.vector_load %arg7[%get3A_1120, %get3A_1121] {strides = array<i32>} : memref<32x512xf32, #tpu.memory_space<vmem>>, vector<16xf32>,
        %get3A_1123 = arith.index_cast %scan3A_915 : i32 to index
        %get3A_1124 = arith.index_cast %add3A_1116 : i32 to index
        %get3A_1125 = tpu.vector_load %arg9[%get3A_1123, %get3A_1124] {strides = array<i32>} : memref<32x512xf32, #tpu.memory_space<vmem>>, vector<16xf32>,
        %mul3A_1126 = arith.mulf %get3A_1119, %get3A_1119 : vector<16xf32>
        %mul3A_1127 = arith.mulf %get3A_1122, %get3A_1122 : vector<16xf32>
        %add3A_1128 = arith.addf %mul3A_1126, %mul3A_1127 : vector<16xf32>
        %mul3A_1129 = arith.mulf %get3A_1125, %get3A_1125 : vector<16xf32>
        %add3A_1130 = arith.addf %add3A_1128, %mul3A_1129 : vector<16xf32>
        %mul3A_1131 = arith.mulf %add3A_1130, %get3A_422 : vector<16xf32>
        %exp3A_1132 = math.exp %mul3A_1131 : vector<16xf32>
        %lt3A_1133 = arith.constant 3.000000e+00 : f32
        %lt3A_1134 = vector.broadcast %lt3A_1133 : f32 to vector<16xf32>
        %lt3A_1135 = arith.cmpf olt, %add3A_1130, %lt3A_1134 : vector<16xf32>
        %jit3A_1136 = arith.constant 0.000000e+00 : f32
        %broadcast_in_dim3A_1137 = vector.broadcast %jit3A_1136 : f32 to vector<16xf32>
        %select_n3A_1138 = arith.select %lt3A_1135, %exp3A_1132, %broadcast_in_dim3A_1137 : vector<16xi1>, vector<16xf32>
        %add3A_1139 = arith.addf %scan3A_938, %select_n3A_1138 : vector<16xf32>
        %add3A_1140 = arith.constant 128 : i32
        %add3A_1141 = arith.addi %mul3A_940, %add3A_1140 : i32
        %get3A_1142 = arith.index_cast %scan3A_915 : i32 to index
        %get3A_1143 = arith.index_cast %add3A_1141 : i32 to index
        %get3A_1144 = tpu.vector_load %arg5[%get3A_1142, %get3A_1143] {strides = array<i32>} : memref<32x512xf32, #tpu.memory_space<vmem>>, vector<16xf32>,
        %get3A_1145 = arith.index_cast %scan3A_915 : i32 to index
        %get3A_1146 = arith.index_cast %add3A_1141 : i32 to index
        %get3A_1147 = tpu.vector_load %arg7[%get3A_1145, %get3A_1146] {strides = array<i32>} : memref<32x512xf32, #tpu.memory_space<vmem>>, vector<16xf32>,
        %get3A_1148 = arith.index_cast %scan3A_915 : i32 to index
        %get3A_1149 = arith.index_cast %add3A_1141 : i32 to index
        %get3A_1150 = tpu.vector_load %arg9[%get3A_1148, %get3A_1149] {strides = array<i32>} : memref<32x512xf32, #tpu.memory_space<vmem>>, vector<16xf32>,
        %mul3A_1151 = arith.mulf %get3A_1144, %get3A_1144 : vector<16xf32>
        %mul3A_1152 = arith.mulf %get3A_1147, %get3A_1147 : vector<16xf32>
        %add3A_1153 = arith.addf %mul3A_1151, %mul3A_1152 : vector<16xf32>
        %mul3A_1154 = arith.mulf %get3A_1150, %get3A_1150 : vector<16xf32>
        %add3A_1155 = arith.addf %add3A_1153, %mul3A_1154 : vector<16xf32>
        %mul3A_1156 = arith.mulf %add3A_1155, %get3A_422 : vector<16xf32>
        %exp3A_1157 = math.exp %mul3A_1156 : vector<16xf32>
        %lt3A_1158 = arith.constant 3.000000e+00 : f32
        %lt3A_1159 = vector.broadcast %lt3A_1158 : f32 to vector<16xf32>
        %lt3A_1160 = arith.cmpf olt, %add3A_1155, %lt3A_1159 : vector<16xf32>
        %jit3A_1161 = arith.constant 0.000000e+00 : f32
        %broadcast_in_dim3A_1162 = vector.broadcast %jit3A_1161 : f32 to vector<16xf32>
        %select_n3A_1163 = arith.select %lt3A_1160, %exp3A_1157, %broadcast_in_dim3A_1162 : vector<16xi1>, vector<16xf32>
        %add3A_1164 = arith.addf %add3A_964, %select_n3A_1163 : vector<16xf32>
        %add3A_1165 = arith.constant 144 : i32
        %add3A_1166 = arith.addi %mul3A_940, %add3A_1165 : i32
        %get3A_1167 = arith.index_cast %scan3A_915 : i32 to index
        %get3A_1168 = arith.index_cast %add3A_1166 : i32 to index
        %get3A_1169 = tpu.vector_load %arg5[%get3A_1167, %get3A_1168] {strides = array<i32>} : memref<32x512xf32, #tpu.memory_space<vmem>>, vector<16xf32>,
        %get3A_1170 = arith.index_cast %scan3A_915 : i32 to index
        %get3A_1171 = arith.index_cast %add3A_1166 : i32 to index
        %get3A_1172 = tpu.vector_load %arg7[%get3A_1170, %get3A_1171] {strides = array<i32>} : memref<32x512xf32, #tpu.memory_space<vmem>>, vector<16xf32>,
        %get3A_1173 = arith.index_cast %scan3A_915 : i32 to index
        %get3A_1174 = arith.index_cast %add3A_1166 : i32 to index
        %get3A_1175 = tpu.vector_load %arg9[%get3A_1173, %get3A_1174] {strides = array<i32>} : memref<32x512xf32, #tpu.memory_space<vmem>>, vector<16xf32>,
        %mul3A_1176 = arith.mulf %get3A_1169, %get3A_1169 : vector<16xf32>
        %mul3A_1177 = arith.mulf %get3A_1172, %get3A_1172 : vector<16xf32>
        %add3A_1178 = arith.addf %mul3A_1176, %mul3A_1177 : vector<16xf32>
        %mul3A_1179 = arith.mulf %get3A_1175, %get3A_1175 : vector<16xf32>
        %add3A_1180 = arith.addf %add3A_1178, %mul3A_1179 : vector<16xf32>
        %mul3A_1181 = arith.mulf %add3A_1180, %get3A_422 : vector<16xf32>
        %exp3A_1182 = math.exp %mul3A_1181 : vector<16xf32>
        %lt3A_1183 = arith.constant 3.000000e+00 : f32
        %lt3A_1184 = vector.broadcast %lt3A_1183 : f32 to vector<16xf32>
        %lt3A_1185 = arith.cmpf olt, %add3A_1180, %lt3A_1184 : vector<16xf32>
        %jit3A_1186 = arith.constant 0.000000e+00 : f32
        %broadcast_in_dim3A_1187 = vector.broadcast %jit3A_1186 : f32 to vector<16xf32>
        %select_n3A_1188 = arith.select %lt3A_1185, %exp3A_1182, %broadcast_in_dim3A_1187 : vector<16xi1>, vector<16xf32>
        %add3A_1189 = arith.addf %add3A_989, %select_n3A_1188 : vector<16xf32>
        %add3A_1190 = arith.constant 160 : i32
        %add3A_1191 = arith.addi %mul3A_940, %add3A_1190 : i32
        %get3A_1192 = arith.index_cast %scan3A_915 : i32 to index
        %get3A_1193 = arith.index_cast %add3A_1191 : i32 to index
        %get3A_1194 = tpu.vector_load %arg5[%get3A_1192, %get3A_1193] {strides = array<i32>} : memref<32x512xf32, #tpu.memory_space<vmem>>, vector<16xf32>,
        %get3A_1195 = arith.index_cast %scan3A_915 : i32 to index
        %get3A_1196 = arith.index_cast %add3A_1191 : i32 to index
        %get3A_1197 = tpu.vector_load %arg7[%get3A_1195, %get3A_1196] {strides = array<i32>} : memref<32x512xf32, #tpu.memory_space<vmem>>, vector<16xf32>,
        %get3A_1198 = arith.index_cast %scan3A_915 : i32 to index
        %get3A_1199 = arith.index_cast %add3A_1191 : i32 to index
        %get3A_1200 = tpu.vector_load %arg9[%get3A_1198, %get3A_1199] {strides = array<i32>} : memref<32x512xf32, #tpu.memory_space<vmem>>, vector<16xf32>,
        %mul3A_1201 = arith.mulf %get3A_1194, %get3A_1194 : vector<16xf32>
        %mul3A_1202 = arith.mulf %get3A_1197, %get3A_1197 : vector<16xf32>
        %add3A_1203 = arith.addf %mul3A_1201, %mul3A_1202 : vector<16xf32>
        %mul3A_1204 = arith.mulf %get3A_1200, %get3A_1200 : vector<16xf32>
        %add3A_1205 = arith.addf %add3A_1203, %mul3A_1204 : vector<16xf32>
        %mul3A_1206 = arith.mulf %add3A_1205, %get3A_422 : vector<16xf32>
        %exp3A_1207 = math.exp %mul3A_1206 : vector<16xf32>
        %lt3A_1208 = arith.constant 3.000000e+00 : f32
        %lt3A_1209 = vector.broadcast %lt3A_1208 : f32 to vector<16xf32>
        %lt3A_1210 = arith.cmpf olt, %add3A_1205, %lt3A_1209 : vector<16xf32>
        %jit3A_1211 = arith.constant 0.000000e+00 : f32
        %broadcast_in_dim3A_1212 = vector.broadcast %jit3A_1211 : f32 to vector<16xf32>
        %select_n3A_1213 = arith.select %lt3A_1210, %exp3A_1207, %broadcast_in_dim3A_1212 : vector<16xi1>, vector<16xf32>
        %add3A_1214 = arith.addf %add3A_1014, %select_n3A_1213 : vector<16xf32>
        %add3A_1215 = arith.constant 176 : i32
        %add3A_1216 = arith.addi %mul3A_940, %add3A_1215 : i32
        %get3A_1217 = arith.index_cast %scan3A_915 : i32 to index
        %get3A_1218 = arith.index_cast %add3A_1216 : i32 to index
        %get3A_1219 = tpu.vector_load %arg5[%get3A_1217, %get3A_1218] {strides = array<i32>} : memref<32x512xf32, #tpu.memory_space<vmem>>, vector<16xf32>,
        %get3A_1220 = arith.index_cast %scan3A_915 : i32 to index
        %get3A_1221 = arith.index_cast %add3A_1216 : i32 to index
        %get3A_1222 = tpu.vector_load %arg7[%get3A_1220, %get3A_1221] {strides = array<i32>} : memref<32x512xf32, #tpu.memory_space<vmem>>, vector<16xf32>,
        %get3A_1223 = arith.index_cast %scan3A_915 : i32 to index
        %get3A_1224 = arith.index_cast %add3A_1216 : i32 to index
        %get3A_1225 = tpu.vector_load %arg9[%get3A_1223, %get3A_1224] {strides = array<i32>} : memref<32x512xf32, #tpu.memory_space<vmem>>, vector<16xf32>,
        %mul3A_1226 = arith.mulf %get3A_1219, %get3A_1219 : vector<16xf32>
        %mul3A_1227 = arith.mulf %get3A_1222, %get3A_1222 : vector<16xf32>
        %add3A_1228 = arith.addf %mul3A_1226, %mul3A_1227 : vector<16xf32>
        %mul3A_1229 = arith.mulf %get3A_1225, %get3A_1225 : vector<16xf32>
        %add3A_1230 = arith.addf %add3A_1228, %mul3A_1229 : vector<16xf32>
        %mul3A_1231 = arith.mulf %add3A_1230, %get3A_422 : vector<16xf32>
        %exp3A_1232 = math.exp %mul3A_1231 : vector<16xf32>
        %lt3A_1233 = arith.constant 3.000000e+00 : f32
        %lt3A_1234 = vector.broadcast %lt3A_1233 : f32 to vector<16xf32>
        %lt3A_1235 = arith.cmpf olt, %add3A_1230, %lt3A_1234 : vector<16xf32>
        %jit3A_1236 = arith.constant 0.000000e+00 : f32
        %broadcast_in_dim3A_1237 = vector.broadcast %jit3A_1236 : f32 to vector<16xf32>
        %select_n3A_1238 = arith.select %lt3A_1235, %exp3A_1232, %broadcast_in_dim3A_1237 : vector<16xi1>, vector<16xf32>
        %add3A_1239 = arith.addf %add3A_1039, %select_n3A_1238 : vector<16xf32>
        %add3A_1240 = arith.constant 192 : i32
        %add3A_1241 = arith.addi %mul3A_940, %add3A_1240 : i32
        %get3A_1242 = arith.index_cast %scan3A_915 : i32 to index
        %get3A_1243 = arith.index_cast %add3A_1241 : i32 to index
        %get3A_1244 = tpu.vector_load %arg5[%get3A_1242, %get3A_1243] {strides = array<i32>} : memref<32x512xf32, #tpu.memory_space<vmem>>, vector<16xf32>,
        %get3A_1245 = arith.index_cast %scan3A_915 : i32 to index
        %get3A_1246 = arith.index_cast %add3A_1241 : i32 to index
        %get3A_1247 = tpu.vector_load %arg7[%get3A_1245, %get3A_1246] {strides = array<i32>} : memref<32x512xf32, #tpu.memory_space<vmem>>, vector<16xf32>,
        %get3A_1248 = arith.index_cast %scan3A_915 : i32 to index
        %get3A_1249 = arith.index_cast %add3A_1241 : i32 to index
        %get3A_1250 = tpu.vector_load %arg9[%get3A_1248, %get3A_1249] {strides = array<i32>} : memref<32x512xf32, #tpu.memory_space<vmem>>, vector<16xf32>,
        %mul3A_1251 = arith.mulf %get3A_1244, %get3A_1244 : vector<16xf32>
        %mul3A_1252 = arith.mulf %get3A_1247, %get3A_1247 : vector<16xf32>
        %add3A_1253 = arith.addf %mul3A_1251, %mul3A_1252 : vector<16xf32>
        %mul3A_1254 = arith.mulf %get3A_1250, %get3A_1250 : vector<16xf32>
        %add3A_1255 = arith.addf %add3A_1253, %mul3A_1254 : vector<16xf32>
        %mul3A_1256 = arith.mulf %add3A_1255, %get3A_422 : vector<16xf32>
        %exp3A_1257 = math.exp %mul3A_1256 : vector<16xf32>
        %lt3A_1258 = arith.constant 3.000000e+00 : f32
        %lt3A_1259 = vector.broadcast %lt3A_1258 : f32 to vector<16xf32>
        %lt3A_1260 = arith.cmpf olt, %add3A_1255, %lt3A_1259 : vector<16xf32>
        %jit3A_1261 = arith.constant 0.000000e+00 : f32
        %broadcast_in_dim3A_1262 = vector.broadcast %jit3A_1261 : f32 to vector<16xf32>
        %select_n3A_1263 = arith.select %lt3A_1260, %exp3A_1257, %broadcast_in_dim3A_1262 : vector<16xi1>, vector<16xf32>
        %add3A_1264 = arith.addf %add3A_1064, %select_n3A_1263 : vector<16xf32>
        %add3A_1265 = arith.constant 208 : i32
        %add3A_1266 = arith.addi %mul3A_940, %add3A_1265 : i32
        %get3A_1267 = arith.index_cast %scan3A_915 : i32 to index
        %get3A_1268 = arith.index_cast %add3A_1266 : i32 to index
        %get3A_1269 = tpu.vector_load %arg5[%get3A_1267, %get3A_1268] {strides = array<i32>} : memref<32x512xf32, #tpu.memory_space<vmem>>, vector<16xf32>,
        %get3A_1270 = arith.index_cast %scan3A_915 : i32 to index
        %get3A_1271 = arith.index_cast %add3A_1266 : i32 to index
        %get3A_1272 = tpu.vector_load %arg7[%get3A_1270, %get3A_1271] {strides = array<i32>} : memref<32x512xf32, #tpu.memory_space<vmem>>, vector<16xf32>,
        %get3A_1273 = arith.index_cast %scan3A_915 : i32 to index
        %get3A_1274 = arith.index_cast %add3A_1266 : i32 to index
        %get3A_1275 = tpu.vector_load %arg9[%get3A_1273, %get3A_1274] {strides = array<i32>} : memref<32x512xf32, #tpu.memory_space<vmem>>, vector<16xf32>,
        %mul3A_1276 = arith.mulf %get3A_1269, %get3A_1269 : vector<16xf32>
        %mul3A_1277 = arith.mulf %get3A_1272, %get3A_1272 : vector<16xf32>
        %add3A_1278 = arith.addf %mul3A_1276, %mul3A_1277 : vector<16xf32>
        %mul3A_1279 = arith.mulf %get3A_1275, %get3A_1275 : vector<16xf32>
        %add3A_1280 = arith.addf %add3A_1278, %mul3A_1279 : vector<16xf32>
        %mul3A_1281 = arith.mulf %add3A_1280, %get3A_422 : vector<16xf32>
        %exp3A_1282 = math.exp %mul3A_1281 : vector<16xf32>
        %lt3A_1283 = arith.constant 3.000000e+00 : f32
        %lt3A_1284 = vector.broadcast %lt3A_1283 : f32 to vector<16xf32>
        %lt3A_1285 = arith.cmpf olt, %add3A_1280, %lt3A_1284 : vector<16xf32>
        %jit3A_1286 = arith.constant 0.000000e+00 : f32
        %broadcast_in_dim3A_1287 = vector.broadcast %jit3A_1286 : f32 to vector<16xf32>
        %select_n3A_1288 = arith.select %lt3A_1285, %exp3A_1282, %broadcast_in_dim3A_1287 : vector<16xi1>, vector<16xf32>
        %add3A_1289 = arith.addf %add3A_1089, %select_n3A_1288 : vector<16xf32>
        %add3A_1290 = arith.constant 224 : i32
        %add3A_1291 = arith.addi %mul3A_940, %add3A_1290 : i32
        %get3A_1292 = arith.index_cast %scan3A_915 : i32 to index
        %get3A_1293 = arith.index_cast %add3A_1291 : i32 to index
        %get3A_1294 = tpu.vector_load %arg5[%get3A_1292, %get3A_1293] {strides = array<i32>} : memref<32x512xf32, #tpu.memory_space<vmem>>, vector<16xf32>,
        %get3A_1295 = arith.index_cast %scan3A_915 : i32 to index
        %get3A_1296 = arith.index_cast %add3A_1291 : i32 to index
        %get3A_1297 = tpu.vector_load %arg7[%get3A_1295, %get3A_1296] {strides = array<i32>} : memref<32x512xf32, #tpu.memory_space<vmem>>, vector<16xf32>,
        %get3A_1298 = arith.index_cast %scan3A_915 : i32 to index
        %get3A_1299 = arith.index_cast %add3A_1291 : i32 to index
        %get3A_1300 = tpu.vector_load %arg9[%get3A_1298, %get3A_1299] {strides = array<i32>} : memref<32x512xf32, #tpu.memory_space<vmem>>, vector<16xf32>,
        %mul3A_1301 = arith.mulf %get3A_1294, %get3A_1294 : vector<16xf32>
        %mul3A_1302 = arith.mulf %get3A_1297, %get3A_1297 : vector<16xf32>
        %add3A_1303 = arith.addf %mul3A_1301, %mul3A_1302 : vector<16xf32>
        %mul3A_1304 = arith.mulf %get3A_1300, %get3A_1300 : vector<16xf32>
        %add3A_1305 = arith.addf %add3A_1303, %mul3A_1304 : vector<16xf32>
        %mul3A_1306 = arith.mulf %add3A_1305, %get3A_422 : vector<16xf32>
        %exp3A_1307 = math.exp %mul3A_1306 : vector<16xf32>
        %lt3A_1308 = arith.constant 3.000000e+00 : f32
        %lt3A_1309 = vector.broadcast %lt3A_1308 : f32 to vector<16xf32>
        %lt3A_1310 = arith.cmpf olt, %add3A_1305, %lt3A_1309 : vector<16xf32>
        %jit3A_1311 = arith.constant 0.000000e+00 : f32
        %broadcast_in_dim3A_1312 = vector.broadcast %jit3A_1311 : f32 to vector<16xf32>
        %select_n3A_1313 = arith.select %lt3A_1310, %exp3A_1307, %broadcast_in_dim3A_1312 : vector<16xi1>, vector<16xf32>
        %add3A_1314 = arith.addf %add3A_1114, %select_n3A_1313 : vector<16xf32>
        %add3A_1315 = arith.constant 240 : i32
        %add3A_1316 = arith.addi %mul3A_940, %add3A_1315 : i32
        %get3A_1317 = arith.index_cast %scan3A_915 : i32 to index
        %get3A_1318 = arith.index_cast %add3A_1316 : i32 to index
        %get3A_1319 = tpu.vector_load %arg5[%get3A_1317, %get3A_1318] {strides = array<i32>} : memref<32x512xf32, #tpu.memory_space<vmem>>, vector<16xf32>,
        %get3A_1320 = arith.index_cast %scan3A_915 : i32 to index
        %get3A_1321 = arith.index_cast %add3A_1316 : i32 to index
        %get3A_1322 = tpu.vector_load %arg7[%get3A_1320, %get3A_1321] {strides = array<i32>} : memref<32x512xf32, #tpu.memory_space<vmem>>, vector<16xf32>,
        %get3A_1323 = arith.index_cast %scan3A_915 : i32 to index
        %get3A_1324 = arith.index_cast %add3A_1316 : i32 to index
        %get3A_1325 = tpu.vector_load %arg9[%get3A_1323, %get3A_1324] {strides = array<i32>} : memref<32x512xf32, #tpu.memory_space<vmem>>, vector<16xf32>,
        %mul3A_1326 = arith.mulf %get3A_1319, %get3A_1319 : vector<16xf32>
        %mul3A_1327 = arith.mulf %get3A_1322, %get3A_1322 : vector<16xf32>
        %add3A_1328 = arith.addf %mul3A_1326, %mul3A_1327 : vector<16xf32>
        %mul3A_1329 = arith.mulf %get3A_1325, %get3A_1325 : vector<16xf32>
        %add3A_1330 = arith.addf %add3A_1328, %mul3A_1329 : vector<16xf32>
        %mul3A_1331 = arith.mulf %add3A_1330, %get3A_422 : vector<16xf32>
        %exp3A_1332 = math.exp %mul3A_1331 : vector<16xf32>
        %lt3A_1333 = arith.constant 3.000000e+00 : f32
        %lt3A_1334 = vector.broadcast %lt3A_1333 : f32 to vector<16xf32>
        %lt3A_1335 = arith.cmpf olt, %add3A_1330, %lt3A_1334 : vector<16xf32>
        %jit3A_1336 = arith.constant 0.000000e+00 : f32
        %broadcast_in_dim3A_1337 = vector.broadcast %jit3A_1336 : f32 to vector<16xf32>
        %select_n3A_1338 = arith.select %lt3A_1335, %exp3A_1332, %broadcast_in_dim3A_1337 : vector<16xi1>, vector<16xf32>
        %add3A_1339 = arith.addf %add3A_1139, %select_n3A_1338 : vector<16xf32>
        scf.yield %add3A_1164, %add3A_1189, %add3A_1214, %add3A_1239, %add3A_1264, %add3A_1289, %add3A_1314, %add3A_1339 : vector<16xf32>, vector<16xf32>, vector<16xf32>, vector<16xf32>, vector<16xf32>, vector<16xf32>, vector<16xf32>, vector<16xf32>
      }
      %scan3A_929 = arith.constant 2 : i32
      scf.yield %scan3A_928#0, %scan3A_928#1, %scan3A_928#2, %scan3A_928#3, %scan3A_928#4, %scan3A_928#5, %scan3A_928#6, %scan3A_928#7 : vector<16xf32>, vector<16xf32>, vector<16xf32>, vector<16xf32>, vector<16xf32>, vector<16xf32>, vector<16xf32>, vector<16xf32>
    }
    %scan3A_472 = arith.constant 32 : i32
    %dma_start3A_473 = arith.constant 0 : i32
    %dma_start3A_474 = arith.constant 0 : i32
    %dma_start3A_475 = tpu.memref_slice %arg2[%add3A_120, %dma_start3A_473, %add3A_140, %dma_start3A_474] : memref<64x3x256x512xf32, #tpu.memory_space<hbm>> -> memref<1x1x32x512xf32, #tpu.memory_space<hbm>>
    %dma_start3A_476 = tpu.memref_squeeze %dma_start3A_475 : memref<1x1x32x512xf32, #tpu.memory_space<hbm>> -> memref<32x512xf32, #tpu.memory_space<hbm>>
    %dma_start3A_477 = arith.constant 0 : i32
    %dma_start3A_478 = tpu.memref_slice %arg2[%add3A_120, %dma_start3A_473, %add3A_140, %dma_start3A_477] : memref<64x3x256x512xf32, #tpu.memory_space<hbm>> -> memref<1x1x32x512xf32, #tpu.memory_space<hbm>>
    %dma_start3A_479 = tpu.memref_squeeze %dma_start3A_478 : memref<1x1x32x512xf32, #tpu.memory_space<hbm>> -> memref<32x512xf32, #tpu.memory_space<hbm>>
    tpu.enqueue_dma source(%dma_start3A_479 : memref<32x512xf32, #tpu.memory_space<hbm>>) target(%arg5 : memref<32x512xf32, #tpu.memory_space<vmem>>) target_semaphore(%arg13 : memref<!tpu.dma_semaphore, #tpu.memory_space<semaphore_mem>>)
    %dma_start3A_480 = arith.constant 1 : i32
    %dma_start3A_481 = arith.constant 0 : i32
    %dma_start3A_482 = tpu.memref_slice %arg2[%add3A_120, %dma_start3A_480, %add3A_140, %dma_start3A_481] : memref<64x3x256x512xf32, #tpu.memory_space<hbm>> -> memref<1x1x32x512xf32, #tpu.memory_space<hbm>>
    %dma_start3A_483 = tpu.memref_squeeze %dma_start3A_482 : memref<1x1x32x512xf32, #tpu.memory_space<hbm>> -> memref<32x512xf32, #tpu.memory_space<hbm>>
    %dma_start3A_484 = arith.constant 0 : i32
    %dma_start3A_485 = tpu.memref_slice %arg2[%add3A_120, %dma_start3A_480, %add3A_140, %dma_start3A_484] : memref<64x3x256x512xf32, #tpu.memory_space<hbm>> -> memref<1x1x32x512xf32, #tpu.memory_space<hbm>>
    %dma_start3A_486 = tpu.memref_squeeze %dma_start3A_485 : memref<1x1x32x512xf32, #tpu.memory_space<hbm>> -> memref<32x512xf32, #tpu.memory_space<hbm>>
    tpu.enqueue_dma source(%dma_start3A_486 : memref<32x512xf32, #tpu.memory_space<hbm>>) target(%arg7 : memref<32x512xf32, #tpu.memory_space<vmem>>) target_semaphore(%arg13 : memref<!tpu.dma_semaphore, #tpu.memory_space<semaphore_mem>>)
    %dma_start3A_487 = arith.constant 2 : i32
    %dma_start3A_488 = arith.constant 0 : i32
    %dma_start3A_489 = tpu.memref_slice %arg2[%add3A_120, %dma_start3A_487, %add3A_140, %dma_start3A_488] : memref<64x3x256x512xf32, #tpu.memory_space<hbm>> -> memref<1x1x32x512xf32, #tpu.memory_space<hbm>>
    %dma_start3A_490 = tpu.memref_squeeze %dma_start3A_489 : memref<1x1x32x512xf32, #tpu.memory_space<hbm>> -> memref<32x512xf32, #tpu.memory_space<hbm>>
    %dma_start3A_491 = arith.constant 0 : i32
    %dma_start3A_492 = tpu.memref_slice %arg2[%add3A_120, %dma_start3A_487, %add3A_140, %dma_start3A_491] : memref<64x3x256x512xf32, #tpu.memory_space<hbm>> -> memref<1x1x32x512xf32, #tpu.memory_space<hbm>>
    %dma_start3A_493 = tpu.memref_squeeze %dma_start3A_492 : memref<1x1x32x512xf32, #tpu.memory_space<hbm>> -> memref<32x512xf32, #tpu.memory_space<hbm>>
    tpu.enqueue_dma source(%dma_start3A_493 : memref<32x512xf32, #tpu.memory_space<hbm>>) target(%arg9 : memref<32x512xf32, #tpu.memory_space<vmem>>) target_semaphore(%arg13 : memref<!tpu.dma_semaphore, #tpu.memory_space<semaphore_mem>>)
    %dma_wait3A_494 = arith.constant 0 : i32
    %dma_wait3A_495 = arith.constant 0 : i32
    %dma_wait3A_496 = tpu.memref_slice %arg2[%add3A_70, %dma_wait3A_494, %add3A_92, %dma_wait3A_495] : memref<64x3x256x512xf32, #tpu.memory_space<hbm>> -> memref<1x1x32x512xf32, #tpu.memory_space<hbm>>
    %dma_wait3A_497 = tpu.memref_squeeze %dma_wait3A_496 : memref<1x1x32x512xf32, #tpu.memory_space<hbm>> -> memref<32x512xf32, #tpu.memory_space<hbm>>
    %dma_wait3A_498 = arith.constant 0 : i32
    %dma_wait3A_499 = tpu.memref_slice %arg2[%add3A_70, %dma_wait3A_494, %add3A_92, %dma_wait3A_498] : memref<64x3x256x512xf32, #tpu.memory_space<hbm>> -> memref<1x1x32x512xf32, #tpu.memory_space<hbm>>
    %dma_wait3A_500 = tpu.memref_squeeze %dma_wait3A_499 : memref<1x1x32x512xf32, #tpu.memory_space<hbm>> -> memref<32x512xf32, #tpu.memory_space<hbm>>
    tpu.wait_dma2 semaphore(%arg14 : memref<!tpu.dma_semaphore, #tpu.memory_space<semaphore_mem>>) src(%dma_wait3A_500 : memref<32x512xf32, #tpu.memory_space<hbm>>) dst(%arg6 : memref<32x512xf32, #tpu.memory_space<vmem>>)
    %dma_wait3A_501 = arith.constant 1 : i32
    %dma_wait3A_502 = arith.constant 0 : i32
    %dma_wait3A_503 = tpu.memref_slice %arg2[%add3A_70, %dma_wait3A_501, %add3A_92, %dma_wait3A_502] : memref<64x3x256x512xf32, #tpu.memory_space<hbm>> -> memref<1x1x32x512xf32, #tpu.memory_space<hbm>>
    %dma_wait3A_504 = tpu.memref_squeeze %dma_wait3A_503 : memref<1x1x32x512xf32, #tpu.memory_space<hbm>> -> memref<32x512xf32, #tpu.memory_space<hbm>>
    %dma_wait3A_505 = arith.constant 0 : i32
    %dma_wait3A_506 = tpu.memref_slice %arg2[%add3A_70, %dma_wait3A_501, %add3A_92, %dma_wait3A_505] : memref<64x3x256x512xf32, #tpu.memory_space<hbm>> -> memref<1x1x32x512xf32, #tpu.memory_space<hbm>>
    %dma_wait3A_507 = tpu.memref_squeeze %dma_wait3A_506 : memref<1x1x32x512xf32, #tpu.memory_space<hbm>> -> memref<32x512xf32, #tpu.memory_space<hbm>>
    tpu.wait_dma2 semaphore(%arg14 : memref<!tpu.dma_semaphore, #tpu.memory_space<semaphore_mem>>) src(%dma_wait3A_507 : memref<32x512xf32, #tpu.memory_space<hbm>>) dst(%arg8 : memref<32x512xf32, #tpu.memory_space<vmem>>)
    %dma_wait3A_508 = arith.constant 2 : i32
    %dma_wait3A_509 = arith.constant 0 : i32
    %dma_wait3A_510 = tpu.memref_slice %arg2[%add3A_70, %dma_wait3A_508, %add3A_92, %dma_wait3A_509] : memref<64x3x256x512xf32, #tpu.memory_space<hbm>> -> memref<1x1x32x512xf32, #tpu.memory_space<hbm>>
    %dma_wait3A_511 = tpu.memref_squeeze %dma_wait3A_510 : memref<1x1x32x512xf32, #tpu.memory_space<hbm>> -> memref<32x512xf32, #tpu.memory_space<hbm>>
    %dma_wait3A_512 = arith.constant 0 : i32
    %dma_wait3A_513 = tpu.memref_slice %arg2[%add3A_70, %dma_wait3A_508, %add3A_92, %dma_wait3A_512] : memref<64x3x256x512xf32, #tpu.memory_space<hbm>> -> memref<1x1x32x512xf32, #tpu.memory_space<hbm>>
    %dma_wait3A_514 = tpu.memref_squeeze %dma_wait3A_513 : memref<1x1x32x512xf32, #tpu.memory_space<hbm>> -> memref<32x512xf32, #tpu.memory_space<hbm>>
    tpu.wait_dma2 semaphore(%arg14 : memref<!tpu.dma_semaphore, #tpu.memory_space<semaphore_mem>>) src(%dma_wait3A_514 : memref<32x512xf32, #tpu.memory_space<hbm>>) dst(%arg10 : memref<32x512xf32, #tpu.memory_space<vmem>>)
    %scan3A_515 = arith.constant 0 : i32
    %scan3A_516 = arith.constant 32 : i32
    %scan3A_517 = arith.addi %scan3A_515, %scan3A_516 : i32
    %scan3A_518 = arith.constant 1 : i32
    %scan3A_519:8 = scf.for %scan3A_915 = %scan3A_515 to %scan3A_517 step %scan3A_518 iter_args(%scan3A_916 = %scan3A_471#0, %scan3A_917 = %scan3A_471#1, %scan3A_918 = %scan3A_471#2, %scan3A_919 = %scan3A_471#3, %scan3A_920 = %scan3A_471#4, %scan3A_921 = %scan3A_471#5, %scan3A_922 = %scan3A_471#6, %scan3A_923 = %scan3A_471#7) -> (vector<16xf32>, vector<16xf32>, vector<16xf32>, vector<16xf32>, vector<16xf32>, vector<16xf32>, vector<16xf32>, vector<16xf32>)  : i32 {
      %scan3A_924 = arith.constant 0 : i32
      %scan3A_925 = arith.constant 2 : i32
      %scan3A_926 = arith.addi %scan3A_924, %scan3A_925 : i32
      %scan3A_927 = arith.constant 1 : i32
      %scan3A_928:8 = scf.for %scan3A_930 = %scan3A_924 to %scan3A_926 step %scan3A_927 iter_args(%scan3A_931 = %scan3A_916, %scan3A_932 = %scan3A_917, %scan3A_933 = %scan3A_918, %scan3A_934 = %scan3A_919, %scan3A_935 = %scan3A_920, %scan3A_936 = %scan3A_921, %scan3A_937 = %scan3A_922, %scan3A_938 = %scan3A_923) -> (vector<16xf32>, vector<16xf32>, vector<16xf32>, vector<16xf32>, vector<16xf32>, vector<16xf32>, vector<16xf32>, vector<16xf32>)  : i32 {
        %mul3A_939 = arith.constant 256 : i32
        %mul3A_940 = arith.muli %scan3A_930, %mul3A_939 : i32
        %add3A_941 = arith.constant 0 : i32
        %add3A_942 = arith.addi %mul3A_940, %add3A_941 : i32
        %get3A_943 = arith.index_cast %scan3A_915 : i32 to index
        %get3A_944 = arith.index_cast %add3A_942 : i32 to index
        %get3A_945 = tpu.vector_load %arg6[%get3A_943, %get3A_944] {strides = array<i32>} : memref<32x512xf32, #tpu.memory_space<vmem>>, vector<16xf32>,
        %get3A_946 = arith.index_cast %scan3A_915 : i32 to index
        %get3A_947 = arith.index_cast %add3A_942 : i32 to index
        %get3A_948 = tpu.vector_load %arg8[%get3A_946, %get3A_947] {strides = array<i32>} : memref<32x512xf32, #tpu.memory_space<vmem>>, vector<16xf32>,
        %get3A_949 = arith.index_cast %scan3A_915 : i32 to index
        %get3A_950 = arith.index_cast %add3A_942 : i32 to index
        %get3A_951 = tpu.vector_load %arg10[%get3A_949, %get3A_950] {strides = array<i32>} : memref<32x512xf32, #tpu.memory_space<vmem>>, vector<16xf32>,
        %mul3A_952 = arith.mulf %get3A_945, %get3A_945 : vector<16xf32>
        %mul3A_953 = arith.mulf %get3A_948, %get3A_948 : vector<16xf32>
        %add3A_954 = arith.addf %mul3A_952, %mul3A_953 : vector<16xf32>
        %mul3A_955 = arith.mulf %get3A_951, %get3A_951 : vector<16xf32>
        %add3A_956 = arith.addf %add3A_954, %mul3A_955 : vector<16xf32>
        %mul3A_957 = arith.mulf %add3A_956, %get3A_422 : vector<16xf32>
        %exp3A = math.exp %mul3A_957 : vector<16xf32>
        %lt3A_958 = arith.constant 3.000000e+00 : f32
        %lt3A_959 = vector.broadcast %lt3A_958 : f32 to vector<16xf32>
        %lt3A_960 = arith.cmpf olt, %add3A_956, %lt3A_959 : vector<16xf32>
        %jit3A_961 = arith.constant 0.000000e+00 : f32
        %broadcast_in_dim3A_962 = vector.broadcast %jit3A_961 : f32 to vector<16xf32>
        %select_n3A_963 = arith.select %lt3A_960, %exp3A, %broadcast_in_dim3A_962 : vector<16xi1>, vector<16xf32>
        %add3A_964 = arith.addf %scan3A_931, %select_n3A_963 : vector<16xf32>
        %add3A_965 = arith.constant 16 : i32
        %add3A_966 = arith.addi %mul3A_940, %add3A_965 : i32
        %get3A_967 = arith.index_cast %scan3A_915 : i32 to index
        %get3A_968 = arith.index_cast %add3A_966 : i32 to index
        %get3A_969 = tpu.vector_load %arg6[%get3A_967, %get3A_968] {strides = array<i32>} : memref<32x512xf32, #tpu.memory_space<vmem>>, vector<16xf32>,
        %get3A_970 = arith.index_cast %scan3A_915 : i32 to index
        %get3A_971 = arith.index_cast %add3A_966 : i32 to index
        %get3A_972 = tpu.vector_load %arg8[%get3A_970, %get3A_971] {strides = array<i32>} : memref<32x512xf32, #tpu.memory_space<vmem>>, vector<16xf32>,
        %get3A_973 = arith.index_cast %scan3A_915 : i32 to index
        %get3A_974 = arith.index_cast %add3A_966 : i32 to index
        %get3A_975 = tpu.vector_load %arg10[%get3A_973, %get3A_974] {strides = array<i32>} : memref<32x512xf32, #tpu.memory_space<vmem>>, vector<16xf32>,
        %mul3A_976 = arith.mulf %get3A_969, %get3A_969 : vector<16xf32>
        %mul3A_977 = arith.mulf %get3A_972, %get3A_972 : vector<16xf32>
        %add3A_978 = arith.addf %mul3A_976, %mul3A_977 : vector<16xf32>
        %mul3A_979 = arith.mulf %get3A_975, %get3A_975 : vector<16xf32>
        %add3A_980 = arith.addf %add3A_978, %mul3A_979 : vector<16xf32>
        %mul3A_981 = arith.mulf %add3A_980, %get3A_422 : vector<16xf32>
        %exp3A_982 = math.exp %mul3A_981 : vector<16xf32>
        %lt3A_983 = arith.constant 3.000000e+00 : f32
        %lt3A_984 = vector.broadcast %lt3A_983 : f32 to vector<16xf32>
        %lt3A_985 = arith.cmpf olt, %add3A_980, %lt3A_984 : vector<16xf32>
        %jit3A_986 = arith.constant 0.000000e+00 : f32
        %broadcast_in_dim3A_987 = vector.broadcast %jit3A_986 : f32 to vector<16xf32>
        %select_n3A_988 = arith.select %lt3A_985, %exp3A_982, %broadcast_in_dim3A_987 : vector<16xi1>, vector<16xf32>
        %add3A_989 = arith.addf %scan3A_932, %select_n3A_988 : vector<16xf32>
        %add3A_990 = arith.constant 32 : i32
        %add3A_991 = arith.addi %mul3A_940, %add3A_990 : i32
        %get3A_992 = arith.index_cast %scan3A_915 : i32 to index
        %get3A_993 = arith.index_cast %add3A_991 : i32 to index
        %get3A_994 = tpu.vector_load %arg6[%get3A_992, %get3A_993] {strides = array<i32>} : memref<32x512xf32, #tpu.memory_space<vmem>>, vector<16xf32>,
        %get3A_995 = arith.index_cast %scan3A_915 : i32 to index
        %get3A_996 = arith.index_cast %add3A_991 : i32 to index
        %get3A_997 = tpu.vector_load %arg8[%get3A_995, %get3A_996] {strides = array<i32>} : memref<32x512xf32, #tpu.memory_space<vmem>>, vector<16xf32>,
        %get3A_998 = arith.index_cast %scan3A_915 : i32 to index
        %get3A_999 = arith.index_cast %add3A_991 : i32 to index
        %get3A_1000 = tpu.vector_load %arg10[%get3A_998, %get3A_999] {strides = array<i32>} : memref<32x512xf32, #tpu.memory_space<vmem>>, vector<16xf32>,
        %mul3A_1001 = arith.mulf %get3A_994, %get3A_994 : vector<16xf32>
        %mul3A_1002 = arith.mulf %get3A_997, %get3A_997 : vector<16xf32>
        %add3A_1003 = arith.addf %mul3A_1001, %mul3A_1002 : vector<16xf32>
        %mul3A_1004 = arith.mulf %get3A_1000, %get3A_1000 : vector<16xf32>
        %add3A_1005 = arith.addf %add3A_1003, %mul3A_1004 : vector<16xf32>
        %mul3A_1006 = arith.mulf %add3A_1005, %get3A_422 : vector<16xf32>
        %exp3A_1007 = math.exp %mul3A_1006 : vector<16xf32>
        %lt3A_1008 = arith.constant 3.000000e+00 : f32
        %lt3A_1009 = vector.broadcast %lt3A_1008 : f32 to vector<16xf32>
        %lt3A_1010 = arith.cmpf olt, %add3A_1005, %lt3A_1009 : vector<16xf32>
        %jit3A_1011 = arith.constant 0.000000e+00 : f32
        %broadcast_in_dim3A_1012 = vector.broadcast %jit3A_1011 : f32 to vector<16xf32>
        %select_n3A_1013 = arith.select %lt3A_1010, %exp3A_1007, %broadcast_in_dim3A_1012 : vector<16xi1>, vector<16xf32>
        %add3A_1014 = arith.addf %scan3A_933, %select_n3A_1013 : vector<16xf32>
        %add3A_1015 = arith.constant 48 : i32
        %add3A_1016 = arith.addi %mul3A_940, %add3A_1015 : i32
        %get3A_1017 = arith.index_cast %scan3A_915 : i32 to index
        %get3A_1018 = arith.index_cast %add3A_1016 : i32 to index
        %get3A_1019 = tpu.vector_load %arg6[%get3A_1017, %get3A_1018] {strides = array<i32>} : memref<32x512xf32, #tpu.memory_space<vmem>>, vector<16xf32>,
        %get3A_1020 = arith.index_cast %scan3A_915 : i32 to index
        %get3A_1021 = arith.index_cast %add3A_1016 : i32 to index
        %get3A_1022 = tpu.vector_load %arg8[%get3A_1020, %get3A_1021] {strides = array<i32>} : memref<32x512xf32, #tpu.memory_space<vmem>>, vector<16xf32>,
        %get3A_1023 = arith.index_cast %scan3A_915 : i32 to index
        %get3A_1024 = arith.index_cast %add3A_1016 : i32 to index
        %get3A_1025 = tpu.vector_load %arg10[%get3A_1023, %get3A_1024] {strides = array<i32>} : memref<32x512xf32, #tpu.memory_space<vmem>>, vector<16xf32>,
        %mul3A_1026 = arith.mulf %get3A_1019, %get3A_1019 : vector<16xf32>
        %mul3A_1027 = arith.mulf %get3A_1022, %get3A_1022 : vector<16xf32>
        %add3A_1028 = arith.addf %mul3A_1026, %mul3A_1027 : vector<16xf32>
        %mul3A_1029 = arith.mulf %get3A_1025, %get3A_1025 : vector<16xf32>
        %add3A_1030 = arith.addf %add3A_1028, %mul3A_1029 : vector<16xf32>
        %mul3A_1031 = arith.mulf %add3A_1030, %get3A_422 : vector<16xf32>
        %exp3A_1032 = math.exp %mul3A_1031 : vector<16xf32>
        %lt3A_1033 = arith.constant 3.000000e+00 : f32
        %lt3A_1034 = vector.broadcast %lt3A_1033 : f32 to vector<16xf32>
        %lt3A_1035 = arith.cmpf olt, %add3A_1030, %lt3A_1034 : vector<16xf32>
        %jit3A_1036 = arith.constant 0.000000e+00 : f32
        %broadcast_in_dim3A_1037 = vector.broadcast %jit3A_1036 : f32 to vector<16xf32>
        %select_n3A_1038 = arith.select %lt3A_1035, %exp3A_1032, %broadcast_in_dim3A_1037 : vector<16xi1>, vector<16xf32>
        %add3A_1039 = arith.addf %scan3A_934, %select_n3A_1038 : vector<16xf32>
        %add3A_1040 = arith.constant 64 : i32
        %add3A_1041 = arith.addi %mul3A_940, %add3A_1040 : i32
        %get3A_1042 = arith.index_cast %scan3A_915 : i32 to index
        %get3A_1043 = arith.index_cast %add3A_1041 : i32 to index
        %get3A_1044 = tpu.vector_load %arg6[%get3A_1042, %get3A_1043] {strides = array<i32>} : memref<32x512xf32, #tpu.memory_space<vmem>>, vector<16xf32>,
        %get3A_1045 = arith.index_cast %scan3A_915 : i32 to index
        %get3A_1046 = arith.index_cast %add3A_1041 : i32 to index
        %get3A_1047 = tpu.vector_load %arg8[%get3A_1045, %get3A_1046] {strides = array<i32>} : memref<32x512xf32, #tpu.memory_space<vmem>>, vector<16xf32>,
        %get3A_1048 = arith.index_cast %scan3A_915 : i32 to index
        %get3A_1049 = arith.index_cast %add3A_1041 : i32 to index
        %get3A_1050 = tpu.vector_load %arg10[%get3A_1048, %get3A_1049] {strides = array<i32>} : memref<32x512xf32, #tpu.memory_space<vmem>>, vector<16xf32>,
        %mul3A_1051 = arith.mulf %get3A_1044, %get3A_1044 : vector<16xf32>
        %mul3A_1052 = arith.mulf %get3A_1047, %get3A_1047 : vector<16xf32>
        %add3A_1053 = arith.addf %mul3A_1051, %mul3A_1052 : vector<16xf32>
        %mul3A_1054 = arith.mulf %get3A_1050, %get3A_1050 : vector<16xf32>
        %add3A_1055 = arith.addf %add3A_1053, %mul3A_1054 : vector<16xf32>
        %mul3A_1056 = arith.mulf %add3A_1055, %get3A_422 : vector<16xf32>
        %exp3A_1057 = math.exp %mul3A_1056 : vector<16xf32>
        %lt3A_1058 = arith.constant 3.000000e+00 : f32
        %lt3A_1059 = vector.broadcast %lt3A_1058 : f32 to vector<16xf32>
        %lt3A_1060 = arith.cmpf olt, %add3A_1055, %lt3A_1059 : vector<16xf32>
        %jit3A_1061 = arith.constant 0.000000e+00 : f32
        %broadcast_in_dim3A_1062 = vector.broadcast %jit3A_1061 : f32 to vector<16xf32>
        %select_n3A_1063 = arith.select %lt3A_1060, %exp3A_1057, %broadcast_in_dim3A_1062 : vector<16xi1>, vector<16xf32>
        %add3A_1064 = arith.addf %scan3A_935, %select_n3A_1063 : vector<16xf32>
        %add3A_1065 = arith.constant 80 : i32
        %add3A_1066 = arith.addi %mul3A_940, %add3A_1065 : i32
        %get3A_1067 = arith.index_cast %scan3A_915 : i32 to index
        %get3A_1068 = arith.index_cast %add3A_1066 : i32 to index
        %get3A_1069 = tpu.vector_load %arg6[%get3A_1067, %get3A_1068] {strides = array<i32>} : memref<32x512xf32, #tpu.memory_space<vmem>>, vector<16xf32>,
        %get3A_1070 = arith.index_cast %scan3A_915 : i32 to index
        %get3A_1071 = arith.index_cast %add3A_1066 : i32 to index
        %get3A_1072 = tpu.vector_load %arg8[%get3A_1070, %get3A_1071] {strides = array<i32>} : memref<32x512xf32, #tpu.memory_space<vmem>>, vector<16xf32>,
        %get3A_1073 = arith.index_cast %scan3A_915 : i32 to index
        %get3A_1074 = arith.index_cast %add3A_1066 : i32 to index
        %get3A_1075 = tpu.vector_load %arg10[%get3A_1073, %get3A_1074] {strides = array<i32>} : memref<32x512xf32, #tpu.memory_space<vmem>>, vector<16xf32>,
        %mul3A_1076 = arith.mulf %get3A_1069, %get3A_1069 : vector<16xf32>
        %mul3A_1077 = arith.mulf %get3A_1072, %get3A_1072 : vector<16xf32>
        %add3A_1078 = arith.addf %mul3A_1076, %mul3A_1077 : vector<16xf32>
        %mul3A_1079 = arith.mulf %get3A_1075, %get3A_1075 : vector<16xf32>
        %add3A_1080 = arith.addf %add3A_1078, %mul3A_1079 : vector<16xf32>
        %mul3A_1081 = arith.mulf %add3A_1080, %get3A_422 : vector<16xf32>
        %exp3A_1082 = math.exp %mul3A_1081 : vector<16xf32>
        %lt3A_1083 = arith.constant 3.000000e+00 : f32
        %lt3A_1084 = vector.broadcast %lt3A_1083 : f32 to vector<16xf32>
        %lt3A_1085 = arith.cmpf olt, %add3A_1080, %lt3A_1084 : vector<16xf32>
        %jit3A_1086 = arith.constant 0.000000e+00 : f32
        %broadcast_in_dim3A_1087 = vector.broadcast %jit3A_1086 : f32 to vector<16xf32>
        %select_n3A_1088 = arith.select %lt3A_1085, %exp3A_1082, %broadcast_in_dim3A_1087 : vector<16xi1>, vector<16xf32>
        %add3A_1089 = arith.addf %scan3A_936, %select_n3A_1088 : vector<16xf32>
        %add3A_1090 = arith.constant 96 : i32
        %add3A_1091 = arith.addi %mul3A_940, %add3A_1090 : i32
        %get3A_1092 = arith.index_cast %scan3A_915 : i32 to index
        %get3A_1093 = arith.index_cast %add3A_1091 : i32 to index
        %get3A_1094 = tpu.vector_load %arg6[%get3A_1092, %get3A_1093] {strides = array<i32>} : memref<32x512xf32, #tpu.memory_space<vmem>>, vector<16xf32>,
        %get3A_1095 = arith.index_cast %scan3A_915 : i32 to index
        %get3A_1096 = arith.index_cast %add3A_1091 : i32 to index
        %get3A_1097 = tpu.vector_load %arg8[%get3A_1095, %get3A_1096] {strides = array<i32>} : memref<32x512xf32, #tpu.memory_space<vmem>>, vector<16xf32>,
        %get3A_1098 = arith.index_cast %scan3A_915 : i32 to index
        %get3A_1099 = arith.index_cast %add3A_1091 : i32 to index
        %get3A_1100 = tpu.vector_load %arg10[%get3A_1098, %get3A_1099] {strides = array<i32>} : memref<32x512xf32, #tpu.memory_space<vmem>>, vector<16xf32>,
        %mul3A_1101 = arith.mulf %get3A_1094, %get3A_1094 : vector<16xf32>
        %mul3A_1102 = arith.mulf %get3A_1097, %get3A_1097 : vector<16xf32>
        %add3A_1103 = arith.addf %mul3A_1101, %mul3A_1102 : vector<16xf32>
        %mul3A_1104 = arith.mulf %get3A_1100, %get3A_1100 : vector<16xf32>
        %add3A_1105 = arith.addf %add3A_1103, %mul3A_1104 : vector<16xf32>
        %mul3A_1106 = arith.mulf %add3A_1105, %get3A_422 : vector<16xf32>
        %exp3A_1107 = math.exp %mul3A_1106 : vector<16xf32>
        %lt3A_1108 = arith.constant 3.000000e+00 : f32
        %lt3A_1109 = vector.broadcast %lt3A_1108 : f32 to vector<16xf32>
        %lt3A_1110 = arith.cmpf olt, %add3A_1105, %lt3A_1109 : vector<16xf32>
        %jit3A_1111 = arith.constant 0.000000e+00 : f32
        %broadcast_in_dim3A_1112 = vector.broadcast %jit3A_1111 : f32 to vector<16xf32>
        %select_n3A_1113 = arith.select %lt3A_1110, %exp3A_1107, %broadcast_in_dim3A_1112 : vector<16xi1>, vector<16xf32>
        %add3A_1114 = arith.addf %scan3A_937, %select_n3A_1113 : vector<16xf32>
        %add3A_1115 = arith.constant 112 : i32
        %add3A_1116 = arith.addi %mul3A_940, %add3A_1115 : i32
        %get3A_1117 = arith.index_cast %scan3A_915 : i32 to index
        %get3A_1118 = arith.index_cast %add3A_1116 : i32 to index
        %get3A_1119 = tpu.vector_load %arg6[%get3A_1117, %get3A_1118] {strides = array<i32>} : memref<32x512xf32, #tpu.memory_space<vmem>>, vector<16xf32>,
        %get3A_1120 = arith.index_cast %scan3A_915 : i32 to index
        %get3A_1121 = arith.index_cast %add3A_1116 : i32 to index
        %get3A_1122 = tpu.vector_load %arg8[%get3A_1120, %get3A_1121] {strides = array<i32>} : memref<32x512xf32, #tpu.memory_space<vmem>>, vector<16xf32>,
        %get3A_1123 = arith.index_cast %scan3A_915 : i32 to index
        %get3A_1124 = arith.index_cast %add3A_1116 : i32 to index
        %get3A_1125 = tpu.vector_load %arg10[%get3A_1123, %get3A_1124] {strides = array<i32>} : memref<32x512xf32, #tpu.memory_space<vmem>>, vector<16xf32>,
        %mul3A_1126 = arith.mulf %get3A_1119, %get3A_1119 : vector<16xf32>
        %mul3A_1127 = arith.mulf %get3A_1122, %get3A_1122 : vector<16xf32>
        %add3A_1128 = arith.addf %mul3A_1126, %mul3A_1127 : vector<16xf32>
        %mul3A_1129 = arith.mulf %get3A_1125, %get3A_1125 : vector<16xf32>
        %add3A_1130 = arith.addf %add3A_1128, %mul3A_1129 : vector<16xf32>
        %mul3A_1131 = arith.mulf %add3A_1130, %get3A_422 : vector<16xf32>
        %exp3A_1132 = math.exp %mul3A_1131 : vector<16xf32>
        %lt3A_1133 = arith.constant 3.000000e+00 : f32
        %lt3A_1134 = vector.broadcast %lt3A_1133 : f32 to vector<16xf32>
        %lt3A_1135 = arith.cmpf olt, %add3A_1130, %lt3A_1134 : vector<16xf32>
        %jit3A_1136 = arith.constant 0.000000e+00 : f32
        %broadcast_in_dim3A_1137 = vector.broadcast %jit3A_1136 : f32 to vector<16xf32>
        %select_n3A_1138 = arith.select %lt3A_1135, %exp3A_1132, %broadcast_in_dim3A_1137 : vector<16xi1>, vector<16xf32>
        %add3A_1139 = arith.addf %scan3A_938, %select_n3A_1138 : vector<16xf32>
        %add3A_1140 = arith.constant 128 : i32
        %add3A_1141 = arith.addi %mul3A_940, %add3A_1140 : i32
        %get3A_1142 = arith.index_cast %scan3A_915 : i32 to index
        %get3A_1143 = arith.index_cast %add3A_1141 : i32 to index
        %get3A_1144 = tpu.vector_load %arg6[%get3A_1142, %get3A_1143] {strides = array<i32>} : memref<32x512xf32, #tpu.memory_space<vmem>>, vector<16xf32>,
        %get3A_1145 = arith.index_cast %scan3A_915 : i32 to index
        %get3A_1146 = arith.index_cast %add3A_1141 : i32 to index
        %get3A_1147 = tpu.vector_load %arg8[%get3A_1145, %get3A_1146] {strides = array<i32>} : memref<32x512xf32, #tpu.memory_space<vmem>>, vector<16xf32>,
        %get3A_1148 = arith.index_cast %scan3A_915 : i32 to index
        %get3A_1149 = arith.index_cast %add3A_1141 : i32 to index
        %get3A_1150 = tpu.vector_load %arg10[%get3A_1148, %get3A_1149] {strides = array<i32>} : memref<32x512xf32, #tpu.memory_space<vmem>>, vector<16xf32>,
        %mul3A_1151 = arith.mulf %get3A_1144, %get3A_1144 : vector<16xf32>
        %mul3A_1152 = arith.mulf %get3A_1147, %get3A_1147 : vector<16xf32>
        %add3A_1153 = arith.addf %mul3A_1151, %mul3A_1152 : vector<16xf32>
        %mul3A_1154 = arith.mulf %get3A_1150, %get3A_1150 : vector<16xf32>
        %add3A_1155 = arith.addf %add3A_1153, %mul3A_1154 : vector<16xf32>
        %mul3A_1156 = arith.mulf %add3A_1155, %get3A_422 : vector<16xf32>
        %exp3A_1157 = math.exp %mul3A_1156 : vector<16xf32>
        %lt3A_1158 = arith.constant 3.000000e+00 : f32
        %lt3A_1159 = vector.broadcast %lt3A_1158 : f32 to vector<16xf32>
        %lt3A_1160 = arith.cmpf olt, %add3A_1155, %lt3A_1159 : vector<16xf32>
        %jit3A_1161 = arith.constant 0.000000e+00 : f32
        %broadcast_in_dim3A_1162 = vector.broadcast %jit3A_1161 : f32 to vector<16xf32>
        %select_n3A_1163 = arith.select %lt3A_1160, %exp3A_1157, %broadcast_in_dim3A_1162 : vector<16xi1>, vector<16xf32>
        %add3A_1164 = arith.addf %add3A_964, %select_n3A_1163 : vector<16xf32>
        %add3A_1165 = arith.constant 144 : i32
        %add3A_1166 = arith.addi %mul3A_940, %add3A_1165 : i32
        %get3A_1167 = arith.index_cast %scan3A_915 : i32 to index
        %get3A_1168 = arith.index_cast %add3A_1166 : i32 to index
        %get3A_1169 = tpu.vector_load %arg6[%get3A_1167, %get3A_1168] {strides = array<i32>} : memref<32x512xf32, #tpu.memory_space<vmem>>, vector<16xf32>,
        %get3A_1170 = arith.index_cast %scan3A_915 : i32 to index
        %get3A_1171 = arith.index_cast %add3A_1166 : i32 to index
        %get3A_1172 = tpu.vector_load %arg8[%get3A_1170, %get3A_1171] {strides = array<i32>} : memref<32x512xf32, #tpu.memory_space<vmem>>, vector<16xf32>,
        %get3A_1173 = arith.index_cast %scan3A_915 : i32 to index
        %get3A_1174 = arith.index_cast %add3A_1166 : i32 to index
        %get3A_1175 = tpu.vector_load %arg10[%get3A_1173, %get3A_1174] {strides = array<i32>} : memref<32x512xf32, #tpu.memory_space<vmem>>, vector<16xf32>,
        %mul3A_1176 = arith.mulf %get3A_1169, %get3A_1169 : vector<16xf32>
        %mul3A_1177 = arith.mulf %get3A_1172, %get3A_1172 : vector<16xf32>
        %add3A_1178 = arith.addf %mul3A_1176, %mul3A_1177 : vector<16xf32>
        %mul3A_1179 = arith.mulf %get3A_1175, %get3A_1175 : vector<16xf32>
        %add3A_1180 = arith.addf %add3A_1178, %mul3A_1179 : vector<16xf32>
        %mul3A_1181 = arith.mulf %add3A_1180, %get3A_422 : vector<16xf32>
        %exp3A_1182 = math.exp %mul3A_1181 : vector<16xf32>
        %lt3A_1183 = arith.constant 3.000000e+00 : f32
        %lt3A_1184 = vector.broadcast %lt3A_1183 : f32 to vector<16xf32>
        %lt3A_1185 = arith.cmpf olt, %add3A_1180, %lt3A_1184 : vector<16xf32>
        %jit3A_1186 = arith.constant 0.000000e+00 : f32
        %broadcast_in_dim3A_1187 = vector.broadcast %jit3A_1186 : f32 to vector<16xf32>
        %select_n3A_1188 = arith.select %lt3A_1185, %exp3A_1182, %broadcast_in_dim3A_1187 : vector<16xi1>, vector<16xf32>
        %add3A_1189 = arith.addf %add3A_989, %select_n3A_1188 : vector<16xf32>
        %add3A_1190 = arith.constant 160 : i32
        %add3A_1191 = arith.addi %mul3A_940, %add3A_1190 : i32
        %get3A_1192 = arith.index_cast %scan3A_915 : i32 to index
        %get3A_1193 = arith.index_cast %add3A_1191 : i32 to index
        %get3A_1194 = tpu.vector_load %arg6[%get3A_1192, %get3A_1193] {strides = array<i32>} : memref<32x512xf32, #tpu.memory_space<vmem>>, vector<16xf32>,
        %get3A_1195 = arith.index_cast %scan3A_915 : i32 to index
        %get3A_1196 = arith.index_cast %add3A_1191 : i32 to index
        %get3A_1197 = tpu.vector_load %arg8[%get3A_1195, %get3A_1196] {strides = array<i32>} : memref<32x512xf32, #tpu.memory_space<vmem>>, vector<16xf32>,
        %get3A_1198 = arith.index_cast %scan3A_915 : i32 to index
        %get3A_1199 = arith.index_cast %add3A_1191 : i32 to index
        %get3A_1200 = tpu.vector_load %arg10[%get3A_1198, %get3A_1199] {strides = array<i32>} : memref<32x512xf32, #tpu.memory_space<vmem>>, vector<16xf32>,
        %mul3A_1201 = arith.mulf %get3A_1194, %get3A_1194 : vector<16xf32>
        %mul3A_1202 = arith.mulf %get3A_1197, %get3A_1197 : vector<16xf32>
        %add3A_1203 = arith.addf %mul3A_1201, %mul3A_1202 : vector<16xf32>
        %mul3A_1204 = arith.mulf %get3A_1200, %get3A_1200 : vector<16xf32>
        %add3A_1205 = arith.addf %add3A_1203, %mul3A_1204 : vector<16xf32>
        %mul3A_1206 = arith.mulf %add3A_1205, %get3A_422 : vector<16xf32>
        %exp3A_1207 = math.exp %mul3A_1206 : vector<16xf32>
        %lt3A_1208 = arith.constant 3.000000e+00 : f32
        %lt3A_1209 = vector.broadcast %lt3A_1208 : f32 to vector<16xf32>
        %lt3A_1210 = arith.cmpf olt, %add3A_1205, %lt3A_1209 : vector<16xf32>
        %jit3A_1211 = arith.constant 0.000000e+00 : f32
        %broadcast_in_dim3A_1212 = vector.broadcast %jit3A_1211 : f32 to vector<16xf32>
        %select_n3A_1213 = arith.select %lt3A_1210, %exp3A_1207, %broadcast_in_dim3A_1212 : vector<16xi1>, vector<16xf32>
        %add3A_1214 = arith.addf %add3A_1014, %select_n3A_1213 : vector<16xf32>
        %add3A_1215 = arith.constant 176 : i32
        %add3A_1216 = arith.addi %mul3A_940, %add3A_1215 : i32
        %get3A_1217 = arith.index_cast %scan3A_915 : i32 to index
        %get3A_1218 = arith.index_cast %add3A_1216 : i32 to index
        %get3A_1219 = tpu.vector_load %arg6[%get3A_1217, %get3A_1218] {strides = array<i32>} : memref<32x512xf32, #tpu.memory_space<vmem>>, vector<16xf32>,
        %get3A_1220 = arith.index_cast %scan3A_915 : i32 to index
        %get3A_1221 = arith.index_cast %add3A_1216 : i32 to index
        %get3A_1222 = tpu.vector_load %arg8[%get3A_1220, %get3A_1221] {strides = array<i32>} : memref<32x512xf32, #tpu.memory_space<vmem>>, vector<16xf32>,
        %get3A_1223 = arith.index_cast %scan3A_915 : i32 to index
        %get3A_1224 = arith.index_cast %add3A_1216 : i32 to index
        %get3A_1225 = tpu.vector_load %arg10[%get3A_1223, %get3A_1224] {strides = array<i32>} : memref<32x512xf32, #tpu.memory_space<vmem>>, vector<16xf32>,
        %mul3A_1226 = arith.mulf %get3A_1219, %get3A_1219 : vector<16xf32>
        %mul3A_1227 = arith.mulf %get3A_1222, %get3A_1222 : vector<16xf32>
        %add3A_1228 = arith.addf %mul3A_1226, %mul3A_1227 : vector<16xf32>
        %mul3A_1229 = arith.mulf %get3A_1225, %get3A_1225 : vector<16xf32>
        %add3A_1230 = arith.addf %add3A_1228, %mul3A_1229 : vector<16xf32>
        %mul3A_1231 = arith.mulf %add3A_1230, %get3A_422 : vector<16xf32>
        %exp3A_1232 = math.exp %mul3A_1231 : vector<16xf32>
        %lt3A_1233 = arith.constant 3.000000e+00 : f32
        %lt3A_1234 = vector.broadcast %lt3A_1233 : f32 to vector<16xf32>
        %lt3A_1235 = arith.cmpf olt, %add3A_1230, %lt3A_1234 : vector<16xf32>
        %jit3A_1236 = arith.constant 0.000000e+00 : f32
        %broadcast_in_dim3A_1237 = vector.broadcast %jit3A_1236 : f32 to vector<16xf32>
        %select_n3A_1238 = arith.select %lt3A_1235, %exp3A_1232, %broadcast_in_dim3A_1237 : vector<16xi1>, vector<16xf32>
        %add3A_1239 = arith.addf %add3A_1039, %select_n3A_1238 : vector<16xf32>
        %add3A_1240 = arith.constant 192 : i32
        %add3A_1241 = arith.addi %mul3A_940, %add3A_1240 : i32
        %get3A_1242 = arith.index_cast %scan3A_915 : i32 to index
        %get3A_1243 = arith.index_cast %add3A_1241 : i32 to index
        %get3A_1244 = tpu.vector_load %arg6[%get3A_1242, %get3A_1243] {strides = array<i32>} : memref<32x512xf32, #tpu.memory_space<vmem>>, vector<16xf32>,
        %get3A_1245 = arith.index_cast %scan3A_915 : i32 to index
        %get3A_1246 = arith.index_cast %add3A_1241 : i32 to index
        %get3A_1247 = tpu.vector_load %arg8[%get3A_1245, %get3A_1246] {strides = array<i32>} : memref<32x512xf32, #tpu.memory_space<vmem>>, vector<16xf32>,
        %get3A_1248 = arith.index_cast %scan3A_915 : i32 to index
        %get3A_1249 = arith.index_cast %add3A_1241 : i32 to index
        %get3A_1250 = tpu.vector_load %arg10[%get3A_1248, %get3A_1249] {strides = array<i32>} : memref<32x512xf32, #tpu.memory_space<vmem>>, vector<16xf32>,
        %mul3A_1251 = arith.mulf %get3A_1244, %get3A_1244 : vector<16xf32>
        %mul3A_1252 = arith.mulf %get3A_1247, %get3A_1247 : vector<16xf32>
        %add3A_1253 = arith.addf %mul3A_1251, %mul3A_1252 : vector<16xf32>
        %mul3A_1254 = arith.mulf %get3A_1250, %get3A_1250 : vector<16xf32>
        %add3A_1255 = arith.addf %add3A_1253, %mul3A_1254 : vector<16xf32>
        %mul3A_1256 = arith.mulf %add3A_1255, %get3A_422 : vector<16xf32>
        %exp3A_1257 = math.exp %mul3A_1256 : vector<16xf32>
        %lt3A_1258 = arith.constant 3.000000e+00 : f32
        %lt3A_1259 = vector.broadcast %lt3A_1258 : f32 to vector<16xf32>
        %lt3A_1260 = arith.cmpf olt, %add3A_1255, %lt3A_1259 : vector<16xf32>
        %jit3A_1261 = arith.constant 0.000000e+00 : f32
        %broadcast_in_dim3A_1262 = vector.broadcast %jit3A_1261 : f32 to vector<16xf32>
        %select_n3A_1263 = arith.select %lt3A_1260, %exp3A_1257, %broadcast_in_dim3A_1262 : vector<16xi1>, vector<16xf32>
        %add3A_1264 = arith.addf %add3A_1064, %select_n3A_1263 : vector<16xf32>
        %add3A_1265 = arith.constant 208 : i32
        %add3A_1266 = arith.addi %mul3A_940, %add3A_1265 : i32
        %get3A_1267 = arith.index_cast %scan3A_915 : i32 to index
        %get3A_1268 = arith.index_cast %add3A_1266 : i32 to index
        %get3A_1269 = tpu.vector_load %arg6[%get3A_1267, %get3A_1268] {strides = array<i32>} : memref<32x512xf32, #tpu.memory_space<vmem>>, vector<16xf32>,
        %get3A_1270 = arith.index_cast %scan3A_915 : i32 to index
        %get3A_1271 = arith.index_cast %add3A_1266 : i32 to index
        %get3A_1272 = tpu.vector_load %arg8[%get3A_1270, %get3A_1271] {strides = array<i32>} : memref<32x512xf32, #tpu.memory_space<vmem>>, vector<16xf32>,
        %get3A_1273 = arith.index_cast %scan3A_915 : i32 to index
        %get3A_1274 = arith.index_cast %add3A_1266 : i32 to index
        %get3A_1275 = tpu.vector_load %arg10[%get3A_1273, %get3A_1274] {strides = array<i32>} : memref<32x512xf32, #tpu.memory_space<vmem>>, vector<16xf32>,
        %mul3A_1276 = arith.mulf %get3A_1269, %get3A_1269 : vector<16xf32>
        %mul3A_1277 = arith.mulf %get3A_1272, %get3A_1272 : vector<16xf32>
        %add3A_1278 = arith.addf %mul3A_1276, %mul3A_1277 : vector<16xf32>
        %mul3A_1279 = arith.mulf %get3A_1275, %get3A_1275 : vector<16xf32>
        %add3A_1280 = arith.addf %add3A_1278, %mul3A_1279 : vector<16xf32>
        %mul3A_1281 = arith.mulf %add3A_1280, %get3A_422 : vector<16xf32>
        %exp3A_1282 = math.exp %mul3A_1281 : vector<16xf32>
        %lt3A_1283 = arith.constant 3.000000e+00 : f32
        %lt3A_1284 = vector.broadcast %lt3A_1283 : f32 to vector<16xf32>
        %lt3A_1285 = arith.cmpf olt, %add3A_1280, %lt3A_1284 : vector<16xf32>
        %jit3A_1286 = arith.constant 0.000000e+00 : f32
        %broadcast_in_dim3A_1287 = vector.broadcast %jit3A_1286 : f32 to vector<16xf32>
        %select_n3A_1288 = arith.select %lt3A_1285, %exp3A_1282, %broadcast_in_dim3A_1287 : vector<16xi1>, vector<16xf32>
        %add3A_1289 = arith.addf %add3A_1089, %select_n3A_1288 : vector<16xf32>
        %add3A_1290 = arith.constant 224 : i32
        %add3A_1291 = arith.addi %mul3A_940, %add3A_1290 : i32
        %get3A_1292 = arith.index_cast %scan3A_915 : i32 to index
        %get3A_1293 = arith.index_cast %add3A_1291 : i32 to index
        %get3A_1294 = tpu.vector_load %arg6[%get3A_1292, %get3A_1293] {strides = array<i32>} : memref<32x512xf32, #tpu.memory_space<vmem>>, vector<16xf32>,
        %get3A_1295 = arith.index_cast %scan3A_915 : i32 to index
        %get3A_1296 = arith.index_cast %add3A_1291 : i32 to index
        %get3A_1297 = tpu.vector_load %arg8[%get3A_1295, %get3A_1296] {strides = array<i32>} : memref<32x512xf32, #tpu.memory_space<vmem>>, vector<16xf32>,
        %get3A_1298 = arith.index_cast %scan3A_915 : i32 to index
        %get3A_1299 = arith.index_cast %add3A_1291 : i32 to index
        %get3A_1300 = tpu.vector_load %arg10[%get3A_1298, %get3A_1299] {strides = array<i32>} : memref<32x512xf32, #tpu.memory_space<vmem>>, vector<16xf32>,
        %mul3A_1301 = arith.mulf %get3A_1294, %get3A_1294 : vector<16xf32>
        %mul3A_1302 = arith.mulf %get3A_1297, %get3A_1297 : vector<16xf32>
        %add3A_1303 = arith.addf %mul3A_1301, %mul3A_1302 : vector<16xf32>
        %mul3A_1304 = arith.mulf %get3A_1300, %get3A_1300 : vector<16xf32>
        %add3A_1305 = arith.addf %add3A_1303, %mul3A_1304 : vector<16xf32>
        %mul3A_1306 = arith.mulf %add3A_1305, %get3A_422 : vector<16xf32>
        %exp3A_1307 = math.exp %mul3A_1306 : vector<16xf32>
        %lt3A_1308 = arith.constant 3.000000e+00 : f32
        %lt3A_1309 = vector.broadcast %lt3A_1308 : f32 to vector<16xf32>
        %lt3A_1310 = arith.cmpf olt, %add3A_1305, %lt3A_1309 : vector<16xf32>
        %jit3A_1311 = arith.constant 0.000000e+00 : f32
        %broadcast_in_dim3A_1312 = vector.broadcast %jit3A_1311 : f32 to vector<16xf32>
        %select_n3A_1313 = arith.select %lt3A_1310, %exp3A_1307, %broadcast_in_dim3A_1312 : vector<16xi1>, vector<16xf32>
        %add3A_1314 = arith.addf %add3A_1114, %select_n3A_1313 : vector<16xf32>
        %add3A_1315 = arith.constant 240 : i32
        %add3A_1316 = arith.addi %mul3A_940, %add3A_1315 : i32
        %get3A_1317 = arith.index_cast %scan3A_915 : i32 to index
        %get3A_1318 = arith.index_cast %add3A_1316 : i32 to index
        %get3A_1319 = tpu.vector_load %arg6[%get3A_1317, %get3A_1318] {strides = array<i32>} : memref<32x512xf32, #tpu.memory_space<vmem>>, vector<16xf32>,
        %get3A_1320 = arith.index_cast %scan3A_915 : i32 to index
        %get3A_1321 = arith.index_cast %add3A_1316 : i32 to index
        %get3A_1322 = tpu.vector_load %arg8[%get3A_1320, %get3A_1321] {strides = array<i32>} : memref<32x512xf32, #tpu.memory_space<vmem>>, vector<16xf32>,
        %get3A_1323 = arith.index_cast %scan3A_915 : i32 to index
        %get3A_1324 = arith.index_cast %add3A_1316 : i32 to index
        %get3A_1325 = tpu.vector_load %arg10[%get3A_1323, %get3A_1324] {strides = array<i32>} : memref<32x512xf32, #tpu.memory_space<vmem>>, vector<16xf32>,
        %mul3A_1326 = arith.mulf %get3A_1319, %get3A_1319 : vector<16xf32>
        %mul3A_1327 = arith.mulf %get3A_1322, %get3A_1322 : vector<16xf32>
        %add3A_1328 = arith.addf %mul3A_1326, %mul3A_1327 : vector<16xf32>
        %mul3A_1329 = arith.mulf %get3A_1325, %get3A_1325 : vector<16xf32>
        %add3A_1330 = arith.addf %add3A_1328, %mul3A_1329 : vector<16xf32>
        %mul3A_1331 = arith.mulf %add3A_1330, %get3A_422 : vector<16xf32>
        %exp3A_1332 = math.exp %mul3A_1331 : vector<16xf32>
        %lt3A_1333 = arith.constant 3.000000e+00 : f32
        %lt3A_1334 = vector.broadcast %lt3A_1333 : f32 to vector<16xf32>
        %lt3A_1335 = arith.cmpf olt, %add3A_1330, %lt3A_1334 : vector<16xf32>
        %jit3A_1336 = arith.constant 0.000000e+00 : f32
        %broadcast_in_dim3A_1337 = vector.broadcast %jit3A_1336 : f32 to vector<16xf32>
        %select_n3A_1338 = arith.select %lt3A_1335, %exp3A_1332, %broadcast_in_dim3A_1337 : vector<16xi1>, vector<16xf32>
        %add3A_1339 = arith.addf %add3A_1139, %select_n3A_1338 : vector<16xf32>
        scf.yield %add3A_1164, %add3A_1189, %add3A_1214, %add3A_1239, %add3A_1264, %add3A_1289, %add3A_1314, %add3A_1339 : vector<16xf32>, vector<16xf32>, vector<16xf32>, vector<16xf32>, vector<16xf32>, vector<16xf32>, vector<16xf32>, vector<16xf32>
      }
      %scan3A_929 = arith.constant 2 : i32
      scf.yield %scan3A_928#0, %scan3A_928#1, %scan3A_928#2, %scan3A_928#3, %scan3A_928#4, %scan3A_928#5, %scan3A_928#6, %scan3A_928#7 : vector<16xf32>, vector<16xf32>, vector<16xf32>, vector<16xf32>, vector<16xf32>, vector<16xf32>, vector<16xf32>, vector<16xf32>
    }
    %scan3A_520 = arith.constant 32 : i32
    %add3A_521 = arith.addf %scan3A_519#0, %scan3A_519#1 : vector<16xf32>
    %add3A_522 = arith.addf %scan3A_519#2, %scan3A_519#3 : vector<16xf32>
    %add3A_523 = arith.addf %add3A_521, %add3A_522 : vector<16xf32>
    %add3A_524 = arith.addf %scan3A_519#4, %scan3A_519#5 : vector<16xf32>
    %add3A_525 = arith.addf %scan3A_519#6, %scan3A_519#7 : vector<16xf32>
    %add3A_526 = arith.addf %add3A_524, %add3A_525 : vector<16xf32>
    %add3A_527 = arith.addf %add3A_523, %add3A_526 : vector<16xf32>
    %swap3A_528 = arith.constant 0 : index
    %swap3A_529 = tpu.vector_load %arg12[%swap3A_528] {strides = array<i32>} : memref<16xf32, #tpu.memory_space<vmem>>, vector<16xf32>,
    tpu.vector_store %arg12[%swap3A_528], %add3A_527 {strides = array<i32>} : memref<16xf32, #tpu.memory_space<vmem>>, vector<16xf32>,
    %jit3A_530 = arith.constant 4 : i32
    %eq3A_531 = arith.constant 0 : i32
    %eq3A_532 = arith.cmpi eq, %jit3A_530, %eq3A_531 : i32
    %jit3A_533 = arith.constant 1 : i32
    %select_n3A_534 = arith.select %eq3A_532, %jit3A_533, %jit3A_530 : i32
    %rem3A_535 = arith.remsi %add3A_391, %select_n3A_534 : i32
    %ne3A_536 = arith.constant 0 : i32
    %ne3A_537 = arith.cmpi ne, %rem3A_535, %ne3A_536 : i32
    %lt3A_538 = arith.constant 0 : i32
    %lt3A_539 = arith.cmpi slt, %rem3A_535, %lt3A_538 : i32
    %lt3A_540 = arith.constant 0 : i32
    %lt3A_541 = arith.cmpi slt, %select_n3A_534, %lt3A_540 : i32
    %ne3A_542 = arith.xori %lt3A_539, %lt3A_541 : i1
    %and3A_543 = arith.andi %ne3A_542, %ne3A_537 : i1
    %add3A_544 = arith.addi %rem3A_535, %select_n3A_534 : i32
    %select_n3A_545 = arith.select %and3A_543, %add3A_544, %rem3A_535 : i32
    %jit3A_546 = arith.constant 4 : i32
    %div3A_547 = arith.divsi %add3A_391, %jit3A_546 : i32
    %sign3A_548 = arith.constant 0 : i32
    %sign3A_549 = arith.cmpi sgt, %add3A_391, %sign3A_548 : i32
    %sign3A_550 = arith.extui %sign3A_549 : i1 to i32
    %sign3A_551 = arith.constant 0 : i32
    %sign3A_552 = arith.cmpi slt, %add3A_391, %sign3A_551 : i32
    %sign3A_553 = arith.extui %sign3A_552 : i1 to i32
    %sign3A_554 = arith.subi %sign3A_550, %sign3A_553 : i32
    %sign3A_555 = arith.constant 0 : i32
    %sign3A_556 = arith.cmpi sgt, %jit3A_546, %sign3A_555 : i32
    %sign3A_557 = arith.extui %sign3A_556 : i1 to i32
    %sign3A_558 = arith.constant 0 : i32
    %sign3A_559 = arith.cmpi slt, %jit3A_546, %sign3A_558 : i32
    %sign3A_560 = arith.extui %sign3A_559 : i1 to i32
    %sign3A_561 = arith.subi %sign3A_557, %sign3A_560 : i32
    %ne3A_562 = arith.cmpi ne, %sign3A_554, %sign3A_561 : i32
    %rem3A_563 = arith.remsi %add3A_391, %jit3A_546 : i32
    %ne3A_564 = arith.constant 0 : i32
    %ne3A_565 = arith.cmpi ne, %rem3A_563, %ne3A_564 : i32
    %and3A_566 = arith.andi %ne3A_562, %ne3A_565 : i1
    %sub3A_567 = arith.constant 1 : i32
    %sub3A_568 = arith.subi %div3A_547, %sub3A_567 : i32
    %select_n3A_569 = arith.select %and3A_566, %sub3A_568, %div3A_547 : i32
    %mul3A_570 = arith.constant 16 : i32
    %mul3A_571 = arith.muli %select_n3A_545, %mul3A_570 : i32
    "tpu.region"() ({
      %run_scoped3A = tpu.sem_alloc : memref<!tpu.dma_semaphore, #tpu.memory_space<semaphore_mem>>
      %dma_start3A_915 = tpu.memref_slice %arg4[%select_n3A_569, %mul3A_571] : memref<32x64xf32, #tpu.memory_space<hbm>> -> memref<1x16xf32, #tpu.memory_space<hbm>>
      %dma_start3A_916 = tpu.memref_squeeze %dma_start3A_915 : memref<1x16xf32, #tpu.memory_space<hbm>> -> memref<16xf32, #tpu.memory_space<hbm>>
      %dma_start3A_917 = tpu.memref_slice %arg4[%select_n3A_569, %mul3A_571] : memref<32x64xf32, #tpu.memory_space<hbm>> -> memref<1x16xf32, #tpu.memory_space<hbm>>
      %dma_start3A_918 = tpu.memref_squeeze %dma_start3A_917 : memref<1x16xf32, #tpu.memory_space<hbm>> -> memref<16xf32, #tpu.memory_space<hbm>>
      tpu.enqueue_dma source(%arg12 : memref<16xf32, #tpu.memory_space<vmem>>) target(%dma_start3A_918 : memref<16xf32, #tpu.memory_space<hbm>>) target_semaphore(%run_scoped3A : memref<!tpu.dma_semaphore, #tpu.memory_space<semaphore_mem>>)
      %dma_wait3A_919 = tpu.memref_slice %arg4[%select_n3A_569, %mul3A_571] : memref<32x64xf32, #tpu.memory_space<hbm>> -> memref<1x16xf32, #tpu.memory_space<hbm>>
      %dma_wait3A_920 = tpu.memref_squeeze %dma_wait3A_919 : memref<1x16xf32, #tpu.memory_space<hbm>> -> memref<16xf32, #tpu.memory_space<hbm>>
      %dma_wait3A_921 = tpu.memref_slice %arg4[%select_n3A_569, %mul3A_571] : memref<32x64xf32, #tpu.memory_space<hbm>> -> memref<1x16xf32, #tpu.memory_space<hbm>>
      %dma_wait3A_922 = tpu.memref_squeeze %dma_wait3A_921 : memref<1x16xf32, #tpu.memory_space<hbm>> -> memref<16xf32, #tpu.memory_space<hbm>>
      tpu.wait_dma2 semaphore(%run_scoped3A : memref<!tpu.dma_semaphore, #tpu.memory_space<semaphore_mem>>) src(%arg12 : memref<16xf32, #tpu.memory_space<vmem>>) dst(%dma_wait3A_922 : memref<16xf32, #tpu.memory_space<hbm>>)
      tpu.yield
    }) : () -> ()
    %add3A_572 = arith.constant 2 : i32
    %add3A_573 = arith.addi %mul3A_2, %add3A_572 : i32
    %jit3A_574 = arith.constant 4 : i32
    %div3A_575 = arith.divsi %add3A_573, %jit3A_574 : i32
    %sign3A_576 = arith.constant 0 : i32
    %sign3A_577 = arith.cmpi sgt, %add3A_573, %sign3A_576 : i32
    %sign3A_578 = arith.extui %sign3A_577 : i1 to i32
    %sign3A_579 = arith.constant 0 : i32
    %sign3A_580 = arith.cmpi slt, %add3A_573, %sign3A_579 : i32
    %sign3A_581 = arith.extui %sign3A_580 : i1 to i32
    %sign3A_582 = arith.subi %sign3A_578, %sign3A_581 : i32
    %sign3A_583 = arith.constant 0 : i32
    %sign3A_584 = arith.cmpi sgt, %jit3A_574, %sign3A_583 : i32
    %sign3A_585 = arith.extui %sign3A_584 : i1 to i32
    %sign3A_586 = arith.constant 0 : i32
    %sign3A_587 = arith.cmpi slt, %jit3A_574, %sign3A_586 : i32
    %sign3A_588 = arith.extui %sign3A_587 : i1 to i32
    %sign3A_589 = arith.subi %sign3A_585, %sign3A_588 : i32
    %ne3A_590 = arith.cmpi ne, %sign3A_582, %sign3A_589 : i32
    %rem3A_591 = arith.remsi %add3A_573, %jit3A_574 : i32
    %ne3A_592 = arith.constant 0 : i32
    %ne3A_593 = arith.cmpi ne, %rem3A_591, %ne3A_592 : i32
    %and3A_594 = arith.andi %ne3A_590, %ne3A_593 : i1
    %sub3A_595 = arith.constant 1 : i32
    %sub3A_596 = arith.subi %div3A_575, %sub3A_595 : i32
    %select_n3A_597 = arith.select %and3A_594, %sub3A_596, %div3A_575 : i32
    %add3A_598 = arith.constant 32 : i32
    %add3A_599 = arith.addi %add3A_598, %select_n3A_597 : i32
    %sub3A_600 = arith.constant 32 : i32
    %sub3A_601 = arith.subi %add3A_599, %sub3A_600 : i32
    %get3A_602 = arith.index_cast %sub3A_601 : i32 to index
    %get3A_603 = arith.constant 0 : index
    %get3A_604 = tpu.vector_load %arg11[%get3A_602, %get3A_603] {strides = array<i32>} : memref<32x16xf32, #tpu.memory_space<vmem>>, vector<16xf32>,
    %broadcast_in_dim3A_605 = arith.constant 0.000000e+00 : f32
    %broadcast_in_dim3A_606 = vector.broadcast %broadcast_in_dim3A_605 : f32 to vector<16xf32>
    %dma_start3A_607 = arith.constant 0 : i32
    %dma_start3A_608 = arith.constant 0 : i32
    %dma_start3A_609 = tpu.memref_slice %arg2[%add3A_120, %dma_start3A_607, %add3A_142, %dma_start3A_608] : memref<64x3x256x512xf32, #tpu.memory_space<hbm>> -> memref<1x1x32x512xf32, #tpu.memory_space<hbm>>
    %dma_start3A_610 = tpu.memref_squeeze %dma_start3A_609 : memref<1x1x32x512xf32, #tpu.memory_space<hbm>> -> memref<32x512xf32, #tpu.memory_space<hbm>>
    %dma_start3A_611 = arith.constant 0 : i32
    %dma_start3A_612 = tpu.memref_slice %arg2[%add3A_120, %dma_start3A_607, %add3A_142, %dma_start3A_611] : memref<64x3x256x512xf32, #tpu.memory_space<hbm>> -> memref<1x1x32x512xf32, #tpu.memory_space<hbm>>
    %dma_start3A_613 = tpu.memref_squeeze %dma_start3A_612 : memref<1x1x32x512xf32, #tpu.memory_space<hbm>> -> memref<32x512xf32, #tpu.memory_space<hbm>>
    tpu.enqueue_dma source(%dma_start3A_613 : memref<32x512xf32, #tpu.memory_space<hbm>>) target(%arg6 : memref<32x512xf32, #tpu.memory_space<vmem>>) target_semaphore(%arg14 : memref<!tpu.dma_semaphore, #tpu.memory_space<semaphore_mem>>)
    %dma_start3A_614 = arith.constant 1 : i32
    %dma_start3A_615 = arith.constant 0 : i32
    %dma_start3A_616 = tpu.memref_slice %arg2[%add3A_120, %dma_start3A_614, %add3A_142, %dma_start3A_615] : memref<64x3x256x512xf32, #tpu.memory_space<hbm>> -> memref<1x1x32x512xf32, #tpu.memory_space<hbm>>
    %dma_start3A_617 = tpu.memref_squeeze %dma_start3A_616 : memref<1x1x32x512xf32, #tpu.memory_space<hbm>> -> memref<32x512xf32, #tpu.memory_space<hbm>>
    %dma_start3A_618 = arith.constant 0 : i32
    %dma_start3A_619 = tpu.memref_slice %arg2[%add3A_120, %dma_start3A_614, %add3A_142, %dma_start3A_618] : memref<64x3x256x512xf32, #tpu.memory_space<hbm>> -> memref<1x1x32x512xf32, #tpu.memory_space<hbm>>
    %dma_start3A_620 = tpu.memref_squeeze %dma_start3A_619 : memref<1x1x32x512xf32, #tpu.memory_space<hbm>> -> memref<32x512xf32, #tpu.memory_space<hbm>>
    tpu.enqueue_dma source(%dma_start3A_620 : memref<32x512xf32, #tpu.memory_space<hbm>>) target(%arg8 : memref<32x512xf32, #tpu.memory_space<vmem>>) target_semaphore(%arg14 : memref<!tpu.dma_semaphore, #tpu.memory_space<semaphore_mem>>)
    %dma_start3A_621 = arith.constant 2 : i32
    %dma_start3A_622 = arith.constant 0 : i32
    %dma_start3A_623 = tpu.memref_slice %arg2[%add3A_120, %dma_start3A_621, %add3A_142, %dma_start3A_622] : memref<64x3x256x512xf32, #tpu.memory_space<hbm>> -> memref<1x1x32x512xf32, #tpu.memory_space<hbm>>
    %dma_start3A_624 = tpu.memref_squeeze %dma_start3A_623 : memref<1x1x32x512xf32, #tpu.memory_space<hbm>> -> memref<32x512xf32, #tpu.memory_space<hbm>>
    %dma_start3A_625 = arith.constant 0 : i32
    %dma_start3A_626 = tpu.memref_slice %arg2[%add3A_120, %dma_start3A_621, %add3A_142, %dma_start3A_625] : memref<64x3x256x512xf32, #tpu.memory_space<hbm>> -> memref<1x1x32x512xf32, #tpu.memory_space<hbm>>
    %dma_start3A_627 = tpu.memref_squeeze %dma_start3A_626 : memref<1x1x32x512xf32, #tpu.memory_space<hbm>> -> memref<32x512xf32, #tpu.memory_space<hbm>>
    tpu.enqueue_dma source(%dma_start3A_627 : memref<32x512xf32, #tpu.memory_space<hbm>>) target(%arg10 : memref<32x512xf32, #tpu.memory_space<vmem>>) target_semaphore(%arg14 : memref<!tpu.dma_semaphore, #tpu.memory_space<semaphore_mem>>)
    %dma_wait3A_628 = arith.constant 0 : i32
    %dma_wait3A_629 = arith.constant 0 : i32
    %dma_wait3A_630 = tpu.memref_slice %arg2[%add3A_120, %dma_wait3A_628, %add3A_140, %dma_wait3A_629] : memref<64x3x256x512xf32, #tpu.memory_space<hbm>> -> memref<1x1x32x512xf32, #tpu.memory_space<hbm>>
    %dma_wait3A_631 = tpu.memref_squeeze %dma_wait3A_630 : memref<1x1x32x512xf32, #tpu.memory_space<hbm>> -> memref<32x512xf32, #tpu.memory_space<hbm>>
    %dma_wait3A_632 = arith.constant 0 : i32
    %dma_wait3A_633 = tpu.memref_slice %arg2[%add3A_120, %dma_wait3A_628, %add3A_140, %dma_wait3A_632] : memref<64x3x256x512xf32, #tpu.memory_space<hbm>> -> memref<1x1x32x512xf32, #tpu.memory_space<hbm>>
    %dma_wait3A_634 = tpu.memref_squeeze %dma_wait3A_633 : memref<1x1x32x512xf32, #tpu.memory_space<hbm>> -> memref<32x512xf32, #tpu.memory_space<hbm>>
    tpu.wait_dma2 semaphore(%arg13 : memref<!tpu.dma_semaphore, #tpu.memory_space<semaphore_mem>>) src(%dma_wait3A_634 : memref<32x512xf32, #tpu.memory_space<hbm>>) dst(%arg5 : memref<32x512xf32, #tpu.memory_space<vmem>>)
    %dma_wait3A_635 = arith.constant 1 : i32
    %dma_wait3A_636 = arith.constant 0 : i32
    %dma_wait3A_637 = tpu.memref_slice %arg2[%add3A_120, %dma_wait3A_635, %add3A_140, %dma_wait3A_636] : memref<64x3x256x512xf32, #tpu.memory_space<hbm>> -> memref<1x1x32x512xf32, #tpu.memory_space<hbm>>
    %dma_wait3A_638 = tpu.memref_squeeze %dma_wait3A_637 : memref<1x1x32x512xf32, #tpu.memory_space<hbm>> -> memref<32x512xf32, #tpu.memory_space<hbm>>
    %dma_wait3A_639 = arith.constant 0 : i32
    %dma_wait3A_640 = tpu.memref_slice %arg2[%add3A_120, %dma_wait3A_635, %add3A_140, %dma_wait3A_639] : memref<64x3x256x512xf32, #tpu.memory_space<hbm>> -> memref<1x1x32x512xf32, #tpu.memory_space<hbm>>
    %dma_wait3A_641 = tpu.memref_squeeze %dma_wait3A_640 : memref<1x1x32x512xf32, #tpu.memory_space<hbm>> -> memref<32x512xf32, #tpu.memory_space<hbm>>
    tpu.wait_dma2 semaphore(%arg13 : memref<!tpu.dma_semaphore, #tpu.memory_space<semaphore_mem>>) src(%dma_wait3A_641 : memref<32x512xf32, #tpu.memory_space<hbm>>) dst(%arg7 : memref<32x512xf32, #tpu.memory_space<vmem>>)
    %dma_wait3A_642 = arith.constant 2 : i32
    %dma_wait3A_643 = arith.constant 0 : i32
    %dma_wait3A_644 = tpu.memref_slice %arg2[%add3A_120, %dma_wait3A_642, %add3A_140, %dma_wait3A_643] : memref<64x3x256x512xf32, #tpu.memory_space<hbm>> -> memref<1x1x32x512xf32, #tpu.memory_space<hbm>>
    %dma_wait3A_645 = tpu.memref_squeeze %dma_wait3A_644 : memref<1x1x32x512xf32, #tpu.memory_space<hbm>> -> memref<32x512xf32, #tpu.memory_space<hbm>>
    %dma_wait3A_646 = arith.constant 0 : i32
    %dma_wait3A_647 = tpu.memref_slice %arg2[%add3A_120, %dma_wait3A_642, %add3A_140, %dma_wait3A_646] : memref<64x3x256x512xf32, #tpu.memory_space<hbm>> -> memref<1x1x32x512xf32, #tpu.memory_space<hbm>>
    %dma_wait3A_648 = tpu.memref_squeeze %dma_wait3A_647 : memref<1x1x32x512xf32, #tpu.memory_space<hbm>> -> memref<32x512xf32, #tpu.memory_space<hbm>>
    tpu.wait_dma2 semaphore(%arg13 : memref<!tpu.dma_semaphore, #tpu.memory_space<semaphore_mem>>) src(%dma_wait3A_648 : memref<32x512xf32, #tpu.memory_space<hbm>>) dst(%arg9 : memref<32x512xf32, #tpu.memory_space<vmem>>)
    %scan3A_649 = arith.constant 0 : i32
    %scan3A_650 = arith.constant 32 : i32
    %scan3A_651 = arith.addi %scan3A_649, %scan3A_650 : i32
    %scan3A_652 = arith.constant 1 : i32
    %scan3A_653:8 = scf.for %scan3A_915 = %scan3A_649 to %scan3A_651 step %scan3A_652 iter_args(%scan3A_916 = %broadcast_in_dim3A_606, %scan3A_917 = %broadcast_in_dim3A_606, %scan3A_918 = %broadcast_in_dim3A_606, %scan3A_919 = %broadcast_in_dim3A_606, %scan3A_920 = %broadcast_in_dim3A_606, %scan3A_921 = %broadcast_in_dim3A_606, %scan3A_922 = %broadcast_in_dim3A_606, %scan3A_923 = %broadcast_in_dim3A_606) -> (vector<16xf32>, vector<16xf32>, vector<16xf32>, vector<16xf32>, vector<16xf32>, vector<16xf32>, vector<16xf32>, vector<16xf32>)  : i32 {
      %scan3A_924 = arith.constant 0 : i32
      %scan3A_925 = arith.constant 2 : i32
      %scan3A_926 = arith.addi %scan3A_924, %scan3A_925 : i32
      %scan3A_927 = arith.constant 1 : i32
      %scan3A_928:8 = scf.for %scan3A_930 = %scan3A_924 to %scan3A_926 step %scan3A_927 iter_args(%scan3A_931 = %scan3A_916, %scan3A_932 = %scan3A_917, %scan3A_933 = %scan3A_918, %scan3A_934 = %scan3A_919, %scan3A_935 = %scan3A_920, %scan3A_936 = %scan3A_921, %scan3A_937 = %scan3A_922, %scan3A_938 = %scan3A_923) -> (vector<16xf32>, vector<16xf32>, vector<16xf32>, vector<16xf32>, vector<16xf32>, vector<16xf32>, vector<16xf32>, vector<16xf32>)  : i32 {
        %mul3A_939 = arith.constant 256 : i32
        %mul3A_940 = arith.muli %scan3A_930, %mul3A_939 : i32
        %add3A_941 = arith.constant 0 : i32
        %add3A_942 = arith.addi %mul3A_940, %add3A_941 : i32
        %get3A_943 = arith.index_cast %scan3A_915 : i32 to index
        %get3A_944 = arith.index_cast %add3A_942 : i32 to index
        %get3A_945 = tpu.vector_load %arg5[%get3A_943, %get3A_944] {strides = array<i32>} : memref<32x512xf32, #tpu.memory_space<vmem>>, vector<16xf32>,
        %get3A_946 = arith.index_cast %scan3A_915 : i32 to index
        %get3A_947 = arith.index_cast %add3A_942 : i32 to index
        %get3A_948 = tpu.vector_load %arg7[%get3A_946, %get3A_947] {strides = array<i32>} : memref<32x512xf32, #tpu.memory_space<vmem>>, vector<16xf32>,
        %get3A_949 = arith.index_cast %scan3A_915 : i32 to index
        %get3A_950 = arith.index_cast %add3A_942 : i32 to index
        %get3A_951 = tpu.vector_load %arg9[%get3A_949, %get3A_950] {strides = array<i32>} : memref<32x512xf32, #tpu.memory_space<vmem>>, vector<16xf32>,
        %mul3A_952 = arith.mulf %get3A_945, %get3A_945 : vector<16xf32>
        %mul3A_953 = arith.mulf %get3A_948, %get3A_948 : vector<16xf32>
        %add3A_954 = arith.addf %mul3A_952, %mul3A_953 : vector<16xf32>
        %mul3A_955 = arith.mulf %get3A_951, %get3A_951 : vector<16xf32>
        %add3A_956 = arith.addf %add3A_954, %mul3A_955 : vector<16xf32>
        %mul3A_957 = arith.mulf %add3A_956, %get3A_604 : vector<16xf32>
        %exp3A = math.exp %mul3A_957 : vector<16xf32>
        %lt3A_958 = arith.constant 3.000000e+00 : f32
        %lt3A_959 = vector.broadcast %lt3A_958 : f32 to vector<16xf32>
        %lt3A_960 = arith.cmpf olt, %add3A_956, %lt3A_959 : vector<16xf32>
        %jit3A_961 = arith.constant 0.000000e+00 : f32
        %broadcast_in_dim3A_962 = vector.broadcast %jit3A_961 : f32 to vector<16xf32>
        %select_n3A_963 = arith.select %lt3A_960, %exp3A, %broadcast_in_dim3A_962 : vector<16xi1>, vector<16xf32>
        %add3A_964 = arith.addf %scan3A_931, %select_n3A_963 : vector<16xf32>
        %add3A_965 = arith.constant 16 : i32
        %add3A_966 = arith.addi %mul3A_940, %add3A_965 : i32
        %get3A_967 = arith.index_cast %scan3A_915 : i32 to index
        %get3A_968 = arith.index_cast %add3A_966 : i32 to index
        %get3A_969 = tpu.vector_load %arg5[%get3A_967, %get3A_968] {strides = array<i32>} : memref<32x512xf32, #tpu.memory_space<vmem>>, vector<16xf32>,
        %get3A_970 = arith.index_cast %scan3A_915 : i32 to index
        %get3A_971 = arith.index_cast %add3A_966 : i32 to index
        %get3A_972 = tpu.vector_load %arg7[%get3A_970, %get3A_971] {strides = array<i32>} : memref<32x512xf32, #tpu.memory_space<vmem>>, vector<16xf32>,
        %get3A_973 = arith.index_cast %scan3A_915 : i32 to index
        %get3A_974 = arith.index_cast %add3A_966 : i32 to index
        %get3A_975 = tpu.vector_load %arg9[%get3A_973, %get3A_974] {strides = array<i32>} : memref<32x512xf32, #tpu.memory_space<vmem>>, vector<16xf32>,
        %mul3A_976 = arith.mulf %get3A_969, %get3A_969 : vector<16xf32>
        %mul3A_977 = arith.mulf %get3A_972, %get3A_972 : vector<16xf32>
        %add3A_978 = arith.addf %mul3A_976, %mul3A_977 : vector<16xf32>
        %mul3A_979 = arith.mulf %get3A_975, %get3A_975 : vector<16xf32>
        %add3A_980 = arith.addf %add3A_978, %mul3A_979 : vector<16xf32>
        %mul3A_981 = arith.mulf %add3A_980, %get3A_604 : vector<16xf32>
        %exp3A_982 = math.exp %mul3A_981 : vector<16xf32>
        %lt3A_983 = arith.constant 3.000000e+00 : f32
        %lt3A_984 = vector.broadcast %lt3A_983 : f32 to vector<16xf32>
        %lt3A_985 = arith.cmpf olt, %add3A_980, %lt3A_984 : vector<16xf32>
        %jit3A_986 = arith.constant 0.000000e+00 : f32
        %broadcast_in_dim3A_987 = vector.broadcast %jit3A_986 : f32 to vector<16xf32>
        %select_n3A_988 = arith.select %lt3A_985, %exp3A_982, %broadcast_in_dim3A_987 : vector<16xi1>, vector<16xf32>
        %add3A_989 = arith.addf %scan3A_932, %select_n3A_988 : vector<16xf32>
        %add3A_990 = arith.constant 32 : i32
        %add3A_991 = arith.addi %mul3A_940, %add3A_990 : i32
        %get3A_992 = arith.index_cast %scan3A_915 : i32 to index
        %get3A_993 = arith.index_cast %add3A_991 : i32 to index
        %get3A_994 = tpu.vector_load %arg5[%get3A_992, %get3A_993] {strides = array<i32>} : memref<32x512xf32, #tpu.memory_space<vmem>>, vector<16xf32>,
        %get3A_995 = arith.index_cast %scan3A_915 : i32 to index
        %get3A_996 = arith.index_cast %add3A_991 : i32 to index
        %get3A_997 = tpu.vector_load %arg7[%get3A_995, %get3A_996] {strides = array<i32>} : memref<32x512xf32, #tpu.memory_space<vmem>>, vector<16xf32>,
        %get3A_998 = arith.index_cast %scan3A_915 : i32 to index
        %get3A_999 = arith.index_cast %add3A_991 : i32 to index
        %get3A_1000 = tpu.vector_load %arg9[%get3A_998, %get3A_999] {strides = array<i32>} : memref<32x512xf32, #tpu.memory_space<vmem>>, vector<16xf32>,
        %mul3A_1001 = arith.mulf %get3A_994, %get3A_994 : vector<16xf32>
        %mul3A_1002 = arith.mulf %get3A_997, %get3A_997 : vector<16xf32>
        %add3A_1003 = arith.addf %mul3A_1001, %mul3A_1002 : vector<16xf32>
        %mul3A_1004 = arith.mulf %get3A_1000, %get3A_1000 : vector<16xf32>
        %add3A_1005 = arith.addf %add3A_1003, %mul3A_1004 : vector<16xf32>
        %mul3A_1006 = arith.mulf %add3A_1005, %get3A_604 : vector<16xf32>
        %exp3A_1007 = math.exp %mul3A_1006 : vector<16xf32>
        %lt3A_1008 = arith.constant 3.000000e+00 : f32
        %lt3A_1009 = vector.broadcast %lt3A_1008 : f32 to vector<16xf32>
        %lt3A_1010 = arith.cmpf olt, %add3A_1005, %lt3A_1009 : vector<16xf32>
        %jit3A_1011 = arith.constant 0.000000e+00 : f32
        %broadcast_in_dim3A_1012 = vector.broadcast %jit3A_1011 : f32 to vector<16xf32>
        %select_n3A_1013 = arith.select %lt3A_1010, %exp3A_1007, %broadcast_in_dim3A_1012 : vector<16xi1>, vector<16xf32>
        %add3A_1014 = arith.addf %scan3A_933, %select_n3A_1013 : vector<16xf32>
        %add3A_1015 = arith.constant 48 : i32
        %add3A_1016 = arith.addi %mul3A_940, %add3A_1015 : i32
        %get3A_1017 = arith.index_cast %scan3A_915 : i32 to index
        %get3A_1018 = arith.index_cast %add3A_1016 : i32 to index
        %get3A_1019 = tpu.vector_load %arg5[%get3A_1017, %get3A_1018] {strides = array<i32>} : memref<32x512xf32, #tpu.memory_space<vmem>>, vector<16xf32>,
        %get3A_1020 = arith.index_cast %scan3A_915 : i32 to index
        %get3A_1021 = arith.index_cast %add3A_1016 : i32 to index
        %get3A_1022 = tpu.vector_load %arg7[%get3A_1020, %get3A_1021] {strides = array<i32>} : memref<32x512xf32, #tpu.memory_space<vmem>>, vector<16xf32>,
        %get3A_1023 = arith.index_cast %scan3A_915 : i32 to index
        %get3A_1024 = arith.index_cast %add3A_1016 : i32 to index
        %get3A_1025 = tpu.vector_load %arg9[%get3A_1023, %get3A_1024] {strides = array<i32>} : memref<32x512xf32, #tpu.memory_space<vmem>>, vector<16xf32>,
        %mul3A_1026 = arith.mulf %get3A_1019, %get3A_1019 : vector<16xf32>
        %mul3A_1027 = arith.mulf %get3A_1022, %get3A_1022 : vector<16xf32>
        %add3A_1028 = arith.addf %mul3A_1026, %mul3A_1027 : vector<16xf32>
        %mul3A_1029 = arith.mulf %get3A_1025, %get3A_1025 : vector<16xf32>
        %add3A_1030 = arith.addf %add3A_1028, %mul3A_1029 : vector<16xf32>
        %mul3A_1031 = arith.mulf %add3A_1030, %get3A_604 : vector<16xf32>
        %exp3A_1032 = math.exp %mul3A_1031 : vector<16xf32>
        %lt3A_1033 = arith.constant 3.000000e+00 : f32
        %lt3A_1034 = vector.broadcast %lt3A_1033 : f32 to vector<16xf32>
        %lt3A_1035 = arith.cmpf olt, %add3A_1030, %lt3A_1034 : vector<16xf32>
        %jit3A_1036 = arith.constant 0.000000e+00 : f32
        %broadcast_in_dim3A_1037 = vector.broadcast %jit3A_1036 : f32 to vector<16xf32>
        %select_n3A_1038 = arith.select %lt3A_1035, %exp3A_1032, %broadcast_in_dim3A_1037 : vector<16xi1>, vector<16xf32>
        %add3A_1039 = arith.addf %scan3A_934, %select_n3A_1038 : vector<16xf32>
        %add3A_1040 = arith.constant 64 : i32
        %add3A_1041 = arith.addi %mul3A_940, %add3A_1040 : i32
        %get3A_1042 = arith.index_cast %scan3A_915 : i32 to index
        %get3A_1043 = arith.index_cast %add3A_1041 : i32 to index
        %get3A_1044 = tpu.vector_load %arg5[%get3A_1042, %get3A_1043] {strides = array<i32>} : memref<32x512xf32, #tpu.memory_space<vmem>>, vector<16xf32>,
        %get3A_1045 = arith.index_cast %scan3A_915 : i32 to index
        %get3A_1046 = arith.index_cast %add3A_1041 : i32 to index
        %get3A_1047 = tpu.vector_load %arg7[%get3A_1045, %get3A_1046] {strides = array<i32>} : memref<32x512xf32, #tpu.memory_space<vmem>>, vector<16xf32>,
        %get3A_1048 = arith.index_cast %scan3A_915 : i32 to index
        %get3A_1049 = arith.index_cast %add3A_1041 : i32 to index
        %get3A_1050 = tpu.vector_load %arg9[%get3A_1048, %get3A_1049] {strides = array<i32>} : memref<32x512xf32, #tpu.memory_space<vmem>>, vector<16xf32>,
        %mul3A_1051 = arith.mulf %get3A_1044, %get3A_1044 : vector<16xf32>
        %mul3A_1052 = arith.mulf %get3A_1047, %get3A_1047 : vector<16xf32>
        %add3A_1053 = arith.addf %mul3A_1051, %mul3A_1052 : vector<16xf32>
        %mul3A_1054 = arith.mulf %get3A_1050, %get3A_1050 : vector<16xf32>
        %add3A_1055 = arith.addf %add3A_1053, %mul3A_1054 : vector<16xf32>
        %mul3A_1056 = arith.mulf %add3A_1055, %get3A_604 : vector<16xf32>
        %exp3A_1057 = math.exp %mul3A_1056 : vector<16xf32>
        %lt3A_1058 = arith.constant 3.000000e+00 : f32
        %lt3A_1059 = vector.broadcast %lt3A_1058 : f32 to vector<16xf32>
        %lt3A_1060 = arith.cmpf olt, %add3A_1055, %lt3A_1059 : vector<16xf32>
        %jit3A_1061 = arith.constant 0.000000e+00 : f32
        %broadcast_in_dim3A_1062 = vector.broadcast %jit3A_1061 : f32 to vector<16xf32>
        %select_n3A_1063 = arith.select %lt3A_1060, %exp3A_1057, %broadcast_in_dim3A_1062 : vector<16xi1>, vector<16xf32>
        %add3A_1064 = arith.addf %scan3A_935, %select_n3A_1063 : vector<16xf32>
        %add3A_1065 = arith.constant 80 : i32
        %add3A_1066 = arith.addi %mul3A_940, %add3A_1065 : i32
        %get3A_1067 = arith.index_cast %scan3A_915 : i32 to index
        %get3A_1068 = arith.index_cast %add3A_1066 : i32 to index
        %get3A_1069 = tpu.vector_load %arg5[%get3A_1067, %get3A_1068] {strides = array<i32>} : memref<32x512xf32, #tpu.memory_space<vmem>>, vector<16xf32>,
        %get3A_1070 = arith.index_cast %scan3A_915 : i32 to index
        %get3A_1071 = arith.index_cast %add3A_1066 : i32 to index
        %get3A_1072 = tpu.vector_load %arg7[%get3A_1070, %get3A_1071] {strides = array<i32>} : memref<32x512xf32, #tpu.memory_space<vmem>>, vector<16xf32>,
        %get3A_1073 = arith.index_cast %scan3A_915 : i32 to index
        %get3A_1074 = arith.index_cast %add3A_1066 : i32 to index
        %get3A_1075 = tpu.vector_load %arg9[%get3A_1073, %get3A_1074] {strides = array<i32>} : memref<32x512xf32, #tpu.memory_space<vmem>>, vector<16xf32>,
        %mul3A_1076 = arith.mulf %get3A_1069, %get3A_1069 : vector<16xf32>
        %mul3A_1077 = arith.mulf %get3A_1072, %get3A_1072 : vector<16xf32>
        %add3A_1078 = arith.addf %mul3A_1076, %mul3A_1077 : vector<16xf32>
        %mul3A_1079 = arith.mulf %get3A_1075, %get3A_1075 : vector<16xf32>
        %add3A_1080 = arith.addf %add3A_1078, %mul3A_1079 : vector<16xf32>
        %mul3A_1081 = arith.mulf %add3A_1080, %get3A_604 : vector<16xf32>
        %exp3A_1082 = math.exp %mul3A_1081 : vector<16xf32>
        %lt3A_1083 = arith.constant 3.000000e+00 : f32
        %lt3A_1084 = vector.broadcast %lt3A_1083 : f32 to vector<16xf32>
        %lt3A_1085 = arith.cmpf olt, %add3A_1080, %lt3A_1084 : vector<16xf32>
        %jit3A_1086 = arith.constant 0.000000e+00 : f32
        %broadcast_in_dim3A_1087 = vector.broadcast %jit3A_1086 : f32 to vector<16xf32>
        %select_n3A_1088 = arith.select %lt3A_1085, %exp3A_1082, %broadcast_in_dim3A_1087 : vector<16xi1>, vector<16xf32>
        %add3A_1089 = arith.addf %scan3A_936, %select_n3A_1088 : vector<16xf32>
        %add3A_1090 = arith.constant 96 : i32
        %add3A_1091 = arith.addi %mul3A_940, %add3A_1090 : i32
        %get3A_1092 = arith.index_cast %scan3A_915 : i32 to index
        %get3A_1093 = arith.index_cast %add3A_1091 : i32 to index
        %get3A_1094 = tpu.vector_load %arg5[%get3A_1092, %get3A_1093] {strides = array<i32>} : memref<32x512xf32, #tpu.memory_space<vmem>>, vector<16xf32>,
        %get3A_1095 = arith.index_cast %scan3A_915 : i32 to index
        %get3A_1096 = arith.index_cast %add3A_1091 : i32 to index
        %get3A_1097 = tpu.vector_load %arg7[%get3A_1095, %get3A_1096] {strides = array<i32>} : memref<32x512xf32, #tpu.memory_space<vmem>>, vector<16xf32>,
        %get3A_1098 = arith.index_cast %scan3A_915 : i32 to index
        %get3A_1099 = arith.index_cast %add3A_1091 : i32 to index
        %get3A_1100 = tpu.vector_load %arg9[%get3A_1098, %get3A_1099] {strides = array<i32>} : memref<32x512xf32, #tpu.memory_space<vmem>>, vector<16xf32>,
        %mul3A_1101 = arith.mulf %get3A_1094, %get3A_1094 : vector<16xf32>
        %mul3A_1102 = arith.mulf %get3A_1097, %get3A_1097 : vector<16xf32>
        %add3A_1103 = arith.addf %mul3A_1101, %mul3A_1102 : vector<16xf32>
        %mul3A_1104 = arith.mulf %get3A_1100, %get3A_1100 : vector<16xf32>
        %add3A_1105 = arith.addf %add3A_1103, %mul3A_1104 : vector<16xf32>
        %mul3A_1106 = arith.mulf %add3A_1105, %get3A_604 : vector<16xf32>
        %exp3A_1107 = math.exp %mul3A_1106 : vector<16xf32>
        %lt3A_1108 = arith.constant 3.000000e+00 : f32
        %lt3A_1109 = vector.broadcast %lt3A_1108 : f32 to vector<16xf32>
        %lt3A_1110 = arith.cmpf olt, %add3A_1105, %lt3A_1109 : vector<16xf32>
        %jit3A_1111 = arith.constant 0.000000e+00 : f32
        %broadcast_in_dim3A_1112 = vector.broadcast %jit3A_1111 : f32 to vector<16xf32>
        %select_n3A_1113 = arith.select %lt3A_1110, %exp3A_1107, %broadcast_in_dim3A_1112 : vector<16xi1>, vector<16xf32>
        %add3A_1114 = arith.addf %scan3A_937, %select_n3A_1113 : vector<16xf32>
        %add3A_1115 = arith.constant 112 : i32
        %add3A_1116 = arith.addi %mul3A_940, %add3A_1115 : i32
        %get3A_1117 = arith.index_cast %scan3A_915 : i32 to index
        %get3A_1118 = arith.index_cast %add3A_1116 : i32 to index
        %get3A_1119 = tpu.vector_load %arg5[%get3A_1117, %get3A_1118] {strides = array<i32>} : memref<32x512xf32, #tpu.memory_space<vmem>>, vector<16xf32>,
        %get3A_1120 = arith.index_cast %scan3A_915 : i32 to index
        %get3A_1121 = arith.index_cast %add3A_1116 : i32 to index
        %get3A_1122 = tpu.vector_load %arg7[%get3A_1120, %get3A_1121] {strides = array<i32>} : memref<32x512xf32, #tpu.memory_space<vmem>>, vector<16xf32>,
        %get3A_1123 = arith.index_cast %scan3A_915 : i32 to index
        %get3A_1124 = arith.index_cast %add3A_1116 : i32 to index
        %get3A_1125 = tpu.vector_load %arg9[%get3A_1123, %get3A_1124] {strides = array<i32>} : memref<32x512xf32, #tpu.memory_space<vmem>>, vector<16xf32>,
        %mul3A_1126 = arith.mulf %get3A_1119, %get3A_1119 : vector<16xf32>
        %mul3A_1127 = arith.mulf %get3A_1122, %get3A_1122 : vector<16xf32>
        %add3A_1128 = arith.addf %mul3A_1126, %mul3A_1127 : vector<16xf32>
        %mul3A_1129 = arith.mulf %get3A_1125, %get3A_1125 : vector<16xf32>
        %add3A_1130 = arith.addf %add3A_1128, %mul3A_1129 : vector<16xf32>
        %mul3A_1131 = arith.mulf %add3A_1130, %get3A_604 : vector<16xf32>
        %exp3A_1132 = math.exp %mul3A_1131 : vector<16xf32>
        %lt3A_1133 = arith.constant 3.000000e+00 : f32
        %lt3A_1134 = vector.broadcast %lt3A_1133 : f32 to vector<16xf32>
        %lt3A_1135 = arith.cmpf olt, %add3A_1130, %lt3A_1134 : vector<16xf32>
        %jit3A_1136 = arith.constant 0.000000e+00 : f32
        %broadcast_in_dim3A_1137 = vector.broadcast %jit3A_1136 : f32 to vector<16xf32>
        %select_n3A_1138 = arith.select %lt3A_1135, %exp3A_1132, %broadcast_in_dim3A_1137 : vector<16xi1>, vector<16xf32>
        %add3A_1139 = arith.addf %scan3A_938, %select_n3A_1138 : vector<16xf32>
        %add3A_1140 = arith.constant 128 : i32
        %add3A_1141 = arith.addi %mul3A_940, %add3A_1140 : i32
        %get3A_1142 = arith.index_cast %scan3A_915 : i32 to index
        %get3A_1143 = arith.index_cast %add3A_1141 : i32 to index
        %get3A_1144 = tpu.vector_load %arg5[%get3A_1142, %get3A_1143] {strides = array<i32>} : memref<32x512xf32, #tpu.memory_space<vmem>>, vector<16xf32>,
        %get3A_1145 = arith.index_cast %scan3A_915 : i32 to index
        %get3A_1146 = arith.index_cast %add3A_1141 : i32 to index
        %get3A_1147 = tpu.vector_load %arg7[%get3A_1145, %get3A_1146] {strides = array<i32>} : memref<32x512xf32, #tpu.memory_space<vmem>>, vector<16xf32>,
        %get3A_1148 = arith.index_cast %scan3A_915 : i32 to index
        %get3A_1149 = arith.index_cast %add3A_1141 : i32 to index
        %get3A_1150 = tpu.vector_load %arg9[%get3A_1148, %get3A_1149] {strides = array<i32>} : memref<32x512xf32, #tpu.memory_space<vmem>>, vector<16xf32>,
        %mul3A_1151 = arith.mulf %get3A_1144, %get3A_1144 : vector<16xf32>
        %mul3A_1152 = arith.mulf %get3A_1147, %get3A_1147 : vector<16xf32>
        %add3A_1153 = arith.addf %mul3A_1151, %mul3A_1152 : vector<16xf32>
        %mul3A_1154 = arith.mulf %get3A_1150, %get3A_1150 : vector<16xf32>
        %add3A_1155 = arith.addf %add3A_1153, %mul3A_1154 : vector<16xf32>
        %mul3A_1156 = arith.mulf %add3A_1155, %get3A_604 : vector<16xf32>
        %exp3A_1157 = math.exp %mul3A_1156 : vector<16xf32>
        %lt3A_1158 = arith.constant 3.000000e+00 : f32
        %lt3A_1159 = vector.broadcast %lt3A_1158 : f32 to vector<16xf32>
        %lt3A_1160 = arith.cmpf olt, %add3A_1155, %lt3A_1159 : vector<16xf32>
        %jit3A_1161 = arith.constant 0.000000e+00 : f32
        %broadcast_in_dim3A_1162 = vector.broadcast %jit3A_1161 : f32 to vector<16xf32>
        %select_n3A_1163 = arith.select %lt3A_1160, %exp3A_1157, %broadcast_in_dim3A_1162 : vector<16xi1>, vector<16xf32>
        %add3A_1164 = arith.addf %add3A_964, %select_n3A_1163 : vector<16xf32>
        %add3A_1165 = arith.constant 144 : i32
        %add3A_1166 = arith.addi %mul3A_940, %add3A_1165 : i32
        %get3A_1167 = arith.index_cast %scan3A_915 : i32 to index
        %get3A_1168 = arith.index_cast %add3A_1166 : i32 to index
        %get3A_1169 = tpu.vector_load %arg5[%get3A_1167, %get3A_1168] {strides = array<i32>} : memref<32x512xf32, #tpu.memory_space<vmem>>, vector<16xf32>,
        %get3A_1170 = arith.index_cast %scan3A_915 : i32 to index
        %get3A_1171 = arith.index_cast %add3A_1166 : i32 to index
        %get3A_1172 = tpu.vector_load %arg7[%get3A_1170, %get3A_1171] {strides = array<i32>} : memref<32x512xf32, #tpu.memory_space<vmem>>, vector<16xf32>,
        %get3A_1173 = arith.index_cast %scan3A_915 : i32 to index
        %get3A_1174 = arith.index_cast %add3A_1166 : i32 to index
        %get3A_1175 = tpu.vector_load %arg9[%get3A_1173, %get3A_1174] {strides = array<i32>} : memref<32x512xf32, #tpu.memory_space<vmem>>, vector<16xf32>,
        %mul3A_1176 = arith.mulf %get3A_1169, %get3A_1169 : vector<16xf32>
        %mul3A_1177 = arith.mulf %get3A_1172, %get3A_1172 : vector<16xf32>
        %add3A_1178 = arith.addf %mul3A_1176, %mul3A_1177 : vector<16xf32>
        %mul3A_1179 = arith.mulf %get3A_1175, %get3A_1175 : vector<16xf32>
        %add3A_1180 = arith.addf %add3A_1178, %mul3A_1179 : vector<16xf32>
        %mul3A_1181 = arith.mulf %add3A_1180, %get3A_604 : vector<16xf32>
        %exp3A_1182 = math.exp %mul3A_1181 : vector<16xf32>
        %lt3A_1183 = arith.constant 3.000000e+00 : f32
        %lt3A_1184 = vector.broadcast %lt3A_1183 : f32 to vector<16xf32>
        %lt3A_1185 = arith.cmpf olt, %add3A_1180, %lt3A_1184 : vector<16xf32>
        %jit3A_1186 = arith.constant 0.000000e+00 : f32
        %broadcast_in_dim3A_1187 = vector.broadcast %jit3A_1186 : f32 to vector<16xf32>
        %select_n3A_1188 = arith.select %lt3A_1185, %exp3A_1182, %broadcast_in_dim3A_1187 : vector<16xi1>, vector<16xf32>
        %add3A_1189 = arith.addf %add3A_989, %select_n3A_1188 : vector<16xf32>
        %add3A_1190 = arith.constant 160 : i32
        %add3A_1191 = arith.addi %mul3A_940, %add3A_1190 : i32
        %get3A_1192 = arith.index_cast %scan3A_915 : i32 to index
        %get3A_1193 = arith.index_cast %add3A_1191 : i32 to index
        %get3A_1194 = tpu.vector_load %arg5[%get3A_1192, %get3A_1193] {strides = array<i32>} : memref<32x512xf32, #tpu.memory_space<vmem>>, vector<16xf32>,
        %get3A_1195 = arith.index_cast %scan3A_915 : i32 to index
        %get3A_1196 = arith.index_cast %add3A_1191 : i32 to index
        %get3A_1197 = tpu.vector_load %arg7[%get3A_1195, %get3A_1196] {strides = array<i32>} : memref<32x512xf32, #tpu.memory_space<vmem>>, vector<16xf32>,
        %get3A_1198 = arith.index_cast %scan3A_915 : i32 to index
        %get3A_1199 = arith.index_cast %add3A_1191 : i32 to index
        %get3A_1200 = tpu.vector_load %arg9[%get3A_1198, %get3A_1199] {strides = array<i32>} : memref<32x512xf32, #tpu.memory_space<vmem>>, vector<16xf32>,
        %mul3A_1201 = arith.mulf %get3A_1194, %get3A_1194 : vector<16xf32>
        %mul3A_1202 = arith.mulf %get3A_1197, %get3A_1197 : vector<16xf32>
        %add3A_1203 = arith.addf %mul3A_1201, %mul3A_1202 : vector<16xf32>
        %mul3A_1204 = arith.mulf %get3A_1200, %get3A_1200 : vector<16xf32>
        %add3A_1205 = arith.addf %add3A_1203, %mul3A_1204 : vector<16xf32>
        %mul3A_1206 = arith.mulf %add3A_1205, %get3A_604 : vector<16xf32>
        %exp3A_1207 = math.exp %mul3A_1206 : vector<16xf32>
        %lt3A_1208 = arith.constant 3.000000e+00 : f32
        %lt3A_1209 = vector.broadcast %lt3A_1208 : f32 to vector<16xf32>
        %lt3A_1210 = arith.cmpf olt, %add3A_1205, %lt3A_1209 : vector<16xf32>
        %jit3A_1211 = arith.constant 0.000000e+00 : f32
        %broadcast_in_dim3A_1212 = vector.broadcast %jit3A_1211 : f32 to vector<16xf32>
        %select_n3A_1213 = arith.select %lt3A_1210, %exp3A_1207, %broadcast_in_dim3A_1212 : vector<16xi1>, vector<16xf32>
        %add3A_1214 = arith.addf %add3A_1014, %select_n3A_1213 : vector<16xf32>
        %add3A_1215 = arith.constant 176 : i32
        %add3A_1216 = arith.addi %mul3A_940, %add3A_1215 : i32
        %get3A_1217 = arith.index_cast %scan3A_915 : i32 to index
        %get3A_1218 = arith.index_cast %add3A_1216 : i32 to index
        %get3A_1219 = tpu.vector_load %arg5[%get3A_1217, %get3A_1218] {strides = array<i32>} : memref<32x512xf32, #tpu.memory_space<vmem>>, vector<16xf32>,
        %get3A_1220 = arith.index_cast %scan3A_915 : i32 to index
        %get3A_1221 = arith.index_cast %add3A_1216 : i32 to index
        %get3A_1222 = tpu.vector_load %arg7[%get3A_1220, %get3A_1221] {strides = array<i32>} : memref<32x512xf32, #tpu.memory_space<vmem>>, vector<16xf32>,
        %get3A_1223 = arith.index_cast %scan3A_915 : i32 to index
        %get3A_1224 = arith.index_cast %add3A_1216 : i32 to index
        %get3A_1225 = tpu.vector_load %arg9[%get3A_1223, %get3A_1224] {strides = array<i32>} : memref<32x512xf32, #tpu.memory_space<vmem>>, vector<16xf32>,
        %mul3A_1226 = arith.mulf %get3A_1219, %get3A_1219 : vector<16xf32>
        %mul3A_1227 = arith.mulf %get3A_1222, %get3A_1222 : vector<16xf32>
        %add3A_1228 = arith.addf %mul3A_1226, %mul3A_1227 : vector<16xf32>
        %mul3A_1229 = arith.mulf %get3A_1225, %get3A_1225 : vector<16xf32>
        %add3A_1230 = arith.addf %add3A_1228, %mul3A_1229 : vector<16xf32>
        %mul3A_1231 = arith.mulf %add3A_1230, %get3A_604 : vector<16xf32>
        %exp3A_1232 = math.exp %mul3A_1231 : vector<16xf32>
        %lt3A_1233 = arith.constant 3.000000e+00 : f32
        %lt3A_1234 = vector.broadcast %lt3A_1233 : f32 to vector<16xf32>
        %lt3A_1235 = arith.cmpf olt, %add3A_1230, %lt3A_1234 : vector<16xf32>
        %jit3A_1236 = arith.constant 0.000000e+00 : f32
        %broadcast_in_dim3A_1237 = vector.broadcast %jit3A_1236 : f32 to vector<16xf32>
        %select_n3A_1238 = arith.select %lt3A_1235, %exp3A_1232, %broadcast_in_dim3A_1237 : vector<16xi1>, vector<16xf32>
        %add3A_1239 = arith.addf %add3A_1039, %select_n3A_1238 : vector<16xf32>
        %add3A_1240 = arith.constant 192 : i32
        %add3A_1241 = arith.addi %mul3A_940, %add3A_1240 : i32
        %get3A_1242 = arith.index_cast %scan3A_915 : i32 to index
        %get3A_1243 = arith.index_cast %add3A_1241 : i32 to index
        %get3A_1244 = tpu.vector_load %arg5[%get3A_1242, %get3A_1243] {strides = array<i32>} : memref<32x512xf32, #tpu.memory_space<vmem>>, vector<16xf32>,
        %get3A_1245 = arith.index_cast %scan3A_915 : i32 to index
        %get3A_1246 = arith.index_cast %add3A_1241 : i32 to index
        %get3A_1247 = tpu.vector_load %arg7[%get3A_1245, %get3A_1246] {strides = array<i32>} : memref<32x512xf32, #tpu.memory_space<vmem>>, vector<16xf32>,
        %get3A_1248 = arith.index_cast %scan3A_915 : i32 to index
        %get3A_1249 = arith.index_cast %add3A_1241 : i32 to index
        %get3A_1250 = tpu.vector_load %arg9[%get3A_1248, %get3A_1249] {strides = array<i32>} : memref<32x512xf32, #tpu.memory_space<vmem>>, vector<16xf32>,
        %mul3A_1251 = arith.mulf %get3A_1244, %get3A_1244 : vector<16xf32>
        %mul3A_1252 = arith.mulf %get3A_1247, %get3A_1247 : vector<16xf32>
        %add3A_1253 = arith.addf %mul3A_1251, %mul3A_1252 : vector<16xf32>
        %mul3A_1254 = arith.mulf %get3A_1250, %get3A_1250 : vector<16xf32>
        %add3A_1255 = arith.addf %add3A_1253, %mul3A_1254 : vector<16xf32>
        %mul3A_1256 = arith.mulf %add3A_1255, %get3A_604 : vector<16xf32>
        %exp3A_1257 = math.exp %mul3A_1256 : vector<16xf32>
        %lt3A_1258 = arith.constant 3.000000e+00 : f32
        %lt3A_1259 = vector.broadcast %lt3A_1258 : f32 to vector<16xf32>
        %lt3A_1260 = arith.cmpf olt, %add3A_1255, %lt3A_1259 : vector<16xf32>
        %jit3A_1261 = arith.constant 0.000000e+00 : f32
        %broadcast_in_dim3A_1262 = vector.broadcast %jit3A_1261 : f32 to vector<16xf32>
        %select_n3A_1263 = arith.select %lt3A_1260, %exp3A_1257, %broadcast_in_dim3A_1262 : vector<16xi1>, vector<16xf32>
        %add3A_1264 = arith.addf %add3A_1064, %select_n3A_1263 : vector<16xf32>
        %add3A_1265 = arith.constant 208 : i32
        %add3A_1266 = arith.addi %mul3A_940, %add3A_1265 : i32
        %get3A_1267 = arith.index_cast %scan3A_915 : i32 to index
        %get3A_1268 = arith.index_cast %add3A_1266 : i32 to index
        %get3A_1269 = tpu.vector_load %arg5[%get3A_1267, %get3A_1268] {strides = array<i32>} : memref<32x512xf32, #tpu.memory_space<vmem>>, vector<16xf32>,
        %get3A_1270 = arith.index_cast %scan3A_915 : i32 to index
        %get3A_1271 = arith.index_cast %add3A_1266 : i32 to index
        %get3A_1272 = tpu.vector_load %arg7[%get3A_1270, %get3A_1271] {strides = array<i32>} : memref<32x512xf32, #tpu.memory_space<vmem>>, vector<16xf32>,
        %get3A_1273 = arith.index_cast %scan3A_915 : i32 to index
        %get3A_1274 = arith.index_cast %add3A_1266 : i32 to index
        %get3A_1275 = tpu.vector_load %arg9[%get3A_1273, %get3A_1274] {strides = array<i32>} : memref<32x512xf32, #tpu.memory_space<vmem>>, vector<16xf32>,
        %mul3A_1276 = arith.mulf %get3A_1269, %get3A_1269 : vector<16xf32>
        %mul3A_1277 = arith.mulf %get3A_1272, %get3A_1272 : vector<16xf32>
        %add3A_1278 = arith.addf %mul3A_1276, %mul3A_1277 : vector<16xf32>
        %mul3A_1279 = arith.mulf %get3A_1275, %get3A_1275 : vector<16xf32>
        %add3A_1280 = arith.addf %add3A_1278, %mul3A_1279 : vector<16xf32>
        %mul3A_1281 = arith.mulf %add3A_1280, %get3A_604 : vector<16xf32>
        %exp3A_1282 = math.exp %mul3A_1281 : vector<16xf32>
        %lt3A_1283 = arith.constant 3.000000e+00 : f32
        %lt3A_1284 = vector.broadcast %lt3A_1283 : f32 to vector<16xf32>
        %lt3A_1285 = arith.cmpf olt, %add3A_1280, %lt3A_1284 : vector<16xf32>
        %jit3A_1286 = arith.constant 0.000000e+00 : f32
        %broadcast_in_dim3A_1287 = vector.broadcast %jit3A_1286 : f32 to vector<16xf32>
        %select_n3A_1288 = arith.select %lt3A_1285, %exp3A_1282, %broadcast_in_dim3A_1287 : vector<16xi1>, vector<16xf32>
        %add3A_1289 = arith.addf %add3A_1089, %select_n3A_1288 : vector<16xf32>
        %add3A_1290 = arith.constant 224 : i32
        %add3A_1291 = arith.addi %mul3A_940, %add3A_1290 : i32
        %get3A_1292 = arith.index_cast %scan3A_915 : i32 to index
        %get3A_1293 = arith.index_cast %add3A_1291 : i32 to index
        %get3A_1294 = tpu.vector_load %arg5[%get3A_1292, %get3A_1293] {strides = array<i32>} : memref<32x512xf32, #tpu.memory_space<vmem>>, vector<16xf32>,
        %get3A_1295 = arith.index_cast %scan3A_915 : i32 to index
        %get3A_1296 = arith.index_cast %add3A_1291 : i32 to index
        %get3A_1297 = tpu.vector_load %arg7[%get3A_1295, %get3A_1296] {strides = array<i32>} : memref<32x512xf32, #tpu.memory_space<vmem>>, vector<16xf32>,
        %get3A_1298 = arith.index_cast %scan3A_915 : i32 to index
        %get3A_1299 = arith.index_cast %add3A_1291 : i32 to index
        %get3A_1300 = tpu.vector_load %arg9[%get3A_1298, %get3A_1299] {strides = array<i32>} : memref<32x512xf32, #tpu.memory_space<vmem>>, vector<16xf32>,
        %mul3A_1301 = arith.mulf %get3A_1294, %get3A_1294 : vector<16xf32>
        %mul3A_1302 = arith.mulf %get3A_1297, %get3A_1297 : vector<16xf32>
        %add3A_1303 = arith.addf %mul3A_1301, %mul3A_1302 : vector<16xf32>
        %mul3A_1304 = arith.mulf %get3A_1300, %get3A_1300 : vector<16xf32>
        %add3A_1305 = arith.addf %add3A_1303, %mul3A_1304 : vector<16xf32>
        %mul3A_1306 = arith.mulf %add3A_1305, %get3A_604 : vector<16xf32>
        %exp3A_1307 = math.exp %mul3A_1306 : vector<16xf32>
        %lt3A_1308 = arith.constant 3.000000e+00 : f32
        %lt3A_1309 = vector.broadcast %lt3A_1308 : f32 to vector<16xf32>
        %lt3A_1310 = arith.cmpf olt, %add3A_1305, %lt3A_1309 : vector<16xf32>
        %jit3A_1311 = arith.constant 0.000000e+00 : f32
        %broadcast_in_dim3A_1312 = vector.broadcast %jit3A_1311 : f32 to vector<16xf32>
        %select_n3A_1313 = arith.select %lt3A_1310, %exp3A_1307, %broadcast_in_dim3A_1312 : vector<16xi1>, vector<16xf32>
        %add3A_1314 = arith.addf %add3A_1114, %select_n3A_1313 : vector<16xf32>
        %add3A_1315 = arith.constant 240 : i32
        %add3A_1316 = arith.addi %mul3A_940, %add3A_1315 : i32
        %get3A_1317 = arith.index_cast %scan3A_915 : i32 to index
        %get3A_1318 = arith.index_cast %add3A_1316 : i32 to index
        %get3A_1319 = tpu.vector_load %arg5[%get3A_1317, %get3A_1318] {strides = array<i32>} : memref<32x512xf32, #tpu.memory_space<vmem>>, vector<16xf32>,
        %get3A_1320 = arith.index_cast %scan3A_915 : i32 to index
        %get3A_1321 = arith.index_cast %add3A_1316 : i32 to index
        %get3A_1322 = tpu.vector_load %arg7[%get3A_1320, %get3A_1321] {strides = array<i32>} : memref<32x512xf32, #tpu.memory_space<vmem>>, vector<16xf32>,
        %get3A_1323 = arith.index_cast %scan3A_915 : i32 to index
        %get3A_1324 = arith.index_cast %add3A_1316 : i32 to index
        %get3A_1325 = tpu.vector_load %arg9[%get3A_1323, %get3A_1324] {strides = array<i32>} : memref<32x512xf32, #tpu.memory_space<vmem>>, vector<16xf32>,
        %mul3A_1326 = arith.mulf %get3A_1319, %get3A_1319 : vector<16xf32>
        %mul3A_1327 = arith.mulf %get3A_1322, %get3A_1322 : vector<16xf32>
        %add3A_1328 = arith.addf %mul3A_1326, %mul3A_1327 : vector<16xf32>
        %mul3A_1329 = arith.mulf %get3A_1325, %get3A_1325 : vector<16xf32>
        %add3A_1330 = arith.addf %add3A_1328, %mul3A_1329 : vector<16xf32>
        %mul3A_1331 = arith.mulf %add3A_1330, %get3A_604 : vector<16xf32>
        %exp3A_1332 = math.exp %mul3A_1331 : vector<16xf32>
        %lt3A_1333 = arith.constant 3.000000e+00 : f32
        %lt3A_1334 = vector.broadcast %lt3A_1333 : f32 to vector<16xf32>
        %lt3A_1335 = arith.cmpf olt, %add3A_1330, %lt3A_1334 : vector<16xf32>
        %jit3A_1336 = arith.constant 0.000000e+00 : f32
        %broadcast_in_dim3A_1337 = vector.broadcast %jit3A_1336 : f32 to vector<16xf32>
        %select_n3A_1338 = arith.select %lt3A_1335, %exp3A_1332, %broadcast_in_dim3A_1337 : vector<16xi1>, vector<16xf32>
        %add3A_1339 = arith.addf %add3A_1139, %select_n3A_1338 : vector<16xf32>
        scf.yield %add3A_1164, %add3A_1189, %add3A_1214, %add3A_1239, %add3A_1264, %add3A_1289, %add3A_1314, %add3A_1339 : vector<16xf32>, vector<16xf32>, vector<16xf32>, vector<16xf32>, vector<16xf32>, vector<16xf32>, vector<16xf32>, vector<16xf32>
      }
      %scan3A_929 = arith.constant 2 : i32
      scf.yield %scan3A_928#0, %scan3A_928#1, %scan3A_928#2, %scan3A_928#3, %scan3A_928#4, %scan3A_928#5, %scan3A_928#6, %scan3A_928#7 : vector<16xf32>, vector<16xf32>, vector<16xf32>, vector<16xf32>, vector<16xf32>, vector<16xf32>, vector<16xf32>, vector<16xf32>
    }
    %scan3A_654 = arith.constant 32 : i32
    %dma_start3A_655 = arith.constant 0 : i32
    %dma_start3A_656 = arith.constant 0 : i32
    %dma_start3A_657 = tpu.memref_slice %arg2[%add3A_170, %dma_start3A_655, %add3A_190, %dma_start3A_656] : memref<64x3x256x512xf32, #tpu.memory_space<hbm>> -> memref<1x1x32x512xf32, #tpu.memory_space<hbm>>
    %dma_start3A_658 = tpu.memref_squeeze %dma_start3A_657 : memref<1x1x32x512xf32, #tpu.memory_space<hbm>> -> memref<32x512xf32, #tpu.memory_space<hbm>>
    %dma_start3A_659 = arith.constant 0 : i32
    %dma_start3A_660 = tpu.memref_slice %arg2[%add3A_170, %dma_start3A_655, %add3A_190, %dma_start3A_659] : memref<64x3x256x512xf32, #tpu.memory_space<hbm>> -> memref<1x1x32x512xf32, #tpu.memory_space<hbm>>
    %dma_start3A_661 = tpu.memref_squeeze %dma_start3A_660 : memref<1x1x32x512xf32, #tpu.memory_space<hbm>> -> memref<32x512xf32, #tpu.memory_space<hbm>>
    tpu.enqueue_dma source(%dma_start3A_661 : memref<32x512xf32, #tpu.memory_space<hbm>>) target(%arg5 : memref<32x512xf32, #tpu.memory_space<vmem>>) target_semaphore(%arg13 : memref<!tpu.dma_semaphore, #tpu.memory_space<semaphore_mem>>)
    %dma_start3A_662 = arith.constant 1 : i32
    %dma_start3A_663 = arith.constant 0 : i32
    %dma_start3A_664 = tpu.memref_slice %arg2[%add3A_170, %dma_start3A_662, %add3A_190, %dma_start3A_663] : memref<64x3x256x512xf32, #tpu.memory_space<hbm>> -> memref<1x1x32x512xf32, #tpu.memory_space<hbm>>
    %dma_start3A_665 = tpu.memref_squeeze %dma_start3A_664 : memref<1x1x32x512xf32, #tpu.memory_space<hbm>> -> memref<32x512xf32, #tpu.memory_space<hbm>>
    %dma_start3A_666 = arith.constant 0 : i32
    %dma_start3A_667 = tpu.memref_slice %arg2[%add3A_170, %dma_start3A_662, %add3A_190, %dma_start3A_666] : memref<64x3x256x512xf32, #tpu.memory_space<hbm>> -> memref<1x1x32x512xf32, #tpu.memory_space<hbm>>
    %dma_start3A_668 = tpu.memref_squeeze %dma_start3A_667 : memref<1x1x32x512xf32, #tpu.memory_space<hbm>> -> memref<32x512xf32, #tpu.memory_space<hbm>>
    tpu.enqueue_dma source(%dma_start3A_668 : memref<32x512xf32, #tpu.memory_space<hbm>>) target(%arg7 : memref<32x512xf32, #tpu.memory_space<vmem>>) target_semaphore(%arg13 : memref<!tpu.dma_semaphore, #tpu.memory_space<semaphore_mem>>)
    %dma_start3A_669 = arith.constant 2 : i32
    %dma_start3A_670 = arith.constant 0 : i32
    %dma_start3A_671 = tpu.memref_slice %arg2[%add3A_170, %dma_start3A_669, %add3A_190, %dma_start3A_670] : memref<64x3x256x512xf32, #tpu.memory_space<hbm>> -> memref<1x1x32x512xf32, #tpu.memory_space<hbm>>
    %dma_start3A_672 = tpu.memref_squeeze %dma_start3A_671 : memref<1x1x32x512xf32, #tpu.memory_space<hbm>> -> memref<32x512xf32, #tpu.memory_space<hbm>>
    %dma_start3A_673 = arith.constant 0 : i32
    %dma_start3A_674 = tpu.memref_slice %arg2[%add3A_170, %dma_start3A_669, %add3A_190, %dma_start3A_673] : memref<64x3x256x512xf32, #tpu.memory_space<hbm>> -> memref<1x1x32x512xf32, #tpu.memory_space<hbm>>
    %dma_start3A_675 = tpu.memref_squeeze %dma_start3A_674 : memref<1x1x32x512xf32, #tpu.memory_space<hbm>> -> memref<32x512xf32, #tpu.memory_space<hbm>>
    tpu.enqueue_dma source(%dma_start3A_675 : memref<32x512xf32, #tpu.memory_space<hbm>>) target(%arg9 : memref<32x512xf32, #tpu.memory_space<vmem>>) target_semaphore(%arg13 : memref<!tpu.dma_semaphore, #tpu.memory_space<semaphore_mem>>)
    %dma_wait3A_676 = arith.constant 0 : i32
    %dma_wait3A_677 = arith.constant 0 : i32
    %dma_wait3A_678 = tpu.memref_slice %arg2[%add3A_120, %dma_wait3A_676, %add3A_142, %dma_wait3A_677] : memref<64x3x256x512xf32, #tpu.memory_space<hbm>> -> memref<1x1x32x512xf32, #tpu.memory_space<hbm>>
    %dma_wait3A_679 = tpu.memref_squeeze %dma_wait3A_678 : memref<1x1x32x512xf32, #tpu.memory_space<hbm>> -> memref<32x512xf32, #tpu.memory_space<hbm>>
    %dma_wait3A_680 = arith.constant 0 : i32
    %dma_wait3A_681 = tpu.memref_slice %arg2[%add3A_120, %dma_wait3A_676, %add3A_142, %dma_wait3A_680] : memref<64x3x256x512xf32, #tpu.memory_space<hbm>> -> memref<1x1x32x512xf32, #tpu.memory_space<hbm>>
    %dma_wait3A_682 = tpu.memref_squeeze %dma_wait3A_681 : memref<1x1x32x512xf32, #tpu.memory_space<hbm>> -> memref<32x512xf32, #tpu.memory_space<hbm>>
    tpu.wait_dma2 semaphore(%arg14 : memref<!tpu.dma_semaphore, #tpu.memory_space<semaphore_mem>>) src(%dma_wait3A_682 : memref<32x512xf32, #tpu.memory_space<hbm>>) dst(%arg6 : memref<32x512xf32, #tpu.memory_space<vmem>>)
    %dma_wait3A_683 = arith.constant 1 : i32
    %dma_wait3A_684 = arith.constant 0 : i32
    %dma_wait3A_685 = tpu.memref_slice %arg2[%add3A_120, %dma_wait3A_683, %add3A_142, %dma_wait3A_684] : memref<64x3x256x512xf32, #tpu.memory_space<hbm>> -> memref<1x1x32x512xf32, #tpu.memory_space<hbm>>
    %dma_wait3A_686 = tpu.memref_squeeze %dma_wait3A_685 : memref<1x1x32x512xf32, #tpu.memory_space<hbm>> -> memref<32x512xf32, #tpu.memory_space<hbm>>
    %dma_wait3A_687 = arith.constant 0 : i32
    %dma_wait3A_688 = tpu.memref_slice %arg2[%add3A_120, %dma_wait3A_683, %add3A_142, %dma_wait3A_687] : memref<64x3x256x512xf32, #tpu.memory_space<hbm>> -> memref<1x1x32x512xf32, #tpu.memory_space<hbm>>
    %dma_wait3A_689 = tpu.memref_squeeze %dma_wait3A_688 : memref<1x1x32x512xf32, #tpu.memory_space<hbm>> -> memref<32x512xf32, #tpu.memory_space<hbm>>
    tpu.wait_dma2 semaphore(%arg14 : memref<!tpu.dma_semaphore, #tpu.memory_space<semaphore_mem>>) src(%dma_wait3A_689 : memref<32x512xf32, #tpu.memory_space<hbm>>) dst(%arg8 : memref<32x512xf32, #tpu.memory_space<vmem>>)
    %dma_wait3A_690 = arith.constant 2 : i32
    %dma_wait3A_691 = arith.constant 0 : i32
    %dma_wait3A_692 = tpu.memref_slice %arg2[%add3A_120, %dma_wait3A_690, %add3A_142, %dma_wait3A_691] : memref<64x3x256x512xf32, #tpu.memory_space<hbm>> -> memref<1x1x32x512xf32, #tpu.memory_space<hbm>>
    %dma_wait3A_693 = tpu.memref_squeeze %dma_wait3A_692 : memref<1x1x32x512xf32, #tpu.memory_space<hbm>> -> memref<32x512xf32, #tpu.memory_space<hbm>>
    %dma_wait3A_694 = arith.constant 0 : i32
    %dma_wait3A_695 = tpu.memref_slice %arg2[%add3A_120, %dma_wait3A_690, %add3A_142, %dma_wait3A_694] : memref<64x3x256x512xf32, #tpu.memory_space<hbm>> -> memref<1x1x32x512xf32, #tpu.memory_space<hbm>>
    %dma_wait3A_696 = tpu.memref_squeeze %dma_wait3A_695 : memref<1x1x32x512xf32, #tpu.memory_space<hbm>> -> memref<32x512xf32, #tpu.memory_space<hbm>>
    tpu.wait_dma2 semaphore(%arg14 : memref<!tpu.dma_semaphore, #tpu.memory_space<semaphore_mem>>) src(%dma_wait3A_696 : memref<32x512xf32, #tpu.memory_space<hbm>>) dst(%arg10 : memref<32x512xf32, #tpu.memory_space<vmem>>)
    %scan3A_697 = arith.constant 0 : i32
    %scan3A_698 = arith.constant 32 : i32
    %scan3A_699 = arith.addi %scan3A_697, %scan3A_698 : i32
    %scan3A_700 = arith.constant 1 : i32
    %scan3A_701:8 = scf.for %scan3A_915 = %scan3A_697 to %scan3A_699 step %scan3A_700 iter_args(%scan3A_916 = %scan3A_653#0, %scan3A_917 = %scan3A_653#1, %scan3A_918 = %scan3A_653#2, %scan3A_919 = %scan3A_653#3, %scan3A_920 = %scan3A_653#4, %scan3A_921 = %scan3A_653#5, %scan3A_922 = %scan3A_653#6, %scan3A_923 = %scan3A_653#7) -> (vector<16xf32>, vector<16xf32>, vector<16xf32>, vector<16xf32>, vector<16xf32>, vector<16xf32>, vector<16xf32>, vector<16xf32>)  : i32 {
      %scan3A_924 = arith.constant 0 : i32
      %scan3A_925 = arith.constant 2 : i32
      %scan3A_926 = arith.addi %scan3A_924, %scan3A_925 : i32
      %scan3A_927 = arith.constant 1 : i32
      %scan3A_928:8 = scf.for %scan3A_930 = %scan3A_924 to %scan3A_926 step %scan3A_927 iter_args(%scan3A_931 = %scan3A_916, %scan3A_932 = %scan3A_917, %scan3A_933 = %scan3A_918, %scan3A_934 = %scan3A_919, %scan3A_935 = %scan3A_920, %scan3A_936 = %scan3A_921, %scan3A_937 = %scan3A_922, %scan3A_938 = %scan3A_923) -> (vector<16xf32>, vector<16xf32>, vector<16xf32>, vector<16xf32>, vector<16xf32>, vector<16xf32>, vector<16xf32>, vector<16xf32>)  : i32 {
        %mul3A_939 = arith.constant 256 : i32
        %mul3A_940 = arith.muli %scan3A_930, %mul3A_939 : i32
        %add3A_941 = arith.constant 0 : i32
        %add3A_942 = arith.addi %mul3A_940, %add3A_941 : i32
        %get3A_943 = arith.index_cast %scan3A_915 : i32 to index
        %get3A_944 = arith.index_cast %add3A_942 : i32 to index
        %get3A_945 = tpu.vector_load %arg6[%get3A_943, %get3A_944] {strides = array<i32>} : memref<32x512xf32, #tpu.memory_space<vmem>>, vector<16xf32>,
        %get3A_946 = arith.index_cast %scan3A_915 : i32 to index
        %get3A_947 = arith.index_cast %add3A_942 : i32 to index
        %get3A_948 = tpu.vector_load %arg8[%get3A_946, %get3A_947] {strides = array<i32>} : memref<32x512xf32, #tpu.memory_space<vmem>>, vector<16xf32>,
        %get3A_949 = arith.index_cast %scan3A_915 : i32 to index
        %get3A_950 = arith.index_cast %add3A_942 : i32 to index
        %get3A_951 = tpu.vector_load %arg10[%get3A_949, %get3A_950] {strides = array<i32>} : memref<32x512xf32, #tpu.memory_space<vmem>>, vector<16xf32>,
        %mul3A_952 = arith.mulf %get3A_945, %get3A_945 : vector<16xf32>
        %mul3A_953 = arith.mulf %get3A_948, %get3A_948 : vector<16xf32>
        %add3A_954 = arith.addf %mul3A_952, %mul3A_953 : vector<16xf32>
        %mul3A_955 = arith.mulf %get3A_951, %get3A_951 : vector<16xf32>
        %add3A_956 = arith.addf %add3A_954, %mul3A_955 : vector<16xf32>
        %mul3A_957 = arith.mulf %add3A_956, %get3A_604 : vector<16xf32>
        %exp3A = math.exp %mul3A_957 : vector<16xf32>
        %lt3A_958 = arith.constant 3.000000e+00 : f32
        %lt3A_959 = vector.broadcast %lt3A_958 : f32 to vector<16xf32>
        %lt3A_960 = arith.cmpf olt, %add3A_956, %lt3A_959 : vector<16xf32>
        %jit3A_961 = arith.constant 0.000000e+00 : f32
        %broadcast_in_dim3A_962 = vector.broadcast %jit3A_961 : f32 to vector<16xf32>
        %select_n3A_963 = arith.select %lt3A_960, %exp3A, %broadcast_in_dim3A_962 : vector<16xi1>, vector<16xf32>
        %add3A_964 = arith.addf %scan3A_931, %select_n3A_963 : vector<16xf32>
        %add3A_965 = arith.constant 16 : i32
        %add3A_966 = arith.addi %mul3A_940, %add3A_965 : i32
        %get3A_967 = arith.index_cast %scan3A_915 : i32 to index
        %get3A_968 = arith.index_cast %add3A_966 : i32 to index
        %get3A_969 = tpu.vector_load %arg6[%get3A_967, %get3A_968] {strides = array<i32>} : memref<32x512xf32, #tpu.memory_space<vmem>>, vector<16xf32>,
        %get3A_970 = arith.index_cast %scan3A_915 : i32 to index
        %get3A_971 = arith.index_cast %add3A_966 : i32 to index
        %get3A_972 = tpu.vector_load %arg8[%get3A_970, %get3A_971] {strides = array<i32>} : memref<32x512xf32, #tpu.memory_space<vmem>>, vector<16xf32>,
        %get3A_973 = arith.index_cast %scan3A_915 : i32 to index
        %get3A_974 = arith.index_cast %add3A_966 : i32 to index
        %get3A_975 = tpu.vector_load %arg10[%get3A_973, %get3A_974] {strides = array<i32>} : memref<32x512xf32, #tpu.memory_space<vmem>>, vector<16xf32>,
        %mul3A_976 = arith.mulf %get3A_969, %get3A_969 : vector<16xf32>
        %mul3A_977 = arith.mulf %get3A_972, %get3A_972 : vector<16xf32>
        %add3A_978 = arith.addf %mul3A_976, %mul3A_977 : vector<16xf32>
        %mul3A_979 = arith.mulf %get3A_975, %get3A_975 : vector<16xf32>
        %add3A_980 = arith.addf %add3A_978, %mul3A_979 : vector<16xf32>
        %mul3A_981 = arith.mulf %add3A_980, %get3A_604 : vector<16xf32>
        %exp3A_982 = math.exp %mul3A_981 : vector<16xf32>
        %lt3A_983 = arith.constant 3.000000e+00 : f32
        %lt3A_984 = vector.broadcast %lt3A_983 : f32 to vector<16xf32>
        %lt3A_985 = arith.cmpf olt, %add3A_980, %lt3A_984 : vector<16xf32>
        %jit3A_986 = arith.constant 0.000000e+00 : f32
        %broadcast_in_dim3A_987 = vector.broadcast %jit3A_986 : f32 to vector<16xf32>
        %select_n3A_988 = arith.select %lt3A_985, %exp3A_982, %broadcast_in_dim3A_987 : vector<16xi1>, vector<16xf32>
        %add3A_989 = arith.addf %scan3A_932, %select_n3A_988 : vector<16xf32>
        %add3A_990 = arith.constant 32 : i32
        %add3A_991 = arith.addi %mul3A_940, %add3A_990 : i32
        %get3A_992 = arith.index_cast %scan3A_915 : i32 to index
        %get3A_993 = arith.index_cast %add3A_991 : i32 to index
        %get3A_994 = tpu.vector_load %arg6[%get3A_992, %get3A_993] {strides = array<i32>} : memref<32x512xf32, #tpu.memory_space<vmem>>, vector<16xf32>,
        %get3A_995 = arith.index_cast %scan3A_915 : i32 to index
        %get3A_996 = arith.index_cast %add3A_991 : i32 to index
        %get3A_997 = tpu.vector_load %arg8[%get3A_995, %get3A_996] {strides = array<i32>} : memref<32x512xf32, #tpu.memory_space<vmem>>, vector<16xf32>,
        %get3A_998 = arith.index_cast %scan3A_915 : i32 to index
        %get3A_999 = arith.index_cast %add3A_991 : i32 to index
        %get3A_1000 = tpu.vector_load %arg10[%get3A_998, %get3A_999] {strides = array<i32>} : memref<32x512xf32, #tpu.memory_space<vmem>>, vector<16xf32>,
        %mul3A_1001 = arith.mulf %get3A_994, %get3A_994 : vector<16xf32>
        %mul3A_1002 = arith.mulf %get3A_997, %get3A_997 : vector<16xf32>
        %add3A_1003 = arith.addf %mul3A_1001, %mul3A_1002 : vector<16xf32>
        %mul3A_1004 = arith.mulf %get3A_1000, %get3A_1000 : vector<16xf32>
        %add3A_1005 = arith.addf %add3A_1003, %mul3A_1004 : vector<16xf32>
        %mul3A_1006 = arith.mulf %add3A_1005, %get3A_604 : vector<16xf32>
        %exp3A_1007 = math.exp %mul3A_1006 : vector<16xf32>
        %lt3A_1008 = arith.constant 3.000000e+00 : f32
        %lt3A_1009 = vector.broadcast %lt3A_1008 : f32 to vector<16xf32>
        %lt3A_1010 = arith.cmpf olt, %add3A_1005, %lt3A_1009 : vector<16xf32>
        %jit3A_1011 = arith.constant 0.000000e+00 : f32
        %broadcast_in_dim3A_1012 = vector.broadcast %jit3A_1011 : f32 to vector<16xf32>
        %select_n3A_1013 = arith.select %lt3A_1010, %exp3A_1007, %broadcast_in_dim3A_1012 : vector<16xi1>, vector<16xf32>
        %add3A_1014 = arith.addf %scan3A_933, %select_n3A_1013 : vector<16xf32>
        %add3A_1015 = arith.constant 48 : i32
        %add3A_1016 = arith.addi %mul3A_940, %add3A_1015 : i32
        %get3A_1017 = arith.index_cast %scan3A_915 : i32 to index
        %get3A_1018 = arith.index_cast %add3A_1016 : i32 to index
        %get3A_1019 = tpu.vector_load %arg6[%get3A_1017, %get3A_1018] {strides = array<i32>} : memref<32x512xf32, #tpu.memory_space<vmem>>, vector<16xf32>,
        %get3A_1020 = arith.index_cast %scan3A_915 : i32 to index
        %get3A_1021 = arith.index_cast %add3A_1016 : i32 to index
        %get3A_1022 = tpu.vector_load %arg8[%get3A_1020, %get3A_1021] {strides = array<i32>} : memref<32x512xf32, #tpu.memory_space<vmem>>, vector<16xf32>,
        %get3A_1023 = arith.index_cast %scan3A_915 : i32 to index
        %get3A_1024 = arith.index_cast %add3A_1016 : i32 to index
        %get3A_1025 = tpu.vector_load %arg10[%get3A_1023, %get3A_1024] {strides = array<i32>} : memref<32x512xf32, #tpu.memory_space<vmem>>, vector<16xf32>,
        %mul3A_1026 = arith.mulf %get3A_1019, %get3A_1019 : vector<16xf32>
        %mul3A_1027 = arith.mulf %get3A_1022, %get3A_1022 : vector<16xf32>
        %add3A_1028 = arith.addf %mul3A_1026, %mul3A_1027 : vector<16xf32>
        %mul3A_1029 = arith.mulf %get3A_1025, %get3A_1025 : vector<16xf32>
        %add3A_1030 = arith.addf %add3A_1028, %mul3A_1029 : vector<16xf32>
        %mul3A_1031 = arith.mulf %add3A_1030, %get3A_604 : vector<16xf32>
        %exp3A_1032 = math.exp %mul3A_1031 : vector<16xf32>
        %lt3A_1033 = arith.constant 3.000000e+00 : f32
        %lt3A_1034 = vector.broadcast %lt3A_1033 : f32 to vector<16xf32>
        %lt3A_1035 = arith.cmpf olt, %add3A_1030, %lt3A_1034 : vector<16xf32>
        %jit3A_1036 = arith.constant 0.000000e+00 : f32
        %broadcast_in_dim3A_1037 = vector.broadcast %jit3A_1036 : f32 to vector<16xf32>
        %select_n3A_1038 = arith.select %lt3A_1035, %exp3A_1032, %broadcast_in_dim3A_1037 : vector<16xi1>, vector<16xf32>
        %add3A_1039 = arith.addf %scan3A_934, %select_n3A_1038 : vector<16xf32>
        %add3A_1040 = arith.constant 64 : i32
        %add3A_1041 = arith.addi %mul3A_940, %add3A_1040 : i32
        %get3A_1042 = arith.index_cast %scan3A_915 : i32 to index
        %get3A_1043 = arith.index_cast %add3A_1041 : i32 to index
        %get3A_1044 = tpu.vector_load %arg6[%get3A_1042, %get3A_1043] {strides = array<i32>} : memref<32x512xf32, #tpu.memory_space<vmem>>, vector<16xf32>,
        %get3A_1045 = arith.index_cast %scan3A_915 : i32 to index
        %get3A_1046 = arith.index_cast %add3A_1041 : i32 to index
        %get3A_1047 = tpu.vector_load %arg8[%get3A_1045, %get3A_1046] {strides = array<i32>} : memref<32x512xf32, #tpu.memory_space<vmem>>, vector<16xf32>,
        %get3A_1048 = arith.index_cast %scan3A_915 : i32 to index
        %get3A_1049 = arith.index_cast %add3A_1041 : i32 to index
        %get3A_1050 = tpu.vector_load %arg10[%get3A_1048, %get3A_1049] {strides = array<i32>} : memref<32x512xf32, #tpu.memory_space<vmem>>, vector<16xf32>,
        %mul3A_1051 = arith.mulf %get3A_1044, %get3A_1044 : vector<16xf32>
        %mul3A_1052 = arith.mulf %get3A_1047, %get3A_1047 : vector<16xf32>
        %add3A_1053 = arith.addf %mul3A_1051, %mul3A_1052 : vector<16xf32>
        %mul3A_1054 = arith.mulf %get3A_1050, %get3A_1050 : vector<16xf32>
        %add3A_1055 = arith.addf %add3A_1053, %mul3A_1054 : vector<16xf32>
        %mul3A_1056 = arith.mulf %add3A_1055, %get3A_604 : vector<16xf32>
        %exp3A_1057 = math.exp %mul3A_1056 : vector<16xf32>
        %lt3A_1058 = arith.constant 3.000000e+00 : f32
        %lt3A_1059 = vector.broadcast %lt3A_1058 : f32 to vector<16xf32>
        %lt3A_1060 = arith.cmpf olt, %add3A_1055, %lt3A_1059 : vector<16xf32>
        %jit3A_1061 = arith.constant 0.000000e+00 : f32
        %broadcast_in_dim3A_1062 = vector.broadcast %jit3A_1061 : f32 to vector<16xf32>
        %select_n3A_1063 = arith.select %lt3A_1060, %exp3A_1057, %broadcast_in_dim3A_1062 : vector<16xi1>, vector<16xf32>
        %add3A_1064 = arith.addf %scan3A_935, %select_n3A_1063 : vector<16xf32>
        %add3A_1065 = arith.constant 80 : i32
        %add3A_1066 = arith.addi %mul3A_940, %add3A_1065 : i32
        %get3A_1067 = arith.index_cast %scan3A_915 : i32 to index
        %get3A_1068 = arith.index_cast %add3A_1066 : i32 to index
        %get3A_1069 = tpu.vector_load %arg6[%get3A_1067, %get3A_1068] {strides = array<i32>} : memref<32x512xf32, #tpu.memory_space<vmem>>, vector<16xf32>,
        %get3A_1070 = arith.index_cast %scan3A_915 : i32 to index
        %get3A_1071 = arith.index_cast %add3A_1066 : i32 to index
        %get3A_1072 = tpu.vector_load %arg8[%get3A_1070, %get3A_1071] {strides = array<i32>} : memref<32x512xf32, #tpu.memory_space<vmem>>, vector<16xf32>,
        %get3A_1073 = arith.index_cast %scan3A_915 : i32 to index
        %get3A_1074 = arith.index_cast %add3A_1066 : i32 to index
        %get3A_1075 = tpu.vector_load %arg10[%get3A_1073, %get3A_1074] {strides = array<i32>} : memref<32x512xf32, #tpu.memory_space<vmem>>, vector<16xf32>,
        %mul3A_1076 = arith.mulf %get3A_1069, %get3A_1069 : vector<16xf32>
        %mul3A_1077 = arith.mulf %get3A_1072, %get3A_1072 : vector<16xf32>
        %add3A_1078 = arith.addf %mul3A_1076, %mul3A_1077 : vector<16xf32>
        %mul3A_1079 = arith.mulf %get3A_1075, %get3A_1075 : vector<16xf32>
        %add3A_1080 = arith.addf %add3A_1078, %mul3A_1079 : vector<16xf32>
        %mul3A_1081 = arith.mulf %add3A_1080, %get3A_604 : vector<16xf32>
        %exp3A_1082 = math.exp %mul3A_1081 : vector<16xf32>
        %lt3A_1083 = arith.constant 3.000000e+00 : f32
        %lt3A_1084 = vector.broadcast %lt3A_1083 : f32 to vector<16xf32>
        %lt3A_1085 = arith.cmpf olt, %add3A_1080, %lt3A_1084 : vector<16xf32>
        %jit3A_1086 = arith.constant 0.000000e+00 : f32
        %broadcast_in_dim3A_1087 = vector.broadcast %jit3A_1086 : f32 to vector<16xf32>
        %select_n3A_1088 = arith.select %lt3A_1085, %exp3A_1082, %broadcast_in_dim3A_1087 : vector<16xi1>, vector<16xf32>
        %add3A_1089 = arith.addf %scan3A_936, %select_n3A_1088 : vector<16xf32>
        %add3A_1090 = arith.constant 96 : i32
        %add3A_1091 = arith.addi %mul3A_940, %add3A_1090 : i32
        %get3A_1092 = arith.index_cast %scan3A_915 : i32 to index
        %get3A_1093 = arith.index_cast %add3A_1091 : i32 to index
        %get3A_1094 = tpu.vector_load %arg6[%get3A_1092, %get3A_1093] {strides = array<i32>} : memref<32x512xf32, #tpu.memory_space<vmem>>, vector<16xf32>,
        %get3A_1095 = arith.index_cast %scan3A_915 : i32 to index
        %get3A_1096 = arith.index_cast %add3A_1091 : i32 to index
        %get3A_1097 = tpu.vector_load %arg8[%get3A_1095, %get3A_1096] {strides = array<i32>} : memref<32x512xf32, #tpu.memory_space<vmem>>, vector<16xf32>,
        %get3A_1098 = arith.index_cast %scan3A_915 : i32 to index
        %get3A_1099 = arith.index_cast %add3A_1091 : i32 to index
        %get3A_1100 = tpu.vector_load %arg10[%get3A_1098, %get3A_1099] {strides = array<i32>} : memref<32x512xf32, #tpu.memory_space<vmem>>, vector<16xf32>,
        %mul3A_1101 = arith.mulf %get3A_1094, %get3A_1094 : vector<16xf32>
        %mul3A_1102 = arith.mulf %get3A_1097, %get3A_1097 : vector<16xf32>
        %add3A_1103 = arith.addf %mul3A_1101, %mul3A_1102 : vector<16xf32>
        %mul3A_1104 = arith.mulf %get3A_1100, %get3A_1100 : vector<16xf32>
        %add3A_1105 = arith.addf %add3A_1103, %mul3A_1104 : vector<16xf32>
        %mul3A_1106 = arith.mulf %add3A_1105, %get3A_604 : vector<16xf32>
        %exp3A_1107 = math.exp %mul3A_1106 : vector<16xf32>
        %lt3A_1108 = arith.constant 3.000000e+00 : f32
        %lt3A_1109 = vector.broadcast %lt3A_1108 : f32 to vector<16xf32>
        %lt3A_1110 = arith.cmpf olt, %add3A_1105, %lt3A_1109 : vector<16xf32>
        %jit3A_1111 = arith.constant 0.000000e+00 : f32
        %broadcast_in_dim3A_1112 = vector.broadcast %jit3A_1111 : f32 to vector<16xf32>
        %select_n3A_1113 = arith.select %lt3A_1110, %exp3A_1107, %broadcast_in_dim3A_1112 : vector<16xi1>, vector<16xf32>
        %add3A_1114 = arith.addf %scan3A_937, %select_n3A_1113 : vector<16xf32>
        %add3A_1115 = arith.constant 112 : i32
        %add3A_1116 = arith.addi %mul3A_940, %add3A_1115 : i32
        %get3A_1117 = arith.index_cast %scan3A_915 : i32 to index
        %get3A_1118 = arith.index_cast %add3A_1116 : i32 to index
        %get3A_1119 = tpu.vector_load %arg6[%get3A_1117, %get3A_1118] {strides = array<i32>} : memref<32x512xf32, #tpu.memory_space<vmem>>, vector<16xf32>,
        %get3A_1120 = arith.index_cast %scan3A_915 : i32 to index
        %get3A_1121 = arith.index_cast %add3A_1116 : i32 to index
        %get3A_1122 = tpu.vector_load %arg8[%get3A_1120, %get3A_1121] {strides = array<i32>} : memref<32x512xf32, #tpu.memory_space<vmem>>, vector<16xf32>,
        %get3A_1123 = arith.index_cast %scan3A_915 : i32 to index
        %get3A_1124 = arith.index_cast %add3A_1116 : i32 to index
        %get3A_1125 = tpu.vector_load %arg10[%get3A_1123, %get3A_1124] {strides = array<i32>} : memref<32x512xf32, #tpu.memory_space<vmem>>, vector<16xf32>,
        %mul3A_1126 = arith.mulf %get3A_1119, %get3A_1119 : vector<16xf32>
        %mul3A_1127 = arith.mulf %get3A_1122, %get3A_1122 : vector<16xf32>
        %add3A_1128 = arith.addf %mul3A_1126, %mul3A_1127 : vector<16xf32>
        %mul3A_1129 = arith.mulf %get3A_1125, %get3A_1125 : vector<16xf32>
        %add3A_1130 = arith.addf %add3A_1128, %mul3A_1129 : vector<16xf32>
        %mul3A_1131 = arith.mulf %add3A_1130, %get3A_604 : vector<16xf32>
        %exp3A_1132 = math.exp %mul3A_1131 : vector<16xf32>
        %lt3A_1133 = arith.constant 3.000000e+00 : f32
        %lt3A_1134 = vector.broadcast %lt3A_1133 : f32 to vector<16xf32>
        %lt3A_1135 = arith.cmpf olt, %add3A_1130, %lt3A_1134 : vector<16xf32>
        %jit3A_1136 = arith.constant 0.000000e+00 : f32
        %broadcast_in_dim3A_1137 = vector.broadcast %jit3A_1136 : f32 to vector<16xf32>
        %select_n3A_1138 = arith.select %lt3A_1135, %exp3A_1132, %broadcast_in_dim3A_1137 : vector<16xi1>, vector<16xf32>
        %add3A_1139 = arith.addf %scan3A_938, %select_n3A_1138 : vector<16xf32>
        %add3A_1140 = arith.constant 128 : i32
        %add3A_1141 = arith.addi %mul3A_940, %add3A_1140 : i32
        %get3A_1142 = arith.index_cast %scan3A_915 : i32 to index
        %get3A_1143 = arith.index_cast %add3A_1141 : i32 to index
        %get3A_1144 = tpu.vector_load %arg6[%get3A_1142, %get3A_1143] {strides = array<i32>} : memref<32x512xf32, #tpu.memory_space<vmem>>, vector<16xf32>,
        %get3A_1145 = arith.index_cast %scan3A_915 : i32 to index
        %get3A_1146 = arith.index_cast %add3A_1141 : i32 to index
        %get3A_1147 = tpu.vector_load %arg8[%get3A_1145, %get3A_1146] {strides = array<i32>} : memref<32x512xf32, #tpu.memory_space<vmem>>, vector<16xf32>,
        %get3A_1148 = arith.index_cast %scan3A_915 : i32 to index
        %get3A_1149 = arith.index_cast %add3A_1141 : i32 to index
        %get3A_1150 = tpu.vector_load %arg10[%get3A_1148, %get3A_1149] {strides = array<i32>} : memref<32x512xf32, #tpu.memory_space<vmem>>, vector<16xf32>,
        %mul3A_1151 = arith.mulf %get3A_1144, %get3A_1144 : vector<16xf32>
        %mul3A_1152 = arith.mulf %get3A_1147, %get3A_1147 : vector<16xf32>
        %add3A_1153 = arith.addf %mul3A_1151, %mul3A_1152 : vector<16xf32>
        %mul3A_1154 = arith.mulf %get3A_1150, %get3A_1150 : vector<16xf32>
        %add3A_1155 = arith.addf %add3A_1153, %mul3A_1154 : vector<16xf32>
        %mul3A_1156 = arith.mulf %add3A_1155, %get3A_604 : vector<16xf32>
        %exp3A_1157 = math.exp %mul3A_1156 : vector<16xf32>
        %lt3A_1158 = arith.constant 3.000000e+00 : f32
        %lt3A_1159 = vector.broadcast %lt3A_1158 : f32 to vector<16xf32>
        %lt3A_1160 = arith.cmpf olt, %add3A_1155, %lt3A_1159 : vector<16xf32>
        %jit3A_1161 = arith.constant 0.000000e+00 : f32
        %broadcast_in_dim3A_1162 = vector.broadcast %jit3A_1161 : f32 to vector<16xf32>
        %select_n3A_1163 = arith.select %lt3A_1160, %exp3A_1157, %broadcast_in_dim3A_1162 : vector<16xi1>, vector<16xf32>
        %add3A_1164 = arith.addf %add3A_964, %select_n3A_1163 : vector<16xf32>
        %add3A_1165 = arith.constant 144 : i32
        %add3A_1166 = arith.addi %mul3A_940, %add3A_1165 : i32
        %get3A_1167 = arith.index_cast %scan3A_915 : i32 to index
        %get3A_1168 = arith.index_cast %add3A_1166 : i32 to index
        %get3A_1169 = tpu.vector_load %arg6[%get3A_1167, %get3A_1168] {strides = array<i32>} : memref<32x512xf32, #tpu.memory_space<vmem>>, vector<16xf32>,
        %get3A_1170 = arith.index_cast %scan3A_915 : i32 to index
        %get3A_1171 = arith.index_cast %add3A_1166 : i32 to index
        %get3A_1172 = tpu.vector_load %arg8[%get3A_1170, %get3A_1171] {strides = array<i32>} : memref<32x512xf32, #tpu.memory_space<vmem>>, vector<16xf32>,
        %get3A_1173 = arith.index_cast %scan3A_915 : i32 to index
        %get3A_1174 = arith.index_cast %add3A_1166 : i32 to index
        %get3A_1175 = tpu.vector_load %arg10[%get3A_1173, %get3A_1174] {strides = array<i32>} : memref<32x512xf32, #tpu.memory_space<vmem>>, vector<16xf32>,
        %mul3A_1176 = arith.mulf %get3A_1169, %get3A_1169 : vector<16xf32>
        %mul3A_1177 = arith.mulf %get3A_1172, %get3A_1172 : vector<16xf32>
        %add3A_1178 = arith.addf %mul3A_1176, %mul3A_1177 : vector<16xf32>
        %mul3A_1179 = arith.mulf %get3A_1175, %get3A_1175 : vector<16xf32>
        %add3A_1180 = arith.addf %add3A_1178, %mul3A_1179 : vector<16xf32>
        %mul3A_1181 = arith.mulf %add3A_1180, %get3A_604 : vector<16xf32>
        %exp3A_1182 = math.exp %mul3A_1181 : vector<16xf32>
        %lt3A_1183 = arith.constant 3.000000e+00 : f32
        %lt3A_1184 = vector.broadcast %lt3A_1183 : f32 to vector<16xf32>
        %lt3A_1185 = arith.cmpf olt, %add3A_1180, %lt3A_1184 : vector<16xf32>
        %jit3A_1186 = arith.constant 0.000000e+00 : f32
        %broadcast_in_dim3A_1187 = vector.broadcast %jit3A_1186 : f32 to vector<16xf32>
        %select_n3A_1188 = arith.select %lt3A_1185, %exp3A_1182, %broadcast_in_dim3A_1187 : vector<16xi1>, vector<16xf32>
        %add3A_1189 = arith.addf %add3A_989, %select_n3A_1188 : vector<16xf32>
        %add3A_1190 = arith.constant 160 : i32
        %add3A_1191 = arith.addi %mul3A_940, %add3A_1190 : i32
        %get3A_1192 = arith.index_cast %scan3A_915 : i32 to index
        %get3A_1193 = arith.index_cast %add3A_1191 : i32 to index
        %get3A_1194 = tpu.vector_load %arg6[%get3A_1192, %get3A_1193] {strides = array<i32>} : memref<32x512xf32, #tpu.memory_space<vmem>>, vector<16xf32>,
        %get3A_1195 = arith.index_cast %scan3A_915 : i32 to index
        %get3A_1196 = arith.index_cast %add3A_1191 : i32 to index
        %get3A_1197 = tpu.vector_load %arg8[%get3A_1195, %get3A_1196] {strides = array<i32>} : memref<32x512xf32, #tpu.memory_space<vmem>>, vector<16xf32>,
        %get3A_1198 = arith.index_cast %scan3A_915 : i32 to index
        %get3A_1199 = arith.index_cast %add3A_1191 : i32 to index
        %get3A_1200 = tpu.vector_load %arg10[%get3A_1198, %get3A_1199] {strides = array<i32>} : memref<32x512xf32, #tpu.memory_space<vmem>>, vector<16xf32>,
        %mul3A_1201 = arith.mulf %get3A_1194, %get3A_1194 : vector<16xf32>
        %mul3A_1202 = arith.mulf %get3A_1197, %get3A_1197 : vector<16xf32>
        %add3A_1203 = arith.addf %mul3A_1201, %mul3A_1202 : vector<16xf32>
        %mul3A_1204 = arith.mulf %get3A_1200, %get3A_1200 : vector<16xf32>
        %add3A_1205 = arith.addf %add3A_1203, %mul3A_1204 : vector<16xf32>
        %mul3A_1206 = arith.mulf %add3A_1205, %get3A_604 : vector<16xf32>
        %exp3A_1207 = math.exp %mul3A_1206 : vector<16xf32>
        %lt3A_1208 = arith.constant 3.000000e+00 : f32
        %lt3A_1209 = vector.broadcast %lt3A_1208 : f32 to vector<16xf32>
        %lt3A_1210 = arith.cmpf olt, %add3A_1205, %lt3A_1209 : vector<16xf32>
        %jit3A_1211 = arith.constant 0.000000e+00 : f32
        %broadcast_in_dim3A_1212 = vector.broadcast %jit3A_1211 : f32 to vector<16xf32>
        %select_n3A_1213 = arith.select %lt3A_1210, %exp3A_1207, %broadcast_in_dim3A_1212 : vector<16xi1>, vector<16xf32>
        %add3A_1214 = arith.addf %add3A_1014, %select_n3A_1213 : vector<16xf32>
        %add3A_1215 = arith.constant 176 : i32
        %add3A_1216 = arith.addi %mul3A_940, %add3A_1215 : i32
        %get3A_1217 = arith.index_cast %scan3A_915 : i32 to index
        %get3A_1218 = arith.index_cast %add3A_1216 : i32 to index
        %get3A_1219 = tpu.vector_load %arg6[%get3A_1217, %get3A_1218] {strides = array<i32>} : memref<32x512xf32, #tpu.memory_space<vmem>>, vector<16xf32>,
        %get3A_1220 = arith.index_cast %scan3A_915 : i32 to index
        %get3A_1221 = arith.index_cast %add3A_1216 : i32 to index
        %get3A_1222 = tpu.vector_load %arg8[%get3A_1220, %get3A_1221] {strides = array<i32>} : memref<32x512xf32, #tpu.memory_space<vmem>>, vector<16xf32>,
        %get3A_1223 = arith.index_cast %scan3A_915 : i32 to index
        %get3A_1224 = arith.index_cast %add3A_1216 : i32 to index
        %get3A_1225 = tpu.vector_load %arg10[%get3A_1223, %get3A_1224] {strides = array<i32>} : memref<32x512xf32, #tpu.memory_space<vmem>>, vector<16xf32>,
        %mul3A_1226 = arith.mulf %get3A_1219, %get3A_1219 : vector<16xf32>
        %mul3A_1227 = arith.mulf %get3A_1222, %get3A_1222 : vector<16xf32>
        %add3A_1228 = arith.addf %mul3A_1226, %mul3A_1227 : vector<16xf32>
        %mul3A_1229 = arith.mulf %get3A_1225, %get3A_1225 : vector<16xf32>
        %add3A_1230 = arith.addf %add3A_1228, %mul3A_1229 : vector<16xf32>
        %mul3A_1231 = arith.mulf %add3A_1230, %get3A_604 : vector<16xf32>
        %exp3A_1232 = math.exp %mul3A_1231 : vector<16xf32>
        %lt3A_1233 = arith.constant 3.000000e+00 : f32
        %lt3A_1234 = vector.broadcast %lt3A_1233 : f32 to vector<16xf32>
        %lt3A_1235 = arith.cmpf olt, %add3A_1230, %lt3A_1234 : vector<16xf32>
        %jit3A_1236 = arith.constant 0.000000e+00 : f32
        %broadcast_in_dim3A_1237 = vector.broadcast %jit3A_1236 : f32 to vector<16xf32>
        %select_n3A_1238 = arith.select %lt3A_1235, %exp3A_1232, %broadcast_in_dim3A_1237 : vector<16xi1>, vector<16xf32>
        %add3A_1239 = arith.addf %add3A_1039, %select_n3A_1238 : vector<16xf32>
        %add3A_1240 = arith.constant 192 : i32
        %add3A_1241 = arith.addi %mul3A_940, %add3A_1240 : i32
        %get3A_1242 = arith.index_cast %scan3A_915 : i32 to index
        %get3A_1243 = arith.index_cast %add3A_1241 : i32 to index
        %get3A_1244 = tpu.vector_load %arg6[%get3A_1242, %get3A_1243] {strides = array<i32>} : memref<32x512xf32, #tpu.memory_space<vmem>>, vector<16xf32>,
        %get3A_1245 = arith.index_cast %scan3A_915 : i32 to index
        %get3A_1246 = arith.index_cast %add3A_1241 : i32 to index
        %get3A_1247 = tpu.vector_load %arg8[%get3A_1245, %get3A_1246] {strides = array<i32>} : memref<32x512xf32, #tpu.memory_space<vmem>>, vector<16xf32>,
        %get3A_1248 = arith.index_cast %scan3A_915 : i32 to index
        %get3A_1249 = arith.index_cast %add3A_1241 : i32 to index
        %get3A_1250 = tpu.vector_load %arg10[%get3A_1248, %get3A_1249] {strides = array<i32>} : memref<32x512xf32, #tpu.memory_space<vmem>>, vector<16xf32>,
        %mul3A_1251 = arith.mulf %get3A_1244, %get3A_1244 : vector<16xf32>
        %mul3A_1252 = arith.mulf %get3A_1247, %get3A_1247 : vector<16xf32>
        %add3A_1253 = arith.addf %mul3A_1251, %mul3A_1252 : vector<16xf32>
        %mul3A_1254 = arith.mulf %get3A_1250, %get3A_1250 : vector<16xf32>
        %add3A_1255 = arith.addf %add3A_1253, %mul3A_1254 : vector<16xf32>
        %mul3A_1256 = arith.mulf %add3A_1255, %get3A_604 : vector<16xf32>
        %exp3A_1257 = math.exp %mul3A_1256 : vector<16xf32>
        %lt3A_1258 = arith.constant 3.000000e+00 : f32
        %lt3A_1259 = vector.broadcast %lt3A_1258 : f32 to vector<16xf32>
        %lt3A_1260 = arith.cmpf olt, %add3A_1255, %lt3A_1259 : vector<16xf32>
        %jit3A_1261 = arith.constant 0.000000e+00 : f32
        %broadcast_in_dim3A_1262 = vector.broadcast %jit3A_1261 : f32 to vector<16xf32>
        %select_n3A_1263 = arith.select %lt3A_1260, %exp3A_1257, %broadcast_in_dim3A_1262 : vector<16xi1>, vector<16xf32>
        %add3A_1264 = arith.addf %add3A_1064, %select_n3A_1263 : vector<16xf32>
        %add3A_1265 = arith.constant 208 : i32
        %add3A_1266 = arith.addi %mul3A_940, %add3A_1265 : i32
        %get3A_1267 = arith.index_cast %scan3A_915 : i32 to index
        %get3A_1268 = arith.index_cast %add3A_1266 : i32 to index
        %get3A_1269 = tpu.vector_load %arg6[%get3A_1267, %get3A_1268] {strides = array<i32>} : memref<32x512xf32, #tpu.memory_space<vmem>>, vector<16xf32>,
        %get3A_1270 = arith.index_cast %scan3A_915 : i32 to index
        %get3A_1271 = arith.index_cast %add3A_1266 : i32 to index
        %get3A_1272 = tpu.vector_load %arg8[%get3A_1270, %get3A_1271] {strides = array<i32>} : memref<32x512xf32, #tpu.memory_space<vmem>>, vector<16xf32>,
        %get3A_1273 = arith.index_cast %scan3A_915 : i32 to index
        %get3A_1274 = arith.index_cast %add3A_1266 : i32 to index
        %get3A_1275 = tpu.vector_load %arg10[%get3A_1273, %get3A_1274] {strides = array<i32>} : memref<32x512xf32, #tpu.memory_space<vmem>>, vector<16xf32>,
        %mul3A_1276 = arith.mulf %get3A_1269, %get3A_1269 : vector<16xf32>
        %mul3A_1277 = arith.mulf %get3A_1272, %get3A_1272 : vector<16xf32>
        %add3A_1278 = arith.addf %mul3A_1276, %mul3A_1277 : vector<16xf32>
        %mul3A_1279 = arith.mulf %get3A_1275, %get3A_1275 : vector<16xf32>
        %add3A_1280 = arith.addf %add3A_1278, %mul3A_1279 : vector<16xf32>
        %mul3A_1281 = arith.mulf %add3A_1280, %get3A_604 : vector<16xf32>
        %exp3A_1282 = math.exp %mul3A_1281 : vector<16xf32>
        %lt3A_1283 = arith.constant 3.000000e+00 : f32
        %lt3A_1284 = vector.broadcast %lt3A_1283 : f32 to vector<16xf32>
        %lt3A_1285 = arith.cmpf olt, %add3A_1280, %lt3A_1284 : vector<16xf32>
        %jit3A_1286 = arith.constant 0.000000e+00 : f32
        %broadcast_in_dim3A_1287 = vector.broadcast %jit3A_1286 : f32 to vector<16xf32>
        %select_n3A_1288 = arith.select %lt3A_1285, %exp3A_1282, %broadcast_in_dim3A_1287 : vector<16xi1>, vector<16xf32>
        %add3A_1289 = arith.addf %add3A_1089, %select_n3A_1288 : vector<16xf32>
        %add3A_1290 = arith.constant 224 : i32
        %add3A_1291 = arith.addi %mul3A_940, %add3A_1290 : i32
        %get3A_1292 = arith.index_cast %scan3A_915 : i32 to index
        %get3A_1293 = arith.index_cast %add3A_1291 : i32 to index
        %get3A_1294 = tpu.vector_load %arg6[%get3A_1292, %get3A_1293] {strides = array<i32>} : memref<32x512xf32, #tpu.memory_space<vmem>>, vector<16xf32>,
        %get3A_1295 = arith.index_cast %scan3A_915 : i32 to index
        %get3A_1296 = arith.index_cast %add3A_1291 : i32 to index
        %get3A_1297 = tpu.vector_load %arg8[%get3A_1295, %get3A_1296] {strides = array<i32>} : memref<32x512xf32, #tpu.memory_space<vmem>>, vector<16xf32>,
        %get3A_1298 = arith.index_cast %scan3A_915 : i32 to index
        %get3A_1299 = arith.index_cast %add3A_1291 : i32 to index
        %get3A_1300 = tpu.vector_load %arg10[%get3A_1298, %get3A_1299] {strides = array<i32>} : memref<32x512xf32, #tpu.memory_space<vmem>>, vector<16xf32>,
        %mul3A_1301 = arith.mulf %get3A_1294, %get3A_1294 : vector<16xf32>
        %mul3A_1302 = arith.mulf %get3A_1297, %get3A_1297 : vector<16xf32>
        %add3A_1303 = arith.addf %mul3A_1301, %mul3A_1302 : vector<16xf32>
        %mul3A_1304 = arith.mulf %get3A_1300, %get3A_1300 : vector<16xf32>
        %add3A_1305 = arith.addf %add3A_1303, %mul3A_1304 : vector<16xf32>
        %mul3A_1306 = arith.mulf %add3A_1305, %get3A_604 : vector<16xf32>
        %exp3A_1307 = math.exp %mul3A_1306 : vector<16xf32>
        %lt3A_1308 = arith.constant 3.000000e+00 : f32
        %lt3A_1309 = vector.broadcast %lt3A_1308 : f32 to vector<16xf32>
        %lt3A_1310 = arith.cmpf olt, %add3A_1305, %lt3A_1309 : vector<16xf32>
        %jit3A_1311 = arith.constant 0.000000e+00 : f32
        %broadcast_in_dim3A_1312 = vector.broadcast %jit3A_1311 : f32 to vector<16xf32>
        %select_n3A_1313 = arith.select %lt3A_1310, %exp3A_1307, %broadcast_in_dim3A_1312 : vector<16xi1>, vector<16xf32>
        %add3A_1314 = arith.addf %add3A_1114, %select_n3A_1313 : vector<16xf32>
        %add3A_1315 = arith.constant 240 : i32
        %add3A_1316 = arith.addi %mul3A_940, %add3A_1315 : i32
        %get3A_1317 = arith.index_cast %scan3A_915 : i32 to index
        %get3A_1318 = arith.index_cast %add3A_1316 : i32 to index
        %get3A_1319 = tpu.vector_load %arg6[%get3A_1317, %get3A_1318] {strides = array<i32>} : memref<32x512xf32, #tpu.memory_space<vmem>>, vector<16xf32>,
        %get3A_1320 = arith.index_cast %scan3A_915 : i32 to index
        %get3A_1321 = arith.index_cast %add3A_1316 : i32 to index
        %get3A_1322 = tpu.vector_load %arg8[%get3A_1320, %get3A_1321] {strides = array<i32>} : memref<32x512xf32, #tpu.memory_space<vmem>>, vector<16xf32>,
        %get3A_1323 = arith.index_cast %scan3A_915 : i32 to index
        %get3A_1324 = arith.index_cast %add3A_1316 : i32 to index
        %get3A_1325 = tpu.vector_load %arg10[%get3A_1323, %get3A_1324] {strides = array<i32>} : memref<32x512xf32, #tpu.memory_space<vmem>>, vector<16xf32>,
        %mul3A_1326 = arith.mulf %get3A_1319, %get3A_1319 : vector<16xf32>
        %mul3A_1327 = arith.mulf %get3A_1322, %get3A_1322 : vector<16xf32>
        %add3A_1328 = arith.addf %mul3A_1326, %mul3A_1327 : vector<16xf32>
        %mul3A_1329 = arith.mulf %get3A_1325, %get3A_1325 : vector<16xf32>
        %add3A_1330 = arith.addf %add3A_1328, %mul3A_1329 : vector<16xf32>
        %mul3A_1331 = arith.mulf %add3A_1330, %get3A_604 : vector<16xf32>
        %exp3A_1332 = math.exp %mul3A_1331 : vector<16xf32>
        %lt3A_1333 = arith.constant 3.000000e+00 : f32
        %lt3A_1334 = vector.broadcast %lt3A_1333 : f32 to vector<16xf32>
        %lt3A_1335 = arith.cmpf olt, %add3A_1330, %lt3A_1334 : vector<16xf32>
        %jit3A_1336 = arith.constant 0.000000e+00 : f32
        %broadcast_in_dim3A_1337 = vector.broadcast %jit3A_1336 : f32 to vector<16xf32>
        %select_n3A_1338 = arith.select %lt3A_1335, %exp3A_1332, %broadcast_in_dim3A_1337 : vector<16xi1>, vector<16xf32>
        %add3A_1339 = arith.addf %add3A_1139, %select_n3A_1338 : vector<16xf32>
        scf.yield %add3A_1164, %add3A_1189, %add3A_1214, %add3A_1239, %add3A_1264, %add3A_1289, %add3A_1314, %add3A_1339 : vector<16xf32>, vector<16xf32>, vector<16xf32>, vector<16xf32>, vector<16xf32>, vector<16xf32>, vector<16xf32>, vector<16xf32>
      }
      %scan3A_929 = arith.constant 2 : i32
      scf.yield %scan3A_928#0, %scan3A_928#1, %scan3A_928#2, %scan3A_928#3, %scan3A_928#4, %scan3A_928#5, %scan3A_928#6, %scan3A_928#7 : vector<16xf32>, vector<16xf32>, vector<16xf32>, vector<16xf32>, vector<16xf32>, vector<16xf32>, vector<16xf32>, vector<16xf32>
    }
    %scan3A_702 = arith.constant 32 : i32
    %add3A_703 = arith.addf %scan3A_701#0, %scan3A_701#1 : vector<16xf32>
    %add3A_704 = arith.addf %scan3A_701#2, %scan3A_701#3 : vector<16xf32>
    %add3A_705 = arith.addf %add3A_703, %add3A_704 : vector<16xf32>
    %add3A_706 = arith.addf %scan3A_701#4, %scan3A_701#5 : vector<16xf32>
    %add3A_707 = arith.addf %scan3A_701#6, %scan3A_701#7 : vector<16xf32>
    %add3A_708 = arith.addf %add3A_706, %add3A_707 : vector<16xf32>
    %add3A_709 = arith.addf %add3A_705, %add3A_708 : vector<16xf32>
    %swap3A_710 = arith.constant 0 : index
    %swap3A_711 = tpu.vector_load %arg12[%swap3A_710] {strides = array<i32>} : memref<16xf32, #tpu.memory_space<vmem>>, vector<16xf32>,
    tpu.vector_store %arg12[%swap3A_710], %add3A_709 {strides = array<i32>} : memref<16xf32, #tpu.memory_space<vmem>>, vector<16xf32>,
    %jit3A_712 = arith.constant 4 : i32
    %eq3A_713 = arith.constant 0 : i32
    %eq3A_714 = arith.cmpi eq, %jit3A_712, %eq3A_713 : i32
    %jit3A_715 = arith.constant 1 : i32
    %select_n3A_716 = arith.select %eq3A_714, %jit3A_715, %jit3A_712 : i32
    %rem3A_717 = arith.remsi %add3A_573, %select_n3A_716 : i32
    %ne3A_718 = arith.constant 0 : i32
    %ne3A_719 = arith.cmpi ne, %rem3A_717, %ne3A_718 : i32
    %lt3A_720 = arith.constant 0 : i32
    %lt3A_721 = arith.cmpi slt, %rem3A_717, %lt3A_720 : i32
    %lt3A_722 = arith.constant 0 : i32
    %lt3A_723 = arith.cmpi slt, %select_n3A_716, %lt3A_722 : i32
    %ne3A_724 = arith.xori %lt3A_721, %lt3A_723 : i1
    %and3A_725 = arith.andi %ne3A_724, %ne3A_719 : i1
    %add3A_726 = arith.addi %rem3A_717, %select_n3A_716 : i32
    %select_n3A_727 = arith.select %and3A_725, %add3A_726, %rem3A_717 : i32
    %jit3A_728 = arith.constant 4 : i32
    %div3A_729 = arith.divsi %add3A_573, %jit3A_728 : i32
    %sign3A_730 = arith.constant 0 : i32
    %sign3A_731 = arith.cmpi sgt, %add3A_573, %sign3A_730 : i32
    %sign3A_732 = arith.extui %sign3A_731 : i1 to i32
    %sign3A_733 = arith.constant 0 : i32
    %sign3A_734 = arith.cmpi slt, %add3A_573, %sign3A_733 : i32
    %sign3A_735 = arith.extui %sign3A_734 : i1 to i32
    %sign3A_736 = arith.subi %sign3A_732, %sign3A_735 : i32
    %sign3A_737 = arith.constant 0 : i32
    %sign3A_738 = arith.cmpi sgt, %jit3A_728, %sign3A_737 : i32
    %sign3A_739 = arith.extui %sign3A_738 : i1 to i32
    %sign3A_740 = arith.constant 0 : i32
    %sign3A_741 = arith.cmpi slt, %jit3A_728, %sign3A_740 : i32
    %sign3A_742 = arith.extui %sign3A_741 : i1 to i32
    %sign3A_743 = arith.subi %sign3A_739, %sign3A_742 : i32
    %ne3A_744 = arith.cmpi ne, %sign3A_736, %sign3A_743 : i32
    %rem3A_745 = arith.remsi %add3A_573, %jit3A_728 : i32
    %ne3A_746 = arith.constant 0 : i32
    %ne3A_747 = arith.cmpi ne, %rem3A_745, %ne3A_746 : i32
    %and3A_748 = arith.andi %ne3A_744, %ne3A_747 : i1
    %sub3A_749 = arith.constant 1 : i32
    %sub3A_750 = arith.subi %div3A_729, %sub3A_749 : i32
    %select_n3A_751 = arith.select %and3A_748, %sub3A_750, %div3A_729 : i32
    %mul3A_752 = arith.constant 16 : i32
    %mul3A_753 = arith.muli %select_n3A_727, %mul3A_752 : i32
    "tpu.region"() ({
      %run_scoped3A = tpu.sem_alloc : memref<!tpu.dma_semaphore, #tpu.memory_space<semaphore_mem>>
      %dma_start3A_915 = tpu.memref_slice %arg4[%select_n3A_751, %mul3A_753] : memref<32x64xf32, #tpu.memory_space<hbm>> -> memref<1x16xf32, #tpu.memory_space<hbm>>
      %dma_start3A_916 = tpu.memref_squeeze %dma_start3A_915 : memref<1x16xf32, #tpu.memory_space<hbm>> -> memref<16xf32, #tpu.memory_space<hbm>>
      %dma_start3A_917 = tpu.memref_slice %arg4[%select_n3A_751, %mul3A_753] : memref<32x64xf32, #tpu.memory_space<hbm>> -> memref<1x16xf32, #tpu.memory_space<hbm>>
      %dma_start3A_918 = tpu.memref_squeeze %dma_start3A_917 : memref<1x16xf32, #tpu.memory_space<hbm>> -> memref<16xf32, #tpu.memory_space<hbm>>
      tpu.enqueue_dma source(%arg12 : memref<16xf32, #tpu.memory_space<vmem>>) target(%dma_start3A_918 : memref<16xf32, #tpu.memory_space<hbm>>) target_semaphore(%run_scoped3A : memref<!tpu.dma_semaphore, #tpu.memory_space<semaphore_mem>>)
      %dma_wait3A_919 = tpu.memref_slice %arg4[%select_n3A_751, %mul3A_753] : memref<32x64xf32, #tpu.memory_space<hbm>> -> memref<1x16xf32, #tpu.memory_space<hbm>>
      %dma_wait3A_920 = tpu.memref_squeeze %dma_wait3A_919 : memref<1x16xf32, #tpu.memory_space<hbm>> -> memref<16xf32, #tpu.memory_space<hbm>>
      %dma_wait3A_921 = tpu.memref_slice %arg4[%select_n3A_751, %mul3A_753] : memref<32x64xf32, #tpu.memory_space<hbm>> -> memref<1x16xf32, #tpu.memory_space<hbm>>
      %dma_wait3A_922 = tpu.memref_squeeze %dma_wait3A_921 : memref<1x16xf32, #tpu.memory_space<hbm>> -> memref<16xf32, #tpu.memory_space<hbm>>
      tpu.wait_dma2 semaphore(%run_scoped3A : memref<!tpu.dma_semaphore, #tpu.memory_space<semaphore_mem>>) src(%arg12 : memref<16xf32, #tpu.memory_space<vmem>>) dst(%dma_wait3A_922 : memref<16xf32, #tpu.memory_space<hbm>>)
      tpu.yield
    }) : () -> ()
    %add3A_754 = arith.constant 3 : i32
    %add3A_755 = arith.addi %mul3A_2, %add3A_754 : i32
    %jit3A_756 = arith.constant 4 : i32
    %div3A_757 = arith.divsi %add3A_755, %jit3A_756 : i32
    %sign3A_758 = arith.constant 0 : i32
    %sign3A_759 = arith.cmpi sgt, %add3A_755, %sign3A_758 : i32
    %sign3A_760 = arith.extui %sign3A_759 : i1 to i32
    %sign3A_761 = arith.constant 0 : i32
    %sign3A_762 = arith.cmpi slt, %add3A_755, %sign3A_761 : i32
    %sign3A_763 = arith.extui %sign3A_762 : i1 to i32
    %sign3A_764 = arith.subi %sign3A_760, %sign3A_763 : i32
    %sign3A_765 = arith.constant 0 : i32
    %sign3A_766 = arith.cmpi sgt, %jit3A_756, %sign3A_765 : i32
    %sign3A_767 = arith.extui %sign3A_766 : i1 to i32
    %sign3A_768 = arith.constant 0 : i32
    %sign3A_769 = arith.cmpi slt, %jit3A_756, %sign3A_768 : i32
    %sign3A_770 = arith.extui %sign3A_769 : i1 to i32
    %sign3A_771 = arith.subi %sign3A_767, %sign3A_770 : i32
    %ne3A_772 = arith.cmpi ne, %sign3A_764, %sign3A_771 : i32
    %rem3A_773 = arith.remsi %add3A_755, %jit3A_756 : i32
    %ne3A_774 = arith.constant 0 : i32
    %ne3A_775 = arith.cmpi ne, %rem3A_773, %ne3A_774 : i32
    %and3A_776 = arith.andi %ne3A_772, %ne3A_775 : i1
    %sub3A_777 = arith.constant 1 : i32
    %sub3A_778 = arith.subi %div3A_757, %sub3A_777 : i32
    %select_n3A_779 = arith.select %and3A_776, %sub3A_778, %div3A_757 : i32
    %add3A_780 = arith.constant 32 : i32
    %add3A_781 = arith.addi %add3A_780, %select_n3A_779 : i32
    %sub3A_782 = arith.constant 32 : i32
    %sub3A_783 = arith.subi %add3A_781, %sub3A_782 : i32
    %get3A_784 = arith.index_cast %sub3A_783 : i32 to index
    %get3A_785 = arith.constant 0 : index
    %get3A_786 = tpu.vector_load %arg11[%get3A_784, %get3A_785] {strides = array<i32>} : memref<32x16xf32, #tpu.memory_space<vmem>>, vector<16xf32>,
    %broadcast_in_dim3A_787 = arith.constant 0.000000e+00 : f32
    %broadcast_in_dim3A_788 = vector.broadcast %broadcast_in_dim3A_787 : f32 to vector<16xf32>
    %dma_start3A_789 = arith.constant 0 : i32
    %dma_start3A_790 = arith.constant 0 : i32
    %dma_start3A_791 = tpu.memref_slice %arg2[%add3A_170, %dma_start3A_789, %add3A_192, %dma_start3A_790] : memref<64x3x256x512xf32, #tpu.memory_space<hbm>> -> memref<1x1x32x512xf32, #tpu.memory_space<hbm>>
    %dma_start3A_792 = tpu.memref_squeeze %dma_start3A_791 : memref<1x1x32x512xf32, #tpu.memory_space<hbm>> -> memref<32x512xf32, #tpu.memory_space<hbm>>
    %dma_start3A_793 = arith.constant 0 : i32
    %dma_start3A_794 = tpu.memref_slice %arg2[%add3A_170, %dma_start3A_789, %add3A_192, %dma_start3A_793] : memref<64x3x256x512xf32, #tpu.memory_space<hbm>> -> memref<1x1x32x512xf32, #tpu.memory_space<hbm>>
    %dma_start3A_795 = tpu.memref_squeeze %dma_start3A_794 : memref<1x1x32x512xf32, #tpu.memory_space<hbm>> -> memref<32x512xf32, #tpu.memory_space<hbm>>
    tpu.enqueue_dma source(%dma_start3A_795 : memref<32x512xf32, #tpu.memory_space<hbm>>) target(%arg6 : memref<32x512xf32, #tpu.memory_space<vmem>>) target_semaphore(%arg14 : memref<!tpu.dma_semaphore, #tpu.memory_space<semaphore_mem>>)
    %dma_start3A_796 = arith.constant 1 : i32
    %dma_start3A_797 = arith.constant 0 : i32
    %dma_start3A_798 = tpu.memref_slice %arg2[%add3A_170, %dma_start3A_796, %add3A_192, %dma_start3A_797] : memref<64x3x256x512xf32, #tpu.memory_space<hbm>> -> memref<1x1x32x512xf32, #tpu.memory_space<hbm>>
    %dma_start3A_799 = tpu.memref_squeeze %dma_start3A_798 : memref<1x1x32x512xf32, #tpu.memory_space<hbm>> -> memref<32x512xf32, #tpu.memory_space<hbm>>
    %dma_start3A_800 = arith.constant 0 : i32
    %dma_start3A_801 = tpu.memref_slice %arg2[%add3A_170, %dma_start3A_796, %add3A_192, %dma_start3A_800] : memref<64x3x256x512xf32, #tpu.memory_space<hbm>> -> memref<1x1x32x512xf32, #tpu.memory_space<hbm>>
    %dma_start3A_802 = tpu.memref_squeeze %dma_start3A_801 : memref<1x1x32x512xf32, #tpu.memory_space<hbm>> -> memref<32x512xf32, #tpu.memory_space<hbm>>
    tpu.enqueue_dma source(%dma_start3A_802 : memref<32x512xf32, #tpu.memory_space<hbm>>) target(%arg8 : memref<32x512xf32, #tpu.memory_space<vmem>>) target_semaphore(%arg14 : memref<!tpu.dma_semaphore, #tpu.memory_space<semaphore_mem>>)
    %dma_start3A_803 = arith.constant 2 : i32
    %dma_start3A_804 = arith.constant 0 : i32
    %dma_start3A_805 = tpu.memref_slice %arg2[%add3A_170, %dma_start3A_803, %add3A_192, %dma_start3A_804] : memref<64x3x256x512xf32, #tpu.memory_space<hbm>> -> memref<1x1x32x512xf32, #tpu.memory_space<hbm>>
    %dma_start3A_806 = tpu.memref_squeeze %dma_start3A_805 : memref<1x1x32x512xf32, #tpu.memory_space<hbm>> -> memref<32x512xf32, #tpu.memory_space<hbm>>
    %dma_start3A_807 = arith.constant 0 : i32
    %dma_start3A_808 = tpu.memref_slice %arg2[%add3A_170, %dma_start3A_803, %add3A_192, %dma_start3A_807] : memref<64x3x256x512xf32, #tpu.memory_space<hbm>> -> memref<1x1x32x512xf32, #tpu.memory_space<hbm>>
    %dma_start3A_809 = tpu.memref_squeeze %dma_start3A_808 : memref<1x1x32x512xf32, #tpu.memory_space<hbm>> -> memref<32x512xf32, #tpu.memory_space<hbm>>
    tpu.enqueue_dma source(%dma_start3A_809 : memref<32x512xf32, #tpu.memory_space<hbm>>) target(%arg10 : memref<32x512xf32, #tpu.memory_space<vmem>>) target_semaphore(%arg14 : memref<!tpu.dma_semaphore, #tpu.memory_space<semaphore_mem>>)
    %dma_wait3A_810 = arith.constant 0 : i32
    %dma_wait3A_811 = arith.constant 0 : i32
    %dma_wait3A_812 = tpu.memref_slice %arg2[%add3A_170, %dma_wait3A_810, %add3A_190, %dma_wait3A_811] : memref<64x3x256x512xf32, #tpu.memory_space<hbm>> -> memref<1x1x32x512xf32, #tpu.memory_space<hbm>>
    %dma_wait3A_813 = tpu.memref_squeeze %dma_wait3A_812 : memref<1x1x32x512xf32, #tpu.memory_space<hbm>> -> memref<32x512xf32, #tpu.memory_space<hbm>>
    %dma_wait3A_814 = arith.constant 0 : i32
    %dma_wait3A_815 = tpu.memref_slice %arg2[%add3A_170, %dma_wait3A_810, %add3A_190, %dma_wait3A_814] : memref<64x3x256x512xf32, #tpu.memory_space<hbm>> -> memref<1x1x32x512xf32, #tpu.memory_space<hbm>>
    %dma_wait3A_816 = tpu.memref_squeeze %dma_wait3A_815 : memref<1x1x32x512xf32, #tpu.memory_space<hbm>> -> memref<32x512xf32, #tpu.memory_space<hbm>>
    tpu.wait_dma2 semaphore(%arg13 : memref<!tpu.dma_semaphore, #tpu.memory_space<semaphore_mem>>) src(%dma_wait3A_816 : memref<32x512xf32, #tpu.memory_space<hbm>>) dst(%arg5 : memref<32x512xf32, #tpu.memory_space<vmem>>)
    %dma_wait3A_817 = arith.constant 1 : i32
    %dma_wait3A_818 = arith.constant 0 : i32
    %dma_wait3A_819 = tpu.memref_slice %arg2[%add3A_170, %dma_wait3A_817, %add3A_190, %dma_wait3A_818] : memref<64x3x256x512xf32, #tpu.memory_space<hbm>> -> memref<1x1x32x512xf32, #tpu.memory_space<hbm>>
    %dma_wait3A_820 = tpu.memref_squeeze %dma_wait3A_819 : memref<1x1x32x512xf32, #tpu.memory_space<hbm>> -> memref<32x512xf32, #tpu.memory_space<hbm>>
    %dma_wait3A_821 = arith.constant 0 : i32
    %dma_wait3A_822 = tpu.memref_slice %arg2[%add3A_170, %dma_wait3A_817, %add3A_190, %dma_wait3A_821] : memref<64x3x256x512xf32, #tpu.memory_space<hbm>> -> memref<1x1x32x512xf32, #tpu.memory_space<hbm>>
    %dma_wait3A_823 = tpu.memref_squeeze %dma_wait3A_822 : memref<1x1x32x512xf32, #tpu.memory_space<hbm>> -> memref<32x512xf32, #tpu.memory_space<hbm>>
    tpu.wait_dma2 semaphore(%arg13 : memref<!tpu.dma_semaphore, #tpu.memory_space<semaphore_mem>>) src(%dma_wait3A_823 : memref<32x512xf32, #tpu.memory_space<hbm>>) dst(%arg7 : memref<32x512xf32, #tpu.memory_space<vmem>>)
    %dma_wait3A_824 = arith.constant 2 : i32
    %dma_wait3A_825 = arith.constant 0 : i32
    %dma_wait3A_826 = tpu.memref_slice %arg2[%add3A_170, %dma_wait3A_824, %add3A_190, %dma_wait3A_825] : memref<64x3x256x512xf32, #tpu.memory_space<hbm>> -> memref<1x1x32x512xf32, #tpu.memory_space<hbm>>
    %dma_wait3A_827 = tpu.memref_squeeze %dma_wait3A_826 : memref<1x1x32x512xf32, #tpu.memory_space<hbm>> -> memref<32x512xf32, #tpu.memory_space<hbm>>
    %dma_wait3A_828 = arith.constant 0 : i32
    %dma_wait3A_829 = tpu.memref_slice %arg2[%add3A_170, %dma_wait3A_824, %add3A_190, %dma_wait3A_828] : memref<64x3x256x512xf32, #tpu.memory_space<hbm>> -> memref<1x1x32x512xf32, #tpu.memory_space<hbm>>
    %dma_wait3A_830 = tpu.memref_squeeze %dma_wait3A_829 : memref<1x1x32x512xf32, #tpu.memory_space<hbm>> -> memref<32x512xf32, #tpu.memory_space<hbm>>
    tpu.wait_dma2 semaphore(%arg13 : memref<!tpu.dma_semaphore, #tpu.memory_space<semaphore_mem>>) src(%dma_wait3A_830 : memref<32x512xf32, #tpu.memory_space<hbm>>) dst(%arg9 : memref<32x512xf32, #tpu.memory_space<vmem>>)
    %scan3A_831 = arith.constant 0 : i32
    %scan3A_832 = arith.constant 32 : i32
    %scan3A_833 = arith.addi %scan3A_831, %scan3A_832 : i32
    %scan3A_834 = arith.constant 1 : i32
    %scan3A_835:8 = scf.for %scan3A_915 = %scan3A_831 to %scan3A_833 step %scan3A_834 iter_args(%scan3A_916 = %broadcast_in_dim3A_788, %scan3A_917 = %broadcast_in_dim3A_788, %scan3A_918 = %broadcast_in_dim3A_788, %scan3A_919 = %broadcast_in_dim3A_788, %scan3A_920 = %broadcast_in_dim3A_788, %scan3A_921 = %broadcast_in_dim3A_788, %scan3A_922 = %broadcast_in_dim3A_788, %scan3A_923 = %broadcast_in_dim3A_788) -> (vector<16xf32>, vector<16xf32>, vector<16xf32>, vector<16xf32>, vector<16xf32>, vector<16xf32>, vector<16xf32>, vector<16xf32>)  : i32 {
      %scan3A_924 = arith.constant 0 : i32
      %scan3A_925 = arith.constant 2 : i32
      %scan3A_926 = arith.addi %scan3A_924, %scan3A_925 : i32
      %scan3A_927 = arith.constant 1 : i32
      %scan3A_928:8 = scf.for %scan3A_930 = %scan3A_924 to %scan3A_926 step %scan3A_927 iter_args(%scan3A_931 = %scan3A_916, %scan3A_932 = %scan3A_917, %scan3A_933 = %scan3A_918, %scan3A_934 = %scan3A_919, %scan3A_935 = %scan3A_920, %scan3A_936 = %scan3A_921, %scan3A_937 = %scan3A_922, %scan3A_938 = %scan3A_923) -> (vector<16xf32>, vector<16xf32>, vector<16xf32>, vector<16xf32>, vector<16xf32>, vector<16xf32>, vector<16xf32>, vector<16xf32>)  : i32 {
        %mul3A_939 = arith.constant 256 : i32
        %mul3A_940 = arith.muli %scan3A_930, %mul3A_939 : i32
        %add3A_941 = arith.constant 0 : i32
        %add3A_942 = arith.addi %mul3A_940, %add3A_941 : i32
        %get3A_943 = arith.index_cast %scan3A_915 : i32 to index
        %get3A_944 = arith.index_cast %add3A_942 : i32 to index
        %get3A_945 = tpu.vector_load %arg5[%get3A_943, %get3A_944] {strides = array<i32>} : memref<32x512xf32, #tpu.memory_space<vmem>>, vector<16xf32>,
        %get3A_946 = arith.index_cast %scan3A_915 : i32 to index
        %get3A_947 = arith.index_cast %add3A_942 : i32 to index
        %get3A_948 = tpu.vector_load %arg7[%get3A_946, %get3A_947] {strides = array<i32>} : memref<32x512xf32, #tpu.memory_space<vmem>>, vector<16xf32>,
        %get3A_949 = arith.index_cast %scan3A_915 : i32 to index
        %get3A_950 = arith.index_cast %add3A_942 : i32 to index
        %get3A_951 = tpu.vector_load %arg9[%get3A_949, %get3A_950] {strides = array<i32>} : memref<32x512xf32, #tpu.memory_space<vmem>>, vector<16xf32>,
        %mul3A_952 = arith.mulf %get3A_945, %get3A_945 : vector<16xf32>
        %mul3A_953 = arith.mulf %get3A_948, %get3A_948 : vector<16xf32>
        %add3A_954 = arith.addf %mul3A_952, %mul3A_953 : vector<16xf32>
        %mul3A_955 = arith.mulf %get3A_951, %get3A_951 : vector<16xf32>
        %add3A_956 = arith.addf %add3A_954, %mul3A_955 : vector<16xf32>
        %mul3A_957 = arith.mulf %add3A_956, %get3A_786 : vector<16xf32>
        %exp3A = math.exp %mul3A_957 : vector<16xf32>
        %lt3A_958 = arith.constant 3.000000e+00 : f32
        %lt3A_959 = vector.broadcast %lt3A_958 : f32 to vector<16xf32>
        %lt3A_960 = arith.cmpf olt, %add3A_956, %lt3A_959 : vector<16xf32>
        %jit3A_961 = arith.constant 0.000000e+00 : f32
        %broadcast_in_dim3A_962 = vector.broadcast %jit3A_961 : f32 to vector<16xf32>
        %select_n3A_963 = arith.select %lt3A_960, %exp3A, %broadcast_in_dim3A_962 : vector<16xi1>, vector<16xf32>
        %add3A_964 = arith.addf %scan3A_931, %select_n3A_963 : vector<16xf32>
        %add3A_965 = arith.constant 16 : i32
        %add3A_966 = arith.addi %mul3A_940, %add3A_965 : i32
        %get3A_967 = arith.index_cast %scan3A_915 : i32 to index
        %get3A_968 = arith.index_cast %add3A_966 : i32 to index
        %get3A_969 = tpu.vector_load %arg5[%get3A_967, %get3A_968] {strides = array<i32>} : memref<32x512xf32, #tpu.memory_space<vmem>>, vector<16xf32>,
        %get3A_970 = arith.index_cast %scan3A_915 : i32 to index
        %get3A_971 = arith.index_cast %add3A_966 : i32 to index
        %get3A_972 = tpu.vector_load %arg7[%get3A_970, %get3A_971] {strides = array<i32>} : memref<32x512xf32, #tpu.memory_space<vmem>>, vector<16xf32>,
        %get3A_973 = arith.index_cast %scan3A_915 : i32 to index
        %get3A_974 = arith.index_cast %add3A_966 : i32 to index
        %get3A_975 = tpu.vector_load %arg9[%get3A_973, %get3A_974] {strides = array<i32>} : memref<32x512xf32, #tpu.memory_space<vmem>>, vector<16xf32>,
        %mul3A_976 = arith.mulf %get3A_969, %get3A_969 : vector<16xf32>
        %mul3A_977 = arith.mulf %get3A_972, %get3A_972 : vector<16xf32>
        %add3A_978 = arith.addf %mul3A_976, %mul3A_977 : vector<16xf32>
        %mul3A_979 = arith.mulf %get3A_975, %get3A_975 : vector<16xf32>
        %add3A_980 = arith.addf %add3A_978, %mul3A_979 : vector<16xf32>
        %mul3A_981 = arith.mulf %add3A_980, %get3A_786 : vector<16xf32>
        %exp3A_982 = math.exp %mul3A_981 : vector<16xf32>
        %lt3A_983 = arith.constant 3.000000e+00 : f32
        %lt3A_984 = vector.broadcast %lt3A_983 : f32 to vector<16xf32>
        %lt3A_985 = arith.cmpf olt, %add3A_980, %lt3A_984 : vector<16xf32>
        %jit3A_986 = arith.constant 0.000000e+00 : f32
        %broadcast_in_dim3A_987 = vector.broadcast %jit3A_986 : f32 to vector<16xf32>
        %select_n3A_988 = arith.select %lt3A_985, %exp3A_982, %broadcast_in_dim3A_987 : vector<16xi1>, vector<16xf32>
        %add3A_989 = arith.addf %scan3A_932, %select_n3A_988 : vector<16xf32>
        %add3A_990 = arith.constant 32 : i32
        %add3A_991 = arith.addi %mul3A_940, %add3A_990 : i32
        %get3A_992 = arith.index_cast %scan3A_915 : i32 to index
        %get3A_993 = arith.index_cast %add3A_991 : i32 to index
        %get3A_994 = tpu.vector_load %arg5[%get3A_992, %get3A_993] {strides = array<i32>} : memref<32x512xf32, #tpu.memory_space<vmem>>, vector<16xf32>,
        %get3A_995 = arith.index_cast %scan3A_915 : i32 to index
        %get3A_996 = arith.index_cast %add3A_991 : i32 to index
        %get3A_997 = tpu.vector_load %arg7[%get3A_995, %get3A_996] {strides = array<i32>} : memref<32x512xf32, #tpu.memory_space<vmem>>, vector<16xf32>,
        %get3A_998 = arith.index_cast %scan3A_915 : i32 to index
        %get3A_999 = arith.index_cast %add3A_991 : i32 to index
        %get3A_1000 = tpu.vector_load %arg9[%get3A_998, %get3A_999] {strides = array<i32>} : memref<32x512xf32, #tpu.memory_space<vmem>>, vector<16xf32>,
        %mul3A_1001 = arith.mulf %get3A_994, %get3A_994 : vector<16xf32>
        %mul3A_1002 = arith.mulf %get3A_997, %get3A_997 : vector<16xf32>
        %add3A_1003 = arith.addf %mul3A_1001, %mul3A_1002 : vector<16xf32>
        %mul3A_1004 = arith.mulf %get3A_1000, %get3A_1000 : vector<16xf32>
        %add3A_1005 = arith.addf %add3A_1003, %mul3A_1004 : vector<16xf32>
        %mul3A_1006 = arith.mulf %add3A_1005, %get3A_786 : vector<16xf32>
        %exp3A_1007 = math.exp %mul3A_1006 : vector<16xf32>
        %lt3A_1008 = arith.constant 3.000000e+00 : f32
        %lt3A_1009 = vector.broadcast %lt3A_1008 : f32 to vector<16xf32>
        %lt3A_1010 = arith.cmpf olt, %add3A_1005, %lt3A_1009 : vector<16xf32>
        %jit3A_1011 = arith.constant 0.000000e+00 : f32
        %broadcast_in_dim3A_1012 = vector.broadcast %jit3A_1011 : f32 to vector<16xf32>
        %select_n3A_1013 = arith.select %lt3A_1010, %exp3A_1007, %broadcast_in_dim3A_1012 : vector<16xi1>, vector<16xf32>
        %add3A_1014 = arith.addf %scan3A_933, %select_n3A_1013 : vector<16xf32>
        %add3A_1015 = arith.constant 48 : i32
        %add3A_1016 = arith.addi %mul3A_940, %add3A_1015 : i32
        %get3A_1017 = arith.index_cast %scan3A_915 : i32 to index
        %get3A_1018 = arith.index_cast %add3A_1016 : i32 to index
        %get3A_1019 = tpu.vector_load %arg5[%get3A_1017, %get3A_1018] {strides = array<i32>} : memref<32x512xf32, #tpu.memory_space<vmem>>, vector<16xf32>,
        %get3A_1020 = arith.index_cast %scan3A_915 : i32 to index
        %get3A_1021 = arith.index_cast %add3A_1016 : i32 to index
        %get3A_1022 = tpu.vector_load %arg7[%get3A_1020, %get3A_1021] {strides = array<i32>} : memref<32x512xf32, #tpu.memory_space<vmem>>, vector<16xf32>,
        %get3A_1023 = arith.index_cast %scan3A_915 : i32 to index
        %get3A_1024 = arith.index_cast %add3A_1016 : i32 to index
        %get3A_1025 = tpu.vector_load %arg9[%get3A_1023, %get3A_1024] {strides = array<i32>} : memref<32x512xf32, #tpu.memory_space<vmem>>, vector<16xf32>,
        %mul3A_1026 = arith.mulf %get3A_1019, %get3A_1019 : vector<16xf32>
        %mul3A_1027 = arith.mulf %get3A_1022, %get3A_1022 : vector<16xf32>
        %add3A_1028 = arith.addf %mul3A_1026, %mul3A_1027 : vector<16xf32>
        %mul3A_1029 = arith.mulf %get3A_1025, %get3A_1025 : vector<16xf32>
        %add3A_1030 = arith.addf %add3A_1028, %mul3A_1029 : vector<16xf32>
        %mul3A_1031 = arith.mulf %add3A_1030, %get3A_786 : vector<16xf32>
        %exp3A_1032 = math.exp %mul3A_1031 : vector<16xf32>
        %lt3A_1033 = arith.constant 3.000000e+00 : f32
        %lt3A_1034 = vector.broadcast %lt3A_1033 : f32 to vector<16xf32>
        %lt3A_1035 = arith.cmpf olt, %add3A_1030, %lt3A_1034 : vector<16xf32>
        %jit3A_1036 = arith.constant 0.000000e+00 : f32
        %broadcast_in_dim3A_1037 = vector.broadcast %jit3A_1036 : f32 to vector<16xf32>
        %select_n3A_1038 = arith.select %lt3A_1035, %exp3A_1032, %broadcast_in_dim3A_1037 : vector<16xi1>, vector<16xf32>
        %add3A_1039 = arith.addf %scan3A_934, %select_n3A_1038 : vector<16xf32>
        %add3A_1040 = arith.constant 64 : i32
        %add3A_1041 = arith.addi %mul3A_940, %add3A_1040 : i32
        %get3A_1042 = arith.index_cast %scan3A_915 : i32 to index
        %get3A_1043 = arith.index_cast %add3A_1041 : i32 to index
        %get3A_1044 = tpu.vector_load %arg5[%get3A_1042, %get3A_1043] {strides = array<i32>} : memref<32x512xf32, #tpu.memory_space<vmem>>, vector<16xf32>,
        %get3A_1045 = arith.index_cast %scan3A_915 : i32 to index
        %get3A_1046 = arith.index_cast %add3A_1041 : i32 to index
        %get3A_1047 = tpu.vector_load %arg7[%get3A_1045, %get3A_1046] {strides = array<i32>} : memref<32x512xf32, #tpu.memory_space<vmem>>, vector<16xf32>,
        %get3A_1048 = arith.index_cast %scan3A_915 : i32 to index
        %get3A_1049 = arith.index_cast %add3A_1041 : i32 to index
        %get3A_1050 = tpu.vector_load %arg9[%get3A_1048, %get3A_1049] {strides = array<i32>} : memref<32x512xf32, #tpu.memory_space<vmem>>, vector<16xf32>,
        %mul3A_1051 = arith.mulf %get3A_1044, %get3A_1044 : vector<16xf32>
        %mul3A_1052 = arith.mulf %get3A_1047, %get3A_1047 : vector<16xf32>
        %add3A_1053 = arith.addf %mul3A_1051, %mul3A_1052 : vector<16xf32>
        %mul3A_1054 = arith.mulf %get3A_1050, %get3A_1050 : vector<16xf32>
        %add3A_1055 = arith.addf %add3A_1053, %mul3A_1054 : vector<16xf32>
        %mul3A_1056 = arith.mulf %add3A_1055, %get3A_786 : vector<16xf32>
        %exp3A_1057 = math.exp %mul3A_1056 : vector<16xf32>
        %lt3A_1058 = arith.constant 3.000000e+00 : f32
        %lt3A_1059 = vector.broadcast %lt3A_1058 : f32 to vector<16xf32>
        %lt3A_1060 = arith.cmpf olt, %add3A_1055, %lt3A_1059 : vector<16xf32>
        %jit3A_1061 = arith.constant 0.000000e+00 : f32
        %broadcast_in_dim3A_1062 = vector.broadcast %jit3A_1061 : f32 to vector<16xf32>
        %select_n3A_1063 = arith.select %lt3A_1060, %exp3A_1057, %broadcast_in_dim3A_1062 : vector<16xi1>, vector<16xf32>
        %add3A_1064 = arith.addf %scan3A_935, %select_n3A_1063 : vector<16xf32>
        %add3A_1065 = arith.constant 80 : i32
        %add3A_1066 = arith.addi %mul3A_940, %add3A_1065 : i32
        %get3A_1067 = arith.index_cast %scan3A_915 : i32 to index
        %get3A_1068 = arith.index_cast %add3A_1066 : i32 to index
        %get3A_1069 = tpu.vector_load %arg5[%get3A_1067, %get3A_1068] {strides = array<i32>} : memref<32x512xf32, #tpu.memory_space<vmem>>, vector<16xf32>,
        %get3A_1070 = arith.index_cast %scan3A_915 : i32 to index
        %get3A_1071 = arith.index_cast %add3A_1066 : i32 to index
        %get3A_1072 = tpu.vector_load %arg7[%get3A_1070, %get3A_1071] {strides = array<i32>} : memref<32x512xf32, #tpu.memory_space<vmem>>, vector<16xf32>,
        %get3A_1073 = arith.index_cast %scan3A_915 : i32 to index
        %get3A_1074 = arith.index_cast %add3A_1066 : i32 to index
        %get3A_1075 = tpu.vector_load %arg9[%get3A_1073, %get3A_1074] {strides = array<i32>} : memref<32x512xf32, #tpu.memory_space<vmem>>, vector<16xf32>,
        %mul3A_1076 = arith.mulf %get3A_1069, %get3A_1069 : vector<16xf32>
        %mul3A_1077 = arith.mulf %get3A_1072, %get3A_1072 : vector<16xf32>
        %add3A_1078 = arith.addf %mul3A_1076, %mul3A_1077 : vector<16xf32>
        %mul3A_1079 = arith.mulf %get3A_1075, %get3A_1075 : vector<16xf32>
        %add3A_1080 = arith.addf %add3A_1078, %mul3A_1079 : vector<16xf32>
        %mul3A_1081 = arith.mulf %add3A_1080, %get3A_786 : vector<16xf32>
        %exp3A_1082 = math.exp %mul3A_1081 : vector<16xf32>
        %lt3A_1083 = arith.constant 3.000000e+00 : f32
        %lt3A_1084 = vector.broadcast %lt3A_1083 : f32 to vector<16xf32>
        %lt3A_1085 = arith.cmpf olt, %add3A_1080, %lt3A_1084 : vector<16xf32>
        %jit3A_1086 = arith.constant 0.000000e+00 : f32
        %broadcast_in_dim3A_1087 = vector.broadcast %jit3A_1086 : f32 to vector<16xf32>
        %select_n3A_1088 = arith.select %lt3A_1085, %exp3A_1082, %broadcast_in_dim3A_1087 : vector<16xi1>, vector<16xf32>
        %add3A_1089 = arith.addf %scan3A_936, %select_n3A_1088 : vector<16xf32>
        %add3A_1090 = arith.constant 96 : i32
        %add3A_1091 = arith.addi %mul3A_940, %add3A_1090 : i32
        %get3A_1092 = arith.index_cast %scan3A_915 : i32 to index
        %get3A_1093 = arith.index_cast %add3A_1091 : i32 to index
        %get3A_1094 = tpu.vector_load %arg5[%get3A_1092, %get3A_1093] {strides = array<i32>} : memref<32x512xf32, #tpu.memory_space<vmem>>, vector<16xf32>,
        %get3A_1095 = arith.index_cast %scan3A_915 : i32 to index
        %get3A_1096 = arith.index_cast %add3A_1091 : i32 to index
        %get3A_1097 = tpu.vector_load %arg7[%get3A_1095, %get3A_1096] {strides = array<i32>} : memref<32x512xf32, #tpu.memory_space<vmem>>, vector<16xf32>,
        %get3A_1098 = arith.index_cast %scan3A_915 : i32 to index
        %get3A_1099 = arith.index_cast %add3A_1091 : i32 to index
        %get3A_1100 = tpu.vector_load %arg9[%get3A_1098, %get3A_1099] {strides = array<i32>} : memref<32x512xf32, #tpu.memory_space<vmem>>, vector<16xf32>,
        %mul3A_1101 = arith.mulf %get3A_1094, %get3A_1094 : vector<16xf32>
        %mul3A_1102 = arith.mulf %get3A_1097, %get3A_1097 : vector<16xf32>
        %add3A_1103 = arith.addf %mul3A_1101, %mul3A_1102 : vector<16xf32>
        %mul3A_1104 = arith.mulf %get3A_1100, %get3A_1100 : vector<16xf32>
        %add3A_1105 = arith.addf %add3A_1103, %mul3A_1104 : vector<16xf32>
        %mul3A_1106 = arith.mulf %add3A_1105, %get3A_786 : vector<16xf32>
        %exp3A_1107 = math.exp %mul3A_1106 : vector<16xf32>
        %lt3A_1108 = arith.constant 3.000000e+00 : f32
        %lt3A_1109 = vector.broadcast %lt3A_1108 : f32 to vector<16xf32>
        %lt3A_1110 = arith.cmpf olt, %add3A_1105, %lt3A_1109 : vector<16xf32>
        %jit3A_1111 = arith.constant 0.000000e+00 : f32
        %broadcast_in_dim3A_1112 = vector.broadcast %jit3A_1111 : f32 to vector<16xf32>
        %select_n3A_1113 = arith.select %lt3A_1110, %exp3A_1107, %broadcast_in_dim3A_1112 : vector<16xi1>, vector<16xf32>
        %add3A_1114 = arith.addf %scan3A_937, %select_n3A_1113 : vector<16xf32>
        %add3A_1115 = arith.constant 112 : i32
        %add3A_1116 = arith.addi %mul3A_940, %add3A_1115 : i32
        %get3A_1117 = arith.index_cast %scan3A_915 : i32 to index
        %get3A_1118 = arith.index_cast %add3A_1116 : i32 to index
        %get3A_1119 = tpu.vector_load %arg5[%get3A_1117, %get3A_1118] {strides = array<i32>} : memref<32x512xf32, #tpu.memory_space<vmem>>, vector<16xf32>,
        %get3A_1120 = arith.index_cast %scan3A_915 : i32 to index
        %get3A_1121 = arith.index_cast %add3A_1116 : i32 to index
        %get3A_1122 = tpu.vector_load %arg7[%get3A_1120, %get3A_1121] {strides = array<i32>} : memref<32x512xf32, #tpu.memory_space<vmem>>, vector<16xf32>,
        %get3A_1123 = arith.index_cast %scan3A_915 : i32 to index
        %get3A_1124 = arith.index_cast %add3A_1116 : i32 to index
        %get3A_1125 = tpu.vector_load %arg9[%get3A_1123, %get3A_1124] {strides = array<i32>} : memref<32x512xf32, #tpu.memory_space<vmem>>, vector<16xf32>,
        %mul3A_1126 = arith.mulf %get3A_1119, %get3A_1119 : vector<16xf32>
        %mul3A_1127 = arith.mulf %get3A_1122, %get3A_1122 : vector<16xf32>
        %add3A_1128 = arith.addf %mul3A_1126, %mul3A_1127 : vector<16xf32>
        %mul3A_1129 = arith.mulf %get3A_1125, %get3A_1125 : vector<16xf32>
        %add3A_1130 = arith.addf %add3A_1128, %mul3A_1129 : vector<16xf32>
        %mul3A_1131 = arith.mulf %add3A_1130, %get3A_786 : vector<16xf32>
        %exp3A_1132 = math.exp %mul3A_1131 : vector<16xf32>
        %lt3A_1133 = arith.constant 3.000000e+00 : f32
        %lt3A_1134 = vector.broadcast %lt3A_1133 : f32 to vector<16xf32>
        %lt3A_1135 = arith.cmpf olt, %add3A_1130, %lt3A_1134 : vector<16xf32>
        %jit3A_1136 = arith.constant 0.000000e+00 : f32
        %broadcast_in_dim3A_1137 = vector.broadcast %jit3A_1136 : f32 to vector<16xf32>
        %select_n3A_1138 = arith.select %lt3A_1135, %exp3A_1132, %broadcast_in_dim3A_1137 : vector<16xi1>, vector<16xf32>
        %add3A_1139 = arith.addf %scan3A_938, %select_n3A_1138 : vector<16xf32>
        %add3A_1140 = arith.constant 128 : i32
        %add3A_1141 = arith.addi %mul3A_940, %add3A_1140 : i32
        %get3A_1142 = arith.index_cast %scan3A_915 : i32 to index
        %get3A_1143 = arith.index_cast %add3A_1141 : i32 to index
        %get3A_1144 = tpu.vector_load %arg5[%get3A_1142, %get3A_1143] {strides = array<i32>} : memref<32x512xf32, #tpu.memory_space<vmem>>, vector<16xf32>,
        %get3A_1145 = arith.index_cast %scan3A_915 : i32 to index
        %get3A_1146 = arith.index_cast %add3A_1141 : i32 to index
        %get3A_1147 = tpu.vector_load %arg7[%get3A_1145, %get3A_1146] {strides = array<i32>} : memref<32x512xf32, #tpu.memory_space<vmem>>, vector<16xf32>,
        %get3A_1148 = arith.index_cast %scan3A_915 : i32 to index
        %get3A_1149 = arith.index_cast %add3A_1141 : i32 to index
        %get3A_1150 = tpu.vector_load %arg9[%get3A_1148, %get3A_1149] {strides = array<i32>} : memref<32x512xf32, #tpu.memory_space<vmem>>, vector<16xf32>,
        %mul3A_1151 = arith.mulf %get3A_1144, %get3A_1144 : vector<16xf32>
        %mul3A_1152 = arith.mulf %get3A_1147, %get3A_1147 : vector<16xf32>
        %add3A_1153 = arith.addf %mul3A_1151, %mul3A_1152 : vector<16xf32>
        %mul3A_1154 = arith.mulf %get3A_1150, %get3A_1150 : vector<16xf32>
        %add3A_1155 = arith.addf %add3A_1153, %mul3A_1154 : vector<16xf32>
        %mul3A_1156 = arith.mulf %add3A_1155, %get3A_786 : vector<16xf32>
        %exp3A_1157 = math.exp %mul3A_1156 : vector<16xf32>
        %lt3A_1158 = arith.constant 3.000000e+00 : f32
        %lt3A_1159 = vector.broadcast %lt3A_1158 : f32 to vector<16xf32>
        %lt3A_1160 = arith.cmpf olt, %add3A_1155, %lt3A_1159 : vector<16xf32>
        %jit3A_1161 = arith.constant 0.000000e+00 : f32
        %broadcast_in_dim3A_1162 = vector.broadcast %jit3A_1161 : f32 to vector<16xf32>
        %select_n3A_1163 = arith.select %lt3A_1160, %exp3A_1157, %broadcast_in_dim3A_1162 : vector<16xi1>, vector<16xf32>
        %add3A_1164 = arith.addf %add3A_964, %select_n3A_1163 : vector<16xf32>
        %add3A_1165 = arith.constant 144 : i32
        %add3A_1166 = arith.addi %mul3A_940, %add3A_1165 : i32
        %get3A_1167 = arith.index_cast %scan3A_915 : i32 to index
        %get3A_1168 = arith.index_cast %add3A_1166 : i32 to index
        %get3A_1169 = tpu.vector_load %arg5[%get3A_1167, %get3A_1168] {strides = array<i32>} : memref<32x512xf32, #tpu.memory_space<vmem>>, vector<16xf32>,
        %get3A_1170 = arith.index_cast %scan3A_915 : i32 to index
        %get3A_1171 = arith.index_cast %add3A_1166 : i32 to index
        %get3A_1172 = tpu.vector_load %arg7[%get3A_1170, %get3A_1171] {strides = array<i32>} : memref<32x512xf32, #tpu.memory_space<vmem>>, vector<16xf32>,
        %get3A_1173 = arith.index_cast %scan3A_915 : i32 to index
        %get3A_1174 = arith.index_cast %add3A_1166 : i32 to index
        %get3A_1175 = tpu.vector_load %arg9[%get3A_1173, %get3A_1174] {strides = array<i32>} : memref<32x512xf32, #tpu.memory_space<vmem>>, vector<16xf32>,
        %mul3A_1176 = arith.mulf %get3A_1169, %get3A_1169 : vector<16xf32>
        %mul3A_1177 = arith.mulf %get3A_1172, %get3A_1172 : vector<16xf32>
        %add3A_1178 = arith.addf %mul3A_1176, %mul3A_1177 : vector<16xf32>
        %mul3A_1179 = arith.mulf %get3A_1175, %get3A_1175 : vector<16xf32>
        %add3A_1180 = arith.addf %add3A_1178, %mul3A_1179 : vector<16xf32>
        %mul3A_1181 = arith.mulf %add3A_1180, %get3A_786 : vector<16xf32>
        %exp3A_1182 = math.exp %mul3A_1181 : vector<16xf32>
        %lt3A_1183 = arith.constant 3.000000e+00 : f32
        %lt3A_1184 = vector.broadcast %lt3A_1183 : f32 to vector<16xf32>
        %lt3A_1185 = arith.cmpf olt, %add3A_1180, %lt3A_1184 : vector<16xf32>
        %jit3A_1186 = arith.constant 0.000000e+00 : f32
        %broadcast_in_dim3A_1187 = vector.broadcast %jit3A_1186 : f32 to vector<16xf32>
        %select_n3A_1188 = arith.select %lt3A_1185, %exp3A_1182, %broadcast_in_dim3A_1187 : vector<16xi1>, vector<16xf32>
        %add3A_1189 = arith.addf %add3A_989, %select_n3A_1188 : vector<16xf32>
        %add3A_1190 = arith.constant 160 : i32
        %add3A_1191 = arith.addi %mul3A_940, %add3A_1190 : i32
        %get3A_1192 = arith.index_cast %scan3A_915 : i32 to index
        %get3A_1193 = arith.index_cast %add3A_1191 : i32 to index
        %get3A_1194 = tpu.vector_load %arg5[%get3A_1192, %get3A_1193] {strides = array<i32>} : memref<32x512xf32, #tpu.memory_space<vmem>>, vector<16xf32>,
        %get3A_1195 = arith.index_cast %scan3A_915 : i32 to index
        %get3A_1196 = arith.index_cast %add3A_1191 : i32 to index
        %get3A_1197 = tpu.vector_load %arg7[%get3A_1195, %get3A_1196] {strides = array<i32>} : memref<32x512xf32, #tpu.memory_space<vmem>>, vector<16xf32>,
        %get3A_1198 = arith.index_cast %scan3A_915 : i32 to index
        %get3A_1199 = arith.index_cast %add3A_1191 : i32 to index
        %get3A_1200 = tpu.vector_load %arg9[%get3A_1198, %get3A_1199] {strides = array<i32>} : memref<32x512xf32, #tpu.memory_space<vmem>>, vector<16xf32>,
        %mul3A_1201 = arith.mulf %get3A_1194, %get3A_1194 : vector<16xf32>
        %mul3A_1202 = arith.mulf %get3A_1197, %get3A_1197 : vector<16xf32>
        %add3A_1203 = arith.addf %mul3A_1201, %mul3A_1202 : vector<16xf32>
        %mul3A_1204 = arith.mulf %get3A_1200, %get3A_1200 : vector<16xf32>
        %add3A_1205 = arith.addf %add3A_1203, %mul3A_1204 : vector<16xf32>
        %mul3A_1206 = arith.mulf %add3A_1205, %get3A_786 : vector<16xf32>
        %exp3A_1207 = math.exp %mul3A_1206 : vector<16xf32>
        %lt3A_1208 = arith.constant 3.000000e+00 : f32
        %lt3A_1209 = vector.broadcast %lt3A_1208 : f32 to vector<16xf32>
        %lt3A_1210 = arith.cmpf olt, %add3A_1205, %lt3A_1209 : vector<16xf32>
        %jit3A_1211 = arith.constant 0.000000e+00 : f32
        %broadcast_in_dim3A_1212 = vector.broadcast %jit3A_1211 : f32 to vector<16xf32>
        %select_n3A_1213 = arith.select %lt3A_1210, %exp3A_1207, %broadcast_in_dim3A_1212 : vector<16xi1>, vector<16xf32>
        %add3A_1214 = arith.addf %add3A_1014, %select_n3A_1213 : vector<16xf32>
        %add3A_1215 = arith.constant 176 : i32
        %add3A_1216 = arith.addi %mul3A_940, %add3A_1215 : i32
        %get3A_1217 = arith.index_cast %scan3A_915 : i32 to index
        %get3A_1218 = arith.index_cast %add3A_1216 : i32 to index
        %get3A_1219 = tpu.vector_load %arg5[%get3A_1217, %get3A_1218] {strides = array<i32>} : memref<32x512xf32, #tpu.memory_space<vmem>>, vector<16xf32>,
        %get3A_1220 = arith.index_cast %scan3A_915 : i32 to index
        %get3A_1221 = arith.index_cast %add3A_1216 : i32 to index
        %get3A_1222 = tpu.vector_load %arg7[%get3A_1220, %get3A_1221] {strides = array<i32>} : memref<32x512xf32, #tpu.memory_space<vmem>>, vector<16xf32>,
        %get3A_1223 = arith.index_cast %scan3A_915 : i32 to index
        %get3A_1224 = arith.index_cast %add3A_1216 : i32 to index
        %get3A_1225 = tpu.vector_load %arg9[%get3A_1223, %get3A_1224] {strides = array<i32>} : memref<32x512xf32, #tpu.memory_space<vmem>>, vector<16xf32>,
        %mul3A_1226 = arith.mulf %get3A_1219, %get3A_1219 : vector<16xf32>
        %mul3A_1227 = arith.mulf %get3A_1222, %get3A_1222 : vector<16xf32>
        %add3A_1228 = arith.addf %mul3A_1226, %mul3A_1227 : vector<16xf32>
        %mul3A_1229 = arith.mulf %get3A_1225, %get3A_1225 : vector<16xf32>
        %add3A_1230 = arith.addf %add3A_1228, %mul3A_1229 : vector<16xf32>
        %mul3A_1231 = arith.mulf %add3A_1230, %get3A_786 : vector<16xf32>
        %exp3A_1232 = math.exp %mul3A_1231 : vector<16xf32>
        %lt3A_1233 = arith.constant 3.000000e+00 : f32
        %lt3A_1234 = vector.broadcast %lt3A_1233 : f32 to vector<16xf32>
        %lt3A_1235 = arith.cmpf olt, %add3A_1230, %lt3A_1234 : vector<16xf32>
        %jit3A_1236 = arith.constant 0.000000e+00 : f32
        %broadcast_in_dim3A_1237 = vector.broadcast %jit3A_1236 : f32 to vector<16xf32>
        %select_n3A_1238 = arith.select %lt3A_1235, %exp3A_1232, %broadcast_in_dim3A_1237 : vector<16xi1>, vector<16xf32>
        %add3A_1239 = arith.addf %add3A_1039, %select_n3A_1238 : vector<16xf32>
        %add3A_1240 = arith.constant 192 : i32
        %add3A_1241 = arith.addi %mul3A_940, %add3A_1240 : i32
        %get3A_1242 = arith.index_cast %scan3A_915 : i32 to index
        %get3A_1243 = arith.index_cast %add3A_1241 : i32 to index
        %get3A_1244 = tpu.vector_load %arg5[%get3A_1242, %get3A_1243] {strides = array<i32>} : memref<32x512xf32, #tpu.memory_space<vmem>>, vector<16xf32>,
        %get3A_1245 = arith.index_cast %scan3A_915 : i32 to index
        %get3A_1246 = arith.index_cast %add3A_1241 : i32 to index
        %get3A_1247 = tpu.vector_load %arg7[%get3A_1245, %get3A_1246] {strides = array<i32>} : memref<32x512xf32, #tpu.memory_space<vmem>>, vector<16xf32>,
        %get3A_1248 = arith.index_cast %scan3A_915 : i32 to index
        %get3A_1249 = arith.index_cast %add3A_1241 : i32 to index
        %get3A_1250 = tpu.vector_load %arg9[%get3A_1248, %get3A_1249] {strides = array<i32>} : memref<32x512xf32, #tpu.memory_space<vmem>>, vector<16xf32>,
        %mul3A_1251 = arith.mulf %get3A_1244, %get3A_1244 : vector<16xf32>
        %mul3A_1252 = arith.mulf %get3A_1247, %get3A_1247 : vector<16xf32>
        %add3A_1253 = arith.addf %mul3A_1251, %mul3A_1252 : vector<16xf32>
        %mul3A_1254 = arith.mulf %get3A_1250, %get3A_1250 : vector<16xf32>
        %add3A_1255 = arith.addf %add3A_1253, %mul3A_1254 : vector<16xf32>
        %mul3A_1256 = arith.mulf %add3A_1255, %get3A_786 : vector<16xf32>
        %exp3A_1257 = math.exp %mul3A_1256 : vector<16xf32>
        %lt3A_1258 = arith.constant 3.000000e+00 : f32
        %lt3A_1259 = vector.broadcast %lt3A_1258 : f32 to vector<16xf32>
        %lt3A_1260 = arith.cmpf olt, %add3A_1255, %lt3A_1259 : vector<16xf32>
        %jit3A_1261 = arith.constant 0.000000e+00 : f32
        %broadcast_in_dim3A_1262 = vector.broadcast %jit3A_1261 : f32 to vector<16xf32>
        %select_n3A_1263 = arith.select %lt3A_1260, %exp3A_1257, %broadcast_in_dim3A_1262 : vector<16xi1>, vector<16xf32>
        %add3A_1264 = arith.addf %add3A_1064, %select_n3A_1263 : vector<16xf32>
        %add3A_1265 = arith.constant 208 : i32
        %add3A_1266 = arith.addi %mul3A_940, %add3A_1265 : i32
        %get3A_1267 = arith.index_cast %scan3A_915 : i32 to index
        %get3A_1268 = arith.index_cast %add3A_1266 : i32 to index
        %get3A_1269 = tpu.vector_load %arg5[%get3A_1267, %get3A_1268] {strides = array<i32>} : memref<32x512xf32, #tpu.memory_space<vmem>>, vector<16xf32>,
        %get3A_1270 = arith.index_cast %scan3A_915 : i32 to index
        %get3A_1271 = arith.index_cast %add3A_1266 : i32 to index
        %get3A_1272 = tpu.vector_load %arg7[%get3A_1270, %get3A_1271] {strides = array<i32>} : memref<32x512xf32, #tpu.memory_space<vmem>>, vector<16xf32>,
        %get3A_1273 = arith.index_cast %scan3A_915 : i32 to index
        %get3A_1274 = arith.index_cast %add3A_1266 : i32 to index
        %get3A_1275 = tpu.vector_load %arg9[%get3A_1273, %get3A_1274] {strides = array<i32>} : memref<32x512xf32, #tpu.memory_space<vmem>>, vector<16xf32>,
        %mul3A_1276 = arith.mulf %get3A_1269, %get3A_1269 : vector<16xf32>
        %mul3A_1277 = arith.mulf %get3A_1272, %get3A_1272 : vector<16xf32>
        %add3A_1278 = arith.addf %mul3A_1276, %mul3A_1277 : vector<16xf32>
        %mul3A_1279 = arith.mulf %get3A_1275, %get3A_1275 : vector<16xf32>
        %add3A_1280 = arith.addf %add3A_1278, %mul3A_1279 : vector<16xf32>
        %mul3A_1281 = arith.mulf %add3A_1280, %get3A_786 : vector<16xf32>
        %exp3A_1282 = math.exp %mul3A_1281 : vector<16xf32>
        %lt3A_1283 = arith.constant 3.000000e+00 : f32
        %lt3A_1284 = vector.broadcast %lt3A_1283 : f32 to vector<16xf32>
        %lt3A_1285 = arith.cmpf olt, %add3A_1280, %lt3A_1284 : vector<16xf32>
        %jit3A_1286 = arith.constant 0.000000e+00 : f32
        %broadcast_in_dim3A_1287 = vector.broadcast %jit3A_1286 : f32 to vector<16xf32>
        %select_n3A_1288 = arith.select %lt3A_1285, %exp3A_1282, %broadcast_in_dim3A_1287 : vector<16xi1>, vector<16xf32>
        %add3A_1289 = arith.addf %add3A_1089, %select_n3A_1288 : vector<16xf32>
        %add3A_1290 = arith.constant 224 : i32
        %add3A_1291 = arith.addi %mul3A_940, %add3A_1290 : i32
        %get3A_1292 = arith.index_cast %scan3A_915 : i32 to index
        %get3A_1293 = arith.index_cast %add3A_1291 : i32 to index
        %get3A_1294 = tpu.vector_load %arg5[%get3A_1292, %get3A_1293] {strides = array<i32>} : memref<32x512xf32, #tpu.memory_space<vmem>>, vector<16xf32>,
        %get3A_1295 = arith.index_cast %scan3A_915 : i32 to index
        %get3A_1296 = arith.index_cast %add3A_1291 : i32 to index
        %get3A_1297 = tpu.vector_load %arg7[%get3A_1295, %get3A_1296] {strides = array<i32>} : memref<32x512xf32, #tpu.memory_space<vmem>>, vector<16xf32>,
        %get3A_1298 = arith.index_cast %scan3A_915 : i32 to index
        %get3A_1299 = arith.index_cast %add3A_1291 : i32 to index
        %get3A_1300 = tpu.vector_load %arg9[%get3A_1298, %get3A_1299] {strides = array<i32>} : memref<32x512xf32, #tpu.memory_space<vmem>>, vector<16xf32>,
        %mul3A_1301 = arith.mulf %get3A_1294, %get3A_1294 : vector<16xf32>
        %mul3A_1302 = arith.mulf %get3A_1297, %get3A_1297 : vector<16xf32>
        %add3A_1303 = arith.addf %mul3A_1301, %mul3A_1302 : vector<16xf32>
        %mul3A_1304 = arith.mulf %get3A_1300, %get3A_1300 : vector<16xf32>
        %add3A_1305 = arith.addf %add3A_1303, %mul3A_1304 : vector<16xf32>
        %mul3A_1306 = arith.mulf %add3A_1305, %get3A_786 : vector<16xf32>
        %exp3A_1307 = math.exp %mul3A_1306 : vector<16xf32>
        %lt3A_1308 = arith.constant 3.000000e+00 : f32
        %lt3A_1309 = vector.broadcast %lt3A_1308 : f32 to vector<16xf32>
        %lt3A_1310 = arith.cmpf olt, %add3A_1305, %lt3A_1309 : vector<16xf32>
        %jit3A_1311 = arith.constant 0.000000e+00 : f32
        %broadcast_in_dim3A_1312 = vector.broadcast %jit3A_1311 : f32 to vector<16xf32>
        %select_n3A_1313 = arith.select %lt3A_1310, %exp3A_1307, %broadcast_in_dim3A_1312 : vector<16xi1>, vector<16xf32>
        %add3A_1314 = arith.addf %add3A_1114, %select_n3A_1313 : vector<16xf32>
        %add3A_1315 = arith.constant 240 : i32
        %add3A_1316 = arith.addi %mul3A_940, %add3A_1315 : i32
        %get3A_1317 = arith.index_cast %scan3A_915 : i32 to index
        %get3A_1318 = arith.index_cast %add3A_1316 : i32 to index
        %get3A_1319 = tpu.vector_load %arg5[%get3A_1317, %get3A_1318] {strides = array<i32>} : memref<32x512xf32, #tpu.memory_space<vmem>>, vector<16xf32>,
        %get3A_1320 = arith.index_cast %scan3A_915 : i32 to index
        %get3A_1321 = arith.index_cast %add3A_1316 : i32 to index
        %get3A_1322 = tpu.vector_load %arg7[%get3A_1320, %get3A_1321] {strides = array<i32>} : memref<32x512xf32, #tpu.memory_space<vmem>>, vector<16xf32>,
        %get3A_1323 = arith.index_cast %scan3A_915 : i32 to index
        %get3A_1324 = arith.index_cast %add3A_1316 : i32 to index
        %get3A_1325 = tpu.vector_load %arg9[%get3A_1323, %get3A_1324] {strides = array<i32>} : memref<32x512xf32, #tpu.memory_space<vmem>>, vector<16xf32>,
        %mul3A_1326 = arith.mulf %get3A_1319, %get3A_1319 : vector<16xf32>
        %mul3A_1327 = arith.mulf %get3A_1322, %get3A_1322 : vector<16xf32>
        %add3A_1328 = arith.addf %mul3A_1326, %mul3A_1327 : vector<16xf32>
        %mul3A_1329 = arith.mulf %get3A_1325, %get3A_1325 : vector<16xf32>
        %add3A_1330 = arith.addf %add3A_1328, %mul3A_1329 : vector<16xf32>
        %mul3A_1331 = arith.mulf %add3A_1330, %get3A_786 : vector<16xf32>
        %exp3A_1332 = math.exp %mul3A_1331 : vector<16xf32>
        %lt3A_1333 = arith.constant 3.000000e+00 : f32
        %lt3A_1334 = vector.broadcast %lt3A_1333 : f32 to vector<16xf32>
        %lt3A_1335 = arith.cmpf olt, %add3A_1330, %lt3A_1334 : vector<16xf32>
        %jit3A_1336 = arith.constant 0.000000e+00 : f32
        %broadcast_in_dim3A_1337 = vector.broadcast %jit3A_1336 : f32 to vector<16xf32>
        %select_n3A_1338 = arith.select %lt3A_1335, %exp3A_1332, %broadcast_in_dim3A_1337 : vector<16xi1>, vector<16xf32>
        %add3A_1339 = arith.addf %add3A_1139, %select_n3A_1338 : vector<16xf32>
        scf.yield %add3A_1164, %add3A_1189, %add3A_1214, %add3A_1239, %add3A_1264, %add3A_1289, %add3A_1314, %add3A_1339 : vector<16xf32>, vector<16xf32>, vector<16xf32>, vector<16xf32>, vector<16xf32>, vector<16xf32>, vector<16xf32>, vector<16xf32>
      }
      %scan3A_929 = arith.constant 2 : i32
      scf.yield %scan3A_928#0, %scan3A_928#1, %scan3A_928#2, %scan3A_928#3, %scan3A_928#4, %scan3A_928#5, %scan3A_928#6, %scan3A_928#7 : vector<16xf32>, vector<16xf32>, vector<16xf32>, vector<16xf32>, vector<16xf32>, vector<16xf32>, vector<16xf32>, vector<16xf32>
    }
    %scan3A_836 = arith.constant 32 : i32
    %dma_wait3A_837 = arith.constant 0 : i32
    %dma_wait3A_838 = arith.constant 0 : i32
    %dma_wait3A_839 = tpu.memref_slice %arg2[%add3A_170, %dma_wait3A_837, %add3A_192, %dma_wait3A_838] : memref<64x3x256x512xf32, #tpu.memory_space<hbm>> -> memref<1x1x32x512xf32, #tpu.memory_space<hbm>>
    %dma_wait3A_840 = tpu.memref_squeeze %dma_wait3A_839 : memref<1x1x32x512xf32, #tpu.memory_space<hbm>> -> memref<32x512xf32, #tpu.memory_space<hbm>>
    %dma_wait3A_841 = arith.constant 0 : i32
    %dma_wait3A_842 = tpu.memref_slice %arg2[%add3A_170, %dma_wait3A_837, %add3A_192, %dma_wait3A_841] : memref<64x3x256x512xf32, #tpu.memory_space<hbm>> -> memref<1x1x32x512xf32, #tpu.memory_space<hbm>>
    %dma_wait3A_843 = tpu.memref_squeeze %dma_wait3A_842 : memref<1x1x32x512xf32, #tpu.memory_space<hbm>> -> memref<32x512xf32, #tpu.memory_space<hbm>>
    tpu.wait_dma2 semaphore(%arg14 : memref<!tpu.dma_semaphore, #tpu.memory_space<semaphore_mem>>) src(%dma_wait3A_843 : memref<32x512xf32, #tpu.memory_space<hbm>>) dst(%arg6 : memref<32x512xf32, #tpu.memory_space<vmem>>)
    %dma_wait3A_844 = arith.constant 1 : i32
    %dma_wait3A_845 = arith.constant 0 : i32
    %dma_wait3A_846 = tpu.memref_slice %arg2[%add3A_170, %dma_wait3A_844, %add3A_192, %dma_wait3A_845] : memref<64x3x256x512xf32, #tpu.memory_space<hbm>> -> memref<1x1x32x512xf32, #tpu.memory_space<hbm>>
    %dma_wait3A_847 = tpu.memref_squeeze %dma_wait3A_846 : memref<1x1x32x512xf32, #tpu.memory_space<hbm>> -> memref<32x512xf32, #tpu.memory_space<hbm>>
    %dma_wait3A_848 = arith.constant 0 : i32
    %dma_wait3A_849 = tpu.memref_slice %arg2[%add3A_170, %dma_wait3A_844, %add3A_192, %dma_wait3A_848] : memref<64x3x256x512xf32, #tpu.memory_space<hbm>> -> memref<1x1x32x512xf32, #tpu.memory_space<hbm>>
    %dma_wait3A_850 = tpu.memref_squeeze %dma_wait3A_849 : memref<1x1x32x512xf32, #tpu.memory_space<hbm>> -> memref<32x512xf32, #tpu.memory_space<hbm>>
    tpu.wait_dma2 semaphore(%arg14 : memref<!tpu.dma_semaphore, #tpu.memory_space<semaphore_mem>>) src(%dma_wait3A_850 : memref<32x512xf32, #tpu.memory_space<hbm>>) dst(%arg8 : memref<32x512xf32, #tpu.memory_space<vmem>>)
    %dma_wait3A_851 = arith.constant 2 : i32
    %dma_wait3A_852 = arith.constant 0 : i32
    %dma_wait3A_853 = tpu.memref_slice %arg2[%add3A_170, %dma_wait3A_851, %add3A_192, %dma_wait3A_852] : memref<64x3x256x512xf32, #tpu.memory_space<hbm>> -> memref<1x1x32x512xf32, #tpu.memory_space<hbm>>
    %dma_wait3A_854 = tpu.memref_squeeze %dma_wait3A_853 : memref<1x1x32x512xf32, #tpu.memory_space<hbm>> -> memref<32x512xf32, #tpu.memory_space<hbm>>
    %dma_wait3A_855 = arith.constant 0 : i32
    %dma_wait3A_856 = tpu.memref_slice %arg2[%add3A_170, %dma_wait3A_851, %add3A_192, %dma_wait3A_855] : memref<64x3x256x512xf32, #tpu.memory_space<hbm>> -> memref<1x1x32x512xf32, #tpu.memory_space<hbm>>
    %dma_wait3A_857 = tpu.memref_squeeze %dma_wait3A_856 : memref<1x1x32x512xf32, #tpu.memory_space<hbm>> -> memref<32x512xf32, #tpu.memory_space<hbm>>
    tpu.wait_dma2 semaphore(%arg14 : memref<!tpu.dma_semaphore, #tpu.memory_space<semaphore_mem>>) src(%dma_wait3A_857 : memref<32x512xf32, #tpu.memory_space<hbm>>) dst(%arg10 : memref<32x512xf32, #tpu.memory_space<vmem>>)
    %scan3A_858 = arith.constant 0 : i32
    %scan3A_859 = arith.constant 32 : i32
    %scan3A_860 = arith.addi %scan3A_858, %scan3A_859 : i32
    %scan3A_861 = arith.constant 1 : i32
    %scan3A_862:8 = scf.for %scan3A_915 = %scan3A_858 to %scan3A_860 step %scan3A_861 iter_args(%scan3A_916 = %scan3A_835#0, %scan3A_917 = %scan3A_835#1, %scan3A_918 = %scan3A_835#2, %scan3A_919 = %scan3A_835#3, %scan3A_920 = %scan3A_835#4, %scan3A_921 = %scan3A_835#5, %scan3A_922 = %scan3A_835#6, %scan3A_923 = %scan3A_835#7) -> (vector<16xf32>, vector<16xf32>, vector<16xf32>, vector<16xf32>, vector<16xf32>, vector<16xf32>, vector<16xf32>, vector<16xf32>)  : i32 {
      %scan3A_924 = arith.constant 0 : i32
      %scan3A_925 = arith.constant 2 : i32
      %scan3A_926 = arith.addi %scan3A_924, %scan3A_925 : i32
      %scan3A_927 = arith.constant 1 : i32
      %scan3A_928:8 = scf.for %scan3A_930 = %scan3A_924 to %scan3A_926 step %scan3A_927 iter_args(%scan3A_931 = %scan3A_916, %scan3A_932 = %scan3A_917, %scan3A_933 = %scan3A_918, %scan3A_934 = %scan3A_919, %scan3A_935 = %scan3A_920, %scan3A_936 = %scan3A_921, %scan3A_937 = %scan3A_922, %scan3A_938 = %scan3A_923) -> (vector<16xf32>, vector<16xf32>, vector<16xf32>, vector<16xf32>, vector<16xf32>, vector<16xf32>, vector<16xf32>, vector<16xf32>)  : i32 {
        %mul3A_939 = arith.constant 256 : i32
        %mul3A_940 = arith.muli %scan3A_930, %mul3A_939 : i32
        %add3A_941 = arith.constant 0 : i32
        %add3A_942 = arith.addi %mul3A_940, %add3A_941 : i32
        %get3A_943 = arith.index_cast %scan3A_915 : i32 to index
        %get3A_944 = arith.index_cast %add3A_942 : i32 to index
        %get3A_945 = tpu.vector_load %arg6[%get3A_943, %get3A_944] {strides = array<i32>} : memref<32x512xf32, #tpu.memory_space<vmem>>, vector<16xf32>,
        %get3A_946 = arith.index_cast %scan3A_915 : i32 to index
        %get3A_947 = arith.index_cast %add3A_942 : i32 to index
        %get3A_948 = tpu.vector_load %arg8[%get3A_946, %get3A_947] {strides = array<i32>} : memref<32x512xf32, #tpu.memory_space<vmem>>, vector<16xf32>,
        %get3A_949 = arith.index_cast %scan3A_915 : i32 to index
        %get3A_950 = arith.index_cast %add3A_942 : i32 to index
        %get3A_951 = tpu.vector_load %arg10[%get3A_949, %get3A_950] {strides = array<i32>} : memref<32x512xf32, #tpu.memory_space<vmem>>, vector<16xf32>,
        %mul3A_952 = arith.mulf %get3A_945, %get3A_945 : vector<16xf32>
        %mul3A_953 = arith.mulf %get3A_948, %get3A_948 : vector<16xf32>
        %add3A_954 = arith.addf %mul3A_952, %mul3A_953 : vector<16xf32>
        %mul3A_955 = arith.mulf %get3A_951, %get3A_951 : vector<16xf32>
        %add3A_956 = arith.addf %add3A_954, %mul3A_955 : vector<16xf32>
        %mul3A_957 = arith.mulf %add3A_956, %get3A_786 : vector<16xf32>
        %exp3A = math.exp %mul3A_957 : vector<16xf32>
        %lt3A_958 = arith.constant 3.000000e+00 : f32
        %lt3A_959 = vector.broadcast %lt3A_958 : f32 to vector<16xf32>
        %lt3A_960 = arith.cmpf olt, %add3A_956, %lt3A_959 : vector<16xf32>
        %jit3A_961 = arith.constant 0.000000e+00 : f32
        %broadcast_in_dim3A_962 = vector.broadcast %jit3A_961 : f32 to vector<16xf32>
        %select_n3A_963 = arith.select %lt3A_960, %exp3A, %broadcast_in_dim3A_962 : vector<16xi1>, vector<16xf32>
        %add3A_964 = arith.addf %scan3A_931, %select_n3A_963 : vector<16xf32>
        %add3A_965 = arith.constant 16 : i32
        %add3A_966 = arith.addi %mul3A_940, %add3A_965 : i32
        %get3A_967 = arith.index_cast %scan3A_915 : i32 to index
        %get3A_968 = arith.index_cast %add3A_966 : i32 to index
        %get3A_969 = tpu.vector_load %arg6[%get3A_967, %get3A_968] {strides = array<i32>} : memref<32x512xf32, #tpu.memory_space<vmem>>, vector<16xf32>,
        %get3A_970 = arith.index_cast %scan3A_915 : i32 to index
        %get3A_971 = arith.index_cast %add3A_966 : i32 to index
        %get3A_972 = tpu.vector_load %arg8[%get3A_970, %get3A_971] {strides = array<i32>} : memref<32x512xf32, #tpu.memory_space<vmem>>, vector<16xf32>,
        %get3A_973 = arith.index_cast %scan3A_915 : i32 to index
        %get3A_974 = arith.index_cast %add3A_966 : i32 to index
        %get3A_975 = tpu.vector_load %arg10[%get3A_973, %get3A_974] {strides = array<i32>} : memref<32x512xf32, #tpu.memory_space<vmem>>, vector<16xf32>,
        %mul3A_976 = arith.mulf %get3A_969, %get3A_969 : vector<16xf32>
        %mul3A_977 = arith.mulf %get3A_972, %get3A_972 : vector<16xf32>
        %add3A_978 = arith.addf %mul3A_976, %mul3A_977 : vector<16xf32>
        %mul3A_979 = arith.mulf %get3A_975, %get3A_975 : vector<16xf32>
        %add3A_980 = arith.addf %add3A_978, %mul3A_979 : vector<16xf32>
        %mul3A_981 = arith.mulf %add3A_980, %get3A_786 : vector<16xf32>
        %exp3A_982 = math.exp %mul3A_981 : vector<16xf32>
        %lt3A_983 = arith.constant 3.000000e+00 : f32
        %lt3A_984 = vector.broadcast %lt3A_983 : f32 to vector<16xf32>
        %lt3A_985 = arith.cmpf olt, %add3A_980, %lt3A_984 : vector<16xf32>
        %jit3A_986 = arith.constant 0.000000e+00 : f32
        %broadcast_in_dim3A_987 = vector.broadcast %jit3A_986 : f32 to vector<16xf32>
        %select_n3A_988 = arith.select %lt3A_985, %exp3A_982, %broadcast_in_dim3A_987 : vector<16xi1>, vector<16xf32>
        %add3A_989 = arith.addf %scan3A_932, %select_n3A_988 : vector<16xf32>
        %add3A_990 = arith.constant 32 : i32
        %add3A_991 = arith.addi %mul3A_940, %add3A_990 : i32
        %get3A_992 = arith.index_cast %scan3A_915 : i32 to index
        %get3A_993 = arith.index_cast %add3A_991 : i32 to index
        %get3A_994 = tpu.vector_load %arg6[%get3A_992, %get3A_993] {strides = array<i32>} : memref<32x512xf32, #tpu.memory_space<vmem>>, vector<16xf32>,
        %get3A_995 = arith.index_cast %scan3A_915 : i32 to index
        %get3A_996 = arith.index_cast %add3A_991 : i32 to index
        %get3A_997 = tpu.vector_load %arg8[%get3A_995, %get3A_996] {strides = array<i32>} : memref<32x512xf32, #tpu.memory_space<vmem>>, vector<16xf32>,
        %get3A_998 = arith.index_cast %scan3A_915 : i32 to index
        %get3A_999 = arith.index_cast %add3A_991 : i32 to index
        %get3A_1000 = tpu.vector_load %arg10[%get3A_998, %get3A_999] {strides = array<i32>} : memref<32x512xf32, #tpu.memory_space<vmem>>, vector<16xf32>,
        %mul3A_1001 = arith.mulf %get3A_994, %get3A_994 : vector<16xf32>
        %mul3A_1002 = arith.mulf %get3A_997, %get3A_997 : vector<16xf32>
        %add3A_1003 = arith.addf %mul3A_1001, %mul3A_1002 : vector<16xf32>
        %mul3A_1004 = arith.mulf %get3A_1000, %get3A_1000 : vector<16xf32>
        %add3A_1005 = arith.addf %add3A_1003, %mul3A_1004 : vector<16xf32>
        %mul3A_1006 = arith.mulf %add3A_1005, %get3A_786 : vector<16xf32>
        %exp3A_1007 = math.exp %mul3A_1006 : vector<16xf32>
        %lt3A_1008 = arith.constant 3.000000e+00 : f32
        %lt3A_1009 = vector.broadcast %lt3A_1008 : f32 to vector<16xf32>
        %lt3A_1010 = arith.cmpf olt, %add3A_1005, %lt3A_1009 : vector<16xf32>
        %jit3A_1011 = arith.constant 0.000000e+00 : f32
        %broadcast_in_dim3A_1012 = vector.broadcast %jit3A_1011 : f32 to vector<16xf32>
        %select_n3A_1013 = arith.select %lt3A_1010, %exp3A_1007, %broadcast_in_dim3A_1012 : vector<16xi1>, vector<16xf32>
        %add3A_1014 = arith.addf %scan3A_933, %select_n3A_1013 : vector<16xf32>
        %add3A_1015 = arith.constant 48 : i32
        %add3A_1016 = arith.addi %mul3A_940, %add3A_1015 : i32
        %get3A_1017 = arith.index_cast %scan3A_915 : i32 to index
        %get3A_1018 = arith.index_cast %add3A_1016 : i32 to index
        %get3A_1019 = tpu.vector_load %arg6[%get3A_1017, %get3A_1018] {strides = array<i32>} : memref<32x512xf32, #tpu.memory_space<vmem>>, vector<16xf32>,
        %get3A_1020 = arith.index_cast %scan3A_915 : i32 to index
        %get3A_1021 = arith.index_cast %add3A_1016 : i32 to index
        %get3A_1022 = tpu.vector_load %arg8[%get3A_1020, %get3A_1021] {strides = array<i32>} : memref<32x512xf32, #tpu.memory_space<vmem>>, vector<16xf32>,
        %get3A_1023 = arith.index_cast %scan3A_915 : i32 to index
        %get3A_1024 = arith.index_cast %add3A_1016 : i32 to index
        %get3A_1025 = tpu.vector_load %arg10[%get3A_1023, %get3A_1024] {strides = array<i32>} : memref<32x512xf32, #tpu.memory_space<vmem>>, vector<16xf32>,
        %mul3A_1026 = arith.mulf %get3A_1019, %get3A_1019 : vector<16xf32>
        %mul3A_1027 = arith.mulf %get3A_1022, %get3A_1022 : vector<16xf32>
        %add3A_1028 = arith.addf %mul3A_1026, %mul3A_1027 : vector<16xf32>
        %mul3A_1029 = arith.mulf %get3A_1025, %get3A_1025 : vector<16xf32>
        %add3A_1030 = arith.addf %add3A_1028, %mul3A_1029 : vector<16xf32>
        %mul3A_1031 = arith.mulf %add3A_1030, %get3A_786 : vector<16xf32>
        %exp3A_1032 = math.exp %mul3A_1031 : vector<16xf32>
        %lt3A_1033 = arith.constant 3.000000e+00 : f32
        %lt3A_1034 = vector.broadcast %lt3A_1033 : f32 to vector<16xf32>
        %lt3A_1035 = arith.cmpf olt, %add3A_1030, %lt3A_1034 : vector<16xf32>
        %jit3A_1036 = arith.constant 0.000000e+00 : f32
        %broadcast_in_dim3A_1037 = vector.broadcast %jit3A_1036 : f32 to vector<16xf32>
        %select_n3A_1038 = arith.select %lt3A_1035, %exp3A_1032, %broadcast_in_dim3A_1037 : vector<16xi1>, vector<16xf32>
        %add3A_1039 = arith.addf %scan3A_934, %select_n3A_1038 : vector<16xf32>
        %add3A_1040 = arith.constant 64 : i32
        %add3A_1041 = arith.addi %mul3A_940, %add3A_1040 : i32
        %get3A_1042 = arith.index_cast %scan3A_915 : i32 to index
        %get3A_1043 = arith.index_cast %add3A_1041 : i32 to index
        %get3A_1044 = tpu.vector_load %arg6[%get3A_1042, %get3A_1043] {strides = array<i32>} : memref<32x512xf32, #tpu.memory_space<vmem>>, vector<16xf32>,
        %get3A_1045 = arith.index_cast %scan3A_915 : i32 to index
        %get3A_1046 = arith.index_cast %add3A_1041 : i32 to index
        %get3A_1047 = tpu.vector_load %arg8[%get3A_1045, %get3A_1046] {strides = array<i32>} : memref<32x512xf32, #tpu.memory_space<vmem>>, vector<16xf32>,
        %get3A_1048 = arith.index_cast %scan3A_915 : i32 to index
        %get3A_1049 = arith.index_cast %add3A_1041 : i32 to index
        %get3A_1050 = tpu.vector_load %arg10[%get3A_1048, %get3A_1049] {strides = array<i32>} : memref<32x512xf32, #tpu.memory_space<vmem>>, vector<16xf32>,
        %mul3A_1051 = arith.mulf %get3A_1044, %get3A_1044 : vector<16xf32>
        %mul3A_1052 = arith.mulf %get3A_1047, %get3A_1047 : vector<16xf32>
        %add3A_1053 = arith.addf %mul3A_1051, %mul3A_1052 : vector<16xf32>
        %mul3A_1054 = arith.mulf %get3A_1050, %get3A_1050 : vector<16xf32>
        %add3A_1055 = arith.addf %add3A_1053, %mul3A_1054 : vector<16xf32>
        %mul3A_1056 = arith.mulf %add3A_1055, %get3A_786 : vector<16xf32>
        %exp3A_1057 = math.exp %mul3A_1056 : vector<16xf32>
        %lt3A_1058 = arith.constant 3.000000e+00 : f32
        %lt3A_1059 = vector.broadcast %lt3A_1058 : f32 to vector<16xf32>
        %lt3A_1060 = arith.cmpf olt, %add3A_1055, %lt3A_1059 : vector<16xf32>
        %jit3A_1061 = arith.constant 0.000000e+00 : f32
        %broadcast_in_dim3A_1062 = vector.broadcast %jit3A_1061 : f32 to vector<16xf32>
        %select_n3A_1063 = arith.select %lt3A_1060, %exp3A_1057, %broadcast_in_dim3A_1062 : vector<16xi1>, vector<16xf32>
        %add3A_1064 = arith.addf %scan3A_935, %select_n3A_1063 : vector<16xf32>
        %add3A_1065 = arith.constant 80 : i32
        %add3A_1066 = arith.addi %mul3A_940, %add3A_1065 : i32
        %get3A_1067 = arith.index_cast %scan3A_915 : i32 to index
        %get3A_1068 = arith.index_cast %add3A_1066 : i32 to index
        %get3A_1069 = tpu.vector_load %arg6[%get3A_1067, %get3A_1068] {strides = array<i32>} : memref<32x512xf32, #tpu.memory_space<vmem>>, vector<16xf32>,
        %get3A_1070 = arith.index_cast %scan3A_915 : i32 to index
        %get3A_1071 = arith.index_cast %add3A_1066 : i32 to index
        %get3A_1072 = tpu.vector_load %arg8[%get3A_1070, %get3A_1071] {strides = array<i32>} : memref<32x512xf32, #tpu.memory_space<vmem>>, vector<16xf32>,
        %get3A_1073 = arith.index_cast %scan3A_915 : i32 to index
        %get3A_1074 = arith.index_cast %add3A_1066 : i32 to index
        %get3A_1075 = tpu.vector_load %arg10[%get3A_1073, %get3A_1074] {strides = array<i32>} : memref<32x512xf32, #tpu.memory_space<vmem>>, vector<16xf32>,
        %mul3A_1076 = arith.mulf %get3A_1069, %get3A_1069 : vector<16xf32>
        %mul3A_1077 = arith.mulf %get3A_1072, %get3A_1072 : vector<16xf32>
        %add3A_1078 = arith.addf %mul3A_1076, %mul3A_1077 : vector<16xf32>
        %mul3A_1079 = arith.mulf %get3A_1075, %get3A_1075 : vector<16xf32>
        %add3A_1080 = arith.addf %add3A_1078, %mul3A_1079 : vector<16xf32>
        %mul3A_1081 = arith.mulf %add3A_1080, %get3A_786 : vector<16xf32>
        %exp3A_1082 = math.exp %mul3A_1081 : vector<16xf32>
        %lt3A_1083 = arith.constant 3.000000e+00 : f32
        %lt3A_1084 = vector.broadcast %lt3A_1083 : f32 to vector<16xf32>
        %lt3A_1085 = arith.cmpf olt, %add3A_1080, %lt3A_1084 : vector<16xf32>
        %jit3A_1086 = arith.constant 0.000000e+00 : f32
        %broadcast_in_dim3A_1087 = vector.broadcast %jit3A_1086 : f32 to vector<16xf32>
        %select_n3A_1088 = arith.select %lt3A_1085, %exp3A_1082, %broadcast_in_dim3A_1087 : vector<16xi1>, vector<16xf32>
        %add3A_1089 = arith.addf %scan3A_936, %select_n3A_1088 : vector<16xf32>
        %add3A_1090 = arith.constant 96 : i32
        %add3A_1091 = arith.addi %mul3A_940, %add3A_1090 : i32
        %get3A_1092 = arith.index_cast %scan3A_915 : i32 to index
        %get3A_1093 = arith.index_cast %add3A_1091 : i32 to index
        %get3A_1094 = tpu.vector_load %arg6[%get3A_1092, %get3A_1093] {strides = array<i32>} : memref<32x512xf32, #tpu.memory_space<vmem>>, vector<16xf32>,
        %get3A_1095 = arith.index_cast %scan3A_915 : i32 to index
        %get3A_1096 = arith.index_cast %add3A_1091 : i32 to index
        %get3A_1097 = tpu.vector_load %arg8[%get3A_1095, %get3A_1096] {strides = array<i32>} : memref<32x512xf32, #tpu.memory_space<vmem>>, vector<16xf32>,
        %get3A_1098 = arith.index_cast %scan3A_915 : i32 to index
        %get3A_1099 = arith.index_cast %add3A_1091 : i32 to index
        %get3A_1100 = tpu.vector_load %arg10[%get3A_1098, %get3A_1099] {strides = array<i32>} : memref<32x512xf32, #tpu.memory_space<vmem>>, vector<16xf32>,
        %mul3A_1101 = arith.mulf %get3A_1094, %get3A_1094 : vector<16xf32>
        %mul3A_1102 = arith.mulf %get3A_1097, %get3A_1097 : vector<16xf32>
        %add3A_1103 = arith.addf %mul3A_1101, %mul3A_1102 : vector<16xf32>
        %mul3A_1104 = arith.mulf %get3A_1100, %get3A_1100 : vector<16xf32>
        %add3A_1105 = arith.addf %add3A_1103, %mul3A_1104 : vector<16xf32>
        %mul3A_1106 = arith.mulf %add3A_1105, %get3A_786 : vector<16xf32>
        %exp3A_1107 = math.exp %mul3A_1106 : vector<16xf32>
        %lt3A_1108 = arith.constant 3.000000e+00 : f32
        %lt3A_1109 = vector.broadcast %lt3A_1108 : f32 to vector<16xf32>
        %lt3A_1110 = arith.cmpf olt, %add3A_1105, %lt3A_1109 : vector<16xf32>
        %jit3A_1111 = arith.constant 0.000000e+00 : f32
        %broadcast_in_dim3A_1112 = vector.broadcast %jit3A_1111 : f32 to vector<16xf32>
        %select_n3A_1113 = arith.select %lt3A_1110, %exp3A_1107, %broadcast_in_dim3A_1112 : vector<16xi1>, vector<16xf32>
        %add3A_1114 = arith.addf %scan3A_937, %select_n3A_1113 : vector<16xf32>
        %add3A_1115 = arith.constant 112 : i32
        %add3A_1116 = arith.addi %mul3A_940, %add3A_1115 : i32
        %get3A_1117 = arith.index_cast %scan3A_915 : i32 to index
        %get3A_1118 = arith.index_cast %add3A_1116 : i32 to index
        %get3A_1119 = tpu.vector_load %arg6[%get3A_1117, %get3A_1118] {strides = array<i32>} : memref<32x512xf32, #tpu.memory_space<vmem>>, vector<16xf32>,
        %get3A_1120 = arith.index_cast %scan3A_915 : i32 to index
        %get3A_1121 = arith.index_cast %add3A_1116 : i32 to index
        %get3A_1122 = tpu.vector_load %arg8[%get3A_1120, %get3A_1121] {strides = array<i32>} : memref<32x512xf32, #tpu.memory_space<vmem>>, vector<16xf32>,
        %get3A_1123 = arith.index_cast %scan3A_915 : i32 to index
        %get3A_1124 = arith.index_cast %add3A_1116 : i32 to index
        %get3A_1125 = tpu.vector_load %arg10[%get3A_1123, %get3A_1124] {strides = array<i32>} : memref<32x512xf32, #tpu.memory_space<vmem>>, vector<16xf32>,
        %mul3A_1126 = arith.mulf %get3A_1119, %get3A_1119 : vector<16xf32>
        %mul3A_1127 = arith.mulf %get3A_1122, %get3A_1122 : vector<16xf32>
        %add3A_1128 = arith.addf %mul3A_1126, %mul3A_1127 : vector<16xf32>
        %mul3A_1129 = arith.mulf %get3A_1125, %get3A_1125 : vector<16xf32>
        %add3A_1130 = arith.addf %add3A_1128, %mul3A_1129 : vector<16xf32>
        %mul3A_1131 = arith.mulf %add3A_1130, %get3A_786 : vector<16xf32>
        %exp3A_1132 = math.exp %mul3A_1131 : vector<16xf32>
        %lt3A_1133 = arith.constant 3.000000e+00 : f32
        %lt3A_1134 = vector.broadcast %lt3A_1133 : f32 to vector<16xf32>
        %lt3A_1135 = arith.cmpf olt, %add3A_1130, %lt3A_1134 : vector<16xf32>
        %jit3A_1136 = arith.constant 0.000000e+00 : f32
        %broadcast_in_dim3A_1137 = vector.broadcast %jit3A_1136 : f32 to vector<16xf32>
        %select_n3A_1138 = arith.select %lt3A_1135, %exp3A_1132, %broadcast_in_dim3A_1137 : vector<16xi1>, vector<16xf32>
        %add3A_1139 = arith.addf %scan3A_938, %select_n3A_1138 : vector<16xf32>
        %add3A_1140 = arith.constant 128 : i32
        %add3A_1141 = arith.addi %mul3A_940, %add3A_1140 : i32
        %get3A_1142 = arith.index_cast %scan3A_915 : i32 to index
        %get3A_1143 = arith.index_cast %add3A_1141 : i32 to index
        %get3A_1144 = tpu.vector_load %arg6[%get3A_1142, %get3A_1143] {strides = array<i32>} : memref<32x512xf32, #tpu.memory_space<vmem>>, vector<16xf32>,
        %get3A_1145 = arith.index_cast %scan3A_915 : i32 to index
        %get3A_1146 = arith.index_cast %add3A_1141 : i32 to index
        %get3A_1147 = tpu.vector_load %arg8[%get3A_1145, %get3A_1146] {strides = array<i32>} : memref<32x512xf32, #tpu.memory_space<vmem>>, vector<16xf32>,
        %get3A_1148 = arith.index_cast %scan3A_915 : i32 to index
        %get3A_1149 = arith.index_cast %add3A_1141 : i32 to index
        %get3A_1150 = tpu.vector_load %arg10[%get3A_1148, %get3A_1149] {strides = array<i32>} : memref<32x512xf32, #tpu.memory_space<vmem>>, vector<16xf32>,
        %mul3A_1151 = arith.mulf %get3A_1144, %get3A_1144 : vector<16xf32>
        %mul3A_1152 = arith.mulf %get3A_1147, %get3A_1147 : vector<16xf32>
        %add3A_1153 = arith.addf %mul3A_1151, %mul3A_1152 : vector<16xf32>
        %mul3A_1154 = arith.mulf %get3A_1150, %get3A_1150 : vector<16xf32>
        %add3A_1155 = arith.addf %add3A_1153, %mul3A_1154 : vector<16xf32>
        %mul3A_1156 = arith.mulf %add3A_1155, %get3A_786 : vector<16xf32>
        %exp3A_1157 = math.exp %mul3A_1156 : vector<16xf32>
        %lt3A_1158 = arith.constant 3.000000e+00 : f32
        %lt3A_1159 = vector.broadcast %lt3A_1158 : f32 to vector<16xf32>
        %lt3A_1160 = arith.cmpf olt, %add3A_1155, %lt3A_1159 : vector<16xf32>
        %jit3A_1161 = arith.constant 0.000000e+00 : f32
        %broadcast_in_dim3A_1162 = vector.broadcast %jit3A_1161 : f32 to vector<16xf32>
        %select_n3A_1163 = arith.select %lt3A_1160, %exp3A_1157, %broadcast_in_dim3A_1162 : vector<16xi1>, vector<16xf32>
        %add3A_1164 = arith.addf %add3A_964, %select_n3A_1163 : vector<16xf32>
        %add3A_1165 = arith.constant 144 : i32
        %add3A_1166 = arith.addi %mul3A_940, %add3A_1165 : i32
        %get3A_1167 = arith.index_cast %scan3A_915 : i32 to index
        %get3A_1168 = arith.index_cast %add3A_1166 : i32 to index
        %get3A_1169 = tpu.vector_load %arg6[%get3A_1167, %get3A_1168] {strides = array<i32>} : memref<32x512xf32, #tpu.memory_space<vmem>>, vector<16xf32>,
        %get3A_1170 = arith.index_cast %scan3A_915 : i32 to index
        %get3A_1171 = arith.index_cast %add3A_1166 : i32 to index
        %get3A_1172 = tpu.vector_load %arg8[%get3A_1170, %get3A_1171] {strides = array<i32>} : memref<32x512xf32, #tpu.memory_space<vmem>>, vector<16xf32>,
        %get3A_1173 = arith.index_cast %scan3A_915 : i32 to index
        %get3A_1174 = arith.index_cast %add3A_1166 : i32 to index
        %get3A_1175 = tpu.vector_load %arg10[%get3A_1173, %get3A_1174] {strides = array<i32>} : memref<32x512xf32, #tpu.memory_space<vmem>>, vector<16xf32>,
        %mul3A_1176 = arith.mulf %get3A_1169, %get3A_1169 : vector<16xf32>
        %mul3A_1177 = arith.mulf %get3A_1172, %get3A_1172 : vector<16xf32>
        %add3A_1178 = arith.addf %mul3A_1176, %mul3A_1177 : vector<16xf32>
        %mul3A_1179 = arith.mulf %get3A_1175, %get3A_1175 : vector<16xf32>
        %add3A_1180 = arith.addf %add3A_1178, %mul3A_1179 : vector<16xf32>
        %mul3A_1181 = arith.mulf %add3A_1180, %get3A_786 : vector<16xf32>
        %exp3A_1182 = math.exp %mul3A_1181 : vector<16xf32>
        %lt3A_1183 = arith.constant 3.000000e+00 : f32
        %lt3A_1184 = vector.broadcast %lt3A_1183 : f32 to vector<16xf32>
        %lt3A_1185 = arith.cmpf olt, %add3A_1180, %lt3A_1184 : vector<16xf32>
        %jit3A_1186 = arith.constant 0.000000e+00 : f32
        %broadcast_in_dim3A_1187 = vector.broadcast %jit3A_1186 : f32 to vector<16xf32>
        %select_n3A_1188 = arith.select %lt3A_1185, %exp3A_1182, %broadcast_in_dim3A_1187 : vector<16xi1>, vector<16xf32>
        %add3A_1189 = arith.addf %add3A_989, %select_n3A_1188 : vector<16xf32>
        %add3A_1190 = arith.constant 160 : i32
        %add3A_1191 = arith.addi %mul3A_940, %add3A_1190 : i32
        %get3A_1192 = arith.index_cast %scan3A_915 : i32 to index
        %get3A_1193 = arith.index_cast %add3A_1191 : i32 to index
        %get3A_1194 = tpu.vector_load %arg6[%get3A_1192, %get3A_1193] {strides = array<i32>} : memref<32x512xf32, #tpu.memory_space<vmem>>, vector<16xf32>,
        %get3A_1195 = arith.index_cast %scan3A_915 : i32 to index
        %get3A_1196 = arith.index_cast %add3A_1191 : i32 to index
        %get3A_1197 = tpu.vector_load %arg8[%get3A_1195, %get3A_1196] {strides = array<i32>} : memref<32x512xf32, #tpu.memory_space<vmem>>, vector<16xf32>,
        %get3A_1198 = arith.index_cast %scan3A_915 : i32 to index
        %get3A_1199 = arith.index_cast %add3A_1191 : i32 to index
        %get3A_1200 = tpu.vector_load %arg10[%get3A_1198, %get3A_1199] {strides = array<i32>} : memref<32x512xf32, #tpu.memory_space<vmem>>, vector<16xf32>,
        %mul3A_1201 = arith.mulf %get3A_1194, %get3A_1194 : vector<16xf32>
        %mul3A_1202 = arith.mulf %get3A_1197, %get3A_1197 : vector<16xf32>
        %add3A_1203 = arith.addf %mul3A_1201, %mul3A_1202 : vector<16xf32>
        %mul3A_1204 = arith.mulf %get3A_1200, %get3A_1200 : vector<16xf32>
        %add3A_1205 = arith.addf %add3A_1203, %mul3A_1204 : vector<16xf32>
        %mul3A_1206 = arith.mulf %add3A_1205, %get3A_786 : vector<16xf32>
        %exp3A_1207 = math.exp %mul3A_1206 : vector<16xf32>
        %lt3A_1208 = arith.constant 3.000000e+00 : f32
        %lt3A_1209 = vector.broadcast %lt3A_1208 : f32 to vector<16xf32>
        %lt3A_1210 = arith.cmpf olt, %add3A_1205, %lt3A_1209 : vector<16xf32>
        %jit3A_1211 = arith.constant 0.000000e+00 : f32
        %broadcast_in_dim3A_1212 = vector.broadcast %jit3A_1211 : f32 to vector<16xf32>
        %select_n3A_1213 = arith.select %lt3A_1210, %exp3A_1207, %broadcast_in_dim3A_1212 : vector<16xi1>, vector<16xf32>
        %add3A_1214 = arith.addf %add3A_1014, %select_n3A_1213 : vector<16xf32>
        %add3A_1215 = arith.constant 176 : i32
        %add3A_1216 = arith.addi %mul3A_940, %add3A_1215 : i32
        %get3A_1217 = arith.index_cast %scan3A_915 : i32 to index
        %get3A_1218 = arith.index_cast %add3A_1216 : i32 to index
        %get3A_1219 = tpu.vector_load %arg6[%get3A_1217, %get3A_1218] {strides = array<i32>} : memref<32x512xf32, #tpu.memory_space<vmem>>, vector<16xf32>,
        %get3A_1220 = arith.index_cast %scan3A_915 : i32 to index
        %get3A_1221 = arith.index_cast %add3A_1216 : i32 to index
        %get3A_1222 = tpu.vector_load %arg8[%get3A_1220, %get3A_1221] {strides = array<i32>} : memref<32x512xf32, #tpu.memory_space<vmem>>, vector<16xf32>,
        %get3A_1223 = arith.index_cast %scan3A_915 : i32 to index
        %get3A_1224 = arith.index_cast %add3A_1216 : i32 to index
        %get3A_1225 = tpu.vector_load %arg10[%get3A_1223, %get3A_1224] {strides = array<i32>} : memref<32x512xf32, #tpu.memory_space<vmem>>, vector<16xf32>,
        %mul3A_1226 = arith.mulf %get3A_1219, %get3A_1219 : vector<16xf32>
        %mul3A_1227 = arith.mulf %get3A_1222, %get3A_1222 : vector<16xf32>
        %add3A_1228 = arith.addf %mul3A_1226, %mul3A_1227 : vector<16xf32>
        %mul3A_1229 = arith.mulf %get3A_1225, %get3A_1225 : vector<16xf32>
        %add3A_1230 = arith.addf %add3A_1228, %mul3A_1229 : vector<16xf32>
        %mul3A_1231 = arith.mulf %add3A_1230, %get3A_786 : vector<16xf32>
        %exp3A_1232 = math.exp %mul3A_1231 : vector<16xf32>
        %lt3A_1233 = arith.constant 3.000000e+00 : f32
        %lt3A_1234 = vector.broadcast %lt3A_1233 : f32 to vector<16xf32>
        %lt3A_1235 = arith.cmpf olt, %add3A_1230, %lt3A_1234 : vector<16xf32>
        %jit3A_1236 = arith.constant 0.000000e+00 : f32
        %broadcast_in_dim3A_1237 = vector.broadcast %jit3A_1236 : f32 to vector<16xf32>
        %select_n3A_1238 = arith.select %lt3A_1235, %exp3A_1232, %broadcast_in_dim3A_1237 : vector<16xi1>, vector<16xf32>
        %add3A_1239 = arith.addf %add3A_1039, %select_n3A_1238 : vector<16xf32>
        %add3A_1240 = arith.constant 192 : i32
        %add3A_1241 = arith.addi %mul3A_940, %add3A_1240 : i32
        %get3A_1242 = arith.index_cast %scan3A_915 : i32 to index
        %get3A_1243 = arith.index_cast %add3A_1241 : i32 to index
        %get3A_1244 = tpu.vector_load %arg6[%get3A_1242, %get3A_1243] {strides = array<i32>} : memref<32x512xf32, #tpu.memory_space<vmem>>, vector<16xf32>,
        %get3A_1245 = arith.index_cast %scan3A_915 : i32 to index
        %get3A_1246 = arith.index_cast %add3A_1241 : i32 to index
        %get3A_1247 = tpu.vector_load %arg8[%get3A_1245, %get3A_1246] {strides = array<i32>} : memref<32x512xf32, #tpu.memory_space<vmem>>, vector<16xf32>,
        %get3A_1248 = arith.index_cast %scan3A_915 : i32 to index
        %get3A_1249 = arith.index_cast %add3A_1241 : i32 to index
        %get3A_1250 = tpu.vector_load %arg10[%get3A_1248, %get3A_1249] {strides = array<i32>} : memref<32x512xf32, #tpu.memory_space<vmem>>, vector<16xf32>,
        %mul3A_1251 = arith.mulf %get3A_1244, %get3A_1244 : vector<16xf32>
        %mul3A_1252 = arith.mulf %get3A_1247, %get3A_1247 : vector<16xf32>
        %add3A_1253 = arith.addf %mul3A_1251, %mul3A_1252 : vector<16xf32>
        %mul3A_1254 = arith.mulf %get3A_1250, %get3A_1250 : vector<16xf32>
        %add3A_1255 = arith.addf %add3A_1253, %mul3A_1254 : vector<16xf32>
        %mul3A_1256 = arith.mulf %add3A_1255, %get3A_786 : vector<16xf32>
        %exp3A_1257 = math.exp %mul3A_1256 : vector<16xf32>
        %lt3A_1258 = arith.constant 3.000000e+00 : f32
        %lt3A_1259 = vector.broadcast %lt3A_1258 : f32 to vector<16xf32>
        %lt3A_1260 = arith.cmpf olt, %add3A_1255, %lt3A_1259 : vector<16xf32>
        %jit3A_1261 = arith.constant 0.000000e+00 : f32
        %broadcast_in_dim3A_1262 = vector.broadcast %jit3A_1261 : f32 to vector<16xf32>
        %select_n3A_1263 = arith.select %lt3A_1260, %exp3A_1257, %broadcast_in_dim3A_1262 : vector<16xi1>, vector<16xf32>
        %add3A_1264 = arith.addf %add3A_1064, %select_n3A_1263 : vector<16xf32>
        %add3A_1265 = arith.constant 208 : i32
        %add3A_1266 = arith.addi %mul3A_940, %add3A_1265 : i32
        %get3A_1267 = arith.index_cast %scan3A_915 : i32 to index
        %get3A_1268 = arith.index_cast %add3A_1266 : i32 to index
        %get3A_1269 = tpu.vector_load %arg6[%get3A_1267, %get3A_1268] {strides = array<i32>} : memref<32x512xf32, #tpu.memory_space<vmem>>, vector<16xf32>,
        %get3A_1270 = arith.index_cast %scan3A_915 : i32 to index
        %get3A_1271 = arith.index_cast %add3A_1266 : i32 to index
        %get3A_1272 = tpu.vector_load %arg8[%get3A_1270, %get3A_1271] {strides = array<i32>} : memref<32x512xf32, #tpu.memory_space<vmem>>, vector<16xf32>,
        %get3A_1273 = arith.index_cast %scan3A_915 : i32 to index
        %get3A_1274 = arith.index_cast %add3A_1266 : i32 to index
        %get3A_1275 = tpu.vector_load %arg10[%get3A_1273, %get3A_1274] {strides = array<i32>} : memref<32x512xf32, #tpu.memory_space<vmem>>, vector<16xf32>,
        %mul3A_1276 = arith.mulf %get3A_1269, %get3A_1269 : vector<16xf32>
        %mul3A_1277 = arith.mulf %get3A_1272, %get3A_1272 : vector<16xf32>
        %add3A_1278 = arith.addf %mul3A_1276, %mul3A_1277 : vector<16xf32>
        %mul3A_1279 = arith.mulf %get3A_1275, %get3A_1275 : vector<16xf32>
        %add3A_1280 = arith.addf %add3A_1278, %mul3A_1279 : vector<16xf32>
        %mul3A_1281 = arith.mulf %add3A_1280, %get3A_786 : vector<16xf32>
        %exp3A_1282 = math.exp %mul3A_1281 : vector<16xf32>
        %lt3A_1283 = arith.constant 3.000000e+00 : f32
        %lt3A_1284 = vector.broadcast %lt3A_1283 : f32 to vector<16xf32>
        %lt3A_1285 = arith.cmpf olt, %add3A_1280, %lt3A_1284 : vector<16xf32>
        %jit3A_1286 = arith.constant 0.000000e+00 : f32
        %broadcast_in_dim3A_1287 = vector.broadcast %jit3A_1286 : f32 to vector<16xf32>
        %select_n3A_1288 = arith.select %lt3A_1285, %exp3A_1282, %broadcast_in_dim3A_1287 : vector<16xi1>, vector<16xf32>
        %add3A_1289 = arith.addf %add3A_1089, %select_n3A_1288 : vector<16xf32>
        %add3A_1290 = arith.constant 224 : i32
        %add3A_1291 = arith.addi %mul3A_940, %add3A_1290 : i32
        %get3A_1292 = arith.index_cast %scan3A_915 : i32 to index
        %get3A_1293 = arith.index_cast %add3A_1291 : i32 to index
        %get3A_1294 = tpu.vector_load %arg6[%get3A_1292, %get3A_1293] {strides = array<i32>} : memref<32x512xf32, #tpu.memory_space<vmem>>, vector<16xf32>,
        %get3A_1295 = arith.index_cast %scan3A_915 : i32 to index
        %get3A_1296 = arith.index_cast %add3A_1291 : i32 to index
        %get3A_1297 = tpu.vector_load %arg8[%get3A_1295, %get3A_1296] {strides = array<i32>} : memref<32x512xf32, #tpu.memory_space<vmem>>, vector<16xf32>,
        %get3A_1298 = arith.index_cast %scan3A_915 : i32 to index
        %get3A_1299 = arith.index_cast %add3A_1291 : i32 to index
        %get3A_1300 = tpu.vector_load %arg10[%get3A_1298, %get3A_1299] {strides = array<i32>} : memref<32x512xf32, #tpu.memory_space<vmem>>, vector<16xf32>,
        %mul3A_1301 = arith.mulf %get3A_1294, %get3A_1294 : vector<16xf32>
        %mul3A_1302 = arith.mulf %get3A_1297, %get3A_1297 : vector<16xf32>
        %add3A_1303 = arith.addf %mul3A_1301, %mul3A_1302 : vector<16xf32>
        %mul3A_1304 = arith.mulf %get3A_1300, %get3A_1300 : vector<16xf32>
        %add3A_1305 = arith.addf %add3A_1303, %mul3A_1304 : vector<16xf32>
        %mul3A_1306 = arith.mulf %add3A_1305, %get3A_786 : vector<16xf32>
        %exp3A_1307 = math.exp %mul3A_1306 : vector<16xf32>
        %lt3A_1308 = arith.constant 3.000000e+00 : f32
        %lt3A_1309 = vector.broadcast %lt3A_1308 : f32 to vector<16xf32>
        %lt3A_1310 = arith.cmpf olt, %add3A_1305, %lt3A_1309 : vector<16xf32>
        %jit3A_1311 = arith.constant 0.000000e+00 : f32
        %broadcast_in_dim3A_1312 = vector.broadcast %jit3A_1311 : f32 to vector<16xf32>
        %select_n3A_1313 = arith.select %lt3A_1310, %exp3A_1307, %broadcast_in_dim3A_1312 : vector<16xi1>, vector<16xf32>
        %add3A_1314 = arith.addf %add3A_1114, %select_n3A_1313 : vector<16xf32>
        %add3A_1315 = arith.constant 240 : i32
        %add3A_1316 = arith.addi %mul3A_940, %add3A_1315 : i32
        %get3A_1317 = arith.index_cast %scan3A_915 : i32 to index
        %get3A_1318 = arith.index_cast %add3A_1316 : i32 to index
        %get3A_1319 = tpu.vector_load %arg6[%get3A_1317, %get3A_1318] {strides = array<i32>} : memref<32x512xf32, #tpu.memory_space<vmem>>, vector<16xf32>,
        %get3A_1320 = arith.index_cast %scan3A_915 : i32 to index
        %get3A_1321 = arith.index_cast %add3A_1316 : i32 to index
        %get3A_1322 = tpu.vector_load %arg8[%get3A_1320, %get3A_1321] {strides = array<i32>} : memref<32x512xf32, #tpu.memory_space<vmem>>, vector<16xf32>,
        %get3A_1323 = arith.index_cast %scan3A_915 : i32 to index
        %get3A_1324 = arith.index_cast %add3A_1316 : i32 to index
        %get3A_1325 = tpu.vector_load %arg10[%get3A_1323, %get3A_1324] {strides = array<i32>} : memref<32x512xf32, #tpu.memory_space<vmem>>, vector<16xf32>,
        %mul3A_1326 = arith.mulf %get3A_1319, %get3A_1319 : vector<16xf32>
        %mul3A_1327 = arith.mulf %get3A_1322, %get3A_1322 : vector<16xf32>
        %add3A_1328 = arith.addf %mul3A_1326, %mul3A_1327 : vector<16xf32>
        %mul3A_1329 = arith.mulf %get3A_1325, %get3A_1325 : vector<16xf32>
        %add3A_1330 = arith.addf %add3A_1328, %mul3A_1329 : vector<16xf32>
        %mul3A_1331 = arith.mulf %add3A_1330, %get3A_786 : vector<16xf32>
        %exp3A_1332 = math.exp %mul3A_1331 : vector<16xf32>
        %lt3A_1333 = arith.constant 3.000000e+00 : f32
        %lt3A_1334 = vector.broadcast %lt3A_1333 : f32 to vector<16xf32>
        %lt3A_1335 = arith.cmpf olt, %add3A_1330, %lt3A_1334 : vector<16xf32>
        %jit3A_1336 = arith.constant 0.000000e+00 : f32
        %broadcast_in_dim3A_1337 = vector.broadcast %jit3A_1336 : f32 to vector<16xf32>
        %select_n3A_1338 = arith.select %lt3A_1335, %exp3A_1332, %broadcast_in_dim3A_1337 : vector<16xi1>, vector<16xf32>
        %add3A_1339 = arith.addf %add3A_1139, %select_n3A_1338 : vector<16xf32>
        scf.yield %add3A_1164, %add3A_1189, %add3A_1214, %add3A_1239, %add3A_1264, %add3A_1289, %add3A_1314, %add3A_1339 : vector<16xf32>, vector<16xf32>, vector<16xf32>, vector<16xf32>, vector<16xf32>, vector<16xf32>, vector<16xf32>, vector<16xf32>
      }
      %scan3A_929 = arith.constant 2 : i32
      scf.yield %scan3A_928#0, %scan3A_928#1, %scan3A_928#2, %scan3A_928#3, %scan3A_928#4, %scan3A_928#5, %scan3A_928#6, %scan3A_928#7 : vector<16xf32>, vector<16xf32>, vector<16xf32>, vector<16xf32>, vector<16xf32>, vector<16xf32>, vector<16xf32>, vector<16xf32>
    }
    %scan3A_863 = arith.constant 32 : i32
    %add3A_864 = arith.addf %scan3A_862#0, %scan3A_862#1 : vector<16xf32>
    %add3A_865 = arith.addf %scan3A_862#2, %scan3A_862#3 : vector<16xf32>
    %add3A_866 = arith.addf %add3A_864, %add3A_865 : vector<16xf32>
    %add3A_867 = arith.addf %scan3A_862#4, %scan3A_862#5 : vector<16xf32>
    %add3A_868 = arith.addf %scan3A_862#6, %scan3A_862#7 : vector<16xf32>
    %add3A_869 = arith.addf %add3A_867, %add3A_868 : vector<16xf32>
    %add3A_870 = arith.addf %add3A_866, %add3A_869 : vector<16xf32>
    %swap3A_871 = arith.constant 0 : index
    %swap3A_872 = tpu.vector_load %arg12[%swap3A_871] {strides = array<i32>} : memref<16xf32, #tpu.memory_space<vmem>>, vector<16xf32>,
    tpu.vector_store %arg12[%swap3A_871], %add3A_870 {strides = array<i32>} : memref<16xf32, #tpu.memory_space<vmem>>, vector<16xf32>,
    %jit3A_873 = arith.constant 4 : i32
    %eq3A_874 = arith.constant 0 : i32
    %eq3A_875 = arith.cmpi eq, %jit3A_873, %eq3A_874 : i32
    %jit3A_876 = arith.constant 1 : i32
    %select_n3A_877 = arith.select %eq3A_875, %jit3A_876, %jit3A_873 : i32
    %rem3A_878 = arith.remsi %add3A_755, %select_n3A_877 : i32
    %ne3A_879 = arith.constant 0 : i32
    %ne3A_880 = arith.cmpi ne, %rem3A_878, %ne3A_879 : i32
    %lt3A_881 = arith.constant 0 : i32
    %lt3A_882 = arith.cmpi slt, %rem3A_878, %lt3A_881 : i32
    %lt3A_883 = arith.constant 0 : i32
    %lt3A_884 = arith.cmpi slt, %select_n3A_877, %lt3A_883 : i32
    %ne3A_885 = arith.xori %lt3A_882, %lt3A_884 : i1
    %and3A_886 = arith.andi %ne3A_885, %ne3A_880 : i1
    %add3A_887 = arith.addi %rem3A_878, %select_n3A_877 : i32
    %select_n3A_888 = arith.select %and3A_886, %add3A_887, %rem3A_878 : i32
    %jit3A_889 = arith.constant 4 : i32
    %div3A_890 = arith.divsi %add3A_755, %jit3A_889 : i32
    %sign3A_891 = arith.constant 0 : i32
    %sign3A_892 = arith.cmpi sgt, %add3A_755, %sign3A_891 : i32
    %sign3A_893 = arith.extui %sign3A_892 : i1 to i32
    %sign3A_894 = arith.constant 0 : i32
    %sign3A_895 = arith.cmpi slt, %add3A_755, %sign3A_894 : i32
    %sign3A_896 = arith.extui %sign3A_895 : i1 to i32
    %sign3A_897 = arith.subi %sign3A_893, %sign3A_896 : i32
    %sign3A_898 = arith.constant 0 : i32
    %sign3A_899 = arith.cmpi sgt, %jit3A_889, %sign3A_898 : i32
    %sign3A_900 = arith.extui %sign3A_899 : i1 to i32
    %sign3A_901 = arith.constant 0 : i32
    %sign3A_902 = arith.cmpi slt, %jit3A_889, %sign3A_901 : i32
    %sign3A_903 = arith.extui %sign3A_902 : i1 to i32
    %sign3A_904 = arith.subi %sign3A_900, %sign3A_903 : i32
    %ne3A_905 = arith.cmpi ne, %sign3A_897, %sign3A_904 : i32
    %rem3A_906 = arith.remsi %add3A_755, %jit3A_889 : i32
    %ne3A_907 = arith.constant 0 : i32
    %ne3A_908 = arith.cmpi ne, %rem3A_906, %ne3A_907 : i32
    %and3A_909 = arith.andi %ne3A_905, %ne3A_908 : i1
    %sub3A_910 = arith.constant 1 : i32
    %sub3A_911 = arith.subi %div3A_890, %sub3A_910 : i32
    %select_n3A_912 = arith.select %and3A_909, %sub3A_911, %div3A_890 : i32
    %mul3A_913 = arith.constant 16 : i32
    %mul3A_914 = arith.muli %select_n3A_888, %mul3A_913 : i32
    "tpu.region"() ({
      %run_scoped3A = tpu.sem_alloc : memref<!tpu.dma_semaphore, #tpu.memory_space<semaphore_mem>>
      %dma_start3A_915 = tpu.memref_slice %arg4[%select_n3A_912, %mul3A_914] : memref<32x64xf32, #tpu.memory_space<hbm>> -> memref<1x16xf32, #tpu.memory_space<hbm>>
      %dma_start3A_916 = tpu.memref_squeeze %dma_start3A_915 : memref<1x16xf32, #tpu.memory_space<hbm>> -> memref<16xf32, #tpu.memory_space<hbm>>
      %dma_start3A_917 = tpu.memref_slice %arg4[%select_n3A_912, %mul3A_914] : memref<32x64xf32, #tpu.memory_space<hbm>> -> memref<1x16xf32, #tpu.memory_space<hbm>>
      %dma_start3A_918 = tpu.memref_squeeze %dma_start3A_917 : memref<1x16xf32, #tpu.memory_space<hbm>> -> memref<16xf32, #tpu.memory_space<hbm>>
      tpu.enqueue_dma source(%arg12 : memref<16xf32, #tpu.memory_space<vmem>>) target(%dma_start3A_918 : memref<16xf32, #tpu.memory_space<hbm>>) target_semaphore(%run_scoped3A : memref<!tpu.dma_semaphore, #tpu.memory_space<semaphore_mem>>)
      %dma_wait3A_919 = tpu.memref_slice %arg4[%select_n3A_912, %mul3A_914] : memref<32x64xf32, #tpu.memory_space<hbm>> -> memref<1x16xf32, #tpu.memory_space<hbm>>
      %dma_wait3A_920 = tpu.memref_squeeze %dma_wait3A_919 : memref<1x16xf32, #tpu.memory_space<hbm>> -> memref<16xf32, #tpu.memory_space<hbm>>
      %dma_wait3A_921 = tpu.memref_slice %arg4[%select_n3A_912, %mul3A_914] : memref<32x64xf32, #tpu.memory_space<hbm>> -> memref<1x16xf32, #tpu.memory_space<hbm>>
      %dma_wait3A_922 = tpu.memref_squeeze %dma_wait3A_921 : memref<1x16xf32, #tpu.memory_space<hbm>> -> memref<16xf32, #tpu.memory_space<hbm>>
      tpu.wait_dma2 semaphore(%run_scoped3A : memref<!tpu.dma_semaphore, #tpu.memory_space<semaphore_mem>>) src(%arg12 : memref<16xf32, #tpu.memory_space<vmem>>) dst(%dma_wait3A_922 : memref<16xf32, #tpu.memory_space<hbm>>)
      tpu.yield
    }) : () -> ()
    return
  }
}

module attributes {stable_mosaic.version = 14 : i64} {
  func.func @_tc_score(%arg0: i32, %arg1: memref<1x3x256x512xf32, #tpu.memory_space<vmem>>, %arg2: memref<1x1x1xf32, #tpu.memory_space<smem>>, %arg3: memref<1x1x512xf32, #tpu.memory_space<vmem>>) attributes {dimension_semantics = [#tpu.dimension_semantics<arbitrary>], iteration_bounds = array<i64: 32>, scalar_prefetch = 0 : i64, scratch_operands = 0 : i64, tpu.core_type = #tpu.core_type<tc>, window_params = [{transform_indices = @transform_0, window_bounds = array<i64: 1, 3, 256, 512>}, {transform_indices = @transform_1, window_bounds = array<i64: 1, 1, 1>}, {transform_indices = @transform_2, window_bounds = array<i64: 1, 1, 512>}]} {
    %get3A = arith.constant 0 : index
    %get3A_0 = arith.constant 0 : index
    %get3A_1 = arith.constant 0 : index
    %get3A_2 = arith.constant 0 : index
    %get3A_3 = vector.load %arg1[%get3A, %get3A_0, %get3A_1, %get3A_2] : memref<1x3x256x512xf32, #tpu.memory_space<vmem>>, vector<1x3x256x512xf32>
    %get3A_4 = vector.shape_cast %get3A_3 : vector<1x3x256x512xf32> to vector<3x256x512xf32>
    %slice3A = vector.extract_strided_slice %get3A_4 {offsets = [0, 0, 0], sizes = [1, 256, 512], strides = [1, 1, 1]} : vector<3x256x512xf32> to vector<1x256x512xf32>
    %squeeze3A = vector.shape_cast %slice3A : vector<1x256x512xf32> to vector<256x512xf32>
    %slice3A_5 = vector.extract_strided_slice %get3A_4 {offsets = [1, 0, 0], sizes = [1, 256, 512], strides = [1, 1, 1]} : vector<3x256x512xf32> to vector<1x256x512xf32>
    %squeeze3A_6 = vector.shape_cast %slice3A_5 : vector<1x256x512xf32> to vector<256x512xf32>
    %slice3A_7 = vector.extract_strided_slice %get3A_4 {offsets = [2, 0, 0], sizes = [1, 256, 512], strides = [1, 1, 1]} : vector<3x256x512xf32> to vector<1x256x512xf32>
    %squeeze3A_8 = vector.shape_cast %slice3A_7 : vector<1x256x512xf32> to vector<256x512xf32>
    %mul3A = arith.mulf %squeeze3A, %squeeze3A : vector<256x512xf32>
    %mul3A_9 = arith.mulf %squeeze3A_6, %squeeze3A_6 : vector<256x512xf32>
    %add3A = arith.addf %mul3A, %mul3A_9 : vector<256x512xf32>
    %mul3A_10 = arith.mulf %squeeze3A_8, %squeeze3A_8 : vector<256x512xf32>
    %add3A_11 = arith.addf %add3A, %mul3A_10 : vector<256x512xf32>
    %get3A_12 = arith.constant 0 : index
    %get3A_13 = arith.constant 0 : index
    %get3A_14 = arith.constant 0 : index
    %get3A_15 = memref.load %arg2[%get3A_12, %get3A_13, %get3A_14] : memref<1x1x1xf32, #tpu.memory_space<smem>>
    %get3A_16 = arith.constant 0 : index
    %get3A_17 = arith.constant 0 : index
    %get3A_18 = arith.constant 0 : index
    %get3A_19 = memref.load %arg2[%get3A_16, %get3A_17, %get3A_18] : memref<1x1x1xf32, #tpu.memory_space<smem>>
    %mul3A_20 = arith.mulf %get3A_15, %get3A_19 : f32
    %div3A = arith.constant -5.000000e-01 : f32
    %div3A_21 = arith.divf %div3A, %mul3A_20 : f32
    %mul3A_22 = vector.broadcast %div3A_21 : f32 to vector<256x512xf32>
    %mul3A_23 = arith.mulf %add3A_11, %mul3A_22 : vector<256x512xf32>
    %exp3A = math.exp %mul3A_23 : vector<256x512xf32>
    %lt3A = arith.constant 3.000000e+00 : f32
    %lt3A_24 = vector.broadcast %lt3A : f32 to vector<256x512xf32>
    %lt3A_25 = arith.cmpf olt, %add3A_11, %lt3A_24 : vector<256x512xf32>
    %jit3A = arith.constant 0.000000e+00 : f32
    %broadcast_in_dim3A = vector.broadcast %jit3A : f32 to vector<256x512xf32>
    %select_n3A = arith.select %lt3A_25, %exp3A, %broadcast_in_dim3A : vector<256x512xi1>, vector<256x512xf32>
    %reduce_sum3A = arith.constant dense<0.000000e+00> : vector<512xf32>
    %reduce_sum3A_26 = vector.multi_reduction <add>, %select_n3A, %reduce_sum3A [0] : vector<256x512xf32> to vector<512xf32>
    %broadcast_in_dim3A_27 = vector.shape_cast %reduce_sum3A_26 : vector<512xf32> to vector<1x512xf32>
    %swap3A = arith.constant 0 : index
    %swap3A_28 = arith.constant 0 : index
    %swap3A_29 = arith.constant 0 : index
    %swap3A_30 = vector.load %arg3[%swap3A, %swap3A_28, %swap3A_29] : memref<1x1x512xf32, #tpu.memory_space<vmem>>, vector<1x1x512xf32>
    %swap3A_31 = vector.shape_cast %swap3A_30 : vector<1x1x512xf32> to vector<1x512xf32>
    %swap3A_32 = vector.shape_cast %broadcast_in_dim3A_27 : vector<1x512xf32> to vector<1x1x512xf32>
    tpu.vector_store %arg3[%swap3A, %swap3A_28, %swap3A_29], %swap3A_32 {strides = array<i32>} : memref<1x1x512xf32, #tpu.memory_space<vmem>>, vector<1x1x512xf32>,
    return
  }
  func.func @transform_0(%arg0: i32) -> (i32, i32, i32, i32) {
    %c0_i32 = arith.constant 0 : i32
    %c0_i32_0 = arith.constant 0 : i32
    %c0_i32_1 = arith.constant 0 : i32
    %c0_i32_2 = arith.constant 0 : i32
    return %arg0, %c0_i32, %c0_i32_0, %c0_i32_1 : i32, i32, i32, i32
  }
  func.func @transform_1(%arg0: i32) -> (i32, i32, i32) {
    %c0_i32 = arith.constant 0 : i32
    %c0_i32_0 = arith.constant 0 : i32
    %c0_i32_1 = arith.constant 0 : i32
    return %arg0, %c0_i32, %c0_i32_0 : i32, i32, i32
  }
  func.func @transform_2(%arg0: i32) -> (i32, i32, i32) {
    %c0_i32 = arith.constant 0 : i32
    %c0_i32_0 = arith.constant 0 : i32
    %c0_i32_1 = arith.constant 0 : i32
    return %arg0, %c0_i32, %c0_i32_0 : i32, i32, i32
  }
}

module attributes {stable_mosaic.version = 14 : i64} {
  func.func @_finish_body(%arg0: memref<32x1x512xf32, #tpu.memory_space<vmem>>, %arg1: memref<32x64xf32, #tpu.memory_space<vmem>>, %arg2: memref<1x64xf32, #tpu.memory_space<vmem>>, %arg3: memref<1x1xf32, #tpu.memory_space<smem>>, %arg4: memref<1x64xf32, #tpu.memory_space<vmem>>, %arg5: memref<1x64xf32, #tpu.memory_space<vmem>>, %arg6: memref<1x64xf32, #tpu.memory_space<vmem>>, %arg7: memref<1x64xf32, #tpu.memory_space<vmem>>) attributes {dimension_semantics = [], scalar_prefetch = 0 : i64, scratch_operands = 0 : i64, tpu.core_type = #tpu.core_type<tc>} {
    %get3A = arith.constant 0 : index
    %get3A_0 = arith.constant 0 : index
    %get3A_1 = arith.constant 0 : index
    %get3A_2 = vector.load %arg0[%get3A, %get3A_0, %get3A_1] : memref<32x1x512xf32, #tpu.memory_space<vmem>>, vector<32x1x512xf32>
    %reduce_sum3A = arith.constant dense<0.000000e+00> : vector<32x1xf32>
    %reduce_sum3A_3 = vector.multi_reduction <add>, %get3A_2, %reduce_sum3A [2] : vector<32x1x512xf32> to vector<32x1xf32>
    %get3A_4 = arith.constant 0 : index
    %get3A_5 = arith.constant 0 : index
    %get3A_6 = vector.load %arg1[%get3A_4, %get3A_5] : memref<32x64xf32, #tpu.memory_space<vmem>>, vector<32x64xf32>
    %reduce_sum3A_7 = arith.constant dense<0.000000e+00> : vector<32xf32>
    %reduce_sum3A_8 = vector.multi_reduction <add>, %get3A_6, %reduce_sum3A_7 [1] : vector<32x64xf32> to vector<32xf32>
    %broadcast_in_dim3A = vector.shape_cast %reduce_sum3A_8 : vector<32xf32> to vector<32x1xf32>
    %concatenate3A = tpu.concatenate %reduce_sum3A_3, %broadcast_in_dim3A in 0 : vector<32x1xf32>, vector<32x1xf32> -> vector<64x1xf32>
    %reshape3A = vector.shape_cast %concatenate3A : vector<64x1xf32> to vector<1x64xf32>
    %get3A_9 = arith.constant 0 : index
    %get3A_10 = arith.constant 0 : index
    %get3A_11 = vector.load %arg2[%get3A_9, %get3A_10] : memref<1x64xf32, #tpu.memory_space<vmem>>, vector<1x64xf32>
    %mul3A = arith.mulf %get3A_11, %get3A_11 : vector<1x64xf32>
    %div3A = arith.constant 1.000000e+00 : f32
    %div3A_12 = vector.broadcast %div3A : f32 to vector<1x64xf32>
    %div3A_13 = arith.divf %div3A_12, %mul3A : vector<1x64xf32>
    %mul3A_14 = arith.constant 5.000000e-01 : f32
    %mul3A_15 = vector.broadcast %mul3A_14 : f32 to vector<1x64xf32>
    %mul3A_16 = arith.mulf %mul3A_15, %div3A_13 : vector<1x64xf32>
    %neg3A = arith.constant 0.000000e+00 : f32
    %neg3A_17 = vector.broadcast %neg3A : f32 to vector<1x64xf32>
    %neg3A_18 = arith.subf %neg3A_17, %mul3A_16 : vector<1x64xf32>
    %mul3A_19 = arith.constant 3.000000e+00 : f32
    %mul3A_20 = vector.broadcast %mul3A_19 : f32 to vector<1x64xf32>
    %mul3A_21 = arith.mulf %neg3A_18, %mul3A_20 : vector<1x64xf32>
    %exp3A = math.exp %mul3A_21 : vector<1x64xf32>
    %sub3A = arith.constant 1.000000e+00 : f32
    %sub3A_22 = vector.broadcast %sub3A : f32 to vector<1x64xf32>
    %sub3A_23 = arith.subf %sub3A_22, %exp3A : vector<1x64xf32>
    %mul3A_24 = arith.constant 4.000000e+00 : f32
    %mul3A_25 = vector.broadcast %mul3A_24 : f32 to vector<1x64xf32>
    %mul3A_26 = arith.mulf %mul3A_25, %mul3A_16 : vector<1x64xf32>
    %div3A_27 = arith.divf %sub3A_23, %mul3A_26 : vector<1x64xf32>
    %mul3A_28 = arith.constant -2.000000e+00 : f32
    %mul3A_29 = vector.broadcast %mul3A_28 : f32 to vector<1x64xf32>
    %mul3A_30 = arith.mulf %mul3A_29, %mul3A_16 : vector<1x64xf32>
    %mul3A_31 = arith.constant 3.000000e+00 : f32
    %mul3A_32 = vector.broadcast %mul3A_31 : f32 to vector<1x64xf32>
    %mul3A_33 = arith.mulf %mul3A_30, %mul3A_32 : vector<1x64xf32>
    %exp3A_34 = math.exp %mul3A_33 : vector<1x64xf32>
    %sub3A_35 = arith.constant 1.000000e+00 : f32
    %sub3A_36 = vector.broadcast %sub3A_35 : f32 to vector<1x64xf32>
    %sub3A_37 = arith.subf %sub3A_36, %exp3A_34 : vector<1x64xf32>
    %mul3A_38 = arith.constant 8.000000e+00 : f32
    %mul3A_39 = vector.broadcast %mul3A_38 : f32 to vector<1x64xf32>
    %mul3A_40 = arith.mulf %mul3A_39, %mul3A_16 : vector<1x64xf32>
    %div3A_41 = arith.divf %sub3A_37, %mul3A_40 : vector<1x64xf32>
    %mul3A_42 = arith.mulf %div3A_27, %div3A_27 : vector<1x64xf32>
    %sub3A_43 = arith.subf %div3A_41, %mul3A_42 : vector<1x64xf32>
    %get3A_44 = arith.constant 0 : index
    %get3A_45 = arith.constant 0 : index
    %get3A_46 = memref.load %arg3[%get3A_44, %get3A_45] : memref<1x1xf32, #tpu.memory_space<smem>>
    %mul3A_47 = vector.broadcast %get3A_46 : f32 to vector<1x64xf32>
    %mul3A_48 = arith.mulf %mul3A_47, %div3A_27 : vector<1x64xf32>
    %mul3A_49 = vector.broadcast %get3A_46 : f32 to vector<1x64xf32>
    %mul3A_50 = arith.mulf %mul3A_49, %sub3A_43 : vector<1x64xf32>
    %swap3A = arith.constant 0 : index
    %swap3A_51 = arith.constant 0 : index
    %swap3A_52 = vector.load %arg4[%swap3A, %swap3A_51] : memref<1x64xf32, #tpu.memory_space<vmem>>, vector<1x64xf32>
    tpu.vector_store %arg4[%swap3A, %swap3A_51], %reshape3A {strides = array<i32>} : memref<1x64xf32, #tpu.memory_space<vmem>>, vector<1x64xf32>,
    %swap3A_53 = arith.constant 0 : index
    %swap3A_54 = arith.constant 0 : index
    %swap3A_55 = vector.load %arg5[%swap3A_53, %swap3A_54] : memref<1x64xf32, #tpu.memory_space<vmem>>, vector<1x64xf32>
    tpu.vector_store %arg5[%swap3A_53, %swap3A_54], %mul3A_48 {strides = array<i32>} : memref<1x64xf32, #tpu.memory_space<vmem>>, vector<1x64xf32>,
    %swap3A_56 = arith.constant 0 : index
    %swap3A_57 = arith.constant 0 : index
    %swap3A_58 = vector.load %arg6[%swap3A_56, %swap3A_57] : memref<1x64xf32, #tpu.memory_space<vmem>>, vector<1x64xf32>
    tpu.vector_store %arg6[%swap3A_56, %swap3A_57], %mul3A_50 {strides = array<i32>} : memref<1x64xf32, #tpu.memory_space<vmem>>, vector<1x64xf32>,
    %mul3A_59 = arith.constant 2.000000e+00 : f32
    %mul3A_60 = vector.broadcast %mul3A_59 : f32 to vector<1x64xf32>
    %mul3A_61 = arith.mulf %mul3A_60, %mul3A_48 : vector<1x64xf32>
    %sub3A_62 = arith.subf %reshape3A, %mul3A_61 : vector<1x64xf32>
    %mul3A_63 = arith.constant 1.000000e+00 : f32
    %mul3A_64 = vector.broadcast %mul3A_63 : f32 to vector<1x64xf32>
    %mul3A_65 = arith.mulf %mul3A_64, %mul3A_50 : vector<1x64xf32>
    %sub3A_66 = arith.subf %sub3A_62, %mul3A_65 : vector<1x64xf32>
    %swap3A_67 = arith.constant 0 : index
    %swap3A_68 = arith.constant 0 : index
    %swap3A_69 = vector.load %arg7[%swap3A_67, %swap3A_68] : memref<1x64xf32, #tpu.memory_space<vmem>>, vector<1x64xf32>
    tpu.vector_store %arg7[%swap3A_67, %swap3A_68], %sub3A_66 {strides = array<i32>} : memref<1x64xf32, #tpu.memory_space<vmem>>, vector<1x64xf32>,
    return
  }
}

</mosaic_0001>

<sc_bundles>
// kernel: kernel.5.cloned.1.call-start
scs
__scs_entry_jumppad:
0x0: {  	(pc) =	sbr.rel $0x88, $3  }
0x1: {  	(tag) =	ssettag $0x0;
	lr =	simm.s32 $0x1  }
0x2: {  	[smem:$0x3F9E] =	sst lr;
	_ =	strace $0xD0000000  }
0x3: {  	_ = 	snop  }
0x4: {  	_ = 	snop  }
0x5: {  	_ = 	snop  }
0x6: {  	_ = 	snop  }
0x7: {  	_ = 	snop  }
__scs_overlays_trampoline_lowered:
0x8: {  	[smem:$0x3FAD] =	sst s0  }
0x9: {  	[smem:$0x3FAE] =	sst s1  }
0xa: {  	[smem:$0x3FAF] =	sst s2  }
0xb: {  	[smem:$0x3FB0] =	sst s3  }
0xc: {  	[smem:$0x3FB1] =	sst s4  }
0xd: {  	[smem:$0x3FB2] =	sst s5  }
0xe: {  	[smem:$0x3FB3] =	sst s6  }
0xf: {  	[smem:$0x3FB4] =	sst s7  }
0x10: {  	[smem:$0x3FB5] =	sst s8  }
0x11: {  	[smem:$0x3FB6] =	sst s9;
	s0 =	simm.s32 @!p0 $0x0  }
0x12: {  	s1 =	sld [smem:$0x3F9C];
	s0 =	simm.s32 @p0 $0x1  }
0x13: {  	[smem:$0x3FB7] =	sst s0;
	s0 =	simm.s32 @!p1 $0x0  }
0x14: {  	s2 =	sld [smem:$0x3F9B];
	s0 =	simm.s32 @p1 $0x1  }
0x15: {  	[smem:$0x3FB8] =	sst s0;
	s0 =	simm.s32 @!p2 $0x0  }
0x16: {  	s3 =	sld [smem:$0x3FDB];
	s0 =	simm.s32 @p2 $0x1  }
0x17: {  	s4 =	simm.s32 $0x1BF5;
	[smem:$0x3FBA] =	sst s0  }
0x18: {  	s0 =	sld [smem:$0x3F9D];
	_ =	swait.ge [sflag:s4], $0x0  }
0x19: {  	s7 =	sld [smem:$0x3F9E]  }
0x1a: {  	s8 =	sadd.s32 $0xFFFFE003, lr  }
0x1b: {  	s9 =	sadd.s32 $0xFFFFFEF7, lr;
	s5 =	simm.s32 $0xFFFFFFFF;
	p2 =	slt.u32 s8, $0xFFFFF086  }
0x1c: {  	p1 =	slt.u32 s9, $0xF7A;
	s5 =	simm.s32 @!p2 $0x0  }
0x1d: {  	s5 =	simm.s32 @p1 $0x1;
	p0 =	seq.s32 s7, s2  }
0x1e: {  	s7 =	smul.u32 @!p0 $0xF7A, s2;
	p2 =	seq.s32 @!p0 s5, $0x0  }
0x1f: {  	s9 =	smul.u32 $0xF7A, s1;
	s8 =	simm.s32 @!p0 $0x1BF5;
	p2 =	por !p2, p0  }
0x20: {  	[sflag:s8] =	ssyncset.s32 @!p0 $0xFFFFF086;
	s6 =	sadd.s32 @!p0 s3, s7;
	s7 =	simm.s32 @!p0 $0x108  }
0x21: {  	s3 =	sadd.s32 s3, s9;
	s6 =	sadd.s32 @!p0 $0x88, s6;
	s7 =	simm.s32 @p2 $0x1082  }
0x22: {  	[simem:s7], [sflag:s8] =	dma.local @!p0 [hbm:s6], $0xF7A  }
0x23: {  	s9 =	sor.u32 $0xD0000000, s2;
	s6 =	simm.s32 $0x108;
	_ =	swait.ge @!p0 [sflag:s8], $0x0  }
0x24: {  	s3 =	sadd.s32 $0x88, s3;
	s6 =	simm.s32 @!p1 $0x1082;
	[sflag:s4] =	ssyncset.s32 $0xFFFFF086  }
0x25: {  	[simem:s6], [sflag:s4] =	dma.local [hbm:s3], $0xF7A  }
0x26: {  	[smem:$0x3F9E] =	sst s1;
	(tag) =	ssettag s2;
	_ =	strace s9  }
0x27: {  	s1 =	sld [smem:$0x3FAE]  }
0x28: {  	s2 =	sld [smem:$0x3FAF]  }
0x29: {  	s4 =	sld [smem:$0x3FB1]  }
0x2a: {  	p0 =	seq.s32 s5, $0x0;
	s5 =	sld [smem:$0x3FB2]  }
0x2b: {  	s6 =	sld [smem:$0x3FB3]  }
0x2c: {  	s7 =	sld [smem:$0x3FB4]  }
0x2d: {  	s3 =	simm.s32 $0x108;
	s8 =	sld [smem:$0x3FB5]  }
0x2e: {  	s3 =	simm.s32 @!p0 $0x1082;
	s9 =	sld [smem:$0x3FB6]  }
0x2f: {  	lr =	sadd.s32 s0, s3;
	s0 =	sld [smem:$0x3FAD]  }
0x30: {  	s3 =	sld [smem:$0x3FB0]  }
0x31: {  	[smem:$0x3FB9] =	sst s10  }
0x32: {  	s10 =	sld [smem:$0x3FB7];
	_ =	sdelay $0x3  }
0x33: {  	p0 =	seq.s32 s10, $0x1;
	s10 =	sld [smem:$0x3FB9];
	_ =	sdelay $0x3  }
0x34: {  	[smem:$0x3FB9] =	sst s10  }
0x35: {  	s10 =	sld [smem:$0x3FB8];
	_ =	sdelay $0x3  }
0x36: {  	p1 =	seq.s32 s10, $0x1;
	s10 =	sld [smem:$0x3FB9];
	_ =	sdelay $0x3  }
0x37: {  	[smem:$0x3FB9] =	sst s10  }
0x38: {  	s10 =	sld [smem:$0x3FBA]  }
0x39: {  	_ = 	snop;
	(pc) =	sbr.ind lr, $3  }
0x3a: {  	_ = 	snop  }
0x3b: {  	_ = 	snop  }
0x3c: {  	p2 =	seq.s32 s10, $0x1;
	s10 =	sld [smem:$0x3FB9]  }
0x3d: {  	_ =	shalt  }
0x3e: {  	_ =	shalt  }
0x3f: {  	_ =	shalt  }
0x40: {  	_ =	shalt  }
0x41: {  	_ =	shalt  }
0x42: {  	_ =	shalt  }
0x43: {  	_ =	shalt  }
0x44: {  	_ =	shalt  }
0x45: {  	_ =	shalt  }
0x46: {  	_ =	shalt  }
0x47: {  	_ =	shalt  }
0x48: {  	_ =	shalt  }
0x49: {  	_ =	shalt  }
0x4a: {  	_ =	shalt  }
0x4b: {  	_ =	shalt  }
0x4c: {  	_ =	shalt  }
0x4d: {  	_ =	shalt  }
0x4e: {  	_ =	shalt  }
0x4f: {  	_ =	shalt  }
0x50: {  	_ =	shalt  }
0x51: {  	_ =	shalt  }
0x52: {  	_ =	shalt  }
0x53: {  	_ =	shalt  }
0x54: {  	_ =	shalt  }
0x55: {  	_ =	shalt  }
0x56: {  	_ =	shalt  }
0x57: {  	_ =	shalt  }
0x58: {  	_ =	shalt  }
0x59: {  	_ =	shalt  }
0x5a: {  	_ =	shalt  }
0x5b: {  	_ =	shalt  }
0x5c: {  	_ =	shalt  }
0x5d: {  	_ =	shalt  }
0x5e: {  	_ =	shalt  }
0x5f: {  	_ =	shalt  }
0x60: {  	_ =	shalt  }
0x61: {  	_ =	shalt  }
0x62: {  	_ =	shalt  }
0x63: {  	_ =	shalt  }
0x64: {  	_ =	shalt  }
0x65: {  	_ =	shalt  }
0x66: {  	_ =	shalt  }
0x67: {  	_ =	shalt  }
0x68: {  	_ =	shalt  }
0x69: {  	_ =	shalt  }
0x6a: {  	_ =	shalt  }
0x6b: {  	_ =	shalt  }
0x6c: {  	_ =	shalt  }
0x6d: {  	_ =	shalt  }
0x6e: {  	_ =	shalt  }
0x6f: {  	_ =	shalt  }
0x70: {  	_ =	shalt  }
0x71: {  	_ =	shalt  }
0x72: {  	_ =	shalt  }
0x73: {  	_ =	shalt  }
0x74: {  	_ =	shalt  }
0x75: {  	_ =	shalt  }
0x76: {  	_ =	shalt  }
0x77: {  	_ =	shalt  }
0x78: {  	_ =	shalt  }
0x79: {  	_ =	shalt  }
0x7a: {  	_ =	shalt  }
0x7b: {  	_ =	shalt  }
0x7c: {  	_ =	shalt  }
0x7d: {  	_ =	shalt  }
0x7e: {  	_ =	shalt  }
0x7f: {  	_ =	shalt  }
0x80: {  	_ =	shalt  }
0x81: {  	_ =	shalt  }
0x82: {  	_ =	shalt  }
0x83: {  	_ =	shalt  }
0x84: {  	_ =	shalt  }
0x85: {  	_ =	shalt  }
0x86: {  	_ =	shalt  }
0x87: {  	_ =	shalt  }
.Lfunc_end0:
.L_simem_size_0:
called_computation_lowered:
.L_overlay_start_0:
0x88: {  	s2 =	sld [smem:$0x3FD9]  }
0x89: {  	s3 =	sld [smem:$0x3FFE];
	_ =	sdelay $0x1  }
0x8a: {  	s1 =	srdreg.scid  }
0x8b: {  	s0 =	sand.u32 $0x1, s1  }
0x8c: {  	s17 =	sshll.u32 s0, $0xA;
	s2 =	sadd.s32 s3, s2  }
0x8d: {  	s2 =	sadd.s32 s2, s17  }
0x8e: {  	[smem:$0x3FC5] =	sst s2  }
0x8f: {  	_ = 	snop  }
0x90: {  	s2 =	sld [smem:$0x3FC9];
	(tm) =	ssettm $0x1  }
0x91: {  	s18 =	sld [smem:$0x3FFB];
	_ =	sdelay $0x3  }
0x92: {  	_ =	strace s18  }
0x93: {  	s3 =	sld [smem:$0x3FFC];
	_ =	sdelay $0x3  }
0x94: {  	_ =	strace s3  }
0x95: {  	s3 =	sld [smem:$0x3FFD];
	_ =	sdelay $0x3  }
0x96: {  	_ =	strace s3  }
0x97: {  	_ =	strace $0x8FFFFFFF  }
0x98: {  	s19 =	sld [smem:$0x3FDB];
	_ =	sdelay $0x1  }
0x99: {  	s4 =	simm.s32 $_scs_section_size  }
0x9a: {  	s5 =	simm.s32 $_size__tile_overlayer_lowered;
	s6 =	simm.s32 $_tile_overlayer_lowered  }
0x9b: {  	s22 =	simm.s32 $0x1BFF;
	s21 =	sshll.u32 s6, $0x1;
	s3 =	sadd.s32 s4, s19  }
0x9c: {  	s7 =	simm.s32 $0x0;
	s20 =	sshll.u32 s5, $0x1;
	s5 =	sadd.s32 s21, s3  }
0x9d: {  	[timem:s7], [sflag:s22] =	dma.local [hbm:s5], s20  }
0x9e: {  	_ =	swait.ge [sflag:s22], s20  }
0x9f: {  	s4 =	ssub.s32 $0x0, s20;
	[sflag:s22] =	ssyncset.done $0x0  }
0xa0: {  	[sflag:s22] =	ssyncadd.s32 s4;
	_ =	sdelay $0x1  }
0xa1: {  	s23 =	simm.s32 $0x1B8B  }
0xa2: {  	_ =	swait.ge [sflag:s23], $0x1  }
0xa3: {  	[sflag:s23] =	ssyncset.done $0x0  }
0xa4: {  	s25 =	simm.s32 $0x1B8E;
	s24 =	sld [smem:$0x3FFE];
	[sflag:s23] =	ssyncadd.s32 $0xFFFFFFFF  }
0xa5: {  	s26 =	simm.s32 $execute0_lowered;
	[smem:$0x3FD2] =	sst s25  }
0xa6: {  	s5 =	sshll.u32 s26, $0x1;
	_ =	strace $0x80000046;
	[dreg:$0x1] =	wrdreg $0xFFFFFFFF  }
0xa7: {  	s28 =	simm.s32 $_size_execute0_lowered;
	s3 =	sadd.s32 s3, s5;
	[dreg:$0x0] =	wrdreg $0x0  }
0xa8: {  	s5 =	sshll.u32 s28, $0x1;
	[dreg:$0x2] =	wrdreg s3  }
0xa9: {  	[dreg:$0x3] =	wrdreg s5  }
0xaa: {  	[dreg:$0x4] =	wrdreg $0xC0  }
0xab: {  	_ =	task [dreg:s7], $0x5FFFF  }
0xac: {  	[dreg:$0x1] =	wrdreg $0xFFFFFFFF  }
0xad: {  	[dreg:$0x0] =	wrdreg $0x60  }
0xae: {  	[dreg:$0x2] =	wrdreg s2  }
0xaf: {  	[dreg:$0x3] =	wrdreg s24  }
0xb0: {  	[dreg:$0x4] =	wrdreg $0x9  }
0xb1: {  	_ =	task.clear_ibuf [dreg:s7], $0x5FFFF;
	_ =	strace $0x90000046  }
0xb2: {  	s29 =	simm.s32 $0x9;
	_ =	strace $0x80000048  }
0xb3: {  	_ =	swait.ge [sflag:s29], $0x1  }
0xb4: {  	[sflag:s29] =	ssyncadd.s32 $0xFFFFFFFF  }
0xb5: {  	_ =	strace $0x90000048  }
0xb6: {  	_ =	sfence  }
0xb7: {  	s30 =	sld [smem:$0x0];
	_ =	sdelay $0x2  }
0xb8: {  	s31 =	sshll.u32 s1, $0xD;
	s1 =	sshrl.u32 s1, $0x2  }
0xb9: {  	s3 =	sand.u32 $0x4000, s31;
	s1 =	sadd.s32 s1, s30  }
0xba: {  	s0 =	sor.u32 s3, s0;
	s1 =	sshll.u32 s1, $0x11  }
0xbb: {  	s0 =	sor.u32 s1, s0  }
0xbc: {  	s0 =	sadd.s32 $0x8F2B, s0  }
0xbd: {  	[sflag:s0] =	ssyncadd.remote.s32 $0x1  }
0xbe: {  	_ =	sfence.sel $0xFFFF  }
0xbf: {  	[dreg:$0x0] =	wrdreg $0xFFFFFFFF;
	(pc) =	sbr.abs _section_cstart, $3  }
0xc0: {  	[dreg:$0x1] =	wrdreg $0xFFFFFFFF  }
0xc1: {  	_ =	task.clear_ibuf [dreg:s7], $0x2FFFF;
	_ =	strace $0x9FFFFFFF  }
0xc2: {  	(tm) =	ssettm $0x7FFFFFFF  }
0xc3: {  	_ =	shalt  }
tec
execute0_lowered:
.L_overlay_start_1:
0x0: {  	(tag) =	ssettag $0x1  }
0x1: {  	s0 =	srdreg.scid  }
0x2: {  	s1 =	stileid.u32;
	s0 =	sand.u32 $0x1, s0  }
0x3: {  	s1 =	sshll.u32 s1, $0x3;
	s2 =	sshll.u32 s0, $0x2  }
0x4: {  	s1 =	sor.u32 s2, s1  }
0x5: {  	s5 =	sshrl.u32 s1, $0x2  }
0x6: {  	s5 =	smul.u32 $0x60000, s5  }
0x7: {  	s3 =	rddreg [dreg:$0x0]  }
0x8: {  	s4 =	rddreg [dreg:$0x1];
	s2 =	simm.s32 $0x0;
	s5 =	sshrl.u32 s5, $0x3  }
0x9: {  	s6 =	sadd.s32 $0xA00, s4;
	[smem:$0x7FF] =	sst s2;
	s3 =	sadd.s32 s3, s5  }
0xa: {  	_ =	strace $0x80000047;
	[dreg:$0x3] =	wrdreg s6;
	s5 =	sadd.s32 $0x180000, s3  }
0xb: {  	s12 =	sadd.s32 $0x184000, s3;
	[dreg:$0x4] =	wrdreg s5  }
0xc: {  	s7 =	simm.s32 $0x4000;
	s13 =	sadd.s32 $0x180800, s3;
	[dreg:$0x5] =	wrdreg s12  }
0xd: {  	s8 =	simm.s32 $0xC000;
	s14 =	sadd.s32 $0x184800, s3;
	[dreg:$0x6] =	wrdreg s13  }
0xe: {  	s9 =	simm.s32 $0x14000;
	s15 =	sadd.s32 $0x188000, s3;
	[dreg:$0x7] =	wrdreg s14  }
0xf: {  	s10 =	simm.s32 $0x1;
	s16 =	sadd.s32 $0x188800, s3;
	[dreg:$0x8] =	wrdreg s15  }
0x10: {  	s0 =	ssub.s32 $0x2, s0;
	s17 =	sadd.s32 $0x181000, s3;
	[dreg:$0x9] =	wrdreg s16  }
0x11: {  	s21 =	sshrl.u32 s0, $0x1;
	s18 =	sadd.s32 $0x185000, s3;
	[dreg:$0xa] =	wrdreg s17  }
0x12: {  	s11 =	sshll.u32 s1, $0x2;
	s19 =	sadd.s32 $0x189000, s3;
	[dreg:$0xb] =	wrdreg s18  }
0x13: {  	s4 =	sadd.s32 s11, s4;
	s20 =	sadd.s32 $0x181800, s3;
	[dreg:$0xc] =	wrdreg s19  }
0x14: {  	s6 =	simm.s32 $0x10000;
	s22 =	sadd.s32 $0x185800, s3;
	[dreg:$0xd] =	wrdreg s20  }
0x15: {  	s11 =	simm.s32 $0x2;
	s23 =	sadd.s32 $0x189800, s3;
	[dreg:$0xe] =	wrdreg s22  }
0x16: {  	s30 =	sadd.s32 $0xC00, s4;
	s24 =	sadd.s32 $0x182000, s3;
	[dreg:$0xf] =	wrdreg s23  }
0x17: {  	s31 =	sadd.s32 $0xC02, s4;
	s25 =	sadd.s32 $0x186000, s3;
	[dreg:$0x10] =	wrdreg s24  }
0x18: {  	s26 =	sadd.s32 $0x18A000, s3;
	s28 =	sadd.s32 $0x18B000, s3;
	[dreg:$0x11] =	wrdreg s25  }
0x19: {  	s29 =	sadd.s32 $0x18B800, s3;
	[dreg:$0x12] =	wrdreg s26;
	s19 =	sadd.s32 $0x182800, s3  }
0x1a: {  	s5 =	ssub.s32 s0, s21;
	s20 =	sadd.s32 $0x186800, s3;
	s21 =	sadd.s32 $0x18A800, s3  }
0x1b: {  	s22 =	sadd.s32 $0x183000, s3;
	s23 =	sadd.s32 $0x187000, s3;
	s25 =	sadd.s32 $0x183800, s3  }
0x1c: {  	s24 =	sshll.u32 s1, $0x7;
	s26 =	sadd.s32 $0x187800, s3;
	s1 =	sadd.s32 $0xC04, s4  }
0x1d: {  	s0 =	sadd.s32 $0xC06, s4;
	s4 =	simm.s32 $0x3;
	s12 =	simm.s32 $0x19000  }
0x1e: {  	s13 =	simm.s32 $0x0;
	s3 =	smax.u32 s5, $0x1;
	s5 =	simm.s32 $0x8000  }
.LBB2_1:
0x1f: {  	s14 =	rddreg [dreg:$0x3];
	s15 =	simm.s32 $0x18000  }
0x20: {  	[tilespmem:s15], [sflag:$0x3] =	stream.linear.gather [hbm4b:s14+s2], $0x1000, $0x38;
	[tilespmem:$0x19080] =	vst v63  }
0x21: {  	_ =	swait.ge [sflag:s4], $0x1000  }
0x22: {  	[sflag:s4] =	ssyncset.done $0x0  }
0x23: {  	s17 =	rddreg [dreg:$0x4];
	[sflag:s4] =	ssyncadd.s32 $0xFFFFF000  }
0x24: {  	[tilespmem:s2], [sflag:$0x1] =	stream.linear.gather [hbm4b:s17+s2], $0x4000, $0x38;
	[tilespmem:$0x19080] =	vst v63  }
0x25: {  	s18 =	rddreg [dreg:$0x5]  }
0x26: {  	[tilespmem:s5], [sflag:$0x1] =	stream.linear.gather [hbm4b:s18+s2], $0x4000, $0x38;
	[tilespmem:$0x19080] =	vst v63  }
0x27: {  	s15 =	rddreg [dreg:$0x8]  }
0x28: {  	[tilespmem:s6], [sflag:$0x1] =	stream.linear.gather [hbm4b:s15+s2], $0x4000, $0x38;
	[tilespmem:$0x19080] =	vst v63  }
0x29: {  	s14 =	sshrl.u32 s24, $0x2;
	s16 =	rddreg [dreg:$0x6]  }
0x2a: {  	v0 =	vld [tilespmem:s14+$0x18000];
	[tilespmem:s7], [sflag:$0x2] =	stream.linear.gather [hbm4b:s16+s2], $0x4000, $0x38  }
0x2b: {  	s17 =	rddreg [dreg:$0x7]  }
0x2c: {  	[tilespmem:s8], [sflag:$0x2] =	stream.linear.gather [hbm4b:s17+s2], $0x4000, $0x38;
	[tilespmem:$0x19080] =	vst v63  }
0x2d: {  	s18 =	rddreg [dreg:$0x9]  }
0x2e: {  	[tilespmem:s9], [sflag:$0x2] =	stream.linear.gather [hbm4b:s18+s2], $0x4000, $0x38;
	[tilespmem:$0x19080] =	vst v63  }
0x2f: {  	_ =	swait.ge [sflag:s10], $0x4000  }
0x30: {  	[sflag:s10] =	ssyncset.done $0x0  }
0x31: {  	[sflag:s10] =	ssyncadd.s32 $0xFFFFC000  }
0x32: {  	_ =	swait.ge [sflag:s10], $0x4000  }
0x33: {  	[sflag:s10] =	ssyncset.done $0x0  }
0x34: {  	[sflag:s10] =	ssyncadd.s32 $0xFFFFC000  }
0x35: {  	v1 =	vimm.f32 $0.0e+00;
	v2 =	vimm.f32 $0.0e+00;
	_ =	swait.ge [sflag:s10], $0x4000  }
0x36: {  	v3 =	vimm.f32 $0.0e+00;
	v4 =	vimm.f32 $0.0e+00;
	v5 =	vimm.f32 $0.0e+00;
	[sflag:s10] =	ssyncset.done $0x0  }
0x37: {  	v6 =	vimm.f32 $0.0e+00;
	v7 =	vimm.f32 $0.0e+00;
	v8 =	vimm.f32 $0.0e+00;
	s15 =	simm.s32 $0x0;
	[sflag:s10] =	ssyncadd.s32 $0xFFFFC000  }
.LBB2_2:
0x38: {  	s16 =	sshll.u32 s15, $0x9;
	s17 =	sshll.u32 s15, $0x7  }
0x39: {  	s16 =	sand.u32 $0x3000, s16;
	s17 =	sand.u32 $0x380, s17  }
0x3a: {  	p0 =	por $0x1, $0x1;
	s16 =	sor.u32 s16, s17;
	s17 =	simm.s32 $0x0  }
.LBB2_3:
0x3b: {  	s17 =	sor.u32 s17, s16  }
0x3c: {  	v9 =	vld [tilespmem:s17+$0x0]  }
0x3d: {  	v10 =	vld [tilespmem:s17+$0x8000]  }
0x3e: {  	v11 =	vld [tilespmem:s17+$0x10000]  }
0x3f: {  	v13 =	vld [tilespmem:s17+$0x8010]  }
0x40: {  	v14 =	vld [tilespmem:s17+$0x10010]  }
0x41: {  	v16 =	vld [tilespmem:s17+$0x8020]  }
0x42: {  	v17 =	vld [tilespmem:s17+$0x10020]  }
0x43: {  	v53 =	vld [tilespmem:s17+$0x8030]  }
0x44: {  	v18 =	vld [tilespmem:s17+$0x10030]  }
0x45: {  	v55 =	vld [tilespmem:s17+$0x8040]  }
0x46: {  	v20 =	vld [tilespmem:s17+$0x10040]  }
0x47: {  	v21 =	vld [tilespmem:s17+$0x8050]  }
0x48: {  	v59 =	vld [tilespmem:s17+$0x10050]  }
0x49: {  	v62 =	vld [tilespmem:s17+$0x8060]  }
0x4a: {  	v63 =	vld [tilespmem:s17+$0x10060]  }
0x4b: {  	s18 =	sor.u32 $0x10, s17;
	v28 =	vld [tilespmem:s17+$0x8070]  }
0x4c: {  	v12 =	vld [tilespmem:s18+$0x0]  }
0x4d: {  	v31 =	vld [tilespmem:s17+$0x10070];
	s18 =	sor.u32 $0x20, s17;
	v9 =	vmul.f32 v9, v9  }
0x4e: {  	v15 =	vld [tilespmem:s18+$0x0];
	v10 =	vmul.f32 v10, v10;
	v13 =	vmul.f32 v13, v13  }
0x4f: {  	v37 =	vld [tilespmem:s17+$0x8400];
	v11 =	vmul.f32 v11, v11;
	v52 =	vmul.f32 v14, v14  }
0x50: {  	v25 =	vld [tilespmem:s17+$0x10400];
	v16 =	vmul.f32 v16, v16;
	v54 =	vmul.f32 v17, v17  }
0x51: {  	v26 =	vld [tilespmem:s17+$0x10410];
	s18 =	sor.u32 $0x30, s17;
	v20 =	vmul.f32 v20, v20;
	v12 =	vmul.f32 v12, v12  }
0x52: {  	v27 =	vmul.f32 v21, v21;
	v30 =	vmul.f32 v59, v59;
	v9 =	vadd.f32 v10, v9;
	v10 =	vld [tilespmem:s18+$0x0]  }
0x53: {  	v42 =	vld [tilespmem:s17+$0x8410];
	v32 =	vmul.f32 v62, v62;
	v15 =	vmul.f32 v15, v15;
	v12 =	vadd.f32 v13, v12  }
0x54: {  	v45 =	vld [tilespmem:s17+$0x8420];
	v34 =	vmul.f32 v63, v63;
	v21 =	vmul.f32 v28, v28;
	v19 =	vadd.f32 v11, v9  }
0x55: {  	v47 =	vld [tilespmem:s17+$0x8430];
	v25 =	vmul.f32 v25, v25;
	s18 =	sor.u32 $0x40, s17;
	v9 =	vadd.f32 v16, v15;
	v13 =	vadd.f32 v52, v12  }
0x56: {  	v48 =	vmul.f32 v26, v26;
	v11 =	vld [tilespmem:s18+$0x0];
	s18 =	sor.u32 $0x50, s17;
	v56 =	vmul.f32 v19, v0  }
0x57: {  	v58 =	vld [tilespmem:s18+$0x0];
	s18 =	sor.u32 $0x60, s17;
	v12 =	vadd.f32 v54, v9;
	v57 =	vmul.f32 v13, v0;
	v9 =	vmul.f32 v10, v10  }
0x58: {  	v60 =	vld [tilespmem:s18+$0x0];
	v10 =	vmul.f32 v53, v53;
	v16 =	vmul.f32 $1.442695020e+00, v56  }
0x59: {  	v59 =	vld [tilespmem:s17+$0x10450];
	s18 =	sor.u32 $0x70, s17;
	v22 =	vmul.f32 v12, v0;
	v17 =	vmul.f32 $1.442695020e+00, v57  }
0x5a: {  	v24 =	vld [tilespmem:s18+$0x0];
	s18 =	sor.u32 $0x400, s17;
	v9 =	vadd.f32 v10, v9;
	v10 =	vmul.f32 v18, v18;
	v18 =	vmul.f32 v31, v31  }
0x5b: {  	vm0 =	vlt.f32 v19, $3.000000000e+00;
	v35 =	vld [tilespmem:s18+$0x0];
	(erf) = vpow2.f32 v16;
	v61 =	vmul.f32 $1.442695020e+00, v22  }
0x5c: {  	v63 =	vld [tilespmem:s17+$0x8460];
	s18 =	sor.u32 $0x410, s17;
	(erf) = vpow2.f32 v17;
	v9 =	vadd.f32 v10, v9;
	v10 =	vmul.f32 v11, v11  }
0x5d: {  	vm13 =	vlt.f32 v13, $3.000000000e+00;
	v40 =	vld [tilespmem:s18+$0x0];
	v11 =	vmul.f32 v55, v55;
	v16 =	vmul.f32 v60, v60  }
0x5e: {  	vm14 =	vlt.f32 v12, $3.000000000e+00;
	s18 =	sor.u32 $0x420, s17;
	v57 =	vld [tilespmem:s17+$0x8450];
	v17 =	vmul.f32 v45, v45;
	(erf) = vpow2.f32 v61  }
0x5f: {  	v44 =	vld [tilespmem:s18+$0x0];
	s18 =	sor.u32 $0x430, s17;
	v36 =	vmul.f32 v24, v24;
	v23 =	vmul.f32 v9, v0;
	v10 =	vadd.f32 v11, v10  }
0x60: {  	v28 =	vld [tilespmem:s18+$0x0];
	v11 =	vmul.f32 v58, v58;
	v16 =	vadd.f32 v32, v16;
	v15 =	vmul.f32 v35, v35  }
0x61: {  	v53 =	vld [tilespmem:s17+$0x10440];
	s18 =	sor.u32 $0x440, s17;
	v39 =	vadd.f32 v21, v36;
	v21 =	vmul.f32 v42, v42;
	v42 =	vmul.f32 v59, v59  }
0x62: {  	v49 =	vld [tilespmem:s18+$0x0];
	s18 =	sor.u32 $0x450, s17;
	v29 =	vmul.f32 $1.442695020e+00, v23;
	v10 =	vadd.f32 v20, v10;
	v11 =	vadd.f32 v27, v11  }
0x63: {  	v55 =	vld [tilespmem:s18+$0x0];
	s18 =	sor.u32 $0x460, s17;
	v14 =	vadd.f32 v34, v16;
	v23 =	vmul.f32 v37, v37;
	v20 =	vmul.f32 v40, v40  }
0x64: {  	v62 =	vld [tilespmem:s18+$0x0];
	v40 =	vmul.f32 v57, v57;
	v16 =	vadd.f32 v18, v39;
	v18 =	vmul.f32 v44, v44  }
0x65: {  	vm15 =	vlt.f32 v9, $3.000000000e+00;
	v36 =	vld [tilespmem:s17+$0x8470];
	v54 =	vmul.f32 v28, v28;
	v33 =	vmul.f32 v10, v0  }
0x66: {  	s18 =	sor.u32 $0x470, s17;
	v27 =	vld [tilespmem:s17+$0x10420];
	v11 =	vadd.f32 v30, v11;
	(erf) = vpow2.f32 v29;
	v43 =	vmul.f32 v14, v0  }
0x67: {  	v34 =	vld [tilespmem:s18+$0x0];
	v15 =	vadd.f32 v23, v15;
	v23 =	vmul.f32 v47, v47;
	v37 =	vmul.f32 v49, v49  }
0x68: {  	v20 =	vadd.f32 v21, v20;
	v21 =	vmul.f32 v53, v53;
	v46 =	vmul.f32 v16, v0  }
0x69: {  	v17 =	vadd.f32 v17, v18;
	v39 =	vmul.f32 v55, v55;
	v22 =	vmul.f32 $1.442695020e+00, v33  }
0x6a: {  	v38 =	vmul.f32 v11, v0;
	v18 =	vadd.f32 v23, v54;
	v23 =	vmul.f32 v63, v63  }
0x6b: {  	v29 =	vld [tilespmem:s17+$0x10430];
	v15 =	vadd.f32 v25, v15;
	v44 =	vmul.f32 v36, v36;
	v24 =	vmul.f32 $1.442695020e+00, v46  }
0x6c: {  	v20 =	vadd.f32 v48, v20;
	v60 =	vpop (erf);
	v50 =	vmul.f32 v27, v27;
	v13 =	vmul.f32 v34, v34  }
0x6d: {  	v51 =	vld [tilespmem:s17+$0x8440];
	v19 =	vnsel vm0, $0x0, v60;
	v41 =	vmul.f32 $1.442695020e+00, v38;
	(erf) = vpow2.f32 v22  }
0x6e: {  	v12 =	vadd.f32 v40, v39;
	v22 =	vmul.f32 $1.442695020e+00, v43;
	v52 =	vmul.f32 v15, v0  }
0x6f: {  	v56 =	vmul.f32 v20, v0;
	v8 =	vadd.f32 v19, v8;
	v33 =	vpop (erf);
	v43 =	vmul.f32 v62, v62  }
0x70: {  	v17 =	vadd.f32 v50, v17;
	v58 =	vmul.f32 v29, v29;
	v19 =	vnsel vm13, $0x0, v33  }
0x71: {  	v38 =	vld [tilespmem:s17+$0x10460];
	v12 =	vadd.f32 v42, v12;
	(erf) = vpow2.f32 v41;
	v61 =	vmul.f32 $1.442695020e+00, v56  }
0x72: {  	v7 =	vadd.f32 v19, v7;
	v41 =	vld [tilespmem:s17+$0x10470];
	(erf) = vpow2.f32 v22;
	v22 =	vmul.f32 v51, v51  }
0x73: {  	v30 =	vmul.f32 v17, v0;
	v18 =	vadd.f32 v58, v18;
	v50 =	vmul.f32 v12, v0  }
0x74: {  	(erf) = vpow2.f32 v24;
	v24 =	vmul.f32 $1.442695020e+00, v52;
	v19 =	vadd.f32 v22, v37  }
0x75: {  	v45 =	vadd.f32 v23, v43;
	v30 =	vmul.f32 $1.442695020e+00, v30;
	v35 =	vmul.f32 v18, v0  }
0x76: {  	v46 =	vmul.f32 v38, v38;
	v9 =	vmul.f32 $1.442695020e+00, v50;
	v19 =	vadd.f32 v21, v19  }
0x77: {  	v13 =	vadd.f32 v44, v13;
	(erf) = vpow2.f32 v24;
	v48 =	vmul.f32 v41, v41  }
0x78: {  	(erf) = vpow2.f32 v61;
	v22 =	vadd.f32 v46, v45;
	v49 =	vmul.f32 v19, v0  }
0x79: {  	v24 =	vmul.f32 $1.442695020e+00, v35;
	(erf) = vpow2.f32 v30;
	v13 =	vadd.f32 v48, v13  }
0x7a: {  	v52 =	vmul.f32 v22, v0;
	v51 =	vmul.f32 $1.442695020e+00, v49  }
0x7b: {  	v47 =	vpop (erf);
	(erf) = vpow2.f32 v24;
	v54 =	vmul.f32 v13, v0  }
0x7c: {  	v53 =	vpop (erf);
	v23 =	vmul.f32 $1.442695020e+00, v52;
	(erf) = vpow2.f32 v51  }
0x7d: {  	vm4 =	vlt.f32 v10, $3.000000000e+00;
	v10 =	vpop (erf);
	(erf) = vpow2.f32 v9;
	v9 =	vmul.f32 $1.442695020e+00, v54  }
0x7e: {  	vm6 =	vlt.f32 v14, $3.000000000e+00;
	vm7 =	vlt.f32 v16, $3.000000000e+00;
	vm5 =	vlt.f32 v11, $3.000000000e+00  }
0x7f: {  	vm8 =	vlt.f32 v15, $3.000000000e+00;
	vm9 =	vlt.f32 v20, $3.000000000e+00;
	v11 =	vpop (erf);
	(erf) = vpow2.f32 v23  }
0x80: {  	vm10 =	vlt.f32 v17, $3.000000000e+00;
	v10 =	vnsel vm4, $0x0, v10;
	v56 =	vpop (erf);
	(erf) = vpow2.f32 v9  }
0x81: {  	vm13 =	vlt.f32 v12, $3.000000000e+00;
	v55 =	vnsel vm15, $0x0, v53;
	v21 =	vnsel vm14, $0x0, v47;
	v9 =	vpop (erf)  }
0x82: {  	vm11 =	vlt.f32 v18, $3.000000000e+00;
	v5 =	vadd.f32 v55, v5;
	v6 =	vadd.f32 v21, v6;
	v57 =	vpop (erf)  }
0x83: {  	vm12 =	vlt.f32 v19, $3.000000000e+00;
	vm14 =	vlt.f32 v22, $3.000000000e+00;
	v4 =	vadd.f32 v10, v4;
	v10 =	vpop (erf)  }
0x84: {  	vm15 =	vlt.f32 v13, $3.000000000e+00;
	v11 =	vnsel vm5, $0x0, v11;
	v14 =	vnsel vm6, $0x0, v56;
	v58 =	vpop (erf)  }
0x85: {  	v3 =	vadd.f32 v11, v3;
	v2 =	vadd.f32 v14, v2;
	v9 =	vnsel vm7, $0x0, v9;
	v59 =	vpop (erf)  }
0x86: {  	p1 =	por p0, p0;
	v11 =	vnsel vm8, $0x0, v57;
	v1 =	vadd.f32 v9, v1;
	v10 =	vnsel vm9, $0x0, v10;
	v60 =	vpop (erf)  }
.Ltmp0:
0x87: {  	v8 =	vadd.f32 v11, v8;
	v9 =	vnsel vm10, $0x0, v58;
	v7 =	vadd.f32 v10, v7;
	v61 =	vpop (erf);
	(pc) =	sbr.rel @p1 .LBB2_3-.Ltmp0, $4  }
0x88: {  	v11 =	vnsel vm11, $0x0, v59;
	v6 =	vadd.f32 v9, v6;
	v10 =	vnsel vm12, $0x0, v60;
	v62 =	vpop (erf)  }
0x89: {  	v5 =	vadd.f32 v11, v5;
	v9 =	vnsel vm13, $0x0, v61;
	v4 =	vadd.f32 v10, v4;
	v63 =	vpop (erf)  }
0x8a: {  	v11 =	vnsel vm14, $0x0, v62;
	v3 =	vadd.f32 v9, v3;
	v9 =	vnsel vm15, $0x0, v63  }
0x8b: {  	p0 =	por $0x0, $0x0;
	s17 =	simm.s32 $0x800;
	v2 =	vadd.f32 v11, v2;
	v1 =	vadd.f32 v9, v1  }
0x8c: {  	s15 =	sadd.s32 $0x1, s15  }
0x8d: {  	p0 =	sne.s32 s15, $0x20  }
.Ltmp1:
0x8e: {  	_ = 	snop;
	(pc) =	sbr.rel @p0 .LBB2_2-.Ltmp1, $1  }
0x8f: {  	_ =	sdelay $0x3  }
0x90: {  	s15 =	simm.s32 $0x0;
	s16 =	rddreg [dreg:$0xa]  }
0x91: {  	[tilespmem:s15], [sflag:$0x1] =	stream.linear.gather [hbm4b:s16+s15], $0x4000, $0x38;
	[tilespmem:$0x19080] =	vst v63  }
0x92: {  	s17 =	rddreg [dreg:$0xb]  }
0x93: {  	[tilespmem:s5], [sflag:$0x1] =	stream.linear.gather [hbm4b:s17+s15], $0x4000, $0x38;
	[tilespmem:$0x19080] =	vst v63  }
0x94: {  	s18 =	rddreg [dreg:$0xc]  }
0x95: {  	[tilespmem:s6], [sflag:$0x1] =	stream.linear.gather [hbm4b:s18+s15], $0x4000, $0x38;
	[tilespmem:$0x19080] =	vst v63  }
0x96: {  	_ =	swait.ge [sflag:s11], $0x4000  }
0x97: {  	[sflag:s11] =	ssyncset.done $0x0  }
0x98: {  	[sflag:s11] =	ssyncadd.s32 $0xFFFFC000  }
0x99: {  	_ =	swait.ge [sflag:s11], $0x4000  }
0x9a: {  	[sflag:s11] =	ssyncset.done $0x0  }
0x9b: {  	[sflag:s11] =	ssyncadd.s32 $0xFFFFC000  }
0x9c: {  	_ =	swait.ge [sflag:s11], $0x4000  }
0x9d: {  	[sflag:s11] =	ssyncset.done $0x0  }
0x9e: {  	[sflag:s11] =	ssyncadd.s32 $0xFFFFC000  }
.LBB2_6:
0x9f: {  	s16 =	sshll.u32 s15, $0x9;
	s17 =	sshll.u32 s15, $0x7  }
0xa0: {  	s16 =	sand.u32 $0x3000, s16;
	s17 =	sand.u32 $0x380, s17  }
0xa1: {  	p0 =	por $0x1, $0x1;
	s16 =	sor.u32 s16, s17;
	s17 =	simm.s32 $0x0  }
.LBB2_7:
0xa2: {  	s17 =	sor.u32 s17, s16  }
0xa3: {  	v9 =	vld [tilespmem:s17+$0x4000]  }
0xa4: {  	v10 =	vld [tilespmem:s17+$0xC000]  }
0xa5: {  	v11 =	vld [tilespmem:s17+$0x14000]  }
0xa6: {  	v12 =	vld [tilespmem:s17+$0x4010]  }
0xa7: {  	v13 =	vld [tilespmem:s17+$0xC010]  }
0xa8: {  	v14 =	vld [tilespmem:s17+$0x14010]  }
0xa9: {  	v15 =	vld [tilespmem:s17+$0x4020]  }
0xaa: {  	v16 =	vld [tilespmem:s17+$0xC020]  }
0xab: {  	v17 =	vld [tilespmem:s17+$0x14020]  }
0xac: {  	v54 =	vld [tilespmem:s17+$0xC030]  }
0xad: {  	v55 =	vld [tilespmem:s17+$0x4040]  }
0xae: {  	v20 =	vld [tilespmem:s17+$0x14040]  }
0xaf: {  	v59 =	vld [tilespmem:s17+$0x4050]  }
0xb0: {  	v21 =	vld [tilespmem:s17+$0xC050]  }
0xb1: {  	v60 =	vld [tilespmem:s17+$0x14050]  }
0xb2: {  	v63 =	vld [tilespmem:s17+$0x14060]  }
0xb3: {  	v24 =	vld [tilespmem:s17+$0x4070];
	v9 =	vmul.f32 v9, v9;
	v10 =	vmul.f32 v10, v10  }
0xb4: {  	v29 =	vld [tilespmem:s17+$0xC070];
	v12 =	vmul.f32 v12, v12;
	v13 =	vmul.f32 v13, v13  }
0xb5: {  	v32 =	vld [tilespmem:s17+$0x14070];
	v11 =	vmul.f32 v11, v11;
	v53 =	vmul.f32 v14, v14  }
0xb6: {  	v25 =	vld [tilespmem:s17+$0x14400];
	v15 =	vmul.f32 v15, v15;
	v16 =	vmul.f32 v16, v16  }
0xb7: {  	v26 =	vld [tilespmem:s17+$0x14410];
	v56 =	vmul.f32 v17, v17;
	v20 =	vmul.f32 v20, v20  }
0xb8: {  	v27 =	vld [tilespmem:s17+$0x14420];
	v14 =	vmul.f32 v59, v59;
	v28 =	vmul.f32 v21, v21  }
0xb9: {  	v57 =	vld [tilespmem:s17+$0xC040];
	v31 =	vmul.f32 v60, v60;
	v33 =	vmul.f32 v63, v63  }
0xba: {  	v42 =	vld [tilespmem:s17+$0xC410];
	v35 =	vmul.f32 v24, v24;
	v21 =	vmul.f32 v29, v29  }
0xbb: {  	v18 =	vld [tilespmem:s17+$0x14030];
	v39 =	vmul.f32 v32, v32;
	v25 =	vmul.f32 v25, v25;
	v9 =	vadd.f32 v10, v9  }
0xbc: {  	v48 =	vmul.f32 v26, v26;
	v63 =	vld [tilespmem:s17+$0x4470];
	v12 =	vadd.f32 v13, v12;
	v14 =	vadd.f32 v28, v14  }
0xbd: {  	v50 =	vmul.f32 v27, v27;
	v10 =	vld [tilespmem:s17+$0x4030];
	v38 =	vadd.f32 v21, v35;
	v11 =	vadd.f32 v11, v9  }
0xbe: {  	v13 =	vmul.f32 v55, v55;
	v28 =	vld [tilespmem:s17+$0x4430];
	v12 =	vadd.f32 v53, v12;
	v9 =	vadd.f32 v16, v15  }
0xbf: {  	v40 =	vld [tilespmem:s17+$0x4410];
	v21 =	vmul.f32 v42, v42;
	v16 =	vmul.f32 v57, v57;
	v14 =	vadd.f32 v31, v14  }
0xc0: {  	v29 =	vld [tilespmem:s17+$0x14430];
	v58 =	vmul.f32 v11, v0;
	v19 =	vmul.f32 v12, v0;
	v15 =	vadd.f32 v56, v9  }
0xc1: {  	v59 =	vld [tilespmem:s17+$0x14450];
	v37 =	vmul.f32 v14, v0;
	vm13 =	vlt.f32 v12, $3.000000000e+00;
	v12 =	vmul.f32 v63, v63  }
0xc2: {  	v57 =	vld [tilespmem:s17+$0xC450];
	v13 =	vadd.f32 v16, v13;
	v9 =	vmul.f32 v10, v10;
	v10 =	vmul.f32 v54, v54  }
0xc3: {  	v53 =	vld [tilespmem:s17+$0x14440];
	v16 =	vadd.f32 v39, v38;
	v54 =	vmul.f32 v28, v28;
	v17 =	vmul.f32 $1.442695020e+00, v58  }
0xc4: {  	v19 =	vmul.f32 $1.442695020e+00, v19;
	v22 =	vmul.f32 v15, v0  }
0xc5: {  	v61 =	vld [tilespmem:s17+$0x4060];
	v41 =	vmul.f32 $1.442695020e+00, v37;
	v46 =	vmul.f32 v16, v0  }
0xc6: {  	v34 =	vld [tilespmem:s17+$0x4400];
	v58 =	vmul.f32 v29, v29;
	v9 =	vadd.f32 v10, v9;
	v10 =	vmul.f32 v18, v18  }
0xc7: {  	v45 =	vld [tilespmem:s17+$0xC420];
	v18 =	vmul.f32 v40, v40;
	v37 =	vmul.f32 v57, v57  }
0xc8: {  	v38 =	vld [tilespmem:s17+$0x14470];
	v13 =	vadd.f32 v20, v13;
	v39 =	vmul.f32 v53, v53;
	v40 =	vmul.f32 v59, v59  }
0xc9: {  	v36 =	vld [tilespmem:s17+$0xC400];
	(erf) = vpow2.f32 v17;
	v62 =	vmul.f32 $1.442695020e+00, v22  }
0xca: {  	v55 =	vld [tilespmem:s17+$0x4450];
	v17 =	vmul.f32 v61, v61;
	v20 =	vmul.f32 v13, v0  }
0xcb: {  	v22 =	vmul.f32 v34, v34;
	v24 =	vmul.f32 $1.442695020e+00, v46;
	v9 =	vadd.f32 v10, v9;
	v10 =	vld [tilespmem:s17+$0xC060]  }
0xcc: {  	v34 =	vld [tilespmem:s17+$0xC470];
	(erf) = vpow2.f32 v19;
	v19 =	vmul.f32 v45, v45;
	v18 =	vadd.f32 v21, v18  }
0xcd: {  	v46 =	vmul.f32 v38, v38;
	v23 =	vmul.f32 v9, v0  }
0xce: {  	v47 =	vld [tilespmem:s17+$0xC430];
	(erf) = vpow2.f32 v62;
	v20 =	vmul.f32 $1.442695020e+00, v20;
	v18 =	vadd.f32 v48, v18  }
0xcf: {  	v44 =	vld [tilespmem:s17+$0x4420];
	vm0 =	vlt.f32 v11, $3.000000000e+00;
	v30 =	vmul.f32 $1.442695020e+00, v23;
	v23 =	vmul.f32 v36, v36  }
0xd0: {  	vm14 =	vlt.f32 v15, $3.000000000e+00;
	v56 =	vmul.f32 v18, v0;
	v10 =	vmul.f32 v10, v10  }
0xd1: {  	vm15 =	vlt.f32 v9, $3.000000000e+00;
	v36 =	vmul.f32 v55, v55;
	v42 =	vmul.f32 v34, v34  }
0xd2: {  	v61 =	vld [tilespmem:s17+$0x4460];
	(erf) = vpow2.f32 v30;
	v22 =	vadd.f32 v23, v22;
	v10 =	vadd.f32 v10, v17  }
0xd3: {  	v62 =	vld [tilespmem:s17+$0xC460];
	v23 =	vmul.f32 v47, v47;
	v15 =	vadd.f32 v37, v36;
	(erf) = vpow2.f32 v20;
	v11 =	vpop (erf)  }
0xd4: {  	v49 =	vld [tilespmem:s17+$0x4440];
	v17 =	vmul.f32 v44, v44;
	v10 =	vadd.f32 v33, v10;
	v11 =	vnsel vm0, $0x0, v11  }
0xd5: {  	v51 =	vld [tilespmem:s17+$0xC440];
	v60 =	vmul.f32 $1.442695020e+00, v56;
	(erf) = vpow2.f32 v41;
	v22 =	vadd.f32 v25, v22  }
0xd6: {  	v35 =	vld [tilespmem:s17+$0x14460];
	v15 =	vadd.f32 v40, v15;
	v17 =	vadd.f32 v19, v17;
	v43 =	vmul.f32 v10, v0  }
0xd7: {  	v41 =	vmul.f32 v61, v61;
	v19 =	vadd.f32 v23, v54;
	v8 =	vadd.f32 v11, v8;
	v11 =	vpop (erf)  }
0xd8: {  	v23 =	vmul.f32 v62, v62;
	v20 =	vmul.f32 $1.442695020e+00, v43;
	v11 =	vnsel vm13, $0x0, v11  }
0xd9: {  	v48 =	vmul.f32 v15, v0;
	v7 =	vadd.f32 v11, v7;
	v11 =	vmul.f32 v49, v49  }
0xda: {  	v17 =	vadd.f32 v50, v17;
	(erf) = vpow2.f32 v20;
	v20 =	vmul.f32 v51, v51  }
0xdb: {  	v44 =	vmul.f32 v35, v35;
	v19 =	vadd.f32 v58, v19;
	v43 =	vadd.f32 v23, v41  }
0xdc: {  	v52 =	vmul.f32 v22, v0;
	v9 =	vmul.f32 $1.442695020e+00, v48;
	v11 =	vadd.f32 v20, v11  }
0xdd: {  	v30 =	vmul.f32 v17, v0;
	v33 =	vmul.f32 v19, v0;
	v21 =	vadd.f32 v44, v43  }
0xde: {  	(erf) = vpow2.f32 v24;
	v24 =	vmul.f32 $1.442695020e+00, v52;
	v11 =	vadd.f32 v39, v11  }
0xdf: {  	v12 =	vadd.f32 v42, v12;
	v30 =	vmul.f32 $1.442695020e+00, v30;
	v50 =	vmul.f32 v21, v0  }
0xe0: {  	(erf) = vpow2.f32 v24;
	v47 =	vmul.f32 v11, v0  }
0xe1: {  	v12 =	vadd.f32 v46, v12;
	v24 =	vmul.f32 $1.442695020e+00, v33;
	(erf) = vpow2.f32 v60  }
0xe2: {  	(erf) = vpow2.f32 v30;
	v49 =	vmul.f32 $1.442695020e+00, v47  }
0xe3: {  	v45 =	vpop (erf);
	v52 =	vmul.f32 v12, v0;
	(erf) = vpow2.f32 v24  }
0xe4: {  	v51 =	vpop (erf);
	v23 =	vmul.f32 $1.442695020e+00, v50;
	(erf) = vpow2.f32 v49  }
0xe5: {  	vm5 =	vlt.f32 v14, $3.000000000e+00;
	v54 =	vpop (erf);
	(erf) = vpow2.f32 v9;
	v9 =	vmul.f32 $1.442695020e+00, v52  }
0xe6: {  	vm7 =	vlt.f32 v16, $3.000000000e+00;
	vm4 =	vlt.f32 v13, $3.000000000e+00;
	vm9 =	vlt.f32 v18, $3.000000000e+00  }
0xe7: {  	vm8 =	vlt.f32 v22, $3.000000000e+00;
	vm6 =	vlt.f32 v10, $3.000000000e+00;
	v55 =	vpop (erf);
	(erf) = vpow2.f32 v23  }
0xe8: {  	vm10 =	vlt.f32 v17, $3.000000000e+00;
	vm11 =	vlt.f32 v19, $3.000000000e+00;
	v10 =	vpop (erf);
	(erf) = vpow2.f32 v9  }
0xe9: {  	vm13 =	vlt.f32 v15, $3.000000000e+00;
	v53 =	vnsel vm15, $0x0, v51;
	vm15 =	vlt.f32 v12, $3.000000000e+00;
	v9 =	vpop (erf)  }
0xea: {  	v20 =	vnsel vm14, $0x0, v45;
	v13 =	vnsel vm4, $0x0, v54;
	v5 =	vadd.f32 v53, v5;
	v56 =	vpop (erf)  }
0xeb: {  	vm14 =	vlt.f32 v21, $3.000000000e+00;
	v6 =	vadd.f32 v20, v6;
	v14 =	vnsel vm5, $0x0, v55;
	v57 =	vpop (erf)  }
0xec: {  	v4 =	vadd.f32 v13, v4;
	v3 =	vadd.f32 v14, v3;
	v10 =	vnsel vm6, $0x0, v10;
	v59 =	vpop (erf)  }
0xed: {  	vm12 =	vlt.f32 v11, $3.000000000e+00;
	v2 =	vadd.f32 v10, v2;
	v9 =	vnsel vm7, $0x0, v9;
	v60 =	vpop (erf)  }
0xee: {  	p1 =	por p0, p0;
	v58 =	vnsel vm8, $0x0, v56;
	v1 =	vadd.f32 v9, v1;
	v10 =	vnsel vm9, $0x0, v57;
	v61 =	vpop (erf)  }
.Ltmp2:
0xef: {  	v8 =	vadd.f32 v58, v8;
	v9 =	vnsel vm10, $0x0, v59;
	v7 =	vadd.f32 v10, v7;
	v11 =	vpop (erf);
	(pc) =	sbr.rel @p1 .LBB2_7-.Ltmp2, $4  }
0xf0: {  	v13 =	vnsel vm11, $0x0, v60;
	v6 =	vadd.f32 v9, v6;
	v10 =	vnsel vm12, $0x0, v61;
	v62 =	vpop (erf)  }
0xf1: {  	v5 =	vadd.f32 v13, v5;
	v9 =	vnsel vm13, $0x0, v11;
	v4 =	vadd.f32 v10, v4;
	v63 =	vpop (erf)  }
0xf2: {  	v11 =	vnsel vm14, $0x0, v62;
	v3 =	vadd.f32 v9, v3;
	v9 =	vnsel vm15, $0x0, v63  }
0xf3: {  	p0 =	por $0x0, $0x0;
	s17 =	simm.s32 $0x800;
	v2 =	vadd.f32 v11, v2;
	v1 =	vadd.f32 v9, v1  }
0xf4: {  	s15 =	sadd.s32 $0x1, s15  }
0xf5: {  	p0 =	sne.s32 s15, $0x20  }
.Ltmp3:
0xf6: {  	_ = 	snop;
	(pc) =	sbr.rel @p0 .LBB2_6-.Ltmp3, $1  }
0xf7: {  	_ =	sdelay $0x3  }
0xf8: {  	v0 =	vadd.f32 v7, v8;
	v5 =	vadd.f32 v5, v6  }
0xf9: {  	v3 =	vadd.f32 v3, v4;
	v1 =	vadd.f32 v1, v2;
	_ =	sdelay $0x1  }
0xfa: {  	v0 =	vadd.f32 v5, v0;
	v1 =	vadd.f32 v1, v3;
	_ =	sdelay $0x1  }
0xfb: {  	v0 =	vadd.f32 v1, v0;
	_ =	sdelay $0x1  }
0xfc: {  	s15 =	simm.s32 $0x0;
	[tilespmem:$0x19000] =	vst v0  }
0xfd: {  	[hbm4b:s30+s15] =	stream.linear.scatter [tilespmem:s12], [sflag:$0x3], $0x10, $0x38;
	[tilespmem:$0x19080] =	vst v63  }
0xfe: {  	_ =	swait.ge [sflag:s4], $0x10  }
0xff: {  	[sflag:s4] =	ssyncset.done $0x0  }
0x100: {  	s16 =	rddreg [dreg:$0xd];
	[sflag:s4] =	ssyncadd.s32 $0xFFFFFFF0  }
0x101: {  	v0 =	vld [tilespmem:s14+$0x18000];
	[tilespmem:s7], [sflag:$0x2] =	stream.linear.gather [hbm4b:s16+s15], $0x4000, $0x38  }
0x102: {  	s17 =	rddreg [dreg:$0xe]  }
0x103: {  	[tilespmem:s8], [sflag:$0x2] =	stream.linear.gather [hbm4b:s17+s15], $0x4000, $0x38;
	[tilespmem:$0x19080] =	vst v63  }
0x104: {  	s18 =	rddreg [dreg:$0xf]  }
0x105: {  	[tilespmem:s9], [sflag:$0x2] =	stream.linear.gather [hbm4b:s18+s15], $0x4000, $0x38;
	[tilespmem:$0x19080] =	vst v63  }
0x106: {  	_ =	swait.ge [sflag:s10], $0x4000  }
0x107: {  	[sflag:s10] =	ssyncset.done $0x0  }
0x108: {  	[sflag:s10] =	ssyncadd.s32 $0xFFFFC000  }
0x109: {  	_ =	swait.ge [sflag:s10], $0x4000  }
0x10a: {  	[sflag:s10] =	ssyncset.done $0x0  }
0x10b: {  	[sflag:s10] =	ssyncadd.s32 $0xFFFFC000  }
0x10c: {  	v2 =	vimm.f32 $0.0e+00;
	v4 =	vimm.f32 $0.0e+00;
	_ =	swait.ge [sflag:s10], $0x4000  }
0x10d: {  	v6 =	vimm.f32 $0.0e+00;
	v7 =	vimm.f32 $0.0e+00;
	v8 =	vimm.f32 $0.0e+00;
	[sflag:s10] =	ssyncset.done $0x0  }
0x10e: {  	v3 =	vimm.f32 $0.0e+00;
	v5 =	vimm.f32 $0.0e+00;
	v1 =	vimm.f32 $0.0e+00;
	[sflag:s10] =	ssyncadd.s32 $0xFFFFC000  }
.LBB2_10:
0x10f: {  	s16 =	sshll.u32 s15, $0x9;
	s17 =	sshll.u32 s15, $0x7  }
0x110: {  	s16 =	sand.u32 $0x3000, s16;
	s17 =	sand.u32 $0x380, s17  }
0x111: {  	p0 =	por $0x1, $0x1;
	s16 =	sor.u32 s16, s17;
	s17 =	simm.s32 $0x0  }
.LBB2_11:
0x112: {  	s17 =	sor.u32 s17, s16  }
0x113: {  	v9 =	vld [tilespmem:s17+$0x0]  }
0x114: {  	v10 =	vld [tilespmem:s17+$0x8000]  }
0x115: {  	v11 =	vld [tilespmem:s17+$0x10000]  }
0x116: {  	v13 =	vld [tilespmem:s17+$0x8010]  }
0x117: {  	v14 =	vld [tilespmem:s17+$0x10010]  }
0x118: {  	v16 =	vld [tilespmem:s17+$0x8020]  }
0x119: {  	v17 =	vld [tilespmem:s17+$0x10020]  }
0x11a: {  	v53 =	vld [tilespmem:s17+$0x8030]  }
0x11b: {  	v18 =	vld [tilespmem:s17+$0x10030]  }
0x11c: {  	v55 =	vld [tilespmem:s17+$0x8040]  }
0x11d: {  	v20 =	vld [tilespmem:s17+$0x10040]  }
0x11e: {  	v21 =	vld [tilespmem:s17+$0x8050]  }
0x11f: {  	v59 =	vld [tilespmem:s17+$0x10050]  }
0x120: {  	v62 =	vld [tilespmem:s17+$0x8060]  }
0x121: {  	v63 =	vld [tilespmem:s17+$0x10060]  }
0x122: {  	s18 =	sor.u32 $0x10, s17;
	v28 =	vld [tilespmem:s17+$0x8070]  }
0x123: {  	v12 =	vld [tilespmem:s18+$0x0]  }
0x124: {  	v31 =	vld [tilespmem:s17+$0x10070];
	s18 =	sor.u32 $0x20, s17;
	v9 =	vmul.f32 v9, v9  }
0x125: {  	v15 =	vld [tilespmem:s18+$0x0];
	v10 =	vmul.f32 v10, v10;
	v13 =	vmul.f32 v13, v13  }
0x126: {  	v37 =	vld [tilespmem:s17+$0x8400];
	v11 =	vmul.f32 v11, v11;
	v52 =	vmul.f32 v14, v14  }
0x127: {  	v25 =	vld [tilespmem:s17+$0x10400];
	v16 =	vmul.f32 v16, v16;
	v54 =	vmul.f32 v17, v17  }
0x128: {  	v26 =	vld [tilespmem:s17+$0x10410];
	s18 =	sor.u32 $0x30, s17;
	v20 =	vmul.f32 v20, v20;
	v12 =	vmul.f32 v12, v12  }
0x129: {  	v27 =	vmul.f32 v21, v21;
	v30 =	vmul.f32 v59, v59;
	v9 =	vadd.f32 v10, v9;
	v10 =	vld [tilespmem:s18+$0x0]  }
0x12a: {  	v42 =	vld [tilespmem:s17+$0x8410];
	v32 =	vmul.f32 v62, v62;
	v15 =	vmul.f32 v15, v15;
	v12 =	vadd.f32 v13, v12  }
0x12b: {  	v45 =	vld [tilespmem:s17+$0x8420];
	v34 =	vmul.f32 v63, v63;
	v21 =	vmul.f32 v28, v28;
	v19 =	vadd.f32 v11, v9  }
0x12c: {  	v47 =	vld [tilespmem:s17+$0x8430];
	v25 =	vmul.f32 v25, v25;
	s18 =	sor.u32 $0x40, s17;
	v9 =	vadd.f32 v16, v15;
	v13 =	vadd.f32 v52, v12  }
0x12d: {  	v48 =	vmul.f32 v26, v26;
	v11 =	vld [tilespmem:s18+$0x0];
	s18 =	sor.u32 $0x50, s17;
	v56 =	vmul.f32 v19, v0  }
0x12e: {  	v58 =	vld [tilespmem:s18+$0x0];
	s18 =	sor.u32 $0x60, s17;
	v12 =	vadd.f32 v54, v9;
	v57 =	vmul.f32 v13, v0;
	v9 =	vmul.f32 v10, v10  }
0x12f: {  	v60 =	vld [tilespmem:s18+$0x0];
	v10 =	vmul.f32 v53, v53;
	v16 =	vmul.f32 $1.442695020e+00, v56  }
0x130: {  	v59 =	vld [tilespmem:s17+$0x10450];
	s18 =	sor.u32 $0x70, s17;
	v22 =	vmul.f32 v12, v0;
	v17 =	vmul.f32 $1.442695020e+00, v57  }
0x131: {  	v24 =	vld [tilespmem:s18+$0x0];
	s18 =	sor.u32 $0x400, s17;
	v9 =	vadd.f32 v10, v9;
	v10 =	vmul.f32 v18, v18;
	v18 =	vmul.f32 v31, v31  }
0x132: {  	vm0 =	vlt.f32 v19, $3.000000000e+00;
	v35 =	vld [tilespmem:s18+$0x0];
	(erf) = vpow2.f32 v16;
	v61 =	vmul.f32 $1.442695020e+00, v22  }
0x133: {  	v63 =	vld [tilespmem:s17+$0x8460];
	s18 =	sor.u32 $0x410, s17;
	(erf) = vpow2.f32 v17;
	v9 =	vadd.f32 v10, v9;
	v10 =	vmul.f32 v11, v11  }
0x134: {  	vm13 =	vlt.f32 v13, $3.000000000e+00;
	v40 =	vld [tilespmem:s18+$0x0];
	v11 =	vmul.f32 v55, v55;
	v16 =	vmul.f32 v60, v60  }
0x135: {  	vm14 =	vlt.f32 v12, $3.000000000e+00;
	s18 =	sor.u32 $0x420, s17;
	v57 =	vld [tilespmem:s17+$0x8450];
	v17 =	vmul.f32 v45, v45;
	(erf) = vpow2.f32 v61  }
0x136: {  	v44 =	vld [tilespmem:s18+$0x0];
	s18 =	sor.u32 $0x430, s17;
	v36 =	vmul.f32 v24, v24;
	v23 =	vmul.f32 v9, v0;
	v10 =	vadd.f32 v11, v10  }
0x137: {  	v28 =	vld [tilespmem:s18+$0x0];
	v11 =	vmul.f32 v58, v58;
	v16 =	vadd.f32 v32, v16;
	v15 =	vmul.f32 v35, v35  }
0x138: {  	v53 =	vld [tilespmem:s17+$0x10440];
	s18 =	sor.u32 $0x440, s17;
	v39 =	vadd.f32 v21, v36;
	v21 =	vmul.f32 v42, v42;
	v42 =	vmul.f32 v59, v59  }
0x139: {  	v49 =	vld [tilespmem:s18+$0x0];
	s18 =	sor.u32 $0x450, s17;
	v29 =	vmul.f32 $1.442695020e+00, v23;
	v10 =	vadd.f32 v20, v10;
	v11 =	vadd.f32 v27, v11  }
0x13a: {  	v55 =	vld [tilespmem:s18+$0x0];
	s18 =	sor.u32 $0x460, s17;
	v14 =	vadd.f32 v34, v16;
	v23 =	vmul.f32 v37, v37;
	v20 =	vmul.f32 v40, v40  }
0x13b: {  	v62 =	vld [tilespmem:s18+$0x0];
	v40 =	vmul.f32 v57, v57;
	v16 =	vadd.f32 v18, v39;
	v18 =	vmul.f32 v44, v44  }
0x13c: {  	vm15 =	vlt.f32 v9, $3.000000000e+00;
	v36 =	vld [tilespmem:s17+$0x8470];
	v54 =	vmul.f32 v28, v28;
	v33 =	vmul.f32 v10, v0  }
0x13d: {  	s18 =	sor.u32 $0x470, s17;
	v27 =	vld [tilespmem:s17+$0x10420];
	v11 =	vadd.f32 v30, v11;
	(erf) = vpow2.f32 v29;
	v43 =	vmul.f32 v14, v0  }
0x13e: {  	v34 =	vld [tilespmem:s18+$0x0];
	v15 =	vadd.f32 v23, v15;
	v23 =	vmul.f32 v47, v47;
	v37 =	vmul.f32 v49, v49  }
0x13f: {  	v20 =	vadd.f32 v21, v20;
	v21 =	vmul.f32 v53, v53;
	v46 =	vmul.f32 v16, v0  }
0x140: {  	v17 =	vadd.f32 v17, v18;
	v39 =	vmul.f32 v55, v55;
	v22 =	vmul.f32 $1.442695020e+00, v33  }
0x141: {  	v38 =	vmul.f32 v11, v0;
	v18 =	vadd.f32 v23, v54;
	v23 =	vmul.f32 v63, v63  }
0x142: {  	v29 =	vld [tilespmem:s17+$0x10430];
	v15 =	vadd.f32 v25, v15;
	v44 =	vmul.f32 v36, v36;
	v24 =	vmul.f32 $1.442695020e+00, v46  }
0x143: {  	v20 =	vadd.f32 v48, v20;
	v60 =	vpop (erf);
	v50 =	vmul.f32 v27, v27;
	v13 =	vmul.f32 v34, v34  }
0x144: {  	v51 =	vld [tilespmem:s17+$0x8440];
	v19 =	vnsel vm0, $0x0, v60;
	v41 =	vmul.f32 $1.442695020e+00, v38;
	(erf) = vpow2.f32 v22  }
0x145: {  	v12 =	vadd.f32 v40, v39;
	v22 =	vmul.f32 $1.442695020e+00, v43;
	v52 =	vmul.f32 v15, v0  }
0x146: {  	v56 =	vmul.f32 v20, v0;
	v8 =	vadd.f32 v19, v8;
	v33 =	vpop (erf);
	v43 =	vmul.f32 v62, v62  }
0x147: {  	v17 =	vadd.f32 v50, v17;
	v58 =	vmul.f32 v29, v29;
	v19 =	vnsel vm13, $0x0, v33  }
0x148: {  	v38 =	vld [tilespmem:s17+$0x10460];
	v12 =	vadd.f32 v42, v12;
	(erf) = vpow2.f32 v41;
	v61 =	vmul.f32 $1.442695020e+00, v56  }
0x149: {  	v7 =	vadd.f32 v19, v7;
	v41 =	vld [tilespmem:s17+$0x10470];
	(erf) = vpow2.f32 v22;
	v22 =	vmul.f32 v51, v51  }
0x14a: {  	v30 =	vmul.f32 v17, v0;
	v18 =	vadd.f32 v58, v18;
	v50 =	vmul.f32 v12, v0  }
0x14b: {  	(erf) = vpow2.f32 v24;
	v24 =	vmul.f32 $1.442695020e+00, v52;
	v19 =	vadd.f32 v22, v37  }
0x14c: {  	v45 =	vadd.f32 v23, v43;
	v30 =	vmul.f32 $1.442695020e+00, v30;
	v35 =	vmul.f32 v18, v0  }
0x14d: {  	v46 =	vmul.f32 v38, v38;
	v9 =	vmul.f32 $1.442695020e+00, v50;
	v19 =	vadd.f32 v21, v19  }
0x14e: {  	v13 =	vadd.f32 v44, v13;
	(erf) = vpow2.f32 v24;
	v48 =	vmul.f32 v41, v41  }
0x14f: {  	(erf) = vpow2.f32 v61;
	v22 =	vadd.f32 v46, v45;
	v49 =	vmul.f32 v19, v0  }
0x150: {  	v24 =	vmul.f32 $1.442695020e+00, v35;
	(erf) = vpow2.f32 v30;
	v13 =	vadd.f32 v48, v13  }
0x151: {  	v52 =	vmul.f32 v22, v0;
	v51 =	vmul.f32 $1.442695020e+00, v49  }
0x152: {  	v47 =	vpop (erf);
	(erf) = vpow2.f32 v24;
	v54 =	vmul.f32 v13, v0  }
0x153: {  	v53 =	vpop (erf);
	v23 =	vmul.f32 $1.442695020e+00, v52;
	(erf) = vpow2.f32 v51  }
0x154: {  	vm4 =	vlt.f32 v10, $3.000000000e+00;
	v10 =	vpop (erf);
	(erf) = vpow2.f32 v9;
	v9 =	vmul.f32 $1.442695020e+00, v54  }
0x155: {  	vm6 =	vlt.f32 v14, $3.000000000e+00;
	vm7 =	vlt.f32 v16, $3.000000000e+00;
	vm5 =	vlt.f32 v11, $3.000000000e+00  }
0x156: {  	vm8 =	vlt.f32 v15, $3.000000000e+00;
	vm9 =	vlt.f32 v20, $3.000000000e+00;
	v11 =	vpop (erf);
	(erf) = vpow2.f32 v23  }
0x157: {  	vm10 =	vlt.f32 v17, $3.000000000e+00;
	v10 =	vnsel vm4, $0x0, v10;
	v56 =	vpop (erf);
	(erf) = vpow2.f32 v9  }
0x158: {  	vm13 =	vlt.f32 v12, $3.000000000e+00;
	v55 =	vnsel vm15, $0x0, v53;
	v21 =	vnsel vm14, $0x0, v47;
	v9 =	vpop (erf)  }
0x159: {  	vm11 =	vlt.f32 v18, $3.000000000e+00;
	v5 =	vadd.f32 v55, v5;
	v6 =	vadd.f32 v21, v6;
	v57 =	vpop (erf)  }
0x15a: {  	vm12 =	vlt.f32 v19, $3.000000000e+00;
	vm14 =	vlt.f32 v22, $3.000000000e+00;
	v4 =	vadd.f32 v10, v4;
	v10 =	vpop (erf)  }
0x15b: {  	vm15 =	vlt.f32 v13, $3.000000000e+00;
	v11 =	vnsel vm5, $0x0, v11;
	v14 =	vnsel vm6, $0x0, v56;
	v58 =	vpop (erf)  }
0x15c: {  	v3 =	vadd.f32 v11, v3;
	v2 =	vadd.f32 v14, v2;
	v9 =	vnsel vm7, $0x0, v9;
	v59 =	vpop (erf)  }
0x15d: {  	p1 =	por p0, p0;
	v11 =	vnsel vm8, $0x0, v57;
	v1 =	vadd.f32 v9, v1;
	v10 =	vnsel vm9, $0x0, v10;
	v60 =	vpop (erf)  }
.Ltmp4:
0x15e: {  	v8 =	vadd.f32 v11, v8;
	v9 =	vnsel vm10, $0x0, v58;
	v7 =	vadd.f32 v10, v7;
	v61 =	vpop (erf);
	(pc) =	sbr.rel @p1 .LBB2_11-.Ltmp4, $4  }
0x15f: {  	v11 =	vnsel vm11, $0x0, v59;
	v6 =	vadd.f32 v9, v6;
	v10 =	vnsel vm12, $0x0, v60;
	v62 =	vpop (erf)  }
0x160: {  	v5 =	vadd.f32 v11, v5;
	v9 =	vnsel vm13, $0x0, v61;
	v4 =	vadd.f32 v10, v4;
	v63 =	vpop (erf)  }
0x161: {  	v11 =	vnsel vm14, $0x0, v62;
	v3 =	vadd.f32 v9, v3;
	v9 =	vnsel vm15, $0x0, v63  }
0x162: {  	p0 =	por $0x0, $0x0;
	s17 =	simm.s32 $0x800;
	v2 =	vadd.f32 v11, v2;
	v1 =	vadd.f32 v9, v1  }
0x163: {  	s15 =	sadd.s32 $0x1, s15  }
0x164: {  	p0 =	sne.s32 s15, $0x20  }
.Ltmp5:
0x165: {  	_ = 	snop;
	(pc) =	sbr.rel @p0 .LBB2_10-.Ltmp5, $1  }
0x166: {  	_ =	sdelay $0x3  }
0x167: {  	s15 =	simm.s32 $0x0;
	s16 =	rddreg [dreg:$0x10]  }
0x168: {  	[tilespmem:s15], [sflag:$0x1] =	stream.linear.gather [hbm4b:s16+s15], $0x4000, $0x38;
	[tilespmem:$0x19080] =	vst v63  }
0x169: {  	s17 =	rddreg [dreg:$0x11]  }
0x16a: {  	[tilespmem:s5], [sflag:$0x1] =	stream.linear.gather [hbm4b:s17+s15], $0x4000, $0x38;
	[tilespmem:$0x19080] =	vst v63  }
0x16b: {  	s18 =	rddreg [dreg:$0x12]  }
0x16c: {  	[tilespmem:s6], [sflag:$0x1] =	stream.linear.gather [hbm4b:s18+s15], $0x4000, $0x38;
	[tilespmem:$0x19080] =	vst v63  }
0x16d: {  	_ =	swait.ge [sflag:s11], $0x4000  }
0x16e: {  	[sflag:s11] =	ssyncset.done $0x0  }
0x16f: {  	[sflag:s11] =	ssyncadd.s32 $0xFFFFC000  }
0x170: {  	_ =	swait.ge [sflag:s11], $0x4000  }
0x171: {  	[sflag:s11] =	ssyncset.done $0x0  }
0x172: {  	[sflag:s11] =	ssyncadd.s32 $0xFFFFC000  }
0x173: {  	_ =	swait.ge [sflag:s11], $0x4000  }
0x174: {  	[sflag:s11] =	ssyncset.done $0x0  }
0x175: {  	[sflag:s11] =	ssyncadd.s32 $0xFFFFC000  }
.LBB2_14:
0x176: {  	s16 =	sshll.u32 s15, $0x9;
	s17 =	sshll.u32 s15, $0x7  }
0x177: {  	s16 =	sand.u32 $0x3000, s16;
	s17 =	sand.u32 $0x380, s17  }
0x178: {  	p0 =	por $0x1, $0x1;
	s16 =	sor.u32 s16, s17;
	s17 =	simm.s32 $0x0  }
.LBB2_15:
0x179: {  	s17 =	sor.u32 s17, s16  }
0x17a: {  	v9 =	vld [tilespmem:s17+$0x4000]  }
0x17b: {  	v10 =	vld [tilespmem:s17+$0xC000]  }
0x17c: {  	v11 =	vld [tilespmem:s17+$0x14000]  }
0x17d: {  	v12 =	vld [tilespmem:s17+$0x4010]  }
0x17e: {  	v13 =	vld [tilespmem:s17+$0xC010]  }
0x17f: {  	v14 =	vld [tilespmem:s17+$0x14010]  }
0x180: {  	v15 =	vld [tilespmem:s17+$0x4020]  }
0x181: {  	v16 =	vld [tilespmem:s17+$0xC020]  }
0x182: {  	v17 =	vld [tilespmem:s17+$0x14020]  }
0x183: {  	v54 =	vld [tilespmem:s17+$0xC030]  }
0x184: {  	v55 =	vld [tilespmem:s17+$0x4040]  }
0x185: {  	v20 =	vld [tilespmem:s17+$0x14040]  }
0x186: {  	v59 =	vld [tilespmem:s17+$0x4050]  }
0x187: {  	v21 =	vld [tilespmem:s17+$0xC050]  }
0x188: {  	v60 =	vld [tilespmem:s17+$0x14050]  }
0x189: {  	v63 =	vld [tilespmem:s17+$0x14060]  }
0x18a: {  	v24 =	vld [tilespmem:s17+$0x4070];
	v9 =	vmul.f32 v9, v9;
	v10 =	vmul.f32 v10, v10  }
0x18b: {  	v29 =	vld [tilespmem:s17+$0xC070];
	v12 =	vmul.f32 v12, v12;
	v13 =	vmul.f32 v13, v13  }
0x18c: {  	v32 =	vld [tilespmem:s17+$0x14070];
	v11 =	vmul.f32 v11, v11;
	v53 =	vmul.f32 v14, v14  }
0x18d: {  	v25 =	vld [tilespmem:s17+$0x14400];
	v15 =	vmul.f32 v15, v15;
	v16 =	vmul.f32 v16, v16  }
0x18e: {  	v26 =	vld [tilespmem:s17+$0x14410];
	v56 =	vmul.f32 v17, v17;
	v20 =	vmul.f32 v20, v20  }
0x18f: {  	v27 =	vld [tilespmem:s17+$0x14420];
	v14 =	vmul.f32 v59, v59;
	v28 =	vmul.f32 v21, v21  }
0x190: {  	v57 =	vld [tilespmem:s17+$0xC040];
	v31 =	vmul.f32 v60, v60;
	v33 =	vmul.f32 v63, v63  }
0x191: {  	v42 =	vld [tilespmem:s17+$0xC410];
	v35 =	vmul.f32 v24, v24;
	v21 =	vmul.f32 v29, v29  }
0x192: {  	v18 =	vld [tilespmem:s17+$0x14030];
	v39 =	vmul.f32 v32, v32;
	v25 =	vmul.f32 v25, v25;
	v9 =	vadd.f32 v10, v9  }
0x193: {  	v48 =	vmul.f32 v26, v26;
	v63 =	vld [tilespmem:s17+$0x4470];
	v12 =	vadd.f32 v13, v12;
	v14 =	vadd.f32 v28, v14  }
0x194: {  	v50 =	vmul.f32 v27, v27;
	v10 =	vld [tilespmem:s17+$0x4030];
	v38 =	vadd.f32 v21, v35;
	v11 =	vadd.f32 v11, v9  }
0x195: {  	v13 =	vmul.f32 v55, v55;
	v28 =	vld [tilespmem:s17+$0x4430];
	v12 =	vadd.f32 v53, v12;
	v9 =	vadd.f32 v16, v15  }
0x196: {  	v40 =	vld [tilespmem:s17+$0x4410];
	v21 =	vmul.f32 v42, v42;
	v16 =	vmul.f32 v57, v57;
	v14 =	vadd.f32 v31, v14  }
0x197: {  	v29 =	vld [tilespmem:s17+$0x14430];
	v58 =	vmul.f32 v11, v0;
	v19 =	vmul.f32 v12, v0;
	v15 =	vadd.f32 v56, v9  }
0x198: {  	v59 =	vld [tilespmem:s17+$0x14450];
	v37 =	vmul.f32 v14, v0;
	vm13 =	vlt.f32 v12, $3.000000000e+00;
	v12 =	vmul.f32 v63, v63  }
0x199: {  	v57 =	vld [tilespmem:s17+$0xC450];
	v13 =	vadd.f32 v16, v13;
	v9 =	vmul.f32 v10, v10;
	v10 =	vmul.f32 v54, v54  }
0x19a: {  	v53 =	vld [tilespmem:s17+$0x14440];
	v16 =	vadd.f32 v39, v38;
	v54 =	vmul.f32 v28, v28;
	v17 =	vmul.f32 $1.442695020e+00, v58  }
0x19b: {  	v19 =	vmul.f32 $1.442695020e+00, v19;
	v22 =	vmul.f32 v15, v0  }
0x19c: {  	v61 =	vld [tilespmem:s17+$0x4060];
	v41 =	vmul.f32 $1.442695020e+00, v37;
	v46 =	vmul.f32 v16, v0  }
0x19d: {  	v34 =	vld [tilespmem:s17+$0x4400];
	v58 =	vmul.f32 v29, v29;
	v9 =	vadd.f32 v10, v9;
	v10 =	vmul.f32 v18, v18  }
0x19e: {  	v45 =	vld [tilespmem:s17+$0xC420];
	v18 =	vmul.f32 v40, v40;
	v37 =	vmul.f32 v57, v57  }
0x19f: {  	v38 =	vld [tilespmem:s17+$0x14470];
	v13 =	vadd.f32 v20, v13;
	v39 =	vmul.f32 v53, v53;
	v40 =	vmul.f32 v59, v59  }
0x1a0: {  	v36 =	vld [tilespmem:s17+$0xC400];
	(erf) = vpow2.f32 v17;
	v62 =	vmul.f32 $1.442695020e+00, v22  }
0x1a1: {  	v55 =	vld [tilespmem:s17+$0x4450];
	v17 =	vmul.f32 v61, v61;
	v20 =	vmul.f32 v13, v0  }
0x1a2: {  	v22 =	vmul.f32 v34, v34;
	v24 =	vmul.f32 $1.442695020e+00, v46;
	v9 =	vadd.f32 v10, v9;
	v10 =	vld [tilespmem:s17+$0xC060]  }
0x1a3: {  	v34 =	vld [tilespmem:s17+$0xC470];
	(erf) = vpow2.f32 v19;
	v19 =	vmul.f32 v45, v45;
	v18 =	vadd.f32 v21, v18  }
0x1a4: {  	v46 =	vmul.f32 v38, v38;
	v23 =	vmul.f32 v9, v0  }
0x1a5: {  	v47 =	vld [tilespmem:s17+$0xC430];
	(erf) = vpow2.f32 v62;
	v20 =	vmul.f32 $1.442695020e+00, v20;
	v18 =	vadd.f32 v48, v18  }
0x1a6: {  	v44 =	vld [tilespmem:s17+$0x4420];
	vm0 =	vlt.f32 v11, $3.000000000e+00;
	v30 =	vmul.f32 $1.442695020e+00, v23;
	v23 =	vmul.f32 v36, v36  }
0x1a7: {  	vm14 =	vlt.f32 v15, $3.000000000e+00;
	v56 =	vmul.f32 v18, v0;
	v10 =	vmul.f32 v10, v10  }
0x1a8: {  	vm15 =	vlt.f32 v9, $3.000000000e+00;
	v36 =	vmul.f32 v55, v55;
	v42 =	vmul.f32 v34, v34  }
0x1a9: {  	v61 =	vld [tilespmem:s17+$0x4460];
	(erf) = vpow2.f32 v30;
	v22 =	vadd.f32 v23, v22;
	v10 =	vadd.f32 v10, v17  }
0x1aa: {  	v62 =	vld [tilespmem:s17+$0xC460];
	v23 =	vmul.f32 v47, v47;
	v15 =	vadd.f32 v37, v36;
	(erf) = vpow2.f32 v20;
	v11 =	vpop (erf)  }
0x1ab: {  	v49 =	vld [tilespmem:s17+$0x4440];
	v17 =	vmul.f32 v44, v44;
	v10 =	vadd.f32 v33, v10;
	v11 =	vnsel vm0, $0x0, v11  }
0x1ac: {  	v51 =	vld [tilespmem:s17+$0xC440];
	v60 =	vmul.f32 $1.442695020e+00, v56;
	(erf) = vpow2.f32 v41;
	v22 =	vadd.f32 v25, v22  }
0x1ad: {  	v35 =	vld [tilespmem:s17+$0x14460];
	v15 =	vadd.f32 v40, v15;
	v17 =	vadd.f32 v19, v17;
	v43 =	vmul.f32 v10, v0  }
0x1ae: {  	v41 =	vmul.f32 v61, v61;
	v19 =	vadd.f32 v23, v54;
	v8 =	vadd.f32 v11, v8;
	v11 =	vpop (erf)  }
0x1af: {  	v23 =	vmul.f32 v62, v62;
	v20 =	vmul.f32 $1.442695020e+00, v43;
	v11 =	vnsel vm13, $0x0, v11  }
0x1b0: {  	v48 =	vmul.f32 v15, v0;
	v7 =	vadd.f32 v11, v7;
	v11 =	vmul.f32 v49, v49  }
0x1b1: {  	v17 =	vadd.f32 v50, v17;
	(erf) = vpow2.f32 v20;
	v20 =	vmul.f32 v51, v51  }
0x1b2: {  	v44 =	vmul.f32 v35, v35;
	v19 =	vadd.f32 v58, v19;
	v43 =	vadd.f32 v23, v41  }
0x1b3: {  	v52 =	vmul.f32 v22, v0;
	v9 =	vmul.f32 $1.442695020e+00, v48;
	v11 =	vadd.f32 v20, v11  }
0x1b4: {  	v30 =	vmul.f32 v17, v0;
	v33 =	vmul.f32 v19, v0;
	v21 =	vadd.f32 v44, v43  }
0x1b5: {  	(erf) = vpow2.f32 v24;
	v24 =	vmul.f32 $1.442695020e+00, v52;
	v11 =	vadd.f32 v39, v11  }
0x1b6: {  	v12 =	vadd.f32 v42, v12;
	v30 =	vmul.f32 $1.442695020e+00, v30;
	v50 =	vmul.f32 v21, v0  }
0x1b7: {  	(erf) = vpow2.f32 v24;
	v47 =	vmul.f32 v11, v0  }
0x1b8: {  	v12 =	vadd.f32 v46, v12;
	v24 =	vmul.f32 $1.442695020e+00, v33;
	(erf) = vpow2.f32 v60  }
0x1b9: {  	(erf) = vpow2.f32 v30;
	v49 =	vmul.f32 $1.442695020e+00, v47  }
0x1ba: {  	v45 =	vpop (erf);
	v52 =	vmul.f32 v12, v0;
	(erf) = vpow2.f32 v24  }
0x1bb: {  	v51 =	vpop (erf);
	v23 =	vmul.f32 $1.442695020e+00, v50;
	(erf) = vpow2.f32 v49  }
0x1bc: {  	vm5 =	vlt.f32 v14, $3.000000000e+00;
	v54 =	vpop (erf);
	(erf) = vpow2.f32 v9;
	v9 =	vmul.f32 $1.442695020e+00, v52  }
0x1bd: {  	vm7 =	vlt.f32 v16, $3.000000000e+00;
	vm4 =	vlt.f32 v13, $3.000000000e+00;
	vm9 =	vlt.f32 v18, $3.000000000e+00  }
0x1be: {  	vm8 =	vlt.f32 v22, $3.000000000e+00;
	vm6 =	vlt.f32 v10, $3.000000000e+00;
	v55 =	vpop (erf);
	(erf) = vpow2.f32 v23  }
0x1bf: {  	vm10 =	vlt.f32 v17, $3.000000000e+00;
	vm11 =	vlt.f32 v19, $3.000000000e+00;
	v10 =	vpop (erf);
	(erf) = vpow2.f32 v9  }
0x1c0: {  	vm13 =	vlt.f32 v15, $3.000000000e+00;
	v53 =	vnsel vm15, $0x0, v51;
	vm15 =	vlt.f32 v12, $3.000000000e+00;
	v9 =	vpop (erf)  }
0x1c1: {  	v20 =	vnsel vm14, $0x0, v45;
	v13 =	vnsel vm4, $0x0, v54;
	v5 =	vadd.f32 v53, v5;
	v56 =	vpop (erf)  }
0x1c2: {  	vm14 =	vlt.f32 v21, $3.000000000e+00;
	v6 =	vadd.f32 v20, v6;
	v14 =	vnsel vm5, $0x0, v55;
	v57 =	vpop (erf)  }
0x1c3: {  	v4 =	vadd.f32 v13, v4;
	v3 =	vadd.f32 v14, v3;
	v10 =	vnsel vm6, $0x0, v10;
	v59 =	vpop (erf)  }
0x1c4: {  	vm12 =	vlt.f32 v11, $3.000000000e+00;
	v2 =	vadd.f32 v10, v2;
	v9 =	vnsel vm7, $0x0, v9;
	v60 =	vpop (erf)  }
0x1c5: {  	p1 =	por p0, p0;
	v58 =	vnsel vm8, $0x0, v56;
	v1 =	vadd.f32 v9, v1;
	v10 =	vnsel vm9, $0x0, v57;
	v61 =	vpop (erf)  }
.Ltmp6:
0x1c6: {  	v8 =	vadd.f32 v58, v8;
	v9 =	vnsel vm10, $0x0, v59;
	v7 =	vadd.f32 v10, v7;
	v11 =	vpop (erf);
	(pc) =	sbr.rel @p1 .LBB2_15-.Ltmp6, $4  }
0x1c7: {  	v13 =	vnsel vm11, $0x0, v60;
	v6 =	vadd.f32 v9, v6;
	v10 =	vnsel vm12, $0x0, v61;
	v62 =	vpop (erf)  }
0x1c8: {  	v5 =	vadd.f32 v13, v5;
	v9 =	vnsel vm13, $0x0, v11;
	v4 =	vadd.f32 v10, v4;
	v63 =	vpop (erf)  }
0x1c9: {  	v11 =	vnsel vm14, $0x0, v62;
	v3 =	vadd.f32 v9, v3;
	v9 =	vnsel vm15, $0x0, v63  }
0x1ca: {  	p0 =	por $0x0, $0x0;
	s17 =	simm.s32 $0x800;
	v2 =	vadd.f32 v11, v2;
	v1 =	vadd.f32 v9, v1  }
0x1cb: {  	s15 =	sadd.s32 $0x1, s15  }
0x1cc: {  	p0 =	sne.s32 s15, $0x20  }
.Ltmp7:
0x1cd: {  	_ = 	snop;
	(pc) =	sbr.rel @p0 .LBB2_14-.Ltmp7, $1  }
0x1ce: {  	_ =	sdelay $0x3  }
0x1cf: {  	v0 =	vadd.f32 v7, v8;
	v5 =	vadd.f32 v5, v6  }
0x1d0: {  	v3 =	vadd.f32 v3, v4;
	v1 =	vadd.f32 v1, v2;
	_ =	sdelay $0x1  }
0x1d1: {  	v0 =	vadd.f32 v5, v0;
	v1 =	vadd.f32 v1, v3;
	_ =	sdelay $0x1  }
0x1d2: {  	v0 =	vadd.f32 v1, v0;
	_ =	sdelay $0x1  }
0x1d3: {  	s15 =	simm.s32 $0x0;
	[tilespmem:$0x19000] =	vst v0  }
0x1d4: {  	[hbm4b:s31+s15] =	stream.linear.scatter [tilespmem:s12], [sflag:$0x3], $0x10, $0x38;
	[tilespmem:$0x19080] =	vst v63  }
0x1d5: {  	_ =	swait.ge [sflag:s4], $0x10  }
0x1d6: {  	[sflag:s4] =	ssyncset.done $0x0  }
0x1d7: {  	[sflag:s4] =	ssyncadd.s32 $0xFFFFFFF0  }
0x1d8: {  	v0 =	vld [tilespmem:s14+$0x18000];
	[tilespmem:s7], [sflag:$0x2] =	stream.linear.gather [hbm4b:s19+s15], $0x4000, $0x38  }
0x1d9: {  	_ = 	snop  }
0x1da: {  	[tilespmem:s8], [sflag:$0x2] =	stream.linear.gather [hbm4b:s20+s15], $0x4000, $0x38;
	[tilespmem:$0x19080] =	vst v63  }
0x1db: {  	_ = 	snop  }
0x1dc: {  	[tilespmem:s9], [sflag:$0x2] =	stream.linear.gather [hbm4b:s21+s15], $0x4000, $0x38;
	[tilespmem:$0x19080] =	vst v63  }
0x1dd: {  	_ =	swait.ge [sflag:s10], $0x4000  }
0x1de: {  	[sflag:s10] =	ssyncset.done $0x0  }
0x1df: {  	[sflag:s10] =	ssyncadd.s32 $0xFFFFC000  }
0x1e0: {  	_ =	swait.ge [sflag:s10], $0x4000  }
0x1e1: {  	[sflag:s10] =	ssyncset.done $0x0  }
0x1e2: {  	[sflag:s10] =	ssyncadd.s32 $0xFFFFC000  }
0x1e3: {  	v2 =	vimm.f32 $0.0e+00;
	v4 =	vimm.f32 $0.0e+00;
	_ =	swait.ge [sflag:s10], $0x4000  }
0x1e4: {  	v6 =	vimm.f32 $0.0e+00;
	v7 =	vimm.f32 $0.0e+00;
	v8 =	vimm.f32 $0.0e+00;
	[sflag:s10] =	ssyncset.done $0x0  }
0x1e5: {  	v3 =	vimm.f32 $0.0e+00;
	v5 =	vimm.f32 $0.0e+00;
	v1 =	vimm.f32 $0.0e+00;
	[sflag:s10] =	ssyncadd.s32 $0xFFFFC000  }
.LBB2_18:
0x1e6: {  	s16 =	sshll.u32 s15, $0x9;
	s17 =	sshll.u32 s15, $0x7  }
0x1e7: {  	s16 =	sand.u32 $0x3000, s16;
	s17 =	sand.u32 $0x380, s17  }
0x1e8: {  	p0 =	por $0x1, $0x1;
	s16 =	sor.u32 s16, s17;
	s17 =	simm.s32 $0x0  }
.LBB2_19:
0x1e9: {  	s17 =	sor.u32 s17, s16  }
0x1ea: {  	v9 =	vld [tilespmem:s17+$0x0]  }
0x1eb: {  	v10 =	vld [tilespmem:s17+$0x8000]  }
0x1ec: {  	v11 =	vld [tilespmem:s17+$0x10000]  }
0x1ed: {  	v13 =	vld [tilespmem:s17+$0x8010]  }
0x1ee: {  	v14 =	vld [tilespmem:s17+$0x10010]  }
0x1ef: {  	v16 =	vld [tilespmem:s17+$0x8020]  }
0x1f0: {  	v17 =	vld [tilespmem:s17+$0x10020]  }
0x1f1: {  	v53 =	vld [tilespmem:s17+$0x8030]  }
0x1f2: {  	v18 =	vld [tilespmem:s17+$0x10030]  }
0x1f3: {  	v55 =	vld [tilespmem:s17+$0x8040]  }
0x1f4: {  	v20 =	vld [tilespmem:s17+$0x10040]  }
0x1f5: {  	v21 =	vld [tilespmem:s17+$0x8050]  }
0x1f6: {  	v59 =	vld [tilespmem:s17+$0x10050]  }
0x1f7: {  	v62 =	vld [tilespmem:s17+$0x8060]  }
0x1f8: {  	v63 =	vld [tilespmem:s17+$0x10060]  }
0x1f9: {  	s18 =	sor.u32 $0x10, s17;
	v28 =	vld [tilespmem:s17+$0x8070]  }
0x1fa: {  	v12 =	vld [tilespmem:s18+$0x0]  }
0x1fb: {  	v31 =	vld [tilespmem:s17+$0x10070];
	s18 =	sor.u32 $0x20, s17;
	v9 =	vmul.f32 v9, v9  }
0x1fc: {  	v15 =	vld [tilespmem:s18+$0x0];
	v10 =	vmul.f32 v10, v10;
	v13 =	vmul.f32 v13, v13  }
0x1fd: {  	v37 =	vld [tilespmem:s17+$0x8400];
	v11 =	vmul.f32 v11, v11;
	v52 =	vmul.f32 v14, v14  }
0x1fe: {  	v25 =	vld [tilespmem:s17+$0x10400];
	v16 =	vmul.f32 v16, v16;
	v54 =	vmul.f32 v17, v17  }
0x1ff: {  	v26 =	vld [tilespmem:s17+$0x10410];
	s18 =	sor.u32 $0x30, s17;
	v20 =	vmul.f32 v20, v20;
	v12 =	vmul.f32 v12, v12  }
0x200: {  	v27 =	vmul.f32 v21, v21;
	v30 =	vmul.f32 v59, v59;
	v9 =	vadd.f32 v10, v9;
	v10 =	vld [tilespmem:s18+$0x0]  }
0x201: {  	v42 =	vld [tilespmem:s17+$0x8410];
	v32 =	vmul.f32 v62, v62;
	v15 =	vmul.f32 v15, v15;
	v12 =	vadd.f32 v13, v12  }
0x202: {  	v45 =	vld [tilespmem:s17+$0x8420];
	v34 =	vmul.f32 v63, v63;
	v21 =	vmul.f32 v28, v28;
	v19 =	vadd.f32 v11, v9  }
0x203: {  	v47 =	vld [tilespmem:s17+$0x8430];
	v25 =	vmul.f32 v25, v25;
	s18 =	sor.u32 $0x40, s17;
	v9 =	vadd.f32 v16, v15;
	v13 =	vadd.f32 v52, v12  }
0x204: {  	v48 =	vmul.f32 v26, v26;
	v11 =	vld [tilespmem:s18+$0x0];
	s18 =	sor.u32 $0x50, s17;
	v56 =	vmul.f32 v19, v0  }
0x205: {  	v58 =	vld [tilespmem:s18+$0x0];
	s18 =	sor.u32 $0x60, s17;
	v12 =	vadd.f32 v54, v9;
	v57 =	vmul.f32 v13, v0;
	v9 =	vmul.f32 v10, v10  }
0x206: {  	v60 =	vld [tilespmem:s18+$0x0];
	v10 =	vmul.f32 v53, v53;
	v16 =	vmul.f32 $1.442695020e+00, v56  }
0x207: {  	v59 =	vld [tilespmem:s17+$0x10450];
	s18 =	sor.u32 $0x70, s17;
	v22 =	vmul.f32 v12, v0;
	v17 =	vmul.f32 $1.442695020e+00, v57  }
0x208: {  	v24 =	vld [tilespmem:s18+$0x0];
	s18 =	sor.u32 $0x400, s17;
	v9 =	vadd.f32 v10, v9;
	v10 =	vmul.f32 v18, v18;
	v18 =	vmul.f32 v31, v31  }
0x209: {  	vm0 =	vlt.f32 v19, $3.000000000e+00;
	v35 =	vld [tilespmem:s18+$0x0];
	(erf) = vpow2.f32 v16;
	v61 =	vmul.f32 $1.442695020e+00, v22  }
0x20a: {  	v63 =	vld [tilespmem:s17+$0x8460];
	s18 =	sor.u32 $0x410, s17;
	(erf) = vpow2.f32 v17;
	v9 =	vadd.f32 v10, v9;
	v10 =	vmul.f32 v11, v11  }
0x20b: {  	vm13 =	vlt.f32 v13, $3.000000000e+00;
	v40 =	vld [tilespmem:s18+$0x0];
	v11 =	vmul.f32 v55, v55;
	v16 =	vmul.f32 v60, v60  }
0x20c: {  	vm14 =	vlt.f32 v12, $3.000000000e+00;
	s18 =	sor.u32 $0x420, s17;
	v57 =	vld [tilespmem:s17+$0x8450];
	v17 =	vmul.f32 v45, v45;
	(erf) = vpow2.f32 v61  }
0x20d: {  	v44 =	vld [tilespmem:s18+$0x0];
	s18 =	sor.u32 $0x430, s17;
	v36 =	vmul.f32 v24, v24;
	v23 =	vmul.f32 v9, v0;
	v10 =	vadd.f32 v11, v10  }
0x20e: {  	v28 =	vld [tilespmem:s18+$0x0];
	v11 =	vmul.f32 v58, v58;
	v16 =	vadd.f32 v32, v16;
	v15 =	vmul.f32 v35, v35  }
0x20f: {  	v53 =	vld [tilespmem:s17+$0x10440];
	s18 =	sor.u32 $0x440, s17;
	v39 =	vadd.f32 v21, v36;
	v21 =	vmul.f32 v42, v42;
	v42 =	vmul.f32 v59, v59  }
0x210: {  	v49 =	vld [tilespmem:s18+$0x0];
	s18 =	sor.u32 $0x450, s17;
	v29 =	vmul.f32 $1.442695020e+00, v23;
	v10 =	vadd.f32 v20, v10;
	v11 =	vadd.f32 v27, v11  }
0x211: {  	v55 =	vld [tilespmem:s18+$0x0];
	s18 =	sor.u32 $0x460, s17;
	v14 =	vadd.f32 v34, v16;
	v23 =	vmul.f32 v37, v37;
	v20 =	vmul.f32 v40, v40  }
0x212: {  	v62 =	vld [tilespmem:s18+$0x0];
	v40 =	vmul.f32 v57, v57;
	v16 =	vadd.f32 v18, v39;
	v18 =	vmul.f32 v44, v44  }
0x213: {  	vm15 =	vlt.f32 v9, $3.000000000e+00;
	v36 =	vld [tilespmem:s17+$0x8470];
	v54 =	vmul.f32 v28, v28;
	v33 =	vmul.f32 v10, v0  }
0x214: {  	s18 =	sor.u32 $0x470, s17;
	v27 =	vld [tilespmem:s17+$0x10420];
	v11 =	vadd.f32 v30, v11;
	(erf) = vpow2.f32 v29;
	v43 =	vmul.f32 v14, v0  }
0x215: {  	v34 =	vld [tilespmem:s18+$0x0];
	v15 =	vadd.f32 v23, v15;
	v23 =	vmul.f32 v47, v47;
	v37 =	vmul.f32 v49, v49  }
0x216: {  	v20 =	vadd.f32 v21, v20;
	v21 =	vmul.f32 v53, v53;
	v46 =	vmul.f32 v16, v0  }
0x217: {  	v17 =	vadd.f32 v17, v18;
	v39 =	vmul.f32 v55, v55;
	v22 =	vmul.f32 $1.442695020e+00, v33  }
0x218: {  	v38 =	vmul.f32 v11, v0;
	v18 =	vadd.f32 v23, v54;
	v23 =	vmul.f32 v63, v63  }
0x219: {  	v29 =	vld [tilespmem:s17+$0x10430];
	v15 =	vadd.f32 v25, v15;
	v44 =	vmul.f32 v36, v36;
	v24 =	vmul.f32 $1.442695020e+00, v46  }
0x21a: {  	v20 =	vadd.f32 v48, v20;
	v60 =	vpop (erf);
	v50 =	vmul.f32 v27, v27;
	v13 =	vmul.f32 v34, v34  }
0x21b: {  	v51 =	vld [tilespmem:s17+$0x8440];
	v19 =	vnsel vm0, $0x0, v60;
	v41 =	vmul.f32 $1.442695020e+00, v38;
	(erf) = vpow2.f32 v22  }
0x21c: {  	v12 =	vadd.f32 v40, v39;
	v22 =	vmul.f32 $1.442695020e+00, v43;
	v52 =	vmul.f32 v15, v0  }
0x21d: {  	v56 =	vmul.f32 v20, v0;
	v8 =	vadd.f32 v19, v8;
	v33 =	vpop (erf);
	v43 =	vmul.f32 v62, v62  }
0x21e: {  	v17 =	vadd.f32 v50, v17;
	v58 =	vmul.f32 v29, v29;
	v19 =	vnsel vm13, $0x0, v33  }
0x21f: {  	v38 =	vld [tilespmem:s17+$0x10460];
	v12 =	vadd.f32 v42, v12;
	(erf) = vpow2.f32 v41;
	v61 =	vmul.f32 $1.442695020e+00, v56  }
0x220: {  	v7 =	vadd.f32 v19, v7;
	v41 =	vld [tilespmem:s17+$0x10470];
	(erf) = vpow2.f32 v22;
	v22 =	vmul.f32 v51, v51  }
0x221: {  	v30 =	vmul.f32 v17, v0;
	v18 =	vadd.f32 v58, v18;
	v50 =	vmul.f32 v12, v0  }
0x222: {  	(erf) = vpow2.f32 v24;
	v24 =	vmul.f32 $1.442695020e+00, v52;
	v19 =	vadd.f32 v22, v37  }
0x223: {  	v45 =	vadd.f32 v23, v43;
	v30 =	vmul.f32 $1.442695020e+00, v30;
	v35 =	vmul.f32 v18, v0  }
0x224: {  	v46 =	vmul.f32 v38, v38;
	v9 =	vmul.f32 $1.442695020e+00, v50;
	v19 =	vadd.f32 v21, v19  }
0x225: {  	v13 =	vadd.f32 v44, v13;
	(erf) = vpow2.f32 v24;
	v48 =	vmul.f32 v41, v41  }
0x226: {  	(erf) = vpow2.f32 v61;
	v22 =	vadd.f32 v46, v45;
	v49 =	vmul.f32 v19, v0  }
0x227: {  	v24 =	vmul.f32 $1.442695020e+00, v35;
	(erf) = vpow2.f32 v30;
	v13 =	vadd.f32 v48, v13  }
0x228: {  	v52 =	vmul.f32 v22, v0;
	v51 =	vmul.f32 $1.442695020e+00, v49  }
0x229: {  	v47 =	vpop (erf);
	(erf) = vpow2.f32 v24;
	v54 =	vmul.f32 v13, v0  }
0x22a: {  	v53 =	vpop (erf);
	v23 =	vmul.f32 $1.442695020e+00, v52;
	(erf) = vpow2.f32 v51  }
0x22b: {  	vm4 =	vlt.f32 v10, $3.000000000e+00;
	v10 =	vpop (erf);
	(erf) = vpow2.f32 v9;
	v9 =	vmul.f32 $1.442695020e+00, v54  }
0x22c: {  	vm6 =	vlt.f32 v14, $3.000000000e+00;
	vm7 =	vlt.f32 v16, $3.000000000e+00;
	vm5 =	vlt.f32 v11, $3.000000000e+00  }
0x22d: {  	vm8 =	vlt.f32 v15, $3.000000000e+00;
	vm9 =	vlt.f32 v20, $3.000000000e+00;
	v11 =	vpop (erf);
	(erf) = vpow2.f32 v23  }
0x22e: {  	vm10 =	vlt.f32 v17, $3.000000000e+00;
	v10 =	vnsel vm4, $0x0, v10;
	v56 =	vpop (erf);
	(erf) = vpow2.f32 v9  }
0x22f: {  	vm13 =	vlt.f32 v12, $3.000000000e+00;
	v55 =	vnsel vm15, $0x0, v53;
	v21 =	vnsel vm14, $0x0, v47;
	v9 =	vpop (erf)  }
0x230: {  	vm11 =	vlt.f32 v18, $3.000000000e+00;
	v5 =	vadd.f32 v55, v5;
	v6 =	vadd.f32 v21, v6;
	v57 =	vpop (erf)  }
0x231: {  	vm12 =	vlt.f32 v19, $3.000000000e+00;
	vm14 =	vlt.f32 v22, $3.000000000e+00;
	v4 =	vadd.f32 v10, v4;
	v10 =	vpop (erf)  }
0x232: {  	vm15 =	vlt.f32 v13, $3.000000000e+00;
	v11 =	vnsel vm5, $0x0, v11;
	v14 =	vnsel vm6, $0x0, v56;
	v58 =	vpop (erf)  }
0x233: {  	v3 =	vadd.f32 v11, v3;
	v2 =	vadd.f32 v14, v2;
	v9 =	vnsel vm7, $0x0, v9;
	v59 =	vpop (erf)  }
0x234: {  	p1 =	por p0, p0;
	v11 =	vnsel vm8, $0x0, v57;
	v1 =	vadd.f32 v9, v1;
	v10 =	vnsel vm9, $0x0, v10;
	v60 =	vpop (erf)  }
.Ltmp8:
0x235: {  	v8 =	vadd.f32 v11, v8;
	v9 =	vnsel vm10, $0x0, v58;
	v7 =	vadd.f32 v10, v7;
	v61 =	vpop (erf);
	(pc) =	sbr.rel @p1 .LBB2_19-.Ltmp8, $4  }
0x236: {  	v11 =	vnsel vm11, $0x0, v59;
	v6 =	vadd.f32 v9, v6;
	v10 =	vnsel vm12, $0x0, v60;
	v62 =	vpop (erf)  }
0x237: {  	v5 =	vadd.f32 v11, v5;
	v9 =	vnsel vm13, $0x0, v61;
	v4 =	vadd.f32 v10, v4;
	v63 =	vpop (erf)  }
0x238: {  	v11 =	vnsel vm14, $0x0, v62;
	v3 =	vadd.f32 v9, v3;
	v9 =	vnsel vm15, $0x0, v63  }
0x239: {  	p0 =	por $0x0, $0x0;
	s17 =	simm.s32 $0x800;
	v2 =	vadd.f32 v11, v2;
	v1 =	vadd.f32 v9, v1  }
0x23a: {  	s15 =	sadd.s32 $0x1, s15  }
0x23b: {  	p0 =	sne.s32 s15, $0x20  }
.Ltmp9:
0x23c: {  	_ = 	snop;
	(pc) =	sbr.rel @p0 .LBB2_18-.Ltmp9, $1  }
0x23d: {  	_ =	sdelay $0x3  }
0x23e: {  	s15 =	simm.s32 $0x0  }
0x23f: {  	[tilespmem:s15], [sflag:$0x1] =	stream.linear.gather [hbm4b:s22+s15], $0x4000, $0x38;
	[tilespmem:$0x19080] =	vst v63  }
0x240: {  	_ = 	snop  }
0x241: {  	[tilespmem:s5], [sflag:$0x1] =	stream.linear.gather [hbm4b:s23+s15], $0x4000, $0x38;
	[tilespmem:$0x19080] =	vst v63  }
0x242: {  	_ = 	snop  }
0x243: {  	[tilespmem:s6], [sflag:$0x1] =	stream.linear.gather [hbm4b:s28+s15], $0x4000, $0x38;
	[tilespmem:$0x19080] =	vst v63  }
0x244: {  	_ =	swait.ge [sflag:s11], $0x4000  }
0x245: {  	[sflag:s11] =	ssyncset.done $0x0  }
0x246: {  	[sflag:s11] =	ssyncadd.s32 $0xFFFFC000  }
0x247: {  	_ =	swait.ge [sflag:s11], $0x4000  }
0x248: {  	[sflag:s11] =	ssyncset.done $0x0  }
0x249: {  	[sflag:s11] =	ssyncadd.s32 $0xFFFFC000  }
0x24a: {  	_ =	swait.ge [sflag:s11], $0x4000  }
0x24b: {  	[sflag:s11] =	ssyncset.done $0x0  }
0x24c: {  	[sflag:s11] =	ssyncadd.s32 $0xFFFFC000  }
.LBB2_22:
0x24d: {  	s16 =	sshll.u32 s15, $0x9;
	s17 =	sshll.u32 s15, $0x7  }
0x24e: {  	s16 =	sand.u32 $0x3000, s16;
	s17 =	sand.u32 $0x380, s17  }
0x24f: {  	p0 =	por $0x1, $0x1;
	s16 =	sor.u32 s16, s17;
	s17 =	simm.s32 $0x0  }
.LBB2_23:
0x250: {  	s17 =	sor.u32 s17, s16  }
0x251: {  	v9 =	vld [tilespmem:s17+$0x4000]  }
0x252: {  	v10 =	vld [tilespmem:s17+$0xC000]  }
0x253: {  	v11 =	vld [tilespmem:s17+$0x14000]  }
0x254: {  	v12 =	vld [tilespmem:s17+$0x4010]  }
0x255: {  	v13 =	vld [tilespmem:s17+$0xC010]  }
0x256: {  	v14 =	vld [tilespmem:s17+$0x14010]  }
0x257: {  	v15 =	vld [tilespmem:s17+$0x4020]  }
0x258: {  	v16 =	vld [tilespmem:s17+$0xC020]  }
0x259: {  	v17 =	vld [tilespmem:s17+$0x14020]  }
0x25a: {  	v54 =	vld [tilespmem:s17+$0xC030]  }
0x25b: {  	v55 =	vld [tilespmem:s17+$0x4040]  }
0x25c: {  	v20 =	vld [tilespmem:s17+$0x14040]  }
0x25d: {  	v59 =	vld [tilespmem:s17+$0x4050]  }
0x25e: {  	v21 =	vld [tilespmem:s17+$0xC050]  }
0x25f: {  	v60 =	vld [tilespmem:s17+$0x14050]  }
0x260: {  	v63 =	vld [tilespmem:s17+$0x14060]  }
0x261: {  	v24 =	vld [tilespmem:s17+$0x4070];
	v9 =	vmul.f32 v9, v9;
	v10 =	vmul.f32 v10, v10  }
0x262: {  	v29 =	vld [tilespmem:s17+$0xC070];
	v12 =	vmul.f32 v12, v12;
	v13 =	vmul.f32 v13, v13  }
0x263: {  	v32 =	vld [tilespmem:s17+$0x14070];
	v11 =	vmul.f32 v11, v11;
	v53 =	vmul.f32 v14, v14  }
0x264: {  	v25 =	vld [tilespmem:s17+$0x14400];
	v15 =	vmul.f32 v15, v15;
	v16 =	vmul.f32 v16, v16  }
0x265: {  	v26 =	vld [tilespmem:s17+$0x14410];
	v56 =	vmul.f32 v17, v17;
	v20 =	vmul.f32 v20, v20  }
0x266: {  	v27 =	vld [tilespmem:s17+$0x14420];
	v14 =	vmul.f32 v59, v59;
	v28 =	vmul.f32 v21, v21  }
0x267: {  	v57 =	vld [tilespmem:s17+$0xC040];
	v31 =	vmul.f32 v60, v60;
	v33 =	vmul.f32 v63, v63  }
0x268: {  	v42 =	vld [tilespmem:s17+$0xC410];
	v35 =	vmul.f32 v24, v24;
	v21 =	vmul.f32 v29, v29  }
0x269: {  	v18 =	vld [tilespmem:s17+$0x14030];
	v39 =	vmul.f32 v32, v32;
	v25 =	vmul.f32 v25, v25;
	v9 =	vadd.f32 v10, v9  }
0x26a: {  	v48 =	vmul.f32 v26, v26;
	v63 =	vld [tilespmem:s17+$0x4470];
	v12 =	vadd.f32 v13, v12;
	v14 =	vadd.f32 v28, v14  }
0x26b: {  	v50 =	vmul.f32 v27, v27;
	v10 =	vld [tilespmem:s17+$0x4030];
	v38 =	vadd.f32 v21, v35;
	v11 =	vadd.f32 v11, v9  }
0x26c: {  	v13 =	vmul.f32 v55, v55;
	v28 =	vld [tilespmem:s17+$0x4430];
	v12 =	vadd.f32 v53, v12;
	v9 =	vadd.f32 v16, v15  }
0x26d: {  	v40 =	vld [tilespmem:s17+$0x4410];
	v21 =	vmul.f32 v42, v42;
	v16 =	vmul.f32 v57, v57;
	v14 =	vadd.f32 v31, v14  }
0x26e: {  	v29 =	vld [tilespmem:s17+$0x14430];
	v58 =	vmul.f32 v11, v0;
	v19 =	vmul.f32 v12, v0;
	v15 =	vadd.f32 v56, v9  }
0x26f: {  	v59 =	vld [tilespmem:s17+$0x14450];
	v37 =	vmul.f32 v14, v0;
	vm13 =	vlt.f32 v12, $3.000000000e+00;
	v12 =	vmul.f32 v63, v63  }
0x270: {  	v57 =	vld [tilespmem:s17+$0xC450];
	v13 =	vadd.f32 v16, v13;
	v9 =	vmul.f32 v10, v10;
	v10 =	vmul.f32 v54, v54  }
0x271: {  	v53 =	vld [tilespmem:s17+$0x14440];
	v16 =	vadd.f32 v39, v38;
	v54 =	vmul.f32 v28, v28;
	v17 =	vmul.f32 $1.442695020e+00, v58  }
0x272: {  	v19 =	vmul.f32 $1.442695020e+00, v19;
	v22 =	vmul.f32 v15, v0  }
0x273: {  	v61 =	vld [tilespmem:s17+$0x4060];
	v41 =	vmul.f32 $1.442695020e+00, v37;
	v46 =	vmul.f32 v16, v0  }
0x274: {  	v34 =	vld [tilespmem:s17+$0x4400];
	v58 =	vmul.f32 v29, v29;
	v9 =	vadd.f32 v10, v9;
	v10 =	vmul.f32 v18, v18  }
0x275: {  	v45 =	vld [tilespmem:s17+$0xC420];
	v18 =	vmul.f32 v40, v40;
	v37 =	vmul.f32 v57, v57  }
0x276: {  	v38 =	vld [tilespmem:s17+$0x14470];
	v13 =	vadd.f32 v20, v13;
	v39 =	vmul.f32 v53, v53;
	v40 =	vmul.f32 v59, v59  }
0x277: {  	v36 =	vld [tilespmem:s17+$0xC400];
	(erf) = vpow2.f32 v17;
	v62 =	vmul.f32 $1.442695020e+00, v22  }
0x278: {  	v55 =	vld [tilespmem:s17+$0x4450];
	v17 =	vmul.f32 v61, v61;
	v20 =	vmul.f32 v13, v0  }
0x279: {  	v22 =	vmul.f32 v34, v34;
	v24 =	vmul.f32 $1.442695020e+00, v46;
	v9 =	vadd.f32 v10, v9;
	v10 =	vld [tilespmem:s17+$0xC060]  }
0x27a: {  	v34 =	vld [tilespmem:s17+$0xC470];
	(erf) = vpow2.f32 v19;
	v19 =	vmul.f32 v45, v45;
	v18 =	vadd.f32 v21, v18  }
0x27b: {  	v46 =	vmul.f32 v38, v38;
	v23 =	vmul.f32 v9, v0  }
0x27c: {  	v47 =	vld [tilespmem:s17+$0xC430];
	(erf) = vpow2.f32 v62;
	v20 =	vmul.f32 $1.442695020e+00, v20;
	v18 =	vadd.f32 v48, v18  }
0x27d: {  	v44 =	vld [tilespmem:s17+$0x4420];
	vm0 =	vlt.f32 v11, $3.000000000e+00;
	v30 =	vmul.f32 $1.442695020e+00, v23;
	v23 =	vmul.f32 v36, v36  }
0x27e: {  	vm14 =	vlt.f32 v15, $3.000000000e+00;
	v56 =	vmul.f32 v18, v0;
	v10 =	vmul.f32 v10, v10  }
0x27f: {  	vm15 =	vlt.f32 v9, $3.000000000e+00;
	v36 =	vmul.f32 v55, v55;
	v42 =	vmul.f32 v34, v34  }
0x280: {  	v61 =	vld [tilespmem:s17+$0x4460];
	(erf) = vpow2.f32 v30;
	v22 =	vadd.f32 v23, v22;
	v10 =	vadd.f32 v10, v17  }
0x281: {  	v62 =	vld [tilespmem:s17+$0xC460];
	v23 =	vmul.f32 v47, v47;
	v15 =	vadd.f32 v37, v36;
	(erf) = vpow2.f32 v20;
	v11 =	vpop (erf)  }
0x282: {  	v49 =	vld [tilespmem:s17+$0x4440];
	v17 =	vmul.f32 v44, v44;
	v10 =	vadd.f32 v33, v10;
	v11 =	vnsel vm0, $0x0, v11  }
0x283: {  	v51 =	vld [tilespmem:s17+$0xC440];
	v60 =	vmul.f32 $1.442695020e+00, v56;
	(erf) = vpow2.f32 v41;
	v22 =	vadd.f32 v25, v22  }
0x284: {  	v35 =	vld [tilespmem:s17+$0x14460];
	v15 =	vadd.f32 v40, v15;
	v17 =	vadd.f32 v19, v17;
	v43 =	vmul.f32 v10, v0  }
0x285: {  	v41 =	vmul.f32 v61, v61;
	v19 =	vadd.f32 v23, v54;
	v8 =	vadd.f32 v11, v8;
	v11 =	vpop (erf)  }
0x286: {  	v23 =	vmul.f32 v62, v62;
	v20 =	vmul.f32 $1.442695020e+00, v43;
	v11 =	vnsel vm13, $0x0, v11  }
0x287: {  	v48 =	vmul.f32 v15, v0;
	v7 =	vadd.f32 v11, v7;
	v11 =	vmul.f32 v49, v49  }
0x288: {  	v17 =	vadd.f32 v50, v17;
	(erf) = vpow2.f32 v20;
	v20 =	vmul.f32 v51, v51  }
0x289: {  	v44 =	vmul.f32 v35, v35;
	v19 =	vadd.f32 v58, v19;
	v43 =	vadd.f32 v23, v41  }
0x28a: {  	v52 =	vmul.f32 v22, v0;
	v9 =	vmul.f32 $1.442695020e+00, v48;
	v11 =	vadd.f32 v20, v11  }
0x28b: {  	v30 =	vmul.f32 v17, v0;
	v33 =	vmul.f32 v19, v0;
	v21 =	vadd.f32 v44, v43  }
0x28c: {  	(erf) = vpow2.f32 v24;
	v24 =	vmul.f32 $1.442695020e+00, v52;
	v11 =	vadd.f32 v39, v11  }
0x28d: {  	v12 =	vadd.f32 v42, v12;
	v30 =	vmul.f32 $1.442695020e+00, v30;
	v50 =	vmul.f32 v21, v0  }
0x28e: {  	(erf) = vpow2.f32 v24;
	v47 =	vmul.f32 v11, v0  }
0x28f: {  	v12 =	vadd.f32 v46, v12;
	v24 =	vmul.f32 $1.442695020e+00, v33;
	(erf) = vpow2.f32 v60  }
0x290: {  	(erf) = vpow2.f32 v30;
	v49 =	vmul.f32 $1.442695020e+00, v47  }
0x291: {  	v45 =	vpop (erf);
	v52 =	vmul.f32 v12, v0;
	(erf) = vpow2.f32 v24  }
0x292: {  	v51 =	vpop (erf);
	v23 =	vmul.f32 $1.442695020e+00, v50;
	(erf) = vpow2.f32 v49  }
0x293: {  	vm5 =	vlt.f32 v14, $3.000000000e+00;
	v54 =	vpop (erf);
	(erf) = vpow2.f32 v9;
	v9 =	vmul.f32 $1.442695020e+00, v52  }
0x294: {  	vm7 =	vlt.f32 v16, $3.000000000e+00;
	vm4 =	vlt.f32 v13, $3.000000000e+00;
	vm9 =	vlt.f32 v18, $3.000000000e+00  }
0x295: {  	vm8 =	vlt.f32 v22, $3.000000000e+00;
	vm6 =	vlt.f32 v10, $3.000000000e+00;
	v55 =	vpop (erf);
	(erf) = vpow2.f32 v23  }
0x296: {  	vm10 =	vlt.f32 v17, $3.000000000e+00;
	vm11 =	vlt.f32 v19, $3.000000000e+00;
	v10 =	vpop (erf);
	(erf) = vpow2.f32 v9  }
0x297: {  	vm13 =	vlt.f32 v15, $3.000000000e+00;
	v53 =	vnsel vm15, $0x0, v51;
	vm15 =	vlt.f32 v12, $3.000000000e+00;
	v9 =	vpop (erf)  }
0x298: {  	v20 =	vnsel vm14, $0x0, v45;
	v13 =	vnsel vm4, $0x0, v54;
	v5 =	vadd.f32 v53, v5;
	v56 =	vpop (erf)  }
0x299: {  	vm14 =	vlt.f32 v21, $3.000000000e+00;
	v6 =	vadd.f32 v20, v6;
	v14 =	vnsel vm5, $0x0, v55;
	v57 =	vpop (erf)  }
0x29a: {  	v4 =	vadd.f32 v13, v4;
	v3 =	vadd.f32 v14, v3;
	v10 =	vnsel vm6, $0x0, v10;
	v59 =	vpop (erf)  }
0x29b: {  	vm12 =	vlt.f32 v11, $3.000000000e+00;
	v2 =	vadd.f32 v10, v2;
	v9 =	vnsel vm7, $0x0, v9;
	v60 =	vpop (erf)  }
0x29c: {  	p1 =	por p0, p0;
	v58 =	vnsel vm8, $0x0, v56;
	v1 =	vadd.f32 v9, v1;
	v10 =	vnsel vm9, $0x0, v57;
	v61 =	vpop (erf)  }
.Ltmp10:
0x29d: {  	v8 =	vadd.f32 v58, v8;
	v9 =	vnsel vm10, $0x0, v59;
	v7 =	vadd.f32 v10, v7;
	v11 =	vpop (erf);
	(pc) =	sbr.rel @p1 .LBB2_23-.Ltmp10, $4  }
0x29e: {  	v13 =	vnsel vm11, $0x0, v60;
	v6 =	vadd.f32 v9, v6;
	v10 =	vnsel vm12, $0x0, v61;
	v62 =	vpop (erf)  }
0x29f: {  	v5 =	vadd.f32 v13, v5;
	v9 =	vnsel vm13, $0x0, v11;
	v4 =	vadd.f32 v10, v4;
	v63 =	vpop (erf)  }
0x2a0: {  	v11 =	vnsel vm14, $0x0, v62;
	v3 =	vadd.f32 v9, v3;
	v9 =	vnsel vm15, $0x0, v63  }
0x2a1: {  	p0 =	por $0x0, $0x0;
	s17 =	simm.s32 $0x800;
	v2 =	vadd.f32 v11, v2;
	v1 =	vadd.f32 v9, v1  }
0x2a2: {  	s15 =	sadd.s32 $0x1, s15  }
0x2a3: {  	p0 =	sne.s32 s15, $0x20  }
.Ltmp11:
0x2a4: {  	_ = 	snop;
	(pc) =	sbr.rel @p0 .LBB2_22-.Ltmp11, $1  }
0x2a5: {  	_ =	sdelay $0x3  }
0x2a6: {  	v0 =	vadd.f32 v7, v8;
	v5 =	vadd.f32 v5, v6  }
0x2a7: {  	v3 =	vadd.f32 v3, v4;
	v1 =	vadd.f32 v1, v2;
	_ =	sdelay $0x1  }
0x2a8: {  	v0 =	vadd.f32 v5, v0;
	v1 =	vadd.f32 v1, v3;
	_ =	sdelay $0x1  }
0x2a9: {  	v0 =	vadd.f32 v1, v0;
	_ =	sdelay $0x1  }
0x2aa: {  	s15 =	simm.s32 $0x0;
	[tilespmem:$0x19000] =	vst v0  }
0x2ab: {  	[hbm4b:s1+s15] =	stream.linear.scatter [tilespmem:s12], [sflag:$0x3], $0x10, $0x38;
	[tilespmem:$0x19080] =	vst v63  }
0x2ac: {  	_ =	swait.ge [sflag:s4], $0x10  }
0x2ad: {  	[sflag:s4] =	ssyncset.done $0x0  }
0x2ae: {  	[sflag:s4] =	ssyncadd.s32 $0xFFFFFFF0  }
0x2af: {  	v0 =	vld [tilespmem:s14+$0x18000];
	[tilespmem:s7], [sflag:$0x2] =	stream.linear.gather [hbm4b:s25+s15], $0x4000, $0x38  }
0x2b0: {  	_ = 	snop  }
0x2b1: {  	[tilespmem:s8], [sflag:$0x2] =	stream.linear.gather [hbm4b:s26+s15], $0x4000, $0x38;
	[tilespmem:$0x19080] =	vst v63  }
0x2b2: {  	_ = 	snop  }
0x2b3: {  	[tilespmem:s9], [sflag:$0x2] =	stream.linear.gather [hbm4b:s29+s15], $0x4000, $0x38;
	[tilespmem:$0x19080] =	vst v63  }
0x2b4: {  	_ =	swait.ge [sflag:s10], $0x4000  }
0x2b5: {  	[sflag:s10] =	ssyncset.done $0x0  }
0x2b6: {  	[sflag:s10] =	ssyncadd.s32 $0xFFFFC000  }
0x2b7: {  	_ =	swait.ge [sflag:s10], $0x4000  }
0x2b8: {  	[sflag:s10] =	ssyncset.done $0x0  }
0x2b9: {  	[sflag:s10] =	ssyncadd.s32 $0xFFFFC000  }
0x2ba: {  	v2 =	vimm.f32 $0.0e+00;
	v4 =	vimm.f32 $0.0e+00;
	_ =	swait.ge [sflag:s10], $0x4000  }
0x2bb: {  	v6 =	vimm.f32 $0.0e+00;
	v7 =	vimm.f32 $0.0e+00;
	v8 =	vimm.f32 $0.0e+00;
	[sflag:s10] =	ssyncset.done $0x0  }
0x2bc: {  	v3 =	vimm.f32 $0.0e+00;
	v5 =	vimm.f32 $0.0e+00;
	v1 =	vimm.f32 $0.0e+00;
	[sflag:s10] =	ssyncadd.s32 $0xFFFFC000  }
.LBB2_26:
0x2bd: {  	s14 =	sshll.u32 s15, $0x9;
	s16 =	sshll.u32 s15, $0x7  }
0x2be: {  	s14 =	sand.u32 $0x3000, s14;
	s16 =	sand.u32 $0x380, s16  }
0x2bf: {  	p0 =	por $0x1, $0x1;
	s14 =	sor.u32 s14, s16;
	s16 =	simm.s32 $0x0  }
.LBB2_27:
0x2c0: {  	s16 =	sor.u32 s16, s14  }
0x2c1: {  	v9 =	vld [tilespmem:s16+$0x0]  }
0x2c2: {  	v10 =	vld [tilespmem:s16+$0x8000]  }
0x2c3: {  	v11 =	vld [tilespmem:s16+$0x10000]  }
0x2c4: {  	v13 =	vld [tilespmem:s16+$0x8010]  }
0x2c5: {  	v14 =	vld [tilespmem:s16+$0x10010]  }
0x2c6: {  	v16 =	vld [tilespmem:s16+$0x8020]  }
0x2c7: {  	v17 =	vld [tilespmem:s16+$0x10020]  }
0x2c8: {  	v53 =	vld [tilespmem:s16+$0x8030]  }
0x2c9: {  	v18 =	vld [tilespmem:s16+$0x10030]  }
0x2ca: {  	v55 =	vld [tilespmem:s16+$0x8040]  }
0x2cb: {  	v20 =	vld [tilespmem:s16+$0x10040]  }
0x2cc: {  	v21 =	vld [tilespmem:s16+$0x8050]  }
0x2cd: {  	v59 =	vld [tilespmem:s16+$0x10050]  }
0x2ce: {  	v62 =	vld [tilespmem:s16+$0x8060]  }
0x2cf: {  	v63 =	vld [tilespmem:s16+$0x10060]  }
0x2d0: {  	s17 =	sor.u32 $0x10, s16;
	v28 =	vld [tilespmem:s16+$0x8070]  }
0x2d1: {  	v12 =	vld [tilespmem:s17+$0x0]  }
0x2d2: {  	s18 =	sor.u32 $0x20, s16;
	v31 =	vld [tilespmem:s16+$0x10070];
	v9 =	vmul.f32 v9, v9  }
0x2d3: {  	v15 =	vld [tilespmem:s18+$0x0];
	v10 =	vmul.f32 v10, v10;
	v13 =	vmul.f32 v13, v13  }
0x2d4: {  	v37 =	vld [tilespmem:s16+$0x8400];
	v11 =	vmul.f32 v11, v11;
	v52 =	vmul.f32 v14, v14  }
0x2d5: {  	v25 =	vld [tilespmem:s16+$0x10400];
	v16 =	vmul.f32 v16, v16;
	v54 =	vmul.f32 v17, v17  }
0x2d6: {  	v26 =	vld [tilespmem:s16+$0x10410];
	s18 =	sor.u32 $0x30, s16;
	v20 =	vmul.f32 v20, v20;
	v12 =	vmul.f32 v12, v12  }
0x2d7: {  	v27 =	vmul.f32 v21, v21;
	v30 =	vmul.f32 v59, v59;
	v9 =	vadd.f32 v10, v9;
	v10 =	vld [tilespmem:s18+$0x0]  }
0x2d8: {  	v42 =	vld [tilespmem:s16+$0x8410];
	v32 =	vmul.f32 v62, v62;
	v15 =	vmul.f32 v15, v15;
	v12 =	vadd.f32 v13, v12  }
0x2d9: {  	v45 =	vld [tilespmem:s16+$0x8420];
	v34 =	vmul.f32 v63, v63;
	v21 =	vmul.f32 v28, v28;
	v19 =	vadd.f32 v11, v9  }
0x2da: {  	v47 =	vld [tilespmem:s16+$0x8430];
	v25 =	vmul.f32 v25, v25;
	s18 =	sor.u32 $0x40, s16;
	v9 =	vadd.f32 v16, v15;
	v13 =	vadd.f32 v52, v12  }
0x2db: {  	v48 =	vmul.f32 v26, v26;
	v11 =	vld [tilespmem:s18+$0x0];
	s18 =	sor.u32 $0x50, s16;
	v56 =	vmul.f32 v19, v0  }
0x2dc: {  	v58 =	vld [tilespmem:s18+$0x0];
	s18 =	sor.u32 $0x60, s16;
	v12 =	vadd.f32 v54, v9;
	v57 =	vmul.f32 v13, v0;
	v9 =	vmul.f32 v10, v10  }
0x2dd: {  	v60 =	vld [tilespmem:s18+$0x0];
	v10 =	vmul.f32 v53, v53;
	v16 =	vmul.f32 $1.442695020e+00, v56  }
0x2de: {  	v59 =	vld [tilespmem:s16+$0x10450];
	s18 =	sor.u32 $0x70, s16;
	v22 =	vmul.f32 v12, v0;
	v17 =	vmul.f32 $1.442695020e+00, v57  }
0x2df: {  	v24 =	vld [tilespmem:s18+$0x0];
	s18 =	sor.u32 $0x400, s16;
	v9 =	vadd.f32 v10, v9;
	v10 =	vmul.f32 v18, v18;
	v18 =	vmul.f32 v31, v31  }
0x2e0: {  	vm0 =	vlt.f32 v19, $3.000000000e+00;
	v35 =	vld [tilespmem:s18+$0x0];
	(erf) = vpow2.f32 v16;
	v61 =	vmul.f32 $1.442695020e+00, v22  }
0x2e1: {  	v63 =	vld [tilespmem:s16+$0x8460];
	s18 =	sor.u32 $0x410, s16;
	(erf) = vpow2.f32 v17;
	v9 =	vadd.f32 v10, v9;
	v10 =	vmul.f32 v11, v11  }
0x2e2: {  	vm13 =	vlt.f32 v13, $3.000000000e+00;
	v40 =	vld [tilespmem:s18+$0x0];
	v11 =	vmul.f32 v55, v55;
	v16 =	vmul.f32 v60, v60  }
0x2e3: {  	vm14 =	vlt.f32 v12, $3.000000000e+00;
	s18 =	sor.u32 $0x420, s16;
	v57 =	vld [tilespmem:s16+$0x8450];
	v17 =	vmul.f32 v45, v45;
	(erf) = vpow2.f32 v61  }
0x2e4: {  	v44 =	vld [tilespmem:s18+$0x0];
	s18 =	sor.u32 $0x430, s16;
	v36 =	vmul.f32 v24, v24;
	v23 =	vmul.f32 v9, v0;
	v10 =	vadd.f32 v11, v10  }
0x2e5: {  	v28 =	vld [tilespmem:s18+$0x0];
	v11 =	vmul.f32 v58, v58;
	v16 =	vadd.f32 v32, v16;
	v15 =	vmul.f32 v35, v35  }
0x2e6: {  	v53 =	vld [tilespmem:s16+$0x10440];
	s18 =	sor.u32 $0x440, s16;
	v39 =	vadd.f32 v21, v36;
	v21 =	vmul.f32 v42, v42;
	v42 =	vmul.f32 v59, v59  }
0x2e7: {  	v49 =	vld [tilespmem:s18+$0x0];
	s18 =	sor.u32 $0x450, s16;
	v29 =	vmul.f32 $1.442695020e+00, v23;
	v10 =	vadd.f32 v20, v10;
	v11 =	vadd.f32 v27, v11  }
0x2e8: {  	v55 =	vld [tilespmem:s18+$0x0];
	s18 =	sor.u32 $0x460, s16;
	v14 =	vadd.f32 v34, v16;
	v23 =	vmul.f32 v37, v37;
	v20 =	vmul.f32 v40, v40  }
0x2e9: {  	v62 =	vld [tilespmem:s18+$0x0];
	v40 =	vmul.f32 v57, v57;
	v16 =	vadd.f32 v18, v39;
	v18 =	vmul.f32 v44, v44  }
0x2ea: {  	vm15 =	vlt.f32 v9, $3.000000000e+00;
	v36 =	vld [tilespmem:s16+$0x8470];
	v54 =	vmul.f32 v28, v28;
	v33 =	vmul.f32 v10, v0  }
0x2eb: {  	s18 =	sor.u32 $0x470, s16;
	v27 =	vld [tilespmem:s16+$0x10420];
	v11 =	vadd.f32 v30, v11;
	(erf) = vpow2.f32 v29;
	v43 =	vmul.f32 v14, v0  }
0x2ec: {  	v34 =	vld [tilespmem:s18+$0x0];
	v15 =	vadd.f32 v23, v15;
	v23 =	vmul.f32 v47, v47;
	v37 =	vmul.f32 v49, v49  }
0x2ed: {  	v20 =	vadd.f32 v21, v20;
	v21 =	vmul.f32 v53, v53;
	v46 =	vmul.f32 v16, v0  }
0x2ee: {  	v17 =	vadd.f32 v17, v18;
	v39 =	vmul.f32 v55, v55;
	v22 =	vmul.f32 $1.442695020e+00, v33  }
0x2ef: {  	v38 =	vmul.f32 v11, v0;
	v18 =	vadd.f32 v23, v54;
	v23 =	vmul.f32 v63, v63  }
0x2f0: {  	v29 =	vld [tilespmem:s16+$0x10430];
	v15 =	vadd.f32 v25, v15;
	v44 =	vmul.f32 v36, v36;
	v24 =	vmul.f32 $1.442695020e+00, v46  }
0x2f1: {  	v20 =	vadd.f32 v48, v20;
	v60 =	vpop (erf);
	v50 =	vmul.f32 v27, v27;
	v13 =	vmul.f32 v34, v34  }
0x2f2: {  	v51 =	vld [tilespmem:s16+$0x8440];
	v19 =	vnsel vm0, $0x0, v60;
	v41 =	vmul.f32 $1.442695020e+00, v38;
	(erf) = vpow2.f32 v22  }
0x2f3: {  	v12 =	vadd.f32 v40, v39;
	v22 =	vmul.f32 $1.442695020e+00, v43;
	v52 =	vmul.f32 v15, v0  }
0x2f4: {  	v56 =	vmul.f32 v20, v0;
	v8 =	vadd.f32 v19, v8;
	v33 =	vpop (erf);
	v43 =	vmul.f32 v62, v62  }
0x2f5: {  	v17 =	vadd.f32 v50, v17;
	v58 =	vmul.f32 v29, v29;
	v19 =	vnsel vm13, $0x0, v33  }
0x2f6: {  	v38 =	vld [tilespmem:s16+$0x10460];
	v12 =	vadd.f32 v42, v12;
	(erf) = vpow2.f32 v41;
	v61 =	vmul.f32 $1.442695020e+00, v56  }
0x2f7: {  	v7 =	vadd.f32 v19, v7;
	v41 =	vld [tilespmem:s16+$0x10470];
	(erf) = vpow2.f32 v22;
	v22 =	vmul.f32 v51, v51  }
0x2f8: {  	v30 =	vmul.f32 v17, v0;
	v18 =	vadd.f32 v58, v18;
	v50 =	vmul.f32 v12, v0  }
0x2f9: {  	(erf) = vpow2.f32 v24;
	v24 =	vmul.f32 $1.442695020e+00, v52;
	v19 =	vadd.f32 v22, v37  }
0x2fa: {  	v45 =	vadd.f32 v23, v43;
	v30 =	vmul.f32 $1.442695020e+00, v30;
	v35 =	vmul.f32 v18, v0  }
0x2fb: {  	v46 =	vmul.f32 v38, v38;
	v9 =	vmul.f32 $1.442695020e+00, v50;
	v19 =	vadd.f32 v21, v19  }
0x2fc: {  	v13 =	vadd.f32 v44, v13;
	(erf) = vpow2.f32 v24;
	v48 =	vmul.f32 v41, v41  }
0x2fd: {  	(erf) = vpow2.f32 v61;
	v22 =	vadd.f32 v46, v45;
	v49 =	vmul.f32 v19, v0  }
0x2fe: {  	v24 =	vmul.f32 $1.442695020e+00, v35;
	(erf) = vpow2.f32 v30;
	v13 =	vadd.f32 v48, v13  }
0x2ff: {  	v52 =	vmul.f32 v22, v0;
	v51 =	vmul.f32 $1.442695020e+00, v49  }
0x300: {  	v47 =	vpop (erf);
	(erf) = vpow2.f32 v24;
	v54 =	vmul.f32 v13, v0  }
0x301: {  	v53 =	vpop (erf);
	v23 =	vmul.f32 $1.442695020e+00, v52;
	(erf) = vpow2.f32 v51  }
0x302: {  	vm4 =	vlt.f32 v10, $3.000000000e+00;
	v10 =	vpop (erf);
	(erf) = vpow2.f32 v9;
	v9 =	vmul.f32 $1.442695020e+00, v54  }
0x303: {  	vm6 =	vlt.f32 v14, $3.000000000e+00;
	vm7 =	vlt.f32 v16, $3.000000000e+00;
	vm5 =	vlt.f32 v11, $3.000000000e+00  }
0x304: {  	vm8 =	vlt.f32 v15, $3.000000000e+00;
	vm9 =	vlt.f32 v20, $3.000000000e+00;
	v11 =	vpop (erf);
	(erf) = vpow2.f32 v23  }
0x305: {  	vm10 =	vlt.f32 v17, $3.000000000e+00;
	v10 =	vnsel vm4, $0x0, v10;
	v56 =	vpop (erf);
	(erf) = vpow2.f32 v9  }
0x306: {  	vm13 =	vlt.f32 v12, $3.000000000e+00;
	v55 =	vnsel vm15, $0x0, v53;
	v21 =	vnsel vm14, $0x0, v47;
	v9 =	vpop (erf)  }
0x307: {  	vm11 =	vlt.f32 v18, $3.000000000e+00;
	v5 =	vadd.f32 v55, v5;
	v6 =	vadd.f32 v21, v6;
	v57 =	vpop (erf)  }
0x308: {  	vm12 =	vlt.f32 v19, $3.000000000e+00;
	vm14 =	vlt.f32 v22, $3.000000000e+00;
	v4 =	vadd.f32 v10, v4;
	v10 =	vpop (erf)  }
0x309: {  	vm15 =	vlt.f32 v13, $3.000000000e+00;
	v11 =	vnsel vm5, $0x0, v11;
	v14 =	vnsel vm6, $0x0, v56;
	v58 =	vpop (erf)  }
0x30a: {  	v3 =	vadd.f32 v11, v3;
	v2 =	vadd.f32 v14, v2;
	v9 =	vnsel vm7, $0x0, v9;
	v59 =	vpop (erf)  }
0x30b: {  	p1 =	por p0, p0;
	v11 =	vnsel vm8, $0x0, v57;
	v1 =	vadd.f32 v9, v1;
	v10 =	vnsel vm9, $0x0, v10;
	v60 =	vpop (erf)  }
.Ltmp12:
0x30c: {  	v8 =	vadd.f32 v11, v8;
	v9 =	vnsel vm10, $0x0, v58;
	v7 =	vadd.f32 v10, v7;
	v61 =	vpop (erf);
	(pc) =	sbr.rel @p1 .LBB2_27-.Ltmp12, $4  }
0x30d: {  	v11 =	vnsel vm11, $0x0, v59;
	v6 =	vadd.f32 v9, v6;
	v10 =	vnsel vm12, $0x0, v60;
	v62 =	vpop (erf)  }
0x30e: {  	v5 =	vadd.f32 v11, v5;
	v9 =	vnsel vm13, $0x0, v61;
	v4 =	vadd.f32 v10, v4;
	v63 =	vpop (erf)  }
0x30f: {  	v11 =	vnsel vm14, $0x0, v62;
	v3 =	vadd.f32 v9, v3;
	v9 =	vnsel vm15, $0x0, v63  }
0x310: {  	p0 =	por $0x0, $0x0;
	s16 =	simm.s32 $0x800;
	v2 =	vadd.f32 v11, v2;
	v1 =	vadd.f32 v9, v1  }
0x311: {  	s15 =	sadd.s32 $0x1, s15  }
0x312: {  	p0 =	sne.s32 s15, $0x20  }
.Ltmp13:
0x313: {  	_ = 	snop;
	(pc) =	sbr.rel @p0 .LBB2_26-.Ltmp13, $1  }
0x314: {  	_ =	sdelay $0x3  }
0x315: {  	_ =	swait.ge [sflag:s11], $0x4000  }
0x316: {  	[sflag:s11] =	ssyncset.done $0x0  }
0x317: {  	[sflag:s11] =	ssyncadd.s32 $0xFFFFC000  }
0x318: {  	_ =	swait.ge [sflag:s11], $0x4000  }
0x319: {  	[sflag:s11] =	ssyncset.done $0x0  }
0x31a: {  	[sflag:s11] =	ssyncadd.s32 $0xFFFFC000  }
0x31b: {  	_ =	swait.ge [sflag:s11], $0x4000  }
0x31c: {  	[sflag:s11] =	ssyncset.done $0x0  }
0x31d: {  	s14 =	simm.s32 $0x0;
	[sflag:s11] =	ssyncadd.s32 $0xFFFFC000  }
.LBB2_30:
0x31e: {  	s15 =	sshll.u32 s14, $0x9;
	s16 =	sshll.u32 s14, $0x7  }
0x31f: {  	s15 =	sand.u32 $0x3000, s15;
	s16 =	sand.u32 $0x380, s16  }
0x320: {  	p0 =	por $0x1, $0x1;
	s15 =	sor.u32 s15, s16;
	s16 =	simm.s32 $0x0  }
.LBB2_31:
0x321: {  	s16 =	sor.u32 s16, s15  }
0x322: {  	v9 =	vld [tilespmem:s16+$0x4000]  }
0x323: {  	v10 =	vld [tilespmem:s16+$0xC000]  }
0x324: {  	v11 =	vld [tilespmem:s16+$0x14000]  }
0x325: {  	v12 =	vld [tilespmem:s16+$0x4010]  }
0x326: {  	v13 =	vld [tilespmem:s16+$0xC010]  }
0x327: {  	v14 =	vld [tilespmem:s16+$0x14010]  }
0x328: {  	v15 =	vld [tilespmem:s16+$0x4020]  }
0x329: {  	v16 =	vld [tilespmem:s16+$0xC020]  }
0x32a: {  	v17 =	vld [tilespmem:s16+$0x14020]  }
0x32b: {  	v54 =	vld [tilespmem:s16+$0xC030]  }
0x32c: {  	v55 =	vld [tilespmem:s16+$0x4040]  }
0x32d: {  	v20 =	vld [tilespmem:s16+$0x14040]  }
0x32e: {  	v59 =	vld [tilespmem:s16+$0x4050]  }
0x32f: {  	v21 =	vld [tilespmem:s16+$0xC050]  }
0x330: {  	v60 =	vld [tilespmem:s16+$0x14050]  }
0x331: {  	v63 =	vld [tilespmem:s16+$0x14060]  }
0x332: {  	v24 =	vld [tilespmem:s16+$0x4070];
	v9 =	vmul.f32 v9, v9;
	v10 =	vmul.f32 v10, v10  }
0x333: {  	v29 =	vld [tilespmem:s16+$0xC070];
	v12 =	vmul.f32 v12, v12;
	v13 =	vmul.f32 v13, v13  }
0x334: {  	v32 =	vld [tilespmem:s16+$0x14070];
	v11 =	vmul.f32 v11, v11;
	v53 =	vmul.f32 v14, v14  }
0x335: {  	v25 =	vld [tilespmem:s16+$0x14400];
	v15 =	vmul.f32 v15, v15;
	v16 =	vmul.f32 v16, v16  }
0x336: {  	v26 =	vld [tilespmem:s16+$0x14410];
	v56 =	vmul.f32 v17, v17;
	v20 =	vmul.f32 v20, v20  }
0x337: {  	v27 =	vld [tilespmem:s16+$0x14420];
	v14 =	vmul.f32 v59, v59;
	v28 =	vmul.f32 v21, v21  }
0x338: {  	v57 =	vld [tilespmem:s16+$0xC040];
	v31 =	vmul.f32 v60, v60;
	v33 =	vmul.f32 v63, v63  }
0x339: {  	v42 =	vld [tilespmem:s16+$0xC410];
	v35 =	vmul.f32 v24, v24;
	v21 =	vmul.f32 v29, v29  }
0x33a: {  	v18 =	vld [tilespmem:s16+$0x14030];
	v39 =	vmul.f32 v32, v32;
	v25 =	vmul.f32 v25, v25;
	v9 =	vadd.f32 v10, v9  }
0x33b: {  	v48 =	vmul.f32 v26, v26;
	v63 =	vld [tilespmem:s16+$0x4470];
	v12 =	vadd.f32 v13, v12;
	v14 =	vadd.f32 v28, v14  }
0x33c: {  	v50 =	vmul.f32 v27, v27;
	v10 =	vld [tilespmem:s16+$0x4030];
	v38 =	vadd.f32 v21, v35;
	v11 =	vadd.f32 v11, v9  }
0x33d: {  	v13 =	vmul.f32 v55, v55;
	v28 =	vld [tilespmem:s16+$0x4430];
	v12 =	vadd.f32 v53, v12;
	v9 =	vadd.f32 v16, v15  }
0x33e: {  	v40 =	vld [tilespmem:s16+$0x4410];
	v21 =	vmul.f32 v42, v42;
	v16 =	vmul.f32 v57, v57;
	v14 =	vadd.f32 v31, v14  }
0x33f: {  	v29 =	vld [tilespmem:s16+$0x14430];
	v58 =	vmul.f32 v11, v0;
	v19 =	vmul.f32 v12, v0;
	v15 =	vadd.f32 v56, v9  }
0x340: {  	v59 =	vld [tilespmem:s16+$0x14450];
	v37 =	vmul.f32 v14, v0;
	vm13 =	vlt.f32 v12, $3.000000000e+00;
	v12 =	vmul.f32 v63, v63  }
0x341: {  	v57 =	vld [tilespmem:s16+$0xC450];
	v13 =	vadd.f32 v16, v13;
	v9 =	vmul.f32 v10, v10;
	v10 =	vmul.f32 v54, v54  }
0x342: {  	v53 =	vld [tilespmem:s16+$0x14440];
	v16 =	vadd.f32 v39, v38;
	v54 =	vmul.f32 v28, v28;
	v17 =	vmul.f32 $1.442695020e+00, v58  }
0x343: {  	v19 =	vmul.f32 $1.442695020e+00, v19;
	v22 =	vmul.f32 v15, v0  }
0x344: {  	v61 =	vld [tilespmem:s16+$0x4060];
	v41 =	vmul.f32 $1.442695020e+00, v37;
	v46 =	vmul.f32 v16, v0  }
0x345: {  	v34 =	vld [tilespmem:s16+$0x4400];
	v58 =	vmul.f32 v29, v29;
	v9 =	vadd.f32 v10, v9;
	v10 =	vmul.f32 v18, v18  }
0x346: {  	v45 =	vld [tilespmem:s16+$0xC420];
	v18 =	vmul.f32 v40, v40;
	v37 =	vmul.f32 v57, v57  }
0x347: {  	v38 =	vld [tilespmem:s16+$0x14470];
	v13 =	vadd.f32 v20, v13;
	v39 =	vmul.f32 v53, v53;
	v40 =	vmul.f32 v59, v59  }
0x348: {  	v36 =	vld [tilespmem:s16+$0xC400];
	(erf) = vpow2.f32 v17;
	v62 =	vmul.f32 $1.442695020e+00, v22  }
0x349: {  	v55 =	vld [tilespmem:s16+$0x4450];
	v17 =	vmul.f32 v61, v61;
	v20 =	vmul.f32 v13, v0  }
0x34a: {  	v22 =	vmul.f32 v34, v34;
	v24 =	vmul.f32 $1.442695020e+00, v46;
	v9 =	vadd.f32 v10, v9;
	v10 =	vld [tilespmem:s16+$0xC060]  }
0x34b: {  	v34 =	vld [tilespmem:s16+$0xC470];
	(erf) = vpow2.f32 v19;
	v19 =	vmul.f32 v45, v45;
	v18 =	vadd.f32 v21, v18  }
0x34c: {  	v46 =	vmul.f32 v38, v38;
	v23 =	vmul.f32 v9, v0  }
0x34d: {  	v47 =	vld [tilespmem:s16+$0xC430];
	(erf) = vpow2.f32 v62;
	v20 =	vmul.f32 $1.442695020e+00, v20;
	v18 =	vadd.f32 v48, v18  }
0x34e: {  	v44 =	vld [tilespmem:s16+$0x4420];
	vm0 =	vlt.f32 v11, $3.000000000e+00;
	v30 =	vmul.f32 $1.442695020e+00, v23;
	v23 =	vmul.f32 v36, v36  }
0x34f: {  	vm14 =	vlt.f32 v15, $3.000000000e+00;
	v56 =	vmul.f32 v18, v0;
	v10 =	vmul.f32 v10, v10  }
0x350: {  	vm15 =	vlt.f32 v9, $3.000000000e+00;
	v36 =	vmul.f32 v55, v55;
	v42 =	vmul.f32 v34, v34  }
0x351: {  	v61 =	vld [tilespmem:s16+$0x4460];
	(erf) = vpow2.f32 v30;
	v22 =	vadd.f32 v23, v22;
	v10 =	vadd.f32 v10, v17  }
0x352: {  	v62 =	vld [tilespmem:s16+$0xC460];
	v23 =	vmul.f32 v47, v47;
	v15 =	vadd.f32 v37, v36;
	(erf) = vpow2.f32 v20;
	v11 =	vpop (erf)  }
0x353: {  	v49 =	vld [tilespmem:s16+$0x4440];
	v17 =	vmul.f32 v44, v44;
	v10 =	vadd.f32 v33, v10;
	v11 =	vnsel vm0, $0x0, v11  }
0x354: {  	v51 =	vld [tilespmem:s16+$0xC440];
	v60 =	vmul.f32 $1.442695020e+00, v56;
	(erf) = vpow2.f32 v41;
	v22 =	vadd.f32 v25, v22  }
0x355: {  	v35 =	vld [tilespmem:s16+$0x14460];
	v15 =	vadd.f32 v40, v15;
	v17 =	vadd.f32 v19, v17;
	v43 =	vmul.f32 v10, v0  }
0x356: {  	v41 =	vmul.f32 v61, v61;
	v19 =	vadd.f32 v23, v54;
	v8 =	vadd.f32 v11, v8;
	v11 =	vpop (erf)  }
0x357: {  	v23 =	vmul.f32 v62, v62;
	v20 =	vmul.f32 $1.442695020e+00, v43;
	v11 =	vnsel vm13, $0x0, v11  }
0x358: {  	v48 =	vmul.f32 v15, v0;
	v7 =	vadd.f32 v11, v7;
	v11 =	vmul.f32 v49, v49  }
0x359: {  	v17 =	vadd.f32 v50, v17;
	(erf) = vpow2.f32 v20;
	v20 =	vmul.f32 v51, v51  }
0x35a: {  	v44 =	vmul.f32 v35, v35;
	v19 =	vadd.f32 v58, v19;
	v43 =	vadd.f32 v23, v41  }
0x35b: {  	v52 =	vmul.f32 v22, v0;
	v9 =	vmul.f32 $1.442695020e+00, v48;
	v11 =	vadd.f32 v20, v11  }
0x35c: {  	v30 =	vmul.f32 v17, v0;
	v33 =	vmul.f32 v19, v0;
	v21 =	vadd.f32 v44, v43  }
0x35d: {  	(erf) = vpow2.f32 v24;
	v24 =	vmul.f32 $1.442695020e+00, v52;
	v11 =	vadd.f32 v39, v11  }
0x35e: {  	v12 =	vadd.f32 v42, v12;
	v30 =	vmul.f32 $1.442695020e+00, v30;
	v50 =	vmul.f32 v21, v0  }
0x35f: {  	(erf) = vpow2.f32 v24;
	v47 =	vmul.f32 v11, v0  }
0x360: {  	v12 =	vadd.f32 v46, v12;
	v24 =	vmul.f32 $1.442695020e+00, v33;
	(erf) = vpow2.f32 v60  }
0x361: {  	(erf) = vpow2.f32 v30;
	v49 =	vmul.f32 $1.442695020e+00, v47  }
0x362: {  	v45 =	vpop (erf);
	v52 =	vmul.f32 v12, v0;
	(erf) = vpow2.f32 v24  }
0x363: {  	v51 =	vpop (erf);
	v23 =	vmul.f32 $1.442695020e+00, v50;
	(erf) = vpow2.f32 v49  }
0x364: {  	vm5 =	vlt.f32 v14, $3.000000000e+00;
	v54 =	vpop (erf);
	(erf) = vpow2.f32 v9;
	v9 =	vmul.f32 $1.442695020e+00, v52  }
0x365: {  	vm7 =	vlt.f32 v16, $3.000000000e+00;
	vm4 =	vlt.f32 v13, $3.000000000e+00;
	vm9 =	vlt.f32 v18, $3.000000000e+00  }
0x366: {  	vm8 =	vlt.f32 v22, $3.000000000e+00;
	vm6 =	vlt.f32 v10, $3.000000000e+00;
	v55 =	vpop (erf);
	(erf) = vpow2.f32 v23  }
0x367: {  	vm10 =	vlt.f32 v17, $3.000000000e+00;
	vm11 =	vlt.f32 v19, $3.000000000e+00;
	v10 =	vpop (erf);
	(erf) = vpow2.f32 v9  }
0x368: {  	vm13 =	vlt.f32 v15, $3.000000000e+00;
	v53 =	vnsel vm15, $0x0, v51;
	vm15 =	vlt.f32 v12, $3.000000000e+00;
	v9 =	vpop (erf)  }
0x369: {  	v20 =	vnsel vm14, $0x0, v45;
	v13 =	vnsel vm4, $0x0, v54;
	v5 =	vadd.f32 v53, v5;
	v56 =	vpop (erf)  }
0x36a: {  	vm14 =	vlt.f32 v21, $3.000000000e+00;
	v6 =	vadd.f32 v20, v6;
	v14 =	vnsel vm5, $0x0, v55;
	v57 =	vpop (erf)  }
0x36b: {  	v4 =	vadd.f32 v13, v4;
	v3 =	vadd.f32 v14, v3;
	v10 =	vnsel vm6, $0x0, v10;
	v59 =	vpop (erf)  }
0x36c: {  	vm12 =	vlt.f32 v11, $3.000000000e+00;
	v2 =	vadd.f32 v10, v2;
	v9 =	vnsel vm7, $0x0, v9;
	v60 =	vpop (erf)  }
0x36d: {  	p1 =	por p0, p0;
	v58 =	vnsel vm8, $0x0, v56;
	v1 =	vadd.f32 v9, v1;
	v10 =	vnsel vm9, $0x0, v57;
	v61 =	vpop (erf)  }
.Ltmp14:
0x36e: {  	v8 =	vadd.f32 v58, v8;
	v9 =	vnsel vm10, $0x0, v59;
	v7 =	vadd.f32 v10, v7;
	v11 =	vpop (erf);
	(pc) =	sbr.rel @p1 .LBB2_31-.Ltmp14, $4  }
0x36f: {  	v13 =	vnsel vm11, $0x0, v60;
	v6 =	vadd.f32 v9, v6;
	v10 =	vnsel vm12, $0x0, v61;
	v62 =	vpop (erf)  }
0x370: {  	v5 =	vadd.f32 v13, v5;
	v9 =	vnsel vm13, $0x0, v11;
	v4 =	vadd.f32 v10, v4;
	v63 =	vpop (erf)  }
0x371: {  	v11 =	vnsel vm14, $0x0, v62;
	v3 =	vadd.f32 v9, v3;
	v9 =	vnsel vm15, $0x0, v63  }
0x372: {  	p0 =	por $0x0, $0x0;
	s16 =	simm.s32 $0x800;
	v2 =	vadd.f32 v11, v2;
	v1 =	vadd.f32 v9, v1  }
0x373: {  	s14 =	sadd.s32 $0x1, s14  }
0x374: {  	p0 =	sne.s32 s14, $0x20  }
.Ltmp15:
0x375: {  	_ = 	snop;
	(pc) =	sbr.rel @p0 .LBB2_30-.Ltmp15, $1  }
0x376: {  	_ =	sdelay $0x3  }
0x377: {  	v0 =	vadd.f32 v7, v8;
	v5 =	vadd.f32 v5, v6  }
0x378: {  	v3 =	vadd.f32 v3, v4;
	v1 =	vadd.f32 v1, v2;
	_ =	sdelay $0x1  }
0x379: {  	v0 =	vadd.f32 v5, v0;
	v1 =	vadd.f32 v1, v3;
	_ =	sdelay $0x1  }
0x37a: {  	s13 =	sadd.s32 $0x1, s13;
	v0 =	vadd.f32 v1, v0  }
0x37b: {  	p0 =	sne.s32 s13, s3  }
.Ltmp16:
0x37c: {  	[tilespmem:$0x19000] =	vst v0;
	(pc) =	sbr.rel @p0 .LBB2_1-.Ltmp16, $4  }
0x37d: {  	[hbm4b:s0+s2] =	stream.linear.scatter [tilespmem:s12], [sflag:$0x3], $0x10, $0x38;
	[tilespmem:$0x19080] =	vst v63  }
0x37e: {  	_ =	swait.ge [sflag:s4], $0x10  }
0x37f: {  	[sflag:s4] =	ssyncset.done $0x0  }
0x380: {  	[sflag:s4] =	ssyncadd.s32 $0xFFFFFFF0  }
0x381: {  	_ =	sfence.sel $0x180000  }
0x382: {  	[bflag:$0x0] =	sbarrier.arrive $0xFFFF  }
0x383: {  	_ =	strace $0x90000047  }
0x384: {  	s0 =	stileid.u32;
	[bflag:$0x2] =	sbarrier.arrive $0xFFFF  }
0x385: {  	p0 =	sne.s32 s0, $0x0;
	s0 =	rddreg [dreg:$0x2]  }
0x386: {  	s0 =	sadd.s32 @!p0 $0x100000, s0  }
0x387: {  	[sflag:s0] =	ssyncadd.tile.s32 @!p0 $0x1;
	_ =	shalt  }
.Lfunc_end2:
_tile_overlayer_lowered:
.L_overlay_start_2:
0x388: {  	(tag) =	ssettag $0x2  }
0x389: {  	s0 =	rddreg [dreg:$0x0];
	s2 =	stileid.u32  }
0x38a: {  	s1 =	rddreg [dreg:$0x1];
	p0 =	sne.s32 s2, $0x0  }
0x38b: {  	s3 =	rddreg [dreg:$0x2];
	[bflag:$0x3] =	sbarrier.arrive $0xFFFF;
	s2 =	simm.s32 @!p0 $0x1C03  }
0x38c: {  	[timem:s3], [sflag:s2] =	dma.local @!p0 [hbm:s0], s1  }
0x38d: {  	s0 =	simm.s32 @!p0 $0x3  }
0x38e: {  	_ =	swait.ge @!p0 [sflag:s0], s1  }
0x38f: {  	s1 =	ssub.s32 @!p0 $0x0, s1;
	[sflag:s0] =	ssyncset.done @!p0 $0x0  }
0x390: {  	[sflag:s0] =	ssyncadd.s32 @!p0 s1  }
0x391: {  	[bflag:$0x3] =	sbarrier.arrive $0xFFFF  }
0x392: {  	_ =	shalt  }

</sc_bundles>
